<compile_context>
chip_gen: v7x
topology: tpu7x:2x2x1
jax: 0.10.2.dev20260603
libtpu: 0.0.44.dev20260713+nightly
codegen_flags: <defaults>
</compile_context>

<pallas_src>
import dataclasses

import jax
import jax.numpy as jnp
from jax import lax
from jax.experimental import pallas as pl
from jax.experimental.pallas import tpu as pltpu
from jax.experimental.pallas import tpu_sc as plsc

N_NODES = 10000
EPS = 1e-5
NC, NS = 2, 16
NW = NC * NS
CHUNK = 128
N_PAD = 10240
RPT = N_PAD // NS

_SC_PARAMS = dataclasses.replace(pltpu.CompilerParams(),
                                 needs_layout_passes=False)


def _seg_sum_kernel(num_rows: int, feat: int, chunk: int, nbuf: int):
  rpw = num_rows // NW
  cpk = CHUNK // chunk
  rpk = rpw // cpk
  mesh = plsc.VectorSubcoreMesh(
      core_axis_name="c", subcore_axis_name="s", num_cores=NC, num_subcores=NS)
  out_type = jax.ShapeDtypeStruct((NC, N_PAD, feat), jnp.float32)
  scratch = [
      pltpu.VMEM((rpk, CHUNK), jnp.int32),
      [pltpu.VMEM((chunk,), jnp.int32) for _ in range(nbuf)],
      [pltpu.VMEM((chunk,), jnp.int32) for _ in range(nbuf)],
      [pltpu.VMEM((chunk, feat), jnp.float32) for _ in range(nbuf)],
      pltpu.VMEM_SHARED((N_PAD, feat), jnp.float32),
      [pltpu.SemaphoreType.DMA for _ in range(nbuf)],
      [pltpu.SemaphoreType.DMA for _ in range(nbuf)],
  ]
  assert nbuf % cpk == 0 and rpw % nbuf == 0

  def body(pk_hbm, data_hbm, zeros_hbm, p_out, pk, sidx, didx, rows, acc,
           gsem, ssem):
    c = lax.axis_index("c")
    s = lax.axis_index("s")
    wid = s * NC + c
    base = wid * rpk

    pltpu.sync_copy(zeros_hbm.at[pl.ds(s * RPT, RPT)],
                    acc.at[pl.ds(s * RPT, RPT)])
    pltpu.sync_copy(pk_hbm.at[pl.ds(base, rpk)], pk)
    plsc.subcore_barrier()

    def unpack(k, e, b):
      row = k // cpk + e // cpk
      off = (e % cpk) * chunk

      @pl.loop(0, chunk // 16)
      def _(q):
        v = pk[row, pl.ds(off + q * 16, 16)]
        sidx[b][pl.ds(q * 16, 16)] = jnp.bitwise_and(v, 0xFFFF)
        didx[b][pl.ds(q * 16, 16)] = jnp.right_shift(v, 16)

    for b in range(nbuf):
      unpack(0, b, b)
      pltpu.async_copy(data_hbm.at[sidx[b]], rows[b], gsem[b])

    @pl.loop(0, rpw, step=nbuf)
    def _(k):
      for b in range(nbuf):
        pltpu.make_async_copy(data_hbm.at[sidx[b]], rows[b], gsem[b]).wait()
        pltpu.async_copy(rows[b], acc.at[didx[b]], ssem[b], add=True)
      for b in range(nbuf):
        pltpu.make_async_copy(rows[b], acc.at[didx[b]], ssem[b]).wait()

        @pl.when(k + nbuf + b < rpw)
        def _():
          unpack(k, nbuf + b, b)
          pltpu.async_copy(data_hbm.at[sidx[b]], rows[b], gsem[b])

    plsc.subcore_barrier()
    pltpu.sync_copy(acc.at[pl.ds(s * RPT, RPT)],
                    p_out.at[c, pl.ds(s * RPT, RPT)])

  return pl.kernel(body, out_type=out_type, mesh=mesh,
                   scratch_types=scratch, compiler_params=_SC_PARAMS)


def _hist_kernel(num_rows: int, chunk: int):
  rpw = num_rows // NW
  mesh = plsc.VectorSubcoreMesh(
      core_axis_name="c", subcore_axis_name="s", num_cores=NC, num_subcores=NS)
  scratch = [
      pltpu.VMEM((rpw, chunk), jnp.int32),
      pltpu.VMEM((N_PAD,), jnp.float32),
  ]

  def body(dst_hbm, h_out, didx, hist):
    c = lax.axis_index("c")
    s = lax.axis_index("s")
    wid = s * NC + c
    base = wid * rpw

    pltpu.sync_copy(dst_hbm.at[pl.ds(base, rpw)], didx)

    @pl.loop(0, N_PAD // 16)
    def _(i):
      hist[pl.ds(i * 16, 16)] = jnp.zeros((16,), jnp.float32)

    ones16 = jnp.ones((16,), jnp.float32)

    @pl.loop(0, rpw)
    def _(k):
      for q in range(chunk // 16):
        iv = didx[k, pl.ds(q * 16, 16)]
        plsc.addupdate_scatter(hist, [iv], ones16)

    pltpu.sync_copy(hist, h_out.at[pl.ds(wid * N_PAD, N_PAD)])

  return pl.kernel(body,
                   out_type=jax.ShapeDtypeStruct((NW * N_PAD,), jnp.float32),
                   mesh=mesh, scratch_types=scratch,
                   compiler_params=_SC_PARAMS)


def _decode_kernel(num_rows: int, feat: int):
  rpw = num_rows // NW
  mesh = plsc.VectorSubcoreMesh(
      core_axis_name="c", subcore_axis_name="s", num_cores=NC, num_subcores=NS)
  scratch = [
      pltpu.VMEM((rpw, CHUNK), jnp.int32),
      pltpu.VMEM((rpw, CHUNK), jnp.int32),
      [pltpu.VMEM((CHUNK, feat), jnp.float32) for _ in range(2)],
      [pltpu.VMEM((CHUNK, feat), jnp.float32) for _ in range(2)],
      pltpu.VMEM((16 * 16,), jnp.float32),
      [pltpu.VMEM((CHUNK,), jnp.float32) for _ in range(2)],
      [pltpu.SemaphoreType.DMA for _ in range(2)],
      [pltpu.SemaphoreType.DMA for _ in range(2)],
  ]

  def body(a_hbm, b_hbm, z_hbm, out_hbm, aidx, bidx, arows, brows, tbuf, res,
           sema, semb):
    c = lax.axis_index("c")
    s = lax.axis_index("s")
    wid = s * NC + c
    base = wid * rpw

    pltpu.sync_copy(a_hbm.at[pl.ds(base, rpw)], aidx)
    pltpu.sync_copy(b_hbm.at[pl.ds(base, rpw)], bidx)
    for b in range(2):
      pltpu.async_copy(z_hbm.at[aidx.at[b]], arows[b], sema[b])
      pltpu.async_copy(z_hbm.at[bidx.at[b]], brows[b], semb[b])

    col0 = jnp.arange(0, 256, 16, dtype=jnp.int32)

    @pl.loop(0, rpw, step=2)
    def _(k):
      for b in range(2):
        pltpu.make_async_copy(z_hbm.at[aidx.at[0]], arows[b], sema[b]).wait()
        pltpu.make_async_copy(z_hbm.at[bidx.at[0]], brows[b], semb[b]).wait()

        @pl.loop(0, CHUNK // 16)
        def _(g):
          for l in range(16):
            i = g * 16 + l
            p = arows[b][i, pl.ds(0, 16)] * brows[b][i, pl.ds(0, 16)]
            for q in range(1, 64 // 16):
              sl = pl.ds(q * 16, 16)
              p = p + arows[b][i, sl] * brows[b][i, sl]
            tbuf[pl.ds(l * 16, 16)] = p
          acc = plsc.load_gather(tbuf, [col0])
          for j in range(1, 16):
            acc = acc + plsc.load_gather(tbuf, [col0 + j])
          res[b][pl.ds(g * 16, 16)] = acc

        pltpu.sync_copy(res[b], out_hbm.at[pl.ds((base + k + b) * CHUNK,
                                                 CHUNK)])

        @pl.when(k + 2 + b < rpw)
        def _():
          pltpu.async_copy(z_hbm.at[aidx.at[k + 2 + b]], arows[b], sema[b])
          pltpu.async_copy(z_hbm.at[bidx.at[k + 2 + b]], brows[b], semb[b])

  return pl.kernel(
      body,
      out_type=jax.ShapeDtypeStruct((num_rows * CHUNK,), jnp.float32),
      mesh=mesh, scratch_types=scratch, compiler_params=_SC_PARAMS)


def _tc_layer1(p, hist, x, W1l_s, W1r_s, bias1, W2r, b2):
  def body(p_ref, h_ref, x_ref, wl_ref, wr_ref, b1_ref, w2r_ref,
           b2_ref, hq_ref, r2_ref, invc_ref):
    ones = jnp.ones((NW, 1), jnp.float32)
    hists = h_ref[:, :N_NODES]
    cnt = lax.dot_general(hists, ones, (((0,), (0,)), ((), ())),
                          preferred_element_type=jnp.float32)
    invc = 1.0 / jnp.maximum(cnt, 1.0)
    psum = p_ref[0, :N_NODES] + p_ref[1, :N_NODES]
    agg = psum * invc
    h = agg @ wl_ref[...].T + x_ref[...] @ wr_ref[...].T + b1_ref[...]
    h = jnp.maximum(h, 0.0)
    hq_ref[...] = h
    r2_ref[...] = h @ w2r_ref[...].T + b2_ref[...]
    invc_ref[...] = invc

  return pl.pallas_call(
      body,
      out_shape=(
          jax.ShapeDtypeStruct((N_NODES, 128), jnp.float32),
          jax.ShapeDtypeStruct((N_NODES, 64), jnp.float32),
          jax.ShapeDtypeStruct((N_NODES, 1), jnp.float32),
      ),
  )(p, hist, x, W1l_s, W1r_s, bias1, W2r, b2)


def _tc_layer2(q, invc, r2, W2l):
  def body(q_ref, invc_ref, r2_ref, w2l_ref, z_ref):
    qsum = q_ref[0, :N_NODES] + q_ref[1, :N_NODES]
    agg = qsum * invc_ref[...]
    z_ref[:, :64] = agg @ w2l_ref[...].T + r2_ref[...]
    z_ref[:, 64:] = jnp.zeros((N_NODES, 64), jnp.float32)

  return pl.pallas_call(
      body,
      out_shape=jax.ShapeDtypeStruct((N_NODES, 128), jnp.float32),
  )(q, invc, r2, W2l)


def kernel(x, edge_index, edge_label_index, W1l, W1r, b1, gamma, beta, rm, rv,
           W2l, W2r, b2):
  E = edge_index.shape[1]
  EL = edge_label_index.shape[1]

  ec = 64
  er = -(-E // (ec * NW * 8)) * NW * 8
  lr = -(-EL // (CHUNK * NW * 8)) * NW * 8

  ei = edge_index.astype(jnp.int32)
  pad_e = er * ec - E
  src = jnp.concatenate([ei[0], jnp.zeros((pad_e,), jnp.int32)])
  dst = jnp.concatenate([ei[1], jnp.full((pad_e,), N_PAD - 1, jnp.int32)])
  pk2d = (src | (dst << 16)).reshape(-1, CHUNK)
  dst2d = dst.reshape(er, ec)

  eli = edge_label_index.astype(jnp.int32)
  pad_l = lr * CHUNK - EL
  a_idx = jnp.concatenate([eli[0], jnp.zeros((pad_l,), jnp.int32)])
  b_idx = jnp.concatenate([eli[1], jnp.zeros((pad_l,), jnp.int32)])
  a2d = a_idx.reshape(lr, CHUNK)
  b2d = b_idx.reshape(lr, CHUNK)

  zq = jnp.zeros((N_PAD, 128), jnp.float32)

  scale = gamma / jnp.sqrt(rv + EPS)
  W1l_s = W1l * scale[:, None]
  W1r_s = W1r * scale[:, None]
  bias1 = ((b1 - rm) * scale + beta)[None, :]

  hist = _hist_kernel(er, ec)(dst2d)
  p = _seg_sum_kernel(er, 128, ec, 4)(pk2d, x, zq)
  hq, r2, invc = _tc_layer1(p, hist.reshape(NW, N_PAD), x, W1l_s, W1r_s, bias1,
                            W2r, b2[None, :])
  q = _seg_sum_kernel(er, 128, ec, 4)(pk2d, hq, zq)
  z = _tc_layer2(q, invc, r2, W2l)
  scores = _decode_kernel(lr, 128)(a2d, b2d, z)
  return scores[:EL]

# --- scband reference (transcript-rebuilt; emitter-appended) ---
"""Pipeline reference for scband-graph-sage-lp-15126874816627 (READ-ONLY COPY).

The authoritative reference and input builder live on the scoring server;
editing this copy changes nothing except your own understanding.
"""

import jax, jax.numpy as jnp
import numpy as np

N_NODES = 10000
EPS = 1e-5


def setup_inputs(seed: int = 0) -> dict:
    key = jax.random.key(seed)
    ks = jax.random.split(key, 12)
    x = jax.random.normal(ks[0], (N_NODES, 128), dtype=jnp.float32)
    edge_index = jax.random.randint(ks[1], (2, 320000), 0, N_NODES, dtype=jnp.int64)
    edge_label_index = jax.random.randint(ks[2], (2, 64000), 0, N_NODES, dtype=jnp.int64)
    s1 = 1.0 / np.sqrt(128.0)
    # SAGEConv1: lin_l (applied to aggregated neighbors, with bias), lin_r (root, no bias)
    W1l = jax.random.uniform(ks[3], (128, 128), jnp.float32, -s1, s1)
    W1r = jax.random.uniform(ks[4], (128, 128), jnp.float32, -s1, s1)
    b1 = jax.random.uniform(ks[5], (128,), jnp.float32, -s1, s1)
    # BatchNorm1d(128) params and buffers (eval mode)
    gamma = jnp.ones((128,), jnp.float32)
    beta = jnp.zeros((128,), jnp.float32)
    rm = jnp.zeros((128,), jnp.float32)
    rv = jnp.ones((128,), jnp.float32)
    # SAGEConv2: 128 -> 64
    W2l = jax.random.uniform(ks[6], (64, 128), jnp.float32, -s1, s1)
    W2r = jax.random.uniform(ks[7], (64, 128), jnp.float32, -s1, s1)
    b2 = jax.random.uniform(ks[8], (64,), jnp.float32, -s1, s1)
    return {"x": x, "edge_index": edge_index, "edge_label_index": edge_label_index,
            "W1l": W1l, "W1r": W1r, "b1": b1, "gamma": gamma, "beta": beta,
            "rm": rm, "rv": rv, "W2l": W2l, "W2r": W2r, "b2": b2}


def _sage_conv(x, edge_index, Wl, Wr, b):
    src = edge_index[0]
    dst = edge_index[1]
    msgs = jnp.take(x, src, axis=0)
    agg = jax.ops.segment_sum(msgs, dst, num_segments=N_NODES)
    cnt = jax.ops.segment_sum(jnp.ones((edge_index.shape[1],), x.dtype), dst, num_segments=N_NODES)
    mean = agg / jnp.clip(cnt, 1.0, None)[:, None]
    return mean @ Wl.T + b + x @ Wr.T


def reference(x, edge_index, edge_label_index, W1l, W1r, b1, gamma, beta, rm, rv, W2l, W2r, b2):
    h = _sage_conv(x, edge_index, W1l, W1r, b1)
    # BatchNorm1d in eval mode (running stats); dropout inactive in eval
    h = (h - rm) / jnp.sqrt(rv + EPS) * gamma + beta
    h = jax.nn.relu(h)
    z = _sage_conv(h, edge_index, W2l, W2r, b2)
    s = jnp.take(z, edge_label_index[0], axis=0)
    d = jnp.take(z, edge_label_index[1], axis=0)
    return jnp.sum(s * d, axis=-1)

if __name__ == "__main__":
    import jax
    _d = setup_inputs()
    print(jax.jit(kernel)(*tuple(_d.values())))

</pallas_src>

<mosaic_0001>
#map = affine_map<(d0, d1) -> (0, 0)>
#map1 = affine_map<(d0, d1) -> (0)>
module attributes {stable_mosaic.version = 14 : i64} {
  func.func @body(%arg0: i32, %arg1: i32, %arg2: memref<5120x64xi32, #tpu.memory_space<hbm>>, %arg3: memref<327680xf32, #tpu.memory_space<hbm>>, %arg4: memref<160x64xi32, #tpu.memory_space<vmem>>, %arg5: memref<10240xf32, #tpu.memory_space<vmem>>) attributes {dimension_semantics = [#tpu.dimension_semantics<core_parallel>, #tpu.dimension_semantics<subcore_parallel>], iteration_bounds = array<i64: 2, 16>, scalar_prefetch = 0 : i64, scratch_operands = 2 : i64, tpu.core_type = #tpu.core_type<sc_vector_subcore>, window_params = [{transform_indices = #map}, {transform_indices = #map1}]} {
    %mul3A = arith.constant 2 : i32
    %mul3A_0 = arith.muli %arg1, %mul3A : i32
    %add3A = arith.addi %mul3A_0, %arg0 : i32
    %mul3A_1 = arith.constant 160 : i32
    %mul3A_2 = arith.muli %add3A, %mul3A_1 : i32
    "tpu.region"() ({
      %run_scoped3A = tpu.sem_alloc : memref<!tpu.dma_semaphore, #tpu.memory_space<semaphore_mem>>
      %dma_start3A = arith.constant 0 : i32
      %dma_start3A_15 = tpu.memref_slice %arg2[%mul3A_2, %dma_start3A] : memref<5120x64xi32, #tpu.memory_space<hbm>> -> memref<160x64xi32, #tpu.memory_space<hbm>>
      %dma_start3A_16 = arith.constant 0 : i32
      %dma_start3A_17 = tpu.memref_slice %arg2[%mul3A_2, %dma_start3A_16] : memref<5120x64xi32, #tpu.memory_space<hbm>> -> memref<160x64xi32, #tpu.memory_space<hbm>>
      tpu.enqueue_dma source(%dma_start3A_17 : memref<160x64xi32, #tpu.memory_space<hbm>>) target(%arg4 : memref<160x64xi32, #tpu.memory_space<vmem>>) target_semaphore(%run_scoped3A : memref<!tpu.dma_semaphore, #tpu.memory_space<semaphore_mem>>)
      %dma_wait3A = arith.constant 0 : i32
      %dma_wait3A_18 = tpu.memref_slice %arg2[%mul3A_2, %dma_wait3A] : memref<5120x64xi32, #tpu.memory_space<hbm>> -> memref<160x64xi32, #tpu.memory_space<hbm>>
      %dma_wait3A_19 = arith.constant 0 : i32
      %dma_wait3A_20 = tpu.memref_slice %arg2[%mul3A_2, %dma_wait3A_19] : memref<5120x64xi32, #tpu.memory_space<hbm>> -> memref<160x64xi32, #tpu.memory_space<hbm>>
      tpu.wait_dma2 semaphore(%run_scoped3A : memref<!tpu.dma_semaphore, #tpu.memory_space<semaphore_mem>>) src(%dma_wait3A_20 : memref<160x64xi32, #tpu.memory_space<hbm>>) dst(%arg4 : memref<160x64xi32, #tpu.memory_space<vmem>>)
      tpu.yield
    }) : () -> ()
    %scan3A = arith.constant 0 : i32
    %scan3A_3 = arith.constant 640 : i32
    %scan3A_4 = arith.addi %scan3A, %scan3A_3 : i32
    %scan3A_5 = arith.constant 1 : i32
    scf.for %scan3A_15 = %scan3A to %scan3A_4 step %scan3A_5  : i32 {
      %mul3A_16 = arith.constant 1 : i32
      %mul3A_17 = arith.muli %scan3A_15, %mul3A_16 : i32
      %add3A_18 = arith.constant 0 : i32
      %add3A_19 = arith.addi %add3A_18, %mul3A_17 : i32
      %broadcast_in_dim3A_20 = arith.constant 0.000000e+00 : f32
      %broadcast_in_dim3A_21 = vector.broadcast %broadcast_in_dim3A_20 : f32 to vector<16xf32>
      %mul3A_22 = arith.constant 16 : i32
      %mul3A_23 = arith.muli %add3A_19, %mul3A_22 : i32
      %swap3A = arith.index_cast %mul3A_23 : i32 to index
      %swap3A_24 = tpu.vector_load %arg5[%swap3A] {strides = array<i32>} : memref<10240xf32, #tpu.memory_space<vmem>>, vector<16xf32>,
      tpu.vector_store %arg5[%swap3A], %broadcast_in_dim3A_21 {strides = array<i32>} : memref<10240xf32, #tpu.memory_space<vmem>>, vector<16xf32>,
    }
    %scan3A_6 = arith.constant 640 : i32
    %broadcast_in_dim3A = arith.constant 1.000000e+00 : f32
    %broadcast_in_dim3A_7 = vector.broadcast %broadcast_in_dim3A : f32 to vector<16xf32>
    %scan3A_8 = arith.constant 0 : i32
    %scan3A_9 = arith.constant 160 : i32
    %scan3A_10 = arith.addi %scan3A_8, %scan3A_9 : i32
    %scan3A_11 = arith.constant 1 : i32
    scf.for %scan3A_15 = %scan3A_8 to %scan3A_10 step %scan3A_11  : i32 {
      %mul3A_16 = arith.constant 1 : i32
      %mul3A_17 = arith.muli %scan3A_15, %mul3A_16 : i32
      %add3A_18 = arith.constant 0 : i32
      %add3A_19 = arith.addi %add3A_18, %mul3A_17 : i32
      %get3A = arith.index_cast %add3A_19 : i32 to index
      %get3A_20 = arith.constant 0 : index
      %get3A_21 = tpu.vector_load %arg4[%get3A, %get3A_20] {strides = array<i32>} : memref<160x64xi32, #tpu.memory_space<vmem>>, vector<16xi32>,
      tpu.vector_store_idx %arg5[%get3A_21], %broadcast_in_dim3A_7 {add = true} : memref<10240xf32, #tpu.memory_space<vmem>>[vector<16xi32>], vector<16xf32>,
      %get3A_22 = arith.index_cast %add3A_19 : i32 to index
      %get3A_23 = arith.constant 16 : index
      %get3A_24 = tpu.vector_load %arg4[%get3A_22, %get3A_23] {strides = array<i32>} : memref<160x64xi32, #tpu.memory_space<vmem>>, vector<16xi32>,
      tpu.vector_store_idx %arg5[%get3A_24], %broadcast_in_dim3A_7 {add = true} : memref<10240xf32, #tpu.memory_space<vmem>>[vector<16xi32>], vector<16xf32>,
      %get3A_25 = arith.index_cast %add3A_19 : i32 to index
      %get3A_26 = arith.constant 32 : index
      %get3A_27 = tpu.vector_load %arg4[%get3A_25, %get3A_26] {strides = array<i32>} : memref<160x64xi32, #tpu.memory_space<vmem>>, vector<16xi32>,
      tpu.vector_store_idx %arg5[%get3A_27], %broadcast_in_dim3A_7 {add = true} : memref<10240xf32, #tpu.memory_space<vmem>>[vector<16xi32>], vector<16xf32>,
      %get3A_28 = arith.index_cast %add3A_19 : i32 to index
      %get3A_29 = arith.constant 48 : index
      %get3A_30 = tpu.vector_load %arg4[%get3A_28, %get3A_29] {strides = array<i32>} : memref<160x64xi32, #tpu.memory_space<vmem>>, vector<16xi32>,
      tpu.vector_store_idx %arg5[%get3A_30], %broadcast_in_dim3A_7 {add = true} : memref<10240xf32, #tpu.memory_space<vmem>>[vector<16xi32>], vector<16xf32>,
    }
    %scan3A_12 = arith.constant 160 : i32
    %mul3A_13 = arith.constant 10240 : i32
    %mul3A_14 = arith.muli %add3A, %mul3A_13 : i32
    "tpu.region"() ({
      %run_scoped3A = tpu.sem_alloc : memref<!tpu.dma_semaphore, #tpu.memory_space<semaphore_mem>>
      %dma_start3A = tpu.memref_slice %arg3[%mul3A_14] : memref<327680xf32, #tpu.memory_space<hbm>> -> memref<10240xf32, #tpu.memory_space<hbm>>
      %dma_start3A_15 = tpu.memref_slice %arg3[%mul3A_14] : memref<327680xf32, #tpu.memory_space<hbm>> -> memref<10240xf32, #tpu.memory_space<hbm>>
      tpu.enqueue_dma source(%arg5 : memref<10240xf32, #tpu.memory_space<vmem>>) target(%dma_start3A_15 : memref<10240xf32, #tpu.memory_space<hbm>>) target_semaphore(%run_scoped3A : memref<!tpu.dma_semaphore, #tpu.memory_space<semaphore_mem>>)
      %dma_wait3A = tpu.memref_slice %arg3[%mul3A_14] : memref<327680xf32, #tpu.memory_space<hbm>> -> memref<10240xf32, #tpu.memory_space<hbm>>
      %dma_wait3A_16 = tpu.memref_slice %arg3[%mul3A_14] : memref<327680xf32, #tpu.memory_space<hbm>> -> memref<10240xf32, #tpu.memory_space<hbm>>
      tpu.wait_dma2 semaphore(%run_scoped3A : memref<!tpu.dma_semaphore, #tpu.memory_space<semaphore_mem>>) src(%arg5 : memref<10240xf32, #tpu.memory_space<vmem>>) dst(%dma_wait3A_16 : memref<10240xf32, #tpu.memory_space<hbm>>)
      tpu.yield
    }) : () -> ()
    return
  }
}

#map = affine_map<(d0, d1) -> (0, 0)>
#map1 = affine_map<(d0, d1) -> (0, 0, 0)>
module attributes {stable_mosaic.version = 14 : i64} {
  func.func @body(%arg0: i32, %arg1: i32, %arg2: memref<2560x128xi32, #tpu.memory_space<hbm>>, %arg3: memref<10000x128xf32, #tpu.memory_space<hbm>>, %arg4: memref<10240x128xf32, #tpu.memory_space<hbm>>, %arg5: memref<2x10240x128xf32, #tpu.memory_space<hbm>>, %arg6: memref<80x128xi32, #tpu.memory_space<vmem>>, %arg7: memref<64xi32, #tpu.memory_space<vmem>>, %arg8: memref<64xi32, #tpu.memory_space<vmem>>, %arg9: memref<64xi32, #tpu.memory_space<vmem>>, %arg10: memref<64xi32, #tpu.memory_space<vmem>>, %arg11: memref<64xi32, #tpu.memory_space<vmem>>, %arg12: memref<64xi32, #tpu.memory_space<vmem>>, %arg13: memref<64xi32, #tpu.memory_space<vmem>>, %arg14: memref<64xi32, #tpu.memory_space<vmem>>, %arg15: memref<64x128xf32, #tpu.memory_space<vmem>>, %arg16: memref<64x128xf32, #tpu.memory_space<vmem>>, %arg17: memref<64x128xf32, #tpu.memory_space<vmem>>, %arg18: memref<64x128xf32, #tpu.memory_space<vmem>>, %arg19: memref<10240x128xf32, #tpu.memory_space<vmem_shared>>, %arg20: memref<!tpu.dma_semaphore, #tpu.memory_space<semaphore_mem>>, %arg21: memref<!tpu.dma_semaphore, #tpu.memory_space<semaphore_mem>>, %arg22: memref<!tpu.dma_semaphore, #tpu.memory_space<semaphore_mem>>, %arg23: memref<!tpu.dma_semaphore, #tpu.memory_space<semaphore_mem>>, %arg24: memref<!tpu.dma_semaphore, #tpu.memory_space<semaphore_mem>>, %arg25: memref<!tpu.dma_semaphore, #tpu.memory_space<semaphore_mem>>, %arg26: memref<!tpu.dma_semaphore, #tpu.memory_space<semaphore_mem>>, %arg27: memref<!tpu.dma_semaphore, #tpu.memory_space<semaphore_mem>>) attributes {dimension_semantics = [#tpu.dimension_semantics<core_parallel>, #tpu.dimension_semantics<subcore_parallel>], iteration_bounds = array<i64: 2, 16>, scalar_prefetch = 0 : i64, scratch_operands = 22 : i64, tpu.core_type = #tpu.core_type<sc_vector_subcore>, window_params = [{transform_indices = #map}, {transform_indices = #map}, {transform_indices = #map}, {transform_indices = #map1}]} {
    %mul3A = arith.constant 2 : i32
    %mul3A_0 = arith.muli %arg1, %mul3A : i32
    %add3A = arith.addi %mul3A_0, %arg0 : i32
    %mul3A_1 = arith.constant 80 : i32
    %mul3A_2 = arith.muli %add3A, %mul3A_1 : i32
    %mul3A_3 = arith.constant 640 : i32
    %mul3A_4 = arith.muli %arg1, %mul3A_3 : i32
    %mul3A_5 = arith.constant 640 : i32
    %mul3A_6 = arith.muli %arg1, %mul3A_5 : i32
    "tpu.region"() ({
      %run_scoped3A = tpu.sem_alloc : memref<!tpu.dma_semaphore, #tpu.memory_space<semaphore_mem>>
      %dma_start3A_47 = arith.constant 0 : i32
      %dma_start3A_48 = tpu.memref_slice %arg19[%mul3A_6, %dma_start3A_47] : memref<10240x128xf32, #tpu.memory_space<vmem_shared>> -> memref<640x128xf32, #tpu.memory_space<vmem_shared>>
      %dma_start3A_49 = arith.constant 0 : i32
      %dma_start3A_50 = tpu.memref_slice %arg4[%mul3A_4, %dma_start3A_49] : memref<10240x128xf32, #tpu.memory_space<hbm>> -> memref<640x128xf32, #tpu.memory_space<hbm>>
      tpu.enqueue_dma source(%dma_start3A_50 : memref<640x128xf32, #tpu.memory_space<hbm>>) target(%dma_start3A_48 : memref<640x128xf32, #tpu.memory_space<vmem_shared>>) target_semaphore(%run_scoped3A : memref<!tpu.dma_semaphore, #tpu.memory_space<semaphore_mem>>)
      %dma_wait3A = arith.constant 0 : i32
      %dma_wait3A_51 = tpu.memref_slice %arg19[%mul3A_6, %dma_wait3A] : memref<10240x128xf32, #tpu.memory_space<vmem_shared>> -> memref<640x128xf32, #tpu.memory_space<vmem_shared>>
      %dma_wait3A_52 = arith.constant 0 : i32
      %dma_wait3A_53 = tpu.memref_slice %arg4[%mul3A_4, %dma_wait3A_52] : memref<10240x128xf32, #tpu.memory_space<hbm>> -> memref<640x128xf32, #tpu.memory_space<hbm>>
      tpu.wait_dma2 semaphore(%run_scoped3A : memref<!tpu.dma_semaphore, #tpu.memory_space<semaphore_mem>>) src(%dma_wait3A_53 : memref<640x128xf32, #tpu.memory_space<hbm>>) dst(%dma_wait3A_51 : memref<640x128xf32, #tpu.memory_space<vmem_shared>>)
      tpu.yield
    }) : () -> ()
    "tpu.region"() ({
      %run_scoped3A = tpu.sem_alloc : memref<!tpu.dma_semaphore, #tpu.memory_space<semaphore_mem>>
      %dma_start3A_47 = arith.constant 0 : i32
      %dma_start3A_48 = tpu.memref_slice %arg2[%mul3A_2, %dma_start3A_47] : memref<2560x128xi32, #tpu.memory_space<hbm>> -> memref<80x128xi32, #tpu.memory_space<hbm>>
      %dma_start3A_49 = arith.constant 0 : i32
      %dma_start3A_50 = tpu.memref_slice %arg2[%mul3A_2, %dma_start3A_49] : memref<2560x128xi32, #tpu.memory_space<hbm>> -> memref<80x128xi32, #tpu.memory_space<hbm>>
      tpu.enqueue_dma source(%dma_start3A_50 : memref<80x128xi32, #tpu.memory_space<hbm>>) target(%arg6 : memref<80x128xi32, #tpu.memory_space<vmem>>) target_semaphore(%run_scoped3A : memref<!tpu.dma_semaphore, #tpu.memory_space<semaphore_mem>>)
      %dma_wait3A = arith.constant 0 : i32
      %dma_wait3A_51 = tpu.memref_slice %arg2[%mul3A_2, %dma_wait3A] : memref<2560x128xi32, #tpu.memory_space<hbm>> -> memref<80x128xi32, #tpu.memory_space<hbm>>
      %dma_wait3A_52 = arith.constant 0 : i32
      %dma_wait3A_53 = tpu.memref_slice %arg2[%mul3A_2, %dma_wait3A_52] : memref<2560x128xi32, #tpu.memory_space<hbm>> -> memref<80x128xi32, #tpu.memory_space<hbm>>
      tpu.wait_dma2 semaphore(%run_scoped3A : memref<!tpu.dma_semaphore, #tpu.memory_space<semaphore_mem>>) src(%dma_wait3A_53 : memref<80x128xi32, #tpu.memory_space<hbm>>) dst(%arg6 : memref<80x128xi32, #tpu.memory_space<vmem>>)
      tpu.yield
    }) : () -> ()
    %barrier3A = arith.constant 0 : index
    tpu.barrier barrier_id(%barrier3A)
    %scan3A = arith.constant 0 : i32
    %scan3A_7 = arith.constant 4 : i32
    %scan3A_8 = arith.addi %scan3A, %scan3A_7 : i32
    %scan3A_9 = arith.constant 1 : i32
    scf.for %scan3A_47 = %scan3A to %scan3A_8 step %scan3A_9  : i32 {
      %mul3A_48 = arith.constant 1 : i32
      %mul3A_49 = arith.muli %scan3A_47, %mul3A_48 : i32
      %add3A_50 = arith.constant 0 : i32
      %add3A_51 = arith.addi %add3A_50, %mul3A_49 : i32
      %mul3A_52 = arith.constant 16 : i32
      %mul3A_53 = arith.muli %add3A_51, %mul3A_52 : i32
      %add3A_54 = arith.constant 0 : i32
      %add3A_55 = arith.addi %add3A_54, %mul3A_53 : i32
      %get3A = arith.constant 0 : i32
      %get3A_56 = arith.index_cast %get3A : i32 to index
      %get3A_57 = arith.index_cast %add3A_55 : i32 to index
      %get3A_58 = tpu.vector_load %arg6[%get3A_56, %get3A_57] {strides = array<i32>} : memref<80x128xi32, #tpu.memory_space<vmem>>, vector<16xi32>,
      %and3A = arith.constant 65535 : i32
      %and3A_59 = vector.broadcast %and3A : i32 to vector<16xi32>
      %and3A_60 = arith.andi %get3A_58, %and3A_59 : vector<16xi32>
      %mul3A_61 = arith.constant 16 : i32
      %mul3A_62 = arith.muli %add3A_51, %mul3A_61 : i32
      %swap3A = arith.index_cast %mul3A_62 : i32 to index
      %swap3A_63 = tpu.vector_load %arg7[%swap3A] {strides = array<i32>} : memref<64xi32, #tpu.memory_space<vmem>>, vector<16xi32>,
      tpu.vector_store %arg7[%swap3A], %and3A_60 {strides = array<i32>} : memref<64xi32, #tpu.memory_space<vmem>>, vector<16xi32>,
      %shift_right_arithmetic3A = arith.constant 16 : i32
      %shift_right_arithmetic3A_64 = vector.broadcast %shift_right_arithmetic3A : i32 to vector<16xi32>
      %shift_right_arithmetic3A_65 = arith.shrsi %get3A_58, %shift_right_arithmetic3A_64 : vector<16xi32>
      %mul3A_66 = arith.constant 16 : i32
      %mul3A_67 = arith.muli %add3A_51, %mul3A_66 : i32
      %swap3A_68 = arith.index_cast %mul3A_67 : i32 to index
      %swap3A_69 = tpu.vector_load %arg11[%swap3A_68] {strides = array<i32>} : memref<64xi32, #tpu.memory_space<vmem>>, vector<16xi32>,
      tpu.vector_store %arg11[%swap3A_68], %shift_right_arithmetic3A_65 {strides = array<i32>} : memref<64xi32, #tpu.memory_space<vmem>>, vector<16xi32>,
    }
    %scan3A_10 = arith.constant 4 : i32
    %dma_start3A = arith.constant 0 : i32
    %dma_start3A_11 = arith.constant 0 : i32
    %dma_start3A_12 = tpu.memref_slice %arg3[%dma_start3A, %dma_start3A_11] : memref<10000x128xf32, #tpu.memory_space<hbm>> -> memref<10000x128xf32, #tpu.memory_space<hbm>>
    tpu.enqueue_indirect_dma source(%dma_start3A_12 : memref<10000x128xf32, #tpu.memory_space<hbm>>) target(%arg15 : memref<64x128xf32, #tpu.memory_space<vmem>>) offsets(%arg7 : memref<64xi32, #tpu.memory_space<vmem>>) semaphore(%arg20 : memref<!tpu.dma_semaphore, #tpu.memory_space<semaphore_mem>>)
    %scan3A_13 = arith.constant 0 : i32
    %scan3A_14 = arith.constant 4 : i32
    %scan3A_15 = arith.addi %scan3A_13, %scan3A_14 : i32
    %scan3A_16 = arith.constant 1 : i32
    scf.for %scan3A_47 = %scan3A_13 to %scan3A_15 step %scan3A_16  : i32 {
      %mul3A_48 = arith.constant 1 : i32
      %mul3A_49 = arith.muli %scan3A_47, %mul3A_48 : i32
      %add3A_50 = arith.constant 0 : i32
      %add3A_51 = arith.addi %add3A_50, %mul3A_49 : i32
      %mul3A_52 = arith.constant 16 : i32
      %mul3A_53 = arith.muli %add3A_51, %mul3A_52 : i32
      %add3A_54 = arith.constant 64 : i32
      %add3A_55 = arith.addi %add3A_54, %mul3A_53 : i32
      %get3A = arith.constant 0 : i32
      %get3A_56 = arith.index_cast %get3A : i32 to index
      %get3A_57 = arith.index_cast %add3A_55 : i32 to index
      %get3A_58 = tpu.vector_load %arg6[%get3A_56, %get3A_57] {strides = array<i32>} : memref<80x128xi32, #tpu.memory_space<vmem>>, vector<16xi32>,
      %and3A = arith.constant 65535 : i32
      %and3A_59 = vector.broadcast %and3A : i32 to vector<16xi32>
      %and3A_60 = arith.andi %get3A_58, %and3A_59 : vector<16xi32>
      %mul3A_61 = arith.constant 16 : i32
      %mul3A_62 = arith.muli %add3A_51, %mul3A_61 : i32
      %swap3A = arith.index_cast %mul3A_62 : i32 to index
      %swap3A_63 = tpu.vector_load %arg8[%swap3A] {strides = array<i32>} : memref<64xi32, #tpu.memory_space<vmem>>, vector<16xi32>,
      tpu.vector_store %arg8[%swap3A], %and3A_60 {strides = array<i32>} : memref<64xi32, #tpu.memory_space<vmem>>, vector<16xi32>,
      %shift_right_arithmetic3A = arith.constant 16 : i32
      %shift_right_arithmetic3A_64 = vector.broadcast %shift_right_arithmetic3A : i32 to vector<16xi32>
      %shift_right_arithmetic3A_65 = arith.shrsi %get3A_58, %shift_right_arithmetic3A_64 : vector<16xi32>
      %mul3A_66 = arith.constant 16 : i32
      %mul3A_67 = arith.muli %add3A_51, %mul3A_66 : i32
      %swap3A_68 = arith.index_cast %mul3A_67 : i32 to index
      %swap3A_69 = tpu.vector_load %arg12[%swap3A_68] {strides = array<i32>} : memref<64xi32, #tpu.memory_space<vmem>>, vector<16xi32>,
      tpu.vector_store %arg12[%swap3A_68], %shift_right_arithmetic3A_65 {strides = array<i32>} : memref<64xi32, #tpu.memory_space<vmem>>, vector<16xi32>,
    }
    %scan3A_17 = arith.constant 4 : i32
    %dma_start3A_18 = arith.constant 0 : i32
    %dma_start3A_19 = arith.constant 0 : i32
    %dma_start3A_20 = tpu.memref_slice %arg3[%dma_start3A_18, %dma_start3A_19] : memref<10000x128xf32, #tpu.memory_space<hbm>> -> memref<10000x128xf32, #tpu.memory_space<hbm>>
    tpu.enqueue_indirect_dma source(%dma_start3A_20 : memref<10000x128xf32, #tpu.memory_space<hbm>>) target(%arg16 : memref<64x128xf32, #tpu.memory_space<vmem>>) offsets(%arg8 : memref<64xi32, #tpu.memory_space<vmem>>) semaphore(%arg21 : memref<!tpu.dma_semaphore, #tpu.memory_space<semaphore_mem>>)
    %scan3A_21 = arith.constant 0 : i32
    %scan3A_22 = arith.constant 4 : i32
    %scan3A_23 = arith.addi %scan3A_21, %scan3A_22 : i32
    %scan3A_24 = arith.constant 1 : i32
    scf.for %scan3A_47 = %scan3A_21 to %scan3A_23 step %scan3A_24  : i32 {
      %mul3A_48 = arith.constant 1 : i32
      %mul3A_49 = arith.muli %scan3A_47, %mul3A_48 : i32
      %add3A_50 = arith.constant 0 : i32
      %add3A_51 = arith.addi %add3A_50, %mul3A_49 : i32
      %mul3A_52 = arith.constant 16 : i32
      %mul3A_53 = arith.muli %add3A_51, %mul3A_52 : i32
      %add3A_54 = arith.constant 0 : i32
      %add3A_55 = arith.addi %add3A_54, %mul3A_53 : i32
      %get3A = arith.constant 1 : i32
      %get3A_56 = arith.index_cast %get3A : i32 to index
      %get3A_57 = arith.index_cast %add3A_55 : i32 to index
      %get3A_58 = tpu.vector_load %arg6[%get3A_56, %get3A_57] {strides = array<i32>} : memref<80x128xi32, #tpu.memory_space<vmem>>, vector<16xi32>,
      %and3A = arith.constant 65535 : i32
      %and3A_59 = vector.broadcast %and3A : i32 to vector<16xi32>
      %and3A_60 = arith.andi %get3A_58, %and3A_59 : vector<16xi32>
      %mul3A_61 = arith.constant 16 : i32
      %mul3A_62 = arith.muli %add3A_51, %mul3A_61 : i32
      %swap3A = arith.index_cast %mul3A_62 : i32 to index
      %swap3A_63 = tpu.vector_load %arg9[%swap3A] {strides = array<i32>} : memref<64xi32, #tpu.memory_space<vmem>>, vector<16xi32>,
      tpu.vector_store %arg9[%swap3A], %and3A_60 {strides = array<i32>} : memref<64xi32, #tpu.memory_space<vmem>>, vector<16xi32>,
      %shift_right_arithmetic3A = arith.constant 16 : i32
      %shift_right_arithmetic3A_64 = vector.broadcast %shift_right_arithmetic3A : i32 to vector<16xi32>
      %shift_right_arithmetic3A_65 = arith.shrsi %get3A_58, %shift_right_arithmetic3A_64 : vector<16xi32>
      %mul3A_66 = arith.constant 16 : i32
      %mul3A_67 = arith.muli %add3A_51, %mul3A_66 : i32
      %swap3A_68 = arith.index_cast %mul3A_67 : i32 to index
      %swap3A_69 = tpu.vector_load %arg13[%swap3A_68] {strides = array<i32>} : memref<64xi32, #tpu.memory_space<vmem>>, vector<16xi32>,
      tpu.vector_store %arg13[%swap3A_68], %shift_right_arithmetic3A_65 {strides = array<i32>} : memref<64xi32, #tpu.memory_space<vmem>>, vector<16xi32>,
    }
    %scan3A_25 = arith.constant 4 : i32
    %dma_start3A_26 = arith.constant 0 : i32
    %dma_start3A_27 = arith.constant 0 : i32
    %dma_start3A_28 = tpu.memref_slice %arg3[%dma_start3A_26, %dma_start3A_27] : memref<10000x128xf32, #tpu.memory_space<hbm>> -> memref<10000x128xf32, #tpu.memory_space<hbm>>
    tpu.enqueue_indirect_dma source(%dma_start3A_28 : memref<10000x128xf32, #tpu.memory_space<hbm>>) target(%arg17 : memref<64x128xf32, #tpu.memory_space<vmem>>) offsets(%arg9 : memref<64xi32, #tpu.memory_space<vmem>>) semaphore(%arg22 : memref<!tpu.dma_semaphore, #tpu.memory_space<semaphore_mem>>)
    %scan3A_29 = arith.constant 0 : i32
    %scan3A_30 = arith.constant 4 : i32
    %scan3A_31 = arith.addi %scan3A_29, %scan3A_30 : i32
    %scan3A_32 = arith.constant 1 : i32
    scf.for %scan3A_47 = %scan3A_29 to %scan3A_31 step %scan3A_32  : i32 {
      %mul3A_48 = arith.constant 1 : i32
      %mul3A_49 = arith.muli %scan3A_47, %mul3A_48 : i32
      %add3A_50 = arith.constant 0 : i32
      %add3A_51 = arith.addi %add3A_50, %mul3A_49 : i32
      %mul3A_52 = arith.constant 16 : i32
      %mul3A_53 = arith.muli %add3A_51, %mul3A_52 : i32
      %add3A_54 = arith.constant 64 : i32
      %add3A_55 = arith.addi %add3A_54, %mul3A_53 : i32
      %get3A = arith.constant 1 : i32
      %get3A_56 = arith.index_cast %get3A : i32 to index
      %get3A_57 = arith.index_cast %add3A_55 : i32 to index
      %get3A_58 = tpu.vector_load %arg6[%get3A_56, %get3A_57] {strides = array<i32>} : memref<80x128xi32, #tpu.memory_space<vmem>>, vector<16xi32>,
      %and3A = arith.constant 65535 : i32
      %and3A_59 = vector.broadcast %and3A : i32 to vector<16xi32>
      %and3A_60 = arith.andi %get3A_58, %and3A_59 : vector<16xi32>
      %mul3A_61 = arith.constant 16 : i32
      %mul3A_62 = arith.muli %add3A_51, %mul3A_61 : i32
      %swap3A = arith.index_cast %mul3A_62 : i32 to index
      %swap3A_63 = tpu.vector_load %arg10[%swap3A] {strides = array<i32>} : memref<64xi32, #tpu.memory_space<vmem>>, vector<16xi32>,
      tpu.vector_store %arg10[%swap3A], %and3A_60 {strides = array<i32>} : memref<64xi32, #tpu.memory_space<vmem>>, vector<16xi32>,
      %shift_right_arithmetic3A = arith.constant 16 : i32
      %shift_right_arithmetic3A_64 = vector.broadcast %shift_right_arithmetic3A : i32 to vector<16xi32>
      %shift_right_arithmetic3A_65 = arith.shrsi %get3A_58, %shift_right_arithmetic3A_64 : vector<16xi32>
      %mul3A_66 = arith.constant 16 : i32
      %mul3A_67 = arith.muli %add3A_51, %mul3A_66 : i32
      %swap3A_68 = arith.index_cast %mul3A_67 : i32 to index
      %swap3A_69 = tpu.vector_load %arg14[%swap3A_68] {strides = array<i32>} : memref<64xi32, #tpu.memory_space<vmem>>, vector<16xi32>,
      tpu.vector_store %arg14[%swap3A_68], %shift_right_arithmetic3A_65 {strides = array<i32>} : memref<64xi32, #tpu.memory_space<vmem>>, vector<16xi32>,
    }
    %scan3A_33 = arith.constant 4 : i32
    %dma_start3A_34 = arith.constant 0 : i32
    %dma_start3A_35 = arith.constant 0 : i32
    %dma_start3A_36 = tpu.memref_slice %arg3[%dma_start3A_34, %dma_start3A_35] : memref<10000x128xf32, #tpu.memory_space<hbm>> -> memref<10000x128xf32, #tpu.memory_space<hbm>>
    tpu.enqueue_indirect_dma source(%dma_start3A_36 : memref<10000x128xf32, #tpu.memory_space<hbm>>) target(%arg18 : memref<64x128xf32, #tpu.memory_space<vmem>>) offsets(%arg10 : memref<64xi32, #tpu.memory_space<vmem>>) semaphore(%arg23 : memref<!tpu.dma_semaphore, #tpu.memory_space<semaphore_mem>>)
    %scan3A_37 = arith.constant 0 : i32
    %scan3A_38 = arith.constant 40 : i32
    %scan3A_39 = arith.addi %scan3A_37, %scan3A_38 : i32
    %scan3A_40 = arith.constant 1 : i32
    scf.for %scan3A_47 = %scan3A_37 to %scan3A_39 step %scan3A_40  : i32 {
      %mul3A_48 = arith.constant 4 : i32
      %mul3A_49 = arith.muli %scan3A_47, %mul3A_48 : i32
      %add3A_50 = arith.constant 0 : i32
      %add3A_51 = arith.addi %add3A_50, %mul3A_49 : i32
      %dma_wait3A = arith.constant 0 : i32
      %dma_wait3A_52 = arith.constant 0 : i32
      %dma_wait3A_53 = tpu.memref_slice %arg3[%dma_wait3A, %dma_wait3A_52] : memref<10000x128xf32, #tpu.memory_space<hbm>> -> memref<10000x128xf32, #tpu.memory_space<hbm>>
      tpu.wait_indirect_dma semaphore(%arg20 : memref<!tpu.dma_semaphore, #tpu.memory_space<semaphore_mem>>) src(%dma_wait3A_53 : memref<10000x128xf32, #tpu.memory_space<hbm>>) dst(%arg15 : memref<64x128xf32, #tpu.memory_space<vmem>>)
      %dma_start3A_54 = arith.constant 0 : i32
      %dma_start3A_55 = arith.constant 0 : i32
      %dma_start3A_56 = tpu.memref_slice %arg19[%dma_start3A_54, %dma_start3A_55] : memref<10240x128xf32, #tpu.memory_space<vmem_shared>> -> memref<10240x128xf32, #tpu.memory_space<vmem_shared>>
      tpu.enqueue_indirect_dma source(%arg15 : memref<64x128xf32, #tpu.memory_space<vmem>>) target(%dma_start3A_56 : memref<10240x128xf32, #tpu.memory_space<vmem_shared>>) offsets(%arg11 : memref<64xi32, #tpu.memory_space<vmem>>) semaphore(%arg24 : memref<!tpu.dma_semaphore, #tpu.memory_space<semaphore_mem>>) {add = true}
      %dma_wait3A_57 = arith.constant 0 : i32
      %dma_wait3A_58 = arith.constant 0 : i32
      %dma_wait3A_59 = tpu.memref_slice %arg3[%dma_wait3A_57, %dma_wait3A_58] : memref<10000x128xf32, #tpu.memory_space<hbm>> -> memref<10000x128xf32, #tpu.memory_space<hbm>>
      tpu.wait_indirect_dma semaphore(%arg21 : memref<!tpu.dma_semaphore, #tpu.memory_space<semaphore_mem>>) src(%dma_wait3A_59 : memref<10000x128xf32, #tpu.memory_space<hbm>>) dst(%arg16 : memref<64x128xf32, #tpu.memory_space<vmem>>)
      %dma_start3A_60 = arith.constant 0 : i32
      %dma_start3A_61 = arith.constant 0 : i32
      %dma_start3A_62 = tpu.memref_slice %arg19[%dma_start3A_60, %dma_start3A_61] : memref<10240x128xf32, #tpu.memory_space<vmem_shared>> -> memref<10240x128xf32, #tpu.memory_space<vmem_shared>>
      tpu.enqueue_indirect_dma source(%arg16 : memref<64x128xf32, #tpu.memory_space<vmem>>) target(%dma_start3A_62 : memref<10240x128xf32, #tpu.memory_space<vmem_shared>>) offsets(%arg12 : memref<64xi32, #tpu.memory_space<vmem>>) semaphore(%arg25 : memref<!tpu.dma_semaphore, #tpu.memory_space<semaphore_mem>>) {add = true}
      %dma_wait3A_63 = arith.constant 0 : i32
      %dma_wait3A_64 = arith.constant 0 : i32
      %dma_wait3A_65 = tpu.memref_slice %arg3[%dma_wait3A_63, %dma_wait3A_64] : memref<10000x128xf32, #tpu.memory_space<hbm>> -> memref<10000x128xf32, #tpu.memory_space<hbm>>
      tpu.wait_indirect_dma semaphore(%arg22 : memref<!tpu.dma_semaphore, #tpu.memory_space<semaphore_mem>>) src(%dma_wait3A_65 : memref<10000x128xf32, #tpu.memory_space<hbm>>) dst(%arg17 : memref<64x128xf32, #tpu.memory_space<vmem>>)
      %dma_start3A_66 = arith.constant 0 : i32
      %dma_start3A_67 = arith.constant 0 : i32
      %dma_start3A_68 = tpu.memref_slice %arg19[%dma_start3A_66, %dma_start3A_67] : memref<10240x128xf32, #tpu.memory_space<vmem_shared>> -> memref<10240x128xf32, #tpu.memory_space<vmem_shared>>
      tpu.enqueue_indirect_dma source(%arg17 : memref<64x128xf32, #tpu.memory_space<vmem>>) target(%dma_start3A_68 : memref<10240x128xf32, #tpu.memory_space<vmem_shared>>) offsets(%arg13 : memref<64xi32, #tpu.memory_space<vmem>>) semaphore(%arg26 : memref<!tpu.dma_semaphore, #tpu.memory_space<semaphore_mem>>) {add = true}
      %dma_wait3A_69 = arith.constant 0 : i32
      %dma_wait3A_70 = arith.constant 0 : i32
      %dma_wait3A_71 = tpu.memref_slice %arg3[%dma_wait3A_69, %dma_wait3A_70] : memref<10000x128xf32, #tpu.memory_space<hbm>> -> memref<10000x128xf32, #tpu.memory_space<hbm>>
      tpu.wait_indirect_dma semaphore(%arg23 : memref<!tpu.dma_semaphore, #tpu.memory_space<semaphore_mem>>) src(%dma_wait3A_71 : memref<10000x128xf32, #tpu.memory_space<hbm>>) dst(%arg18 : memref<64x128xf32, #tpu.memory_space<vmem>>)
      %dma_start3A_72 = arith.constant 0 : i32
      %dma_start3A_73 = arith.constant 0 : i32
      %dma_start3A_74 = tpu.memref_slice %arg19[%dma_start3A_72, %dma_start3A_73] : memref<10240x128xf32, #tpu.memory_space<vmem_shared>> -> memref<10240x128xf32, #tpu.memory_space<vmem_shared>>
      tpu.enqueue_indirect_dma source(%arg18 : memref<64x128xf32, #tpu.memory_space<vmem>>) target(%dma_start3A_74 : memref<10240x128xf32, #tpu.memory_space<vmem_shared>>) offsets(%arg14 : memref<64xi32, #tpu.memory_space<vmem>>) semaphore(%arg27 : memref<!tpu.dma_semaphore, #tpu.memory_space<semaphore_mem>>) {add = true}
      %dma_wait3A_75 = arith.constant 0 : i32
      %dma_wait3A_76 = arith.constant 0 : i32
      %dma_wait3A_77 = tpu.memref_slice %arg19[%dma_wait3A_75, %dma_wait3A_76] : memref<10240x128xf32, #tpu.memory_space<vmem_shared>> -> memref<10240x128xf32, #tpu.memory_space<vmem_shared>>
      tpu.wait_indirect_dma semaphore(%arg24 : memref<!tpu.dma_semaphore, #tpu.memory_space<semaphore_mem>>) src(%arg15 : memref<64x128xf32, #tpu.memory_space<vmem>>) dst(%dma_wait3A_77 : memref<10240x128xf32, #tpu.memory_space<vmem_shared>>)
      %add3A_78 = arith.constant 4 : i32
      %add3A_79 = arith.addi %add3A_51, %add3A_78 : i32
      %add3A_80 = arith.constant 0 : i32
      %add3A_81 = arith.addi %add3A_79, %add3A_80 : i32
      %lt3A = arith.constant 160 : i32
      %lt3A_82 = arith.cmpi slt, %add3A_81, %lt3A : i32
      %convert_element_type3A = arith.extui %lt3A_82 : i1 to i32
      %cond3A = arith.constant 0 : i32
      %cond3A_83 = arith.cmpi ne, %convert_element_type3A, %cond3A : i32
      scf.if %cond3A_83 {
        %jit3A = arith.constant 2 : i32
        %div3A = arith.divsi %add3A_51, %jit3A : i32
        %sign3A = arith.constant 0 : i32
        %sign3A_120 = arith.cmpi sgt, %add3A_51, %sign3A : i32
        %sign3A_121 = arith.extui %sign3A_120 : i1 to i32
        %sign3A_122 = arith.constant 0 : i32
        %sign3A_123 = arith.cmpi slt, %add3A_51, %sign3A_122 : i32
        %sign3A_124 = arith.extui %sign3A_123 : i1 to i32
        %sign3A_125 = arith.subi %sign3A_121, %sign3A_124 : i32
        %sign3A_126 = arith.constant 0 : i32
        %sign3A_127 = arith.cmpi sgt, %jit3A, %sign3A_126 : i32
        %sign3A_128 = arith.extui %sign3A_127 : i1 to i32
        %sign3A_129 = arith.constant 0 : i32
        %sign3A_130 = arith.cmpi slt, %jit3A, %sign3A_129 : i32
        %sign3A_131 = arith.extui %sign3A_130 : i1 to i32
        %sign3A_132 = arith.subi %sign3A_128, %sign3A_131 : i32
        %ne3A = arith.cmpi ne, %sign3A_125, %sign3A_132 : i32
        %rem3A = arith.remsi %add3A_51, %jit3A : i32
        %ne3A_133 = arith.constant 0 : i32
        %ne3A_134 = arith.cmpi ne, %rem3A, %ne3A_133 : i32
        %and3A = arith.andi %ne3A, %ne3A_134 : i1
        %sub3A = arith.constant 1 : i32
        %sub3A_135 = arith.subi %div3A, %sub3A : i32
        %select_n3A = arith.select %and3A, %sub3A_135, %div3A : i32
        %add3A_136 = arith.constant 2 : i32
        %add3A_137 = arith.addi %select_n3A, %add3A_136 : i32
        %scan3A_138 = arith.constant 0 : i32
        %scan3A_139 = arith.constant 4 : i32
        %scan3A_140 = arith.addi %scan3A_138, %scan3A_139 : i32
        %scan3A_141 = arith.constant 1 : i32
        scf.for %scan3A_146 = %scan3A_138 to %scan3A_140 step %scan3A_141  : i32 {
          %mul3A_147 = arith.constant 1 : i32
          %mul3A_148 = arith.muli %scan3A_146, %mul3A_147 : i32
          %add3A_149 = arith.constant 0 : i32
          %add3A_150 = arith.addi %add3A_149, %mul3A_148 : i32
          %mul3A_151 = arith.constant 16 : i32
          %mul3A_152 = arith.muli %add3A_150, %mul3A_151 : i32
          %add3A_153 = arith.constant 0 : i32
          %add3A_154 = arith.addi %add3A_153, %mul3A_152 : i32
          %get3A = arith.index_cast %add3A_137 : i32 to index
          %get3A_155 = arith.index_cast %add3A_154 : i32 to index
          %get3A_156 = tpu.vector_load %arg6[%get3A, %get3A_155] {strides = array<i32>} : memref<80x128xi32, #tpu.memory_space<vmem>>, vector<16xi32>,
          %and3A_157 = arith.constant 65535 : i32
          %and3A_158 = vector.broadcast %and3A_157 : i32 to vector<16xi32>
          %and3A_159 = arith.andi %get3A_156, %and3A_158 : vector<16xi32>
          %mul3A_160 = arith.constant 16 : i32
          %mul3A_161 = arith.muli %add3A_150, %mul3A_160 : i32
          %swap3A = arith.index_cast %mul3A_161 : i32 to index
          %swap3A_162 = tpu.vector_load %arg7[%swap3A] {strides = array<i32>} : memref<64xi32, #tpu.memory_space<vmem>>, vector<16xi32>,
          tpu.vector_store %arg7[%swap3A], %and3A_159 {strides = array<i32>} : memref<64xi32, #tpu.memory_space<vmem>>, vector<16xi32>,
          %shift_right_arithmetic3A = arith.constant 16 : i32
          %shift_right_arithmetic3A_163 = vector.broadcast %shift_right_arithmetic3A : i32 to vector<16xi32>
          %shift_right_arithmetic3A_164 = arith.shrsi %get3A_156, %shift_right_arithmetic3A_163 : vector<16xi32>
          %mul3A_165 = arith.constant 16 : i32
          %mul3A_166 = arith.muli %add3A_150, %mul3A_165 : i32
          %swap3A_167 = arith.index_cast %mul3A_166 : i32 to index
          %swap3A_168 = tpu.vector_load %arg11[%swap3A_167] {strides = array<i32>} : memref<64xi32, #tpu.memory_space<vmem>>, vector<16xi32>,
          tpu.vector_store %arg11[%swap3A_167], %shift_right_arithmetic3A_164 {strides = array<i32>} : memref<64xi32, #tpu.memory_space<vmem>>, vector<16xi32>,
        }
        %scan3A_142 = arith.constant 4 : i32
        %dma_start3A_143 = arith.constant 0 : i32
        %dma_start3A_144 = arith.constant 0 : i32
        %dma_start3A_145 = tpu.memref_slice %arg3[%dma_start3A_143, %dma_start3A_144] : memref<10000x128xf32, #tpu.memory_space<hbm>> -> memref<10000x128xf32, #tpu.memory_space<hbm>>
        tpu.enqueue_indirect_dma source(%dma_start3A_145 : memref<10000x128xf32, #tpu.memory_space<hbm>>) target(%arg15 : memref<64x128xf32, #tpu.memory_space<vmem>>) offsets(%arg7 : memref<64xi32, #tpu.memory_space<vmem>>) semaphore(%arg20 : memref<!tpu.dma_semaphore, #tpu.memory_space<semaphore_mem>>)
      } else {
      }
      %dma_wait3A_84 = arith.constant 0 : i32
      %dma_wait3A_85 = arith.constant 0 : i32
      %dma_wait3A_86 = tpu.memref_slice %arg19[%dma_wait3A_84, %dma_wait3A_85] : memref<10240x128xf32, #tpu.memory_space<vmem_shared>> -> memref<10240x128xf32, #tpu.memory_space<vmem_shared>>
      tpu.wait_indirect_dma semaphore(%arg25 : memref<!tpu.dma_semaphore, #tpu.memory_space<semaphore_mem>>) src(%arg16 : memref<64x128xf32, #tpu.memory_space<vmem>>) dst(%dma_wait3A_86 : memref<10240x128xf32, #tpu.memory_space<vmem_shared>>)
      %add3A_87 = arith.constant 4 : i32
      %add3A_88 = arith.addi %add3A_51, %add3A_87 : i32
      %add3A_89 = arith.constant 1 : i32
      %add3A_90 = arith.addi %add3A_88, %add3A_89 : i32
      %lt3A_91 = arith.constant 160 : i32
      %lt3A_92 = arith.cmpi slt, %add3A_90, %lt3A_91 : i32
      %convert_element_type3A_93 = arith.extui %lt3A_92 : i1 to i32
      %cond3A_94 = arith.constant 0 : i32
      %cond3A_95 = arith.cmpi ne, %convert_element_type3A_93, %cond3A_94 : i32
      scf.if %cond3A_95 {
        %jit3A = arith.constant 2 : i32
        %div3A = arith.divsi %add3A_51, %jit3A : i32
        %sign3A = arith.constant 0 : i32
        %sign3A_120 = arith.cmpi sgt, %add3A_51, %sign3A : i32
        %sign3A_121 = arith.extui %sign3A_120 : i1 to i32
        %sign3A_122 = arith.constant 0 : i32
        %sign3A_123 = arith.cmpi slt, %add3A_51, %sign3A_122 : i32
        %sign3A_124 = arith.extui %sign3A_123 : i1 to i32
        %sign3A_125 = arith.subi %sign3A_121, %sign3A_124 : i32
        %sign3A_126 = arith.constant 0 : i32
        %sign3A_127 = arith.cmpi sgt, %jit3A, %sign3A_126 : i32
        %sign3A_128 = arith.extui %sign3A_127 : i1 to i32
        %sign3A_129 = arith.constant 0 : i32
        %sign3A_130 = arith.cmpi slt, %jit3A, %sign3A_129 : i32
        %sign3A_131 = arith.extui %sign3A_130 : i1 to i32
        %sign3A_132 = arith.subi %sign3A_128, %sign3A_131 : i32
        %ne3A = arith.cmpi ne, %sign3A_125, %sign3A_132 : i32
        %rem3A = arith.remsi %add3A_51, %jit3A : i32
        %ne3A_133 = arith.constant 0 : i32
        %ne3A_134 = arith.cmpi ne, %rem3A, %ne3A_133 : i32
        %and3A = arith.andi %ne3A, %ne3A_134 : i1
        %sub3A = arith.constant 1 : i32
        %sub3A_135 = arith.subi %div3A, %sub3A : i32
        %select_n3A = arith.select %and3A, %sub3A_135, %div3A : i32
        %add3A_136 = arith.constant 2 : i32
        %add3A_137 = arith.addi %select_n3A, %add3A_136 : i32
        %scan3A_138 = arith.constant 0 : i32
        %scan3A_139 = arith.constant 4 : i32
        %scan3A_140 = arith.addi %scan3A_138, %scan3A_139 : i32
        %scan3A_141 = arith.constant 1 : i32
        scf.for %scan3A_146 = %scan3A_138 to %scan3A_140 step %scan3A_141  : i32 {
          %mul3A_147 = arith.constant 1 : i32
          %mul3A_148 = arith.muli %scan3A_146, %mul3A_147 : i32
          %add3A_149 = arith.constant 0 : i32
          %add3A_150 = arith.addi %add3A_149, %mul3A_148 : i32
          %mul3A_151 = arith.constant 16 : i32
          %mul3A_152 = arith.muli %add3A_150, %mul3A_151 : i32
          %add3A_153 = arith.constant 64 : i32
          %add3A_154 = arith.addi %add3A_153, %mul3A_152 : i32
          %get3A = arith.index_cast %add3A_137 : i32 to index
          %get3A_155 = arith.index_cast %add3A_154 : i32 to index
          %get3A_156 = tpu.vector_load %arg6[%get3A, %get3A_155] {strides = array<i32>} : memref<80x128xi32, #tpu.memory_space<vmem>>, vector<16xi32>,
          %and3A_157 = arith.constant 65535 : i32
          %and3A_158 = vector.broadcast %and3A_157 : i32 to vector<16xi32>
          %and3A_159 = arith.andi %get3A_156, %and3A_158 : vector<16xi32>
          %mul3A_160 = arith.constant 16 : i32
          %mul3A_161 = arith.muli %add3A_150, %mul3A_160 : i32
          %swap3A = arith.index_cast %mul3A_161 : i32 to index
          %swap3A_162 = tpu.vector_load %arg8[%swap3A] {strides = array<i32>} : memref<64xi32, #tpu.memory_space<vmem>>, vector<16xi32>,
          tpu.vector_store %arg8[%swap3A], %and3A_159 {strides = array<i32>} : memref<64xi32, #tpu.memory_space<vmem>>, vector<16xi32>,
          %shift_right_arithmetic3A = arith.constant 16 : i32
          %shift_right_arithmetic3A_163 = vector.broadcast %shift_right_arithmetic3A : i32 to vector<16xi32>
          %shift_right_arithmetic3A_164 = arith.shrsi %get3A_156, %shift_right_arithmetic3A_163 : vector<16xi32>
          %mul3A_165 = arith.constant 16 : i32
          %mul3A_166 = arith.muli %add3A_150, %mul3A_165 : i32
          %swap3A_167 = arith.index_cast %mul3A_166 : i32 to index
          %swap3A_168 = tpu.vector_load %arg12[%swap3A_167] {strides = array<i32>} : memref<64xi32, #tpu.memory_space<vmem>>, vector<16xi32>,
          tpu.vector_store %arg12[%swap3A_167], %shift_right_arithmetic3A_164 {strides = array<i32>} : memref<64xi32, #tpu.memory_space<vmem>>, vector<16xi32>,
        }
        %scan3A_142 = arith.constant 4 : i32
        %dma_start3A_143 = arith.constant 0 : i32
        %dma_start3A_144 = arith.constant 0 : i32
        %dma_start3A_145 = tpu.memref_slice %arg3[%dma_start3A_143, %dma_start3A_144] : memref<10000x128xf32, #tpu.memory_space<hbm>> -> memref<10000x128xf32, #tpu.memory_space<hbm>>
        tpu.enqueue_indirect_dma source(%dma_start3A_145 : memref<10000x128xf32, #tpu.memory_space<hbm>>) target(%arg16 : memref<64x128xf32, #tpu.memory_space<vmem>>) offsets(%arg8 : memref<64xi32, #tpu.memory_space<vmem>>) semaphore(%arg21 : memref<!tpu.dma_semaphore, #tpu.memory_space<semaphore_mem>>)
      } else {
      }
      %dma_wait3A_96 = arith.constant 0 : i32
      %dma_wait3A_97 = arith.constant 0 : i32
      %dma_wait3A_98 = tpu.memref_slice %arg19[%dma_wait3A_96, %dma_wait3A_97] : memref<10240x128xf32, #tpu.memory_space<vmem_shared>> -> memref<10240x128xf32, #tpu.memory_space<vmem_shared>>
      tpu.wait_indirect_dma semaphore(%arg26 : memref<!tpu.dma_semaphore, #tpu.memory_space<semaphore_mem>>) src(%arg17 : memref<64x128xf32, #tpu.memory_space<vmem>>) dst(%dma_wait3A_98 : memref<10240x128xf32, #tpu.memory_space<vmem_shared>>)
      %add3A_99 = arith.constant 4 : i32
      %add3A_100 = arith.addi %add3A_51, %add3A_99 : i32
      %add3A_101 = arith.constant 2 : i32
      %add3A_102 = arith.addi %add3A_100, %add3A_101 : i32
      %lt3A_103 = arith.constant 160 : i32
      %lt3A_104 = arith.cmpi slt, %add3A_102, %lt3A_103 : i32
      %convert_element_type3A_105 = arith.extui %lt3A_104 : i1 to i32
      %cond3A_106 = arith.constant 0 : i32
      %cond3A_107 = arith.cmpi ne, %convert_element_type3A_105, %cond3A_106 : i32
      scf.if %cond3A_107 {
        %jit3A = arith.constant 2 : i32
        %div3A = arith.divsi %add3A_51, %jit3A : i32
        %sign3A = arith.constant 0 : i32
        %sign3A_120 = arith.cmpi sgt, %add3A_51, %sign3A : i32
        %sign3A_121 = arith.extui %sign3A_120 : i1 to i32
        %sign3A_122 = arith.constant 0 : i32
        %sign3A_123 = arith.cmpi slt, %add3A_51, %sign3A_122 : i32
        %sign3A_124 = arith.extui %sign3A_123 : i1 to i32
        %sign3A_125 = arith.subi %sign3A_121, %sign3A_124 : i32
        %sign3A_126 = arith.constant 0 : i32
        %sign3A_127 = arith.cmpi sgt, %jit3A, %sign3A_126 : i32
        %sign3A_128 = arith.extui %sign3A_127 : i1 to i32
        %sign3A_129 = arith.constant 0 : i32
        %sign3A_130 = arith.cmpi slt, %jit3A, %sign3A_129 : i32
        %sign3A_131 = arith.extui %sign3A_130 : i1 to i32
        %sign3A_132 = arith.subi %sign3A_128, %sign3A_131 : i32
        %ne3A = arith.cmpi ne, %sign3A_125, %sign3A_132 : i32
        %rem3A = arith.remsi %add3A_51, %jit3A : i32
        %ne3A_133 = arith.constant 0 : i32
        %ne3A_134 = arith.cmpi ne, %rem3A, %ne3A_133 : i32
        %and3A = arith.andi %ne3A, %ne3A_134 : i1
        %sub3A = arith.constant 1 : i32
        %sub3A_135 = arith.subi %div3A, %sub3A : i32
        %select_n3A = arith.select %and3A, %sub3A_135, %div3A : i32
        %add3A_136 = arith.constant 3 : i32
        %add3A_137 = arith.addi %select_n3A, %add3A_136 : i32
        %scan3A_138 = arith.constant 0 : i32
        %scan3A_139 = arith.constant 4 : i32
        %scan3A_140 = arith.addi %scan3A_138, %scan3A_139 : i32
        %scan3A_141 = arith.constant 1 : i32
        scf.for %scan3A_146 = %scan3A_138 to %scan3A_140 step %scan3A_141  : i32 {
          %mul3A_147 = arith.constant 1 : i32
          %mul3A_148 = arith.muli %scan3A_146, %mul3A_147 : i32
          %add3A_149 = arith.constant 0 : i32
          %add3A_150 = arith.addi %add3A_149, %mul3A_148 : i32
          %mul3A_151 = arith.constant 16 : i32
          %mul3A_152 = arith.muli %add3A_150, %mul3A_151 : i32
          %add3A_153 = arith.constant 0 : i32
          %add3A_154 = arith.addi %add3A_153, %mul3A_152 : i32
          %get3A = arith.index_cast %add3A_137 : i32 to index
          %get3A_155 = arith.index_cast %add3A_154 : i32 to index
          %get3A_156 = tpu.vector_load %arg6[%get3A, %get3A_155] {strides = array<i32>} : memref<80x128xi32, #tpu.memory_space<vmem>>, vector<16xi32>,
          %and3A_157 = arith.constant 65535 : i32
          %and3A_158 = vector.broadcast %and3A_157 : i32 to vector<16xi32>
          %and3A_159 = arith.andi %get3A_156, %and3A_158 : vector<16xi32>
          %mul3A_160 = arith.constant 16 : i32
          %mul3A_161 = arith.muli %add3A_150, %mul3A_160 : i32
          %swap3A = arith.index_cast %mul3A_161 : i32 to index
          %swap3A_162 = tpu.vector_load %arg9[%swap3A] {strides = array<i32>} : memref<64xi32, #tpu.memory_space<vmem>>, vector<16xi32>,
          tpu.vector_store %arg9[%swap3A], %and3A_159 {strides = array<i32>} : memref<64xi32, #tpu.memory_space<vmem>>, vector<16xi32>,
          %shift_right_arithmetic3A = arith.constant 16 : i32
          %shift_right_arithmetic3A_163 = vector.broadcast %shift_right_arithmetic3A : i32 to vector<16xi32>
          %shift_right_arithmetic3A_164 = arith.shrsi %get3A_156, %shift_right_arithmetic3A_163 : vector<16xi32>
          %mul3A_165 = arith.constant 16 : i32
          %mul3A_166 = arith.muli %add3A_150, %mul3A_165 : i32
          %swap3A_167 = arith.index_cast %mul3A_166 : i32 to index
          %swap3A_168 = tpu.vector_load %arg13[%swap3A_167] {strides = array<i32>} : memref<64xi32, #tpu.memory_space<vmem>>, vector<16xi32>,
          tpu.vector_store %arg13[%swap3A_167], %shift_right_arithmetic3A_164 {strides = array<i32>} : memref<64xi32, #tpu.memory_space<vmem>>, vector<16xi32>,
        }
        %scan3A_142 = arith.constant 4 : i32
        %dma_start3A_143 = arith.constant 0 : i32
        %dma_start3A_144 = arith.constant 0 : i32
        %dma_start3A_145 = tpu.memref_slice %arg3[%dma_start3A_143, %dma_start3A_144] : memref<10000x128xf32, #tpu.memory_space<hbm>> -> memref<10000x128xf32, #tpu.memory_space<hbm>>
        tpu.enqueue_indirect_dma source(%dma_start3A_145 : memref<10000x128xf32, #tpu.memory_space<hbm>>) target(%arg17 : memref<64x128xf32, #tpu.memory_space<vmem>>) offsets(%arg9 : memref<64xi32, #tpu.memory_space<vmem>>) semaphore(%arg22 : memref<!tpu.dma_semaphore, #tpu.memory_space<semaphore_mem>>)
      } else {
      }
      %dma_wait3A_108 = arith.constant 0 : i32
      %dma_wait3A_109 = arith.constant 0 : i32
      %dma_wait3A_110 = tpu.memref_slice %arg19[%dma_wait3A_108, %dma_wait3A_109] : memref<10240x128xf32, #tpu.memory_space<vmem_shared>> -> memref<10240x128xf32, #tpu.memory_space<vmem_shared>>
      tpu.wait_indirect_dma semaphore(%arg27 : memref<!tpu.dma_semaphore, #tpu.memory_space<semaphore_mem>>) src(%arg18 : memref<64x128xf32, #tpu.memory_space<vmem>>) dst(%dma_wait3A_110 : memref<10240x128xf32, #tpu.memory_space<vmem_shared>>)
      %add3A_111 = arith.constant 4 : i32
      %add3A_112 = arith.addi %add3A_51, %add3A_111 : i32
      %add3A_113 = arith.constant 3 : i32
      %add3A_114 = arith.addi %add3A_112, %add3A_113 : i32
      %lt3A_115 = arith.constant 160 : i32
      %lt3A_116 = arith.cmpi slt, %add3A_114, %lt3A_115 : i32
      %convert_element_type3A_117 = arith.extui %lt3A_116 : i1 to i32
      %cond3A_118 = arith.constant 0 : i32
      %cond3A_119 = arith.cmpi ne, %convert_element_type3A_117, %cond3A_118 : i32
      scf.if %cond3A_119 {
        %jit3A = arith.constant 2 : i32
        %div3A = arith.divsi %add3A_51, %jit3A : i32
        %sign3A = arith.constant 0 : i32
        %sign3A_120 = arith.cmpi sgt, %add3A_51, %sign3A : i32
        %sign3A_121 = arith.extui %sign3A_120 : i1 to i32
        %sign3A_122 = arith.constant 0 : i32
        %sign3A_123 = arith.cmpi slt, %add3A_51, %sign3A_122 : i32
        %sign3A_124 = arith.extui %sign3A_123 : i1 to i32
        %sign3A_125 = arith.subi %sign3A_121, %sign3A_124 : i32
        %sign3A_126 = arith.constant 0 : i32
        %sign3A_127 = arith.cmpi sgt, %jit3A, %sign3A_126 : i32
        %sign3A_128 = arith.extui %sign3A_127 : i1 to i32
        %sign3A_129 = arith.constant 0 : i32
        %sign3A_130 = arith.cmpi slt, %jit3A, %sign3A_129 : i32
        %sign3A_131 = arith.extui %sign3A_130 : i1 to i32
        %sign3A_132 = arith.subi %sign3A_128, %sign3A_131 : i32
        %ne3A = arith.cmpi ne, %sign3A_125, %sign3A_132 : i32
        %rem3A = arith.remsi %add3A_51, %jit3A : i32
        %ne3A_133 = arith.constant 0 : i32
        %ne3A_134 = arith.cmpi ne, %rem3A, %ne3A_133 : i32
        %and3A = arith.andi %ne3A, %ne3A_134 : i1
        %sub3A = arith.constant 1 : i32
        %sub3A_135 = arith.subi %div3A, %sub3A : i32
        %select_n3A = arith.select %and3A, %sub3A_135, %div3A : i32
        %add3A_136 = arith.constant 3 : i32
        %add3A_137 = arith.addi %select_n3A, %add3A_136 : i32
        %scan3A_138 = arith.constant 0 : i32
        %scan3A_139 = arith.constant 4 : i32
        %scan3A_140 = arith.addi %scan3A_138, %scan3A_139 : i32
        %scan3A_141 = arith.constant 1 : i32
        scf.for %scan3A_146 = %scan3A_138 to %scan3A_140 step %scan3A_141  : i32 {
          %mul3A_147 = arith.constant 1 : i32
          %mul3A_148 = arith.muli %scan3A_146, %mul3A_147 : i32
          %add3A_149 = arith.constant 0 : i32
          %add3A_150 = arith.addi %add3A_149, %mul3A_148 : i32
          %mul3A_151 = arith.constant 16 : i32
          %mul3A_152 = arith.muli %add3A_150, %mul3A_151 : i32
          %add3A_153 = arith.constant 64 : i32
          %add3A_154 = arith.addi %add3A_153, %mul3A_152 : i32
          %get3A = arith.index_cast %add3A_137 : i32 to index
          %get3A_155 = arith.index_cast %add3A_154 : i32 to index
          %get3A_156 = tpu.vector_load %arg6[%get3A, %get3A_155] {strides = array<i32>} : memref<80x128xi32, #tpu.memory_space<vmem>>, vector<16xi32>,
          %and3A_157 = arith.constant 65535 : i32
          %and3A_158 = vector.broadcast %and3A_157 : i32 to vector<16xi32>
          %and3A_159 = arith.andi %get3A_156, %and3A_158 : vector<16xi32>
          %mul3A_160 = arith.constant 16 : i32
          %mul3A_161 = arith.muli %add3A_150, %mul3A_160 : i32
          %swap3A = arith.index_cast %mul3A_161 : i32 to index
          %swap3A_162 = tpu.vector_load %arg10[%swap3A] {strides = array<i32>} : memref<64xi32, #tpu.memory_space<vmem>>, vector<16xi32>,
          tpu.vector_store %arg10[%swap3A], %and3A_159 {strides = array<i32>} : memref<64xi32, #tpu.memory_space<vmem>>, vector<16xi32>,
          %shift_right_arithmetic3A = arith.constant 16 : i32
          %shift_right_arithmetic3A_163 = vector.broadcast %shift_right_arithmetic3A : i32 to vector<16xi32>
          %shift_right_arithmetic3A_164 = arith.shrsi %get3A_156, %shift_right_arithmetic3A_163 : vector<16xi32>
          %mul3A_165 = arith.constant 16 : i32
          %mul3A_166 = arith.muli %add3A_150, %mul3A_165 : i32
          %swap3A_167 = arith.index_cast %mul3A_166 : i32 to index
          %swap3A_168 = tpu.vector_load %arg14[%swap3A_167] {strides = array<i32>} : memref<64xi32, #tpu.memory_space<vmem>>, vector<16xi32>,
          tpu.vector_store %arg14[%swap3A_167], %shift_right_arithmetic3A_164 {strides = array<i32>} : memref<64xi32, #tpu.memory_space<vmem>>, vector<16xi32>,
        }
        %scan3A_142 = arith.constant 4 : i32
        %dma_start3A_143 = arith.constant 0 : i32
        %dma_start3A_144 = arith.constant 0 : i32
        %dma_start3A_145 = tpu.memref_slice %arg3[%dma_start3A_143, %dma_start3A_144] : memref<10000x128xf32, #tpu.memory_space<hbm>> -> memref<10000x128xf32, #tpu.memory_space<hbm>>
        tpu.enqueue_indirect_dma source(%dma_start3A_145 : memref<10000x128xf32, #tpu.memory_space<hbm>>) target(%arg18 : memref<64x128xf32, #tpu.memory_space<vmem>>) offsets(%arg10 : memref<64xi32, #tpu.memory_space<vmem>>) semaphore(%arg23 : memref<!tpu.dma_semaphore, #tpu.memory_space<semaphore_mem>>)
      } else {
      }
    }
    %scan3A_41 = arith.constant 40 : i32
    %barrier3A_42 = arith.constant 0 : index
    tpu.barrier barrier_id(%barrier3A_42)
    %mul3A_43 = arith.constant 640 : i32
    %mul3A_44 = arith.muli %arg1, %mul3A_43 : i32
    %mul3A_45 = arith.constant 640 : i32
    %mul3A_46 = arith.muli %arg1, %mul3A_45 : i32
    "tpu.region"() ({
      %run_scoped3A = tpu.sem_alloc : memref<!tpu.dma_semaphore, #tpu.memory_space<semaphore_mem>>
      %dma_start3A_47 = arith.constant 0 : i32
      %dma_start3A_48 = tpu.memref_slice %arg5[%arg0, %mul3A_46, %dma_start3A_47] : memref<2x10240x128xf32, #tpu.memory_space<hbm>> -> memref<1x640x128xf32, #tpu.memory_space<hbm>>
      %dma_start3A_49 = tpu.memref_squeeze %dma_start3A_48 : memref<1x640x128xf32, #tpu.memory_space<hbm>> -> memref<640x128xf32, #tpu.memory_space<hbm>>
      %dma_start3A_50 = arith.constant 0 : i32
      %dma_start3A_51 = tpu.memref_slice %arg19[%mul3A_44, %dma_start3A_50] : memref<10240x128xf32, #tpu.memory_space<vmem_shared>> -> memref<640x128xf32, #tpu.memory_space<vmem_shared>>
      tpu.enqueue_dma source(%dma_start3A_51 : memref<640x128xf32, #tpu.memory_space<vmem_shared>>) target(%dma_start3A_49 : memref<640x128xf32, #tpu.memory_space<hbm>>) target_semaphore(%run_scoped3A : memref<!tpu.dma_semaphore, #tpu.memory_space<semaphore_mem>>)
      %dma_wait3A = arith.constant 0 : i32
      %dma_wait3A_52 = tpu.memref_slice %arg5[%arg0, %mul3A_46, %dma_wait3A] : memref<2x10240x128xf32, #tpu.memory_space<hbm>> -> memref<1x640x128xf32, #tpu.memory_space<hbm>>
      %dma_wait3A_53 = tpu.memref_squeeze %dma_wait3A_52 : memref<1x640x128xf32, #tpu.memory_space<hbm>> -> memref<640x128xf32, #tpu.memory_space<hbm>>
      %dma_wait3A_54 = arith.constant 0 : i32
      %dma_wait3A_55 = tpu.memref_slice %arg19[%mul3A_44, %dma_wait3A_54] : memref<10240x128xf32, #tpu.memory_space<vmem_shared>> -> memref<640x128xf32, #tpu.memory_space<vmem_shared>>
      tpu.wait_dma2 semaphore(%run_scoped3A : memref<!tpu.dma_semaphore, #tpu.memory_space<semaphore_mem>>) src(%dma_wait3A_55 : memref<640x128xf32, #tpu.memory_space<vmem_shared>>) dst(%dma_wait3A_53 : memref<640x128xf32, #tpu.memory_space<hbm>>)
      tpu.yield
    }) : () -> ()
    return
  }
}

#map = affine_map<(d0, d1) -> (0, 0)>
#map1 = affine_map<(d0, d1) -> (0, 0, 0)>
module attributes {stable_mosaic.version = 14 : i64} {
  func.func @body(%arg0: i32, %arg1: i32, %arg2: memref<2560x128xi32, #tpu.memory_space<hbm>>, %arg3: memref<10000x128xf32, #tpu.memory_space<hbm>>, %arg4: memref<10240x128xf32, #tpu.memory_space<hbm>>, %arg5: memref<2x10240x128xf32, #tpu.memory_space<hbm>>, %arg6: memref<80x128xi32, #tpu.memory_space<vmem>>, %arg7: memref<64xi32, #tpu.memory_space<vmem>>, %arg8: memref<64xi32, #tpu.memory_space<vmem>>, %arg9: memref<64xi32, #tpu.memory_space<vmem>>, %arg10: memref<64xi32, #tpu.memory_space<vmem>>, %arg11: memref<64xi32, #tpu.memory_space<vmem>>, %arg12: memref<64xi32, #tpu.memory_space<vmem>>, %arg13: memref<64xi32, #tpu.memory_space<vmem>>, %arg14: memref<64xi32, #tpu.memory_space<vmem>>, %arg15: memref<64x128xf32, #tpu.memory_space<vmem>>, %arg16: memref<64x128xf32, #tpu.memory_space<vmem>>, %arg17: memref<64x128xf32, #tpu.memory_space<vmem>>, %arg18: memref<64x128xf32, #tpu.memory_space<vmem>>, %arg19: memref<10240x128xf32, #tpu.memory_space<vmem_shared>>, %arg20: memref<!tpu.dma_semaphore, #tpu.memory_space<semaphore_mem>>, %arg21: memref<!tpu.dma_semaphore, #tpu.memory_space<semaphore_mem>>, %arg22: memref<!tpu.dma_semaphore, #tpu.memory_space<semaphore_mem>>, %arg23: memref<!tpu.dma_semaphore, #tpu.memory_space<semaphore_mem>>, %arg24: memref<!tpu.dma_semaphore, #tpu.memory_space<semaphore_mem>>, %arg25: memref<!tpu.dma_semaphore, #tpu.memory_space<semaphore_mem>>, %arg26: memref<!tpu.dma_semaphore, #tpu.memory_space<semaphore_mem>>, %arg27: memref<!tpu.dma_semaphore, #tpu.memory_space<semaphore_mem>>) attributes {dimension_semantics = [#tpu.dimension_semantics<core_parallel>, #tpu.dimension_semantics<subcore_parallel>], iteration_bounds = array<i64: 2, 16>, scalar_prefetch = 0 : i64, scratch_operands = 22 : i64, tpu.core_type = #tpu.core_type<sc_vector_subcore>, window_params = [{transform_indices = #map}, {transform_indices = #map}, {transform_indices = #map}, {transform_indices = #map1}]} {
    %mul3A = arith.constant 2 : i32
    %mul3A_0 = arith.muli %arg1, %mul3A : i32
    %add3A = arith.addi %mul3A_0, %arg0 : i32
    %mul3A_1 = arith.constant 80 : i32
    %mul3A_2 = arith.muli %add3A, %mul3A_1 : i32
    %mul3A_3 = arith.constant 640 : i32
    %mul3A_4 = arith.muli %arg1, %mul3A_3 : i32
    %mul3A_5 = arith.constant 640 : i32
    %mul3A_6 = arith.muli %arg1, %mul3A_5 : i32
    "tpu.region"() ({
      %run_scoped3A = tpu.sem_alloc : memref<!tpu.dma_semaphore, #tpu.memory_space<semaphore_mem>>
      %dma_start3A_47 = arith.constant 0 : i32
      %dma_start3A_48 = tpu.memref_slice %arg19[%mul3A_6, %dma_start3A_47] : memref<10240x128xf32, #tpu.memory_space<vmem_shared>> -> memref<640x128xf32, #tpu.memory_space<vmem_shared>>
      %dma_start3A_49 = arith.constant 0 : i32
      %dma_start3A_50 = tpu.memref_slice %arg4[%mul3A_4, %dma_start3A_49] : memref<10240x128xf32, #tpu.memory_space<hbm>> -> memref<640x128xf32, #tpu.memory_space<hbm>>
      tpu.enqueue_dma source(%dma_start3A_50 : memref<640x128xf32, #tpu.memory_space<hbm>>) target(%dma_start3A_48 : memref<640x128xf32, #tpu.memory_space<vmem_shared>>) target_semaphore(%run_scoped3A : memref<!tpu.dma_semaphore, #tpu.memory_space<semaphore_mem>>)
      %dma_wait3A = arith.constant 0 : i32
      %dma_wait3A_51 = tpu.memref_slice %arg19[%mul3A_6, %dma_wait3A] : memref<10240x128xf32, #tpu.memory_space<vmem_shared>> -> memref<640x128xf32, #tpu.memory_space<vmem_shared>>
      %dma_wait3A_52 = arith.constant 0 : i32
      %dma_wait3A_53 = tpu.memref_slice %arg4[%mul3A_4, %dma_wait3A_52] : memref<10240x128xf32, #tpu.memory_space<hbm>> -> memref<640x128xf32, #tpu.memory_space<hbm>>
      tpu.wait_dma2 semaphore(%run_scoped3A : memref<!tpu.dma_semaphore, #tpu.memory_space<semaphore_mem>>) src(%dma_wait3A_53 : memref<640x128xf32, #tpu.memory_space<hbm>>) dst(%dma_wait3A_51 : memref<640x128xf32, #tpu.memory_space<vmem_shared>>)
      tpu.yield
    }) : () -> ()
    "tpu.region"() ({
      %run_scoped3A = tpu.sem_alloc : memref<!tpu.dma_semaphore, #tpu.memory_space<semaphore_mem>>
      %dma_start3A_47 = arith.constant 0 : i32
      %dma_start3A_48 = tpu.memref_slice %arg2[%mul3A_2, %dma_start3A_47] : memref<2560x128xi32, #tpu.memory_space<hbm>> -> memref<80x128xi32, #tpu.memory_space<hbm>>
      %dma_start3A_49 = arith.constant 0 : i32
      %dma_start3A_50 = tpu.memref_slice %arg2[%mul3A_2, %dma_start3A_49] : memref<2560x128xi32, #tpu.memory_space<hbm>> -> memref<80x128xi32, #tpu.memory_space<hbm>>
      tpu.enqueue_dma source(%dma_start3A_50 : memref<80x128xi32, #tpu.memory_space<hbm>>) target(%arg6 : memref<80x128xi32, #tpu.memory_space<vmem>>) target_semaphore(%run_scoped3A : memref<!tpu.dma_semaphore, #tpu.memory_space<semaphore_mem>>)
      %dma_wait3A = arith.constant 0 : i32
      %dma_wait3A_51 = tpu.memref_slice %arg2[%mul3A_2, %dma_wait3A] : memref<2560x128xi32, #tpu.memory_space<hbm>> -> memref<80x128xi32, #tpu.memory_space<hbm>>
      %dma_wait3A_52 = arith.constant 0 : i32
      %dma_wait3A_53 = tpu.memref_slice %arg2[%mul3A_2, %dma_wait3A_52] : memref<2560x128xi32, #tpu.memory_space<hbm>> -> memref<80x128xi32, #tpu.memory_space<hbm>>
      tpu.wait_dma2 semaphore(%run_scoped3A : memref<!tpu.dma_semaphore, #tpu.memory_space<semaphore_mem>>) src(%dma_wait3A_53 : memref<80x128xi32, #tpu.memory_space<hbm>>) dst(%arg6 : memref<80x128xi32, #tpu.memory_space<vmem>>)
      tpu.yield
    }) : () -> ()
    %barrier3A = arith.constant 0 : index
    tpu.barrier barrier_id(%barrier3A)
    %scan3A = arith.constant 0 : i32
    %scan3A_7 = arith.constant 4 : i32
    %scan3A_8 = arith.addi %scan3A, %scan3A_7 : i32
    %scan3A_9 = arith.constant 1 : i32
    scf.for %scan3A_47 = %scan3A to %scan3A_8 step %scan3A_9  : i32 {
      %mul3A_48 = arith.constant 1 : i32
      %mul3A_49 = arith.muli %scan3A_47, %mul3A_48 : i32
      %add3A_50 = arith.constant 0 : i32
      %add3A_51 = arith.addi %add3A_50, %mul3A_49 : i32
      %mul3A_52 = arith.constant 16 : i32
      %mul3A_53 = arith.muli %add3A_51, %mul3A_52 : i32
      %add3A_54 = arith.constant 0 : i32
      %add3A_55 = arith.addi %add3A_54, %mul3A_53 : i32
      %get3A = arith.constant 0 : i32
      %get3A_56 = arith.index_cast %get3A : i32 to index
      %get3A_57 = arith.index_cast %add3A_55 : i32 to index
      %get3A_58 = tpu.vector_load %arg6[%get3A_56, %get3A_57] {strides = array<i32>} : memref<80x128xi32, #tpu.memory_space<vmem>>, vector<16xi32>,
      %and3A = arith.constant 65535 : i32
      %and3A_59 = vector.broadcast %and3A : i32 to vector<16xi32>
      %and3A_60 = arith.andi %get3A_58, %and3A_59 : vector<16xi32>
      %mul3A_61 = arith.constant 16 : i32
      %mul3A_62 = arith.muli %add3A_51, %mul3A_61 : i32
      %swap3A = arith.index_cast %mul3A_62 : i32 to index
      %swap3A_63 = tpu.vector_load %arg7[%swap3A] {strides = array<i32>} : memref<64xi32, #tpu.memory_space<vmem>>, vector<16xi32>,
      tpu.vector_store %arg7[%swap3A], %and3A_60 {strides = array<i32>} : memref<64xi32, #tpu.memory_space<vmem>>, vector<16xi32>,
      %shift_right_arithmetic3A = arith.constant 16 : i32
      %shift_right_arithmetic3A_64 = vector.broadcast %shift_right_arithmetic3A : i32 to vector<16xi32>
      %shift_right_arithmetic3A_65 = arith.shrsi %get3A_58, %shift_right_arithmetic3A_64 : vector<16xi32>
      %mul3A_66 = arith.constant 16 : i32
      %mul3A_67 = arith.muli %add3A_51, %mul3A_66 : i32
      %swap3A_68 = arith.index_cast %mul3A_67 : i32 to index
      %swap3A_69 = tpu.vector_load %arg11[%swap3A_68] {strides = array<i32>} : memref<64xi32, #tpu.memory_space<vmem>>, vector<16xi32>,
      tpu.vector_store %arg11[%swap3A_68], %shift_right_arithmetic3A_65 {strides = array<i32>} : memref<64xi32, #tpu.memory_space<vmem>>, vector<16xi32>,
    }
    %scan3A_10 = arith.constant 4 : i32
    %dma_start3A = arith.constant 0 : i32
    %dma_start3A_11 = arith.constant 0 : i32
    %dma_start3A_12 = tpu.memref_slice %arg3[%dma_start3A, %dma_start3A_11] : memref<10000x128xf32, #tpu.memory_space<hbm>> -> memref<10000x128xf32, #tpu.memory_space<hbm>>
    tpu.enqueue_indirect_dma source(%dma_start3A_12 : memref<10000x128xf32, #tpu.memory_space<hbm>>) target(%arg15 : memref<64x128xf32, #tpu.memory_space<vmem>>) offsets(%arg7 : memref<64xi32, #tpu.memory_space<vmem>>) semaphore(%arg20 : memref<!tpu.dma_semaphore, #tpu.memory_space<semaphore_mem>>)
    %scan3A_13 = arith.constant 0 : i32
    %scan3A_14 = arith.constant 4 : i32
    %scan3A_15 = arith.addi %scan3A_13, %scan3A_14 : i32
    %scan3A_16 = arith.constant 1 : i32
    scf.for %scan3A_47 = %scan3A_13 to %scan3A_15 step %scan3A_16  : i32 {
      %mul3A_48 = arith.constant 1 : i32
      %mul3A_49 = arith.muli %scan3A_47, %mul3A_48 : i32
      %add3A_50 = arith.constant 0 : i32
      %add3A_51 = arith.addi %add3A_50, %mul3A_49 : i32
      %mul3A_52 = arith.constant 16 : i32
      %mul3A_53 = arith.muli %add3A_51, %mul3A_52 : i32
      %add3A_54 = arith.constant 64 : i32
      %add3A_55 = arith.addi %add3A_54, %mul3A_53 : i32
      %get3A = arith.constant 0 : i32
      %get3A_56 = arith.index_cast %get3A : i32 to index
      %get3A_57 = arith.index_cast %add3A_55 : i32 to index
      %get3A_58 = tpu.vector_load %arg6[%get3A_56, %get3A_57] {strides = array<i32>} : memref<80x128xi32, #tpu.memory_space<vmem>>, vector<16xi32>,
      %and3A = arith.constant 65535 : i32
      %and3A_59 = vector.broadcast %and3A : i32 to vector<16xi32>
      %and3A_60 = arith.andi %get3A_58, %and3A_59 : vector<16xi32>
      %mul3A_61 = arith.constant 16 : i32
      %mul3A_62 = arith.muli %add3A_51, %mul3A_61 : i32
      %swap3A = arith.index_cast %mul3A_62 : i32 to index
      %swap3A_63 = tpu.vector_load %arg8[%swap3A] {strides = array<i32>} : memref<64xi32, #tpu.memory_space<vmem>>, vector<16xi32>,
      tpu.vector_store %arg8[%swap3A], %and3A_60 {strides = array<i32>} : memref<64xi32, #tpu.memory_space<vmem>>, vector<16xi32>,
      %shift_right_arithmetic3A = arith.constant 16 : i32
      %shift_right_arithmetic3A_64 = vector.broadcast %shift_right_arithmetic3A : i32 to vector<16xi32>
      %shift_right_arithmetic3A_65 = arith.shrsi %get3A_58, %shift_right_arithmetic3A_64 : vector<16xi32>
      %mul3A_66 = arith.constant 16 : i32
      %mul3A_67 = arith.muli %add3A_51, %mul3A_66 : i32
      %swap3A_68 = arith.index_cast %mul3A_67 : i32 to index
      %swap3A_69 = tpu.vector_load %arg12[%swap3A_68] {strides = array<i32>} : memref<64xi32, #tpu.memory_space<vmem>>, vector<16xi32>,
      tpu.vector_store %arg12[%swap3A_68], %shift_right_arithmetic3A_65 {strides = array<i32>} : memref<64xi32, #tpu.memory_space<vmem>>, vector<16xi32>,
    }
    %scan3A_17 = arith.constant 4 : i32
    %dma_start3A_18 = arith.constant 0 : i32
    %dma_start3A_19 = arith.constant 0 : i32
    %dma_start3A_20 = tpu.memref_slice %arg3[%dma_start3A_18, %dma_start3A_19] : memref<10000x128xf32, #tpu.memory_space<hbm>> -> memref<10000x128xf32, #tpu.memory_space<hbm>>
    tpu.enqueue_indirect_dma source(%dma_start3A_20 : memref<10000x128xf32, #tpu.memory_space<hbm>>) target(%arg16 : memref<64x128xf32, #tpu.memory_space<vmem>>) offsets(%arg8 : memref<64xi32, #tpu.memory_space<vmem>>) semaphore(%arg21 : memref<!tpu.dma_semaphore, #tpu.memory_space<semaphore_mem>>)
    %scan3A_21 = arith.constant 0 : i32
    %scan3A_22 = arith.constant 4 : i32
    %scan3A_23 = arith.addi %scan3A_21, %scan3A_22 : i32
    %scan3A_24 = arith.constant 1 : i32
    scf.for %scan3A_47 = %scan3A_21 to %scan3A_23 step %scan3A_24  : i32 {
      %mul3A_48 = arith.constant 1 : i32
      %mul3A_49 = arith.muli %scan3A_47, %mul3A_48 : i32
      %add3A_50 = arith.constant 0 : i32
      %add3A_51 = arith.addi %add3A_50, %mul3A_49 : i32
      %mul3A_52 = arith.constant 16 : i32
      %mul3A_53 = arith.muli %add3A_51, %mul3A_52 : i32
      %add3A_54 = arith.constant 0 : i32
      %add3A_55 = arith.addi %add3A_54, %mul3A_53 : i32
      %get3A = arith.constant 1 : i32
      %get3A_56 = arith.index_cast %get3A : i32 to index
      %get3A_57 = arith.index_cast %add3A_55 : i32 to index
      %get3A_58 = tpu.vector_load %arg6[%get3A_56, %get3A_57] {strides = array<i32>} : memref<80x128xi32, #tpu.memory_space<vmem>>, vector<16xi32>,
      %and3A = arith.constant 65535 : i32
      %and3A_59 = vector.broadcast %and3A : i32 to vector<16xi32>
      %and3A_60 = arith.andi %get3A_58, %and3A_59 : vector<16xi32>
      %mul3A_61 = arith.constant 16 : i32
      %mul3A_62 = arith.muli %add3A_51, %mul3A_61 : i32
      %swap3A = arith.index_cast %mul3A_62 : i32 to index
      %swap3A_63 = tpu.vector_load %arg9[%swap3A] {strides = array<i32>} : memref<64xi32, #tpu.memory_space<vmem>>, vector<16xi32>,
      tpu.vector_store %arg9[%swap3A], %and3A_60 {strides = array<i32>} : memref<64xi32, #tpu.memory_space<vmem>>, vector<16xi32>,
      %shift_right_arithmetic3A = arith.constant 16 : i32
      %shift_right_arithmetic3A_64 = vector.broadcast %shift_right_arithmetic3A : i32 to vector<16xi32>
      %shift_right_arithmetic3A_65 = arith.shrsi %get3A_58, %shift_right_arithmetic3A_64 : vector<16xi32>
      %mul3A_66 = arith.constant 16 : i32
      %mul3A_67 = arith.muli %add3A_51, %mul3A_66 : i32
      %swap3A_68 = arith.index_cast %mul3A_67 : i32 to index
      %swap3A_69 = tpu.vector_load %arg13[%swap3A_68] {strides = array<i32>} : memref<64xi32, #tpu.memory_space<vmem>>, vector<16xi32>,
      tpu.vector_store %arg13[%swap3A_68], %shift_right_arithmetic3A_65 {strides = array<i32>} : memref<64xi32, #tpu.memory_space<vmem>>, vector<16xi32>,
    }
    %scan3A_25 = arith.constant 4 : i32
    %dma_start3A_26 = arith.constant 0 : i32
    %dma_start3A_27 = arith.constant 0 : i32
    %dma_start3A_28 = tpu.memref_slice %arg3[%dma_start3A_26, %dma_start3A_27] : memref<10000x128xf32, #tpu.memory_space<hbm>> -> memref<10000x128xf32, #tpu.memory_space<hbm>>
    tpu.enqueue_indirect_dma source(%dma_start3A_28 : memref<10000x128xf32, #tpu.memory_space<hbm>>) target(%arg17 : memref<64x128xf32, #tpu.memory_space<vmem>>) offsets(%arg9 : memref<64xi32, #tpu.memory_space<vmem>>) semaphore(%arg22 : memref<!tpu.dma_semaphore, #tpu.memory_space<semaphore_mem>>)
    %scan3A_29 = arith.constant 0 : i32
    %scan3A_30 = arith.constant 4 : i32
    %scan3A_31 = arith.addi %scan3A_29, %scan3A_30 : i32
    %scan3A_32 = arith.constant 1 : i32
    scf.for %scan3A_47 = %scan3A_29 to %scan3A_31 step %scan3A_32  : i32 {
      %mul3A_48 = arith.constant 1 : i32
      %mul3A_49 = arith.muli %scan3A_47, %mul3A_48 : i32
      %add3A_50 = arith.constant 0 : i32
      %add3A_51 = arith.addi %add3A_50, %mul3A_49 : i32
      %mul3A_52 = arith.constant 16 : i32
      %mul3A_53 = arith.muli %add3A_51, %mul3A_52 : i32
      %add3A_54 = arith.constant 64 : i32
      %add3A_55 = arith.addi %add3A_54, %mul3A_53 : i32
      %get3A = arith.constant 1 : i32
      %get3A_56 = arith.index_cast %get3A : i32 to index
      %get3A_57 = arith.index_cast %add3A_55 : i32 to index
      %get3A_58 = tpu.vector_load %arg6[%get3A_56, %get3A_57] {strides = array<i32>} : memref<80x128xi32, #tpu.memory_space<vmem>>, vector<16xi32>,
      %and3A = arith.constant 65535 : i32
      %and3A_59 = vector.broadcast %and3A : i32 to vector<16xi32>
      %and3A_60 = arith.andi %get3A_58, %and3A_59 : vector<16xi32>
      %mul3A_61 = arith.constant 16 : i32
      %mul3A_62 = arith.muli %add3A_51, %mul3A_61 : i32
      %swap3A = arith.index_cast %mul3A_62 : i32 to index
      %swap3A_63 = tpu.vector_load %arg10[%swap3A] {strides = array<i32>} : memref<64xi32, #tpu.memory_space<vmem>>, vector<16xi32>,
      tpu.vector_store %arg10[%swap3A], %and3A_60 {strides = array<i32>} : memref<64xi32, #tpu.memory_space<vmem>>, vector<16xi32>,
      %shift_right_arithmetic3A = arith.constant 16 : i32
      %shift_right_arithmetic3A_64 = vector.broadcast %shift_right_arithmetic3A : i32 to vector<16xi32>
      %shift_right_arithmetic3A_65 = arith.shrsi %get3A_58, %shift_right_arithmetic3A_64 : vector<16xi32>
      %mul3A_66 = arith.constant 16 : i32
      %mul3A_67 = arith.muli %add3A_51, %mul3A_66 : i32
      %swap3A_68 = arith.index_cast %mul3A_67 : i32 to index
      %swap3A_69 = tpu.vector_load %arg14[%swap3A_68] {strides = array<i32>} : memref<64xi32, #tpu.memory_space<vmem>>, vector<16xi32>,
      tpu.vector_store %arg14[%swap3A_68], %shift_right_arithmetic3A_65 {strides = array<i32>} : memref<64xi32, #tpu.memory_space<vmem>>, vector<16xi32>,
    }
    %scan3A_33 = arith.constant 4 : i32
    %dma_start3A_34 = arith.constant 0 : i32
    %dma_start3A_35 = arith.constant 0 : i32
    %dma_start3A_36 = tpu.memref_slice %arg3[%dma_start3A_34, %dma_start3A_35] : memref<10000x128xf32, #tpu.memory_space<hbm>> -> memref<10000x128xf32, #tpu.memory_space<hbm>>
    tpu.enqueue_indirect_dma source(%dma_start3A_36 : memref<10000x128xf32, #tpu.memory_space<hbm>>) target(%arg18 : memref<64x128xf32, #tpu.memory_space<vmem>>) offsets(%arg10 : memref<64xi32, #tpu.memory_space<vmem>>) semaphore(%arg23 : memref<!tpu.dma_semaphore, #tpu.memory_space<semaphore_mem>>)
    %scan3A_37 = arith.constant 0 : i32
    %scan3A_38 = arith.constant 40 : i32
    %scan3A_39 = arith.addi %scan3A_37, %scan3A_38 : i32
    %scan3A_40 = arith.constant 1 : i32
    scf.for %scan3A_47 = %scan3A_37 to %scan3A_39 step %scan3A_40  : i32 {
      %mul3A_48 = arith.constant 4 : i32
      %mul3A_49 = arith.muli %scan3A_47, %mul3A_48 : i32
      %add3A_50 = arith.constant 0 : i32
      %add3A_51 = arith.addi %add3A_50, %mul3A_49 : i32
      %dma_wait3A = arith.constant 0 : i32
      %dma_wait3A_52 = arith.constant 0 : i32
      %dma_wait3A_53 = tpu.memref_slice %arg3[%dma_wait3A, %dma_wait3A_52] : memref<10000x128xf32, #tpu.memory_space<hbm>> -> memref<10000x128xf32, #tpu.memory_space<hbm>>
      tpu.wait_indirect_dma semaphore(%arg20 : memref<!tpu.dma_semaphore, #tpu.memory_space<semaphore_mem>>) src(%dma_wait3A_53 : memref<10000x128xf32, #tpu.memory_space<hbm>>) dst(%arg15 : memref<64x128xf32, #tpu.memory_space<vmem>>)
      %dma_start3A_54 = arith.constant 0 : i32
      %dma_start3A_55 = arith.constant 0 : i32
      %dma_start3A_56 = tpu.memref_slice %arg19[%dma_start3A_54, %dma_start3A_55] : memref<10240x128xf32, #tpu.memory_space<vmem_shared>> -> memref<10240x128xf32, #tpu.memory_space<vmem_shared>>
      tpu.enqueue_indirect_dma source(%arg15 : memref<64x128xf32, #tpu.memory_space<vmem>>) target(%dma_start3A_56 : memref<10240x128xf32, #tpu.memory_space<vmem_shared>>) offsets(%arg11 : memref<64xi32, #tpu.memory_space<vmem>>) semaphore(%arg24 : memref<!tpu.dma_semaphore, #tpu.memory_space<semaphore_mem>>) {add = true}
      %dma_wait3A_57 = arith.constant 0 : i32
      %dma_wait3A_58 = arith.constant 0 : i32
      %dma_wait3A_59 = tpu.memref_slice %arg3[%dma_wait3A_57, %dma_wait3A_58] : memref<10000x128xf32, #tpu.memory_space<hbm>> -> memref<10000x128xf32, #tpu.memory_space<hbm>>
      tpu.wait_indirect_dma semaphore(%arg21 : memref<!tpu.dma_semaphore, #tpu.memory_space<semaphore_mem>>) src(%dma_wait3A_59 : memref<10000x128xf32, #tpu.memory_space<hbm>>) dst(%arg16 : memref<64x128xf32, #tpu.memory_space<vmem>>)
      %dma_start3A_60 = arith.constant 0 : i32
      %dma_start3A_61 = arith.constant 0 : i32
      %dma_start3A_62 = tpu.memref_slice %arg19[%dma_start3A_60, %dma_start3A_61] : memref<10240x128xf32, #tpu.memory_space<vmem_shared>> -> memref<10240x128xf32, #tpu.memory_space<vmem_shared>>
      tpu.enqueue_indirect_dma source(%arg16 : memref<64x128xf32, #tpu.memory_space<vmem>>) target(%dma_start3A_62 : memref<10240x128xf32, #tpu.memory_space<vmem_shared>>) offsets(%arg12 : memref<64xi32, #tpu.memory_space<vmem>>) semaphore(%arg25 : memref<!tpu.dma_semaphore, #tpu.memory_space<semaphore_mem>>) {add = true}
      %dma_wait3A_63 = arith.constant 0 : i32
      %dma_wait3A_64 = arith.constant 0 : i32
      %dma_wait3A_65 = tpu.memref_slice %arg3[%dma_wait3A_63, %dma_wait3A_64] : memref<10000x128xf32, #tpu.memory_space<hbm>> -> memref<10000x128xf32, #tpu.memory_space<hbm>>
      tpu.wait_indirect_dma semaphore(%arg22 : memref<!tpu.dma_semaphore, #tpu.memory_space<semaphore_mem>>) src(%dma_wait3A_65 : memref<10000x128xf32, #tpu.memory_space<hbm>>) dst(%arg17 : memref<64x128xf32, #tpu.memory_space<vmem>>)
      %dma_start3A_66 = arith.constant 0 : i32
      %dma_start3A_67 = arith.constant 0 : i32
      %dma_start3A_68 = tpu.memref_slice %arg19[%dma_start3A_66, %dma_start3A_67] : memref<10240x128xf32, #tpu.memory_space<vmem_shared>> -> memref<10240x128xf32, #tpu.memory_space<vmem_shared>>
      tpu.enqueue_indirect_dma source(%arg17 : memref<64x128xf32, #tpu.memory_space<vmem>>) target(%dma_start3A_68 : memref<10240x128xf32, #tpu.memory_space<vmem_shared>>) offsets(%arg13 : memref<64xi32, #tpu.memory_space<vmem>>) semaphore(%arg26 : memref<!tpu.dma_semaphore, #tpu.memory_space<semaphore_mem>>) {add = true}
      %dma_wait3A_69 = arith.constant 0 : i32
      %dma_wait3A_70 = arith.constant 0 : i32
      %dma_wait3A_71 = tpu.memref_slice %arg3[%dma_wait3A_69, %dma_wait3A_70] : memref<10000x128xf32, #tpu.memory_space<hbm>> -> memref<10000x128xf32, #tpu.memory_space<hbm>>
      tpu.wait_indirect_dma semaphore(%arg23 : memref<!tpu.dma_semaphore, #tpu.memory_space<semaphore_mem>>) src(%dma_wait3A_71 : memref<10000x128xf32, #tpu.memory_space<hbm>>) dst(%arg18 : memref<64x128xf32, #tpu.memory_space<vmem>>)
      %dma_start3A_72 = arith.constant 0 : i32
      %dma_start3A_73 = arith.constant 0 : i32
      %dma_start3A_74 = tpu.memref_slice %arg19[%dma_start3A_72, %dma_start3A_73] : memref<10240x128xf32, #tpu.memory_space<vmem_shared>> -> memref<10240x128xf32, #tpu.memory_space<vmem_shared>>
      tpu.enqueue_indirect_dma source(%arg18 : memref<64x128xf32, #tpu.memory_space<vmem>>) target(%dma_start3A_74 : memref<10240x128xf32, #tpu.memory_space<vmem_shared>>) offsets(%arg14 : memref<64xi32, #tpu.memory_space<vmem>>) semaphore(%arg27 : memref<!tpu.dma_semaphore, #tpu.memory_space<semaphore_mem>>) {add = true}
      %dma_wait3A_75 = arith.constant 0 : i32
      %dma_wait3A_76 = arith.constant 0 : i32
      %dma_wait3A_77 = tpu.memref_slice %arg19[%dma_wait3A_75, %dma_wait3A_76] : memref<10240x128xf32, #tpu.memory_space<vmem_shared>> -> memref<10240x128xf32, #tpu.memory_space<vmem_shared>>
      tpu.wait_indirect_dma semaphore(%arg24 : memref<!tpu.dma_semaphore, #tpu.memory_space<semaphore_mem>>) src(%arg15 : memref<64x128xf32, #tpu.memory_space<vmem>>) dst(%dma_wait3A_77 : memref<10240x128xf32, #tpu.memory_space<vmem_shared>>)
      %add3A_78 = arith.constant 4 : i32
      %add3A_79 = arith.addi %add3A_51, %add3A_78 : i32
      %add3A_80 = arith.constant 0 : i32
      %add3A_81 = arith.addi %add3A_79, %add3A_80 : i32
      %lt3A = arith.constant 160 : i32
      %lt3A_82 = arith.cmpi slt, %add3A_81, %lt3A : i32
      %convert_element_type3A = arith.extui %lt3A_82 : i1 to i32
      %cond3A = arith.constant 0 : i32
      %cond3A_83 = arith.cmpi ne, %convert_element_type3A, %cond3A : i32
      scf.if %cond3A_83 {
        %jit3A = arith.constant 2 : i32
        %div3A = arith.divsi %add3A_51, %jit3A : i32
        %sign3A = arith.constant 0 : i32
        %sign3A_120 = arith.cmpi sgt, %add3A_51, %sign3A : i32
        %sign3A_121 = arith.extui %sign3A_120 : i1 to i32
        %sign3A_122 = arith.constant 0 : i32
        %sign3A_123 = arith.cmpi slt, %add3A_51, %sign3A_122 : i32
        %sign3A_124 = arith.extui %sign3A_123 : i1 to i32
        %sign3A_125 = arith.subi %sign3A_121, %sign3A_124 : i32
        %sign3A_126 = arith.constant 0 : i32
        %sign3A_127 = arith.cmpi sgt, %jit3A, %sign3A_126 : i32
        %sign3A_128 = arith.extui %sign3A_127 : i1 to i32
        %sign3A_129 = arith.constant 0 : i32
        %sign3A_130 = arith.cmpi slt, %jit3A, %sign3A_129 : i32
        %sign3A_131 = arith.extui %sign3A_130 : i1 to i32
        %sign3A_132 = arith.subi %sign3A_128, %sign3A_131 : i32
        %ne3A = arith.cmpi ne, %sign3A_125, %sign3A_132 : i32
        %rem3A = arith.remsi %add3A_51, %jit3A : i32
        %ne3A_133 = arith.constant 0 : i32
        %ne3A_134 = arith.cmpi ne, %rem3A, %ne3A_133 : i32
        %and3A = arith.andi %ne3A, %ne3A_134 : i1
        %sub3A = arith.constant 1 : i32
        %sub3A_135 = arith.subi %div3A, %sub3A : i32
        %select_n3A = arith.select %and3A, %sub3A_135, %div3A : i32
        %add3A_136 = arith.constant 2 : i32
        %add3A_137 = arith.addi %select_n3A, %add3A_136 : i32
        %scan3A_138 = arith.constant 0 : i32
        %scan3A_139 = arith.constant 4 : i32
        %scan3A_140 = arith.addi %scan3A_138, %scan3A_139 : i32
        %scan3A_141 = arith.constant 1 : i32
        scf.for %scan3A_146 = %scan3A_138 to %scan3A_140 step %scan3A_141  : i32 {
          %mul3A_147 = arith.constant 1 : i32
          %mul3A_148 = arith.muli %scan3A_146, %mul3A_147 : i32
          %add3A_149 = arith.constant 0 : i32
          %add3A_150 = arith.addi %add3A_149, %mul3A_148 : i32
          %mul3A_151 = arith.constant 16 : i32
          %mul3A_152 = arith.muli %add3A_150, %mul3A_151 : i32
          %add3A_153 = arith.constant 0 : i32
          %add3A_154 = arith.addi %add3A_153, %mul3A_152 : i32
          %get3A = arith.index_cast %add3A_137 : i32 to index
          %get3A_155 = arith.index_cast %add3A_154 : i32 to index
          %get3A_156 = tpu.vector_load %arg6[%get3A, %get3A_155] {strides = array<i32>} : memref<80x128xi32, #tpu.memory_space<vmem>>, vector<16xi32>,
          %and3A_157 = arith.constant 65535 : i32
          %and3A_158 = vector.broadcast %and3A_157 : i32 to vector<16xi32>
          %and3A_159 = arith.andi %get3A_156, %and3A_158 : vector<16xi32>
          %mul3A_160 = arith.constant 16 : i32
          %mul3A_161 = arith.muli %add3A_150, %mul3A_160 : i32
          %swap3A = arith.index_cast %mul3A_161 : i32 to index
          %swap3A_162 = tpu.vector_load %arg7[%swap3A] {strides = array<i32>} : memref<64xi32, #tpu.memory_space<vmem>>, vector<16xi32>,
          tpu.vector_store %arg7[%swap3A], %and3A_159 {strides = array<i32>} : memref<64xi32, #tpu.memory_space<vmem>>, vector<16xi32>,
          %shift_right_arithmetic3A = arith.constant 16 : i32
          %shift_right_arithmetic3A_163 = vector.broadcast %shift_right_arithmetic3A : i32 to vector<16xi32>
          %shift_right_arithmetic3A_164 = arith.shrsi %get3A_156, %shift_right_arithmetic3A_163 : vector<16xi32>
          %mul3A_165 = arith.constant 16 : i32
          %mul3A_166 = arith.muli %add3A_150, %mul3A_165 : i32
          %swap3A_167 = arith.index_cast %mul3A_166 : i32 to index
          %swap3A_168 = tpu.vector_load %arg11[%swap3A_167] {strides = array<i32>} : memref<64xi32, #tpu.memory_space<vmem>>, vector<16xi32>,
          tpu.vector_store %arg11[%swap3A_167], %shift_right_arithmetic3A_164 {strides = array<i32>} : memref<64xi32, #tpu.memory_space<vmem>>, vector<16xi32>,
        }
        %scan3A_142 = arith.constant 4 : i32
        %dma_start3A_143 = arith.constant 0 : i32
        %dma_start3A_144 = arith.constant 0 : i32
        %dma_start3A_145 = tpu.memref_slice %arg3[%dma_start3A_143, %dma_start3A_144] : memref<10000x128xf32, #tpu.memory_space<hbm>> -> memref<10000x128xf32, #tpu.memory_space<hbm>>
        tpu.enqueue_indirect_dma source(%dma_start3A_145 : memref<10000x128xf32, #tpu.memory_space<hbm>>) target(%arg15 : memref<64x128xf32, #tpu.memory_space<vmem>>) offsets(%arg7 : memref<64xi32, #tpu.memory_space<vmem>>) semaphore(%arg20 : memref<!tpu.dma_semaphore, #tpu.memory_space<semaphore_mem>>)
      } else {
      }
      %dma_wait3A_84 = arith.constant 0 : i32
      %dma_wait3A_85 = arith.constant 0 : i32
      %dma_wait3A_86 = tpu.memref_slice %arg19[%dma_wait3A_84, %dma_wait3A_85] : memref<10240x128xf32, #tpu.memory_space<vmem_shared>> -> memref<10240x128xf32, #tpu.memory_space<vmem_shared>>
      tpu.wait_indirect_dma semaphore(%arg25 : memref<!tpu.dma_semaphore, #tpu.memory_space<semaphore_mem>>) src(%arg16 : memref<64x128xf32, #tpu.memory_space<vmem>>) dst(%dma_wait3A_86 : memref<10240x128xf32, #tpu.memory_space<vmem_shared>>)
      %add3A_87 = arith.constant 4 : i32
      %add3A_88 = arith.addi %add3A_51, %add3A_87 : i32
      %add3A_89 = arith.constant 1 : i32
      %add3A_90 = arith.addi %add3A_88, %add3A_89 : i32
      %lt3A_91 = arith.constant 160 : i32
      %lt3A_92 = arith.cmpi slt, %add3A_90, %lt3A_91 : i32
      %convert_element_type3A_93 = arith.extui %lt3A_92 : i1 to i32
      %cond3A_94 = arith.constant 0 : i32
      %cond3A_95 = arith.cmpi ne, %convert_element_type3A_93, %cond3A_94 : i32
      scf.if %cond3A_95 {
        %jit3A = arith.constant 2 : i32
        %div3A = arith.divsi %add3A_51, %jit3A : i32
        %sign3A = arith.constant 0 : i32
        %sign3A_120 = arith.cmpi sgt, %add3A_51, %sign3A : i32
        %sign3A_121 = arith.extui %sign3A_120 : i1 to i32
        %sign3A_122 = arith.constant 0 : i32
        %sign3A_123 = arith.cmpi slt, %add3A_51, %sign3A_122 : i32
        %sign3A_124 = arith.extui %sign3A_123 : i1 to i32
        %sign3A_125 = arith.subi %sign3A_121, %sign3A_124 : i32
        %sign3A_126 = arith.constant 0 : i32
        %sign3A_127 = arith.cmpi sgt, %jit3A, %sign3A_126 : i32
        %sign3A_128 = arith.extui %sign3A_127 : i1 to i32
        %sign3A_129 = arith.constant 0 : i32
        %sign3A_130 = arith.cmpi slt, %jit3A, %sign3A_129 : i32
        %sign3A_131 = arith.extui %sign3A_130 : i1 to i32
        %sign3A_132 = arith.subi %sign3A_128, %sign3A_131 : i32
        %ne3A = arith.cmpi ne, %sign3A_125, %sign3A_132 : i32
        %rem3A = arith.remsi %add3A_51, %jit3A : i32
        %ne3A_133 = arith.constant 0 : i32
        %ne3A_134 = arith.cmpi ne, %rem3A, %ne3A_133 : i32
        %and3A = arith.andi %ne3A, %ne3A_134 : i1
        %sub3A = arith.constant 1 : i32
        %sub3A_135 = arith.subi %div3A, %sub3A : i32
        %select_n3A = arith.select %and3A, %sub3A_135, %div3A : i32
        %add3A_136 = arith.constant 2 : i32
        %add3A_137 = arith.addi %select_n3A, %add3A_136 : i32
        %scan3A_138 = arith.constant 0 : i32
        %scan3A_139 = arith.constant 4 : i32
        %scan3A_140 = arith.addi %scan3A_138, %scan3A_139 : i32
        %scan3A_141 = arith.constant 1 : i32
        scf.for %scan3A_146 = %scan3A_138 to %scan3A_140 step %scan3A_141  : i32 {
          %mul3A_147 = arith.constant 1 : i32
          %mul3A_148 = arith.muli %scan3A_146, %mul3A_147 : i32
          %add3A_149 = arith.constant 0 : i32
          %add3A_150 = arith.addi %add3A_149, %mul3A_148 : i32
          %mul3A_151 = arith.constant 16 : i32
          %mul3A_152 = arith.muli %add3A_150, %mul3A_151 : i32
          %add3A_153 = arith.constant 64 : i32
          %add3A_154 = arith.addi %add3A_153, %mul3A_152 : i32
          %get3A = arith.index_cast %add3A_137 : i32 to index
          %get3A_155 = arith.index_cast %add3A_154 : i32 to index
          %get3A_156 = tpu.vector_load %arg6[%get3A, %get3A_155] {strides = array<i32>} : memref<80x128xi32, #tpu.memory_space<vmem>>, vector<16xi32>,
          %and3A_157 = arith.constant 65535 : i32
          %and3A_158 = vector.broadcast %and3A_157 : i32 to vector<16xi32>
          %and3A_159 = arith.andi %get3A_156, %and3A_158 : vector<16xi32>
          %mul3A_160 = arith.constant 16 : i32
          %mul3A_161 = arith.muli %add3A_150, %mul3A_160 : i32
          %swap3A = arith.index_cast %mul3A_161 : i32 to index
          %swap3A_162 = tpu.vector_load %arg8[%swap3A] {strides = array<i32>} : memref<64xi32, #tpu.memory_space<vmem>>, vector<16xi32>,
          tpu.vector_store %arg8[%swap3A], %and3A_159 {strides = array<i32>} : memref<64xi32, #tpu.memory_space<vmem>>, vector<16xi32>,
          %shift_right_arithmetic3A = arith.constant 16 : i32
          %shift_right_arithmetic3A_163 = vector.broadcast %shift_right_arithmetic3A : i32 to vector<16xi32>
          %shift_right_arithmetic3A_164 = arith.shrsi %get3A_156, %shift_right_arithmetic3A_163 : vector<16xi32>
          %mul3A_165 = arith.constant 16 : i32
          %mul3A_166 = arith.muli %add3A_150, %mul3A_165 : i32
          %swap3A_167 = arith.index_cast %mul3A_166 : i32 to index
          %swap3A_168 = tpu.vector_load %arg12[%swap3A_167] {strides = array<i32>} : memref<64xi32, #tpu.memory_space<vmem>>, vector<16xi32>,
          tpu.vector_store %arg12[%swap3A_167], %shift_right_arithmetic3A_164 {strides = array<i32>} : memref<64xi32, #tpu.memory_space<vmem>>, vector<16xi32>,
        }
        %scan3A_142 = arith.constant 4 : i32
        %dma_start3A_143 = arith.constant 0 : i32
        %dma_start3A_144 = arith.constant 0 : i32
        %dma_start3A_145 = tpu.memref_slice %arg3[%dma_start3A_143, %dma_start3A_144] : memref<10000x128xf32, #tpu.memory_space<hbm>> -> memref<10000x128xf32, #tpu.memory_space<hbm>>
        tpu.enqueue_indirect_dma source(%dma_start3A_145 : memref<10000x128xf32, #tpu.memory_space<hbm>>) target(%arg16 : memref<64x128xf32, #tpu.memory_space<vmem>>) offsets(%arg8 : memref<64xi32, #tpu.memory_space<vmem>>) semaphore(%arg21 : memref<!tpu.dma_semaphore, #tpu.memory_space<semaphore_mem>>)
      } else {
      }
      %dma_wait3A_96 = arith.constant 0 : i32
      %dma_wait3A_97 = arith.constant 0 : i32
      %dma_wait3A_98 = tpu.memref_slice %arg19[%dma_wait3A_96, %dma_wait3A_97] : memref<10240x128xf32, #tpu.memory_space<vmem_shared>> -> memref<10240x128xf32, #tpu.memory_space<vmem_shared>>
      tpu.wait_indirect_dma semaphore(%arg26 : memref<!tpu.dma_semaphore, #tpu.memory_space<semaphore_mem>>) src(%arg17 : memref<64x128xf32, #tpu.memory_space<vmem>>) dst(%dma_wait3A_98 : memref<10240x128xf32, #tpu.memory_space<vmem_shared>>)
      %add3A_99 = arith.constant 4 : i32
      %add3A_100 = arith.addi %add3A_51, %add3A_99 : i32
      %add3A_101 = arith.constant 2 : i32
      %add3A_102 = arith.addi %add3A_100, %add3A_101 : i32
      %lt3A_103 = arith.constant 160 : i32
      %lt3A_104 = arith.cmpi slt, %add3A_102, %lt3A_103 : i32
      %convert_element_type3A_105 = arith.extui %lt3A_104 : i1 to i32
      %cond3A_106 = arith.constant 0 : i32
      %cond3A_107 = arith.cmpi ne, %convert_element_type3A_105, %cond3A_106 : i32
      scf.if %cond3A_107 {
        %jit3A = arith.constant 2 : i32
        %div3A = arith.divsi %add3A_51, %jit3A : i32
        %sign3A = arith.constant 0 : i32
        %sign3A_120 = arith.cmpi sgt, %add3A_51, %sign3A : i32
        %sign3A_121 = arith.extui %sign3A_120 : i1 to i32
        %sign3A_122 = arith.constant 0 : i32
        %sign3A_123 = arith.cmpi slt, %add3A_51, %sign3A_122 : i32
        %sign3A_124 = arith.extui %sign3A_123 : i1 to i32
        %sign3A_125 = arith.subi %sign3A_121, %sign3A_124 : i32
        %sign3A_126 = arith.constant 0 : i32
        %sign3A_127 = arith.cmpi sgt, %jit3A, %sign3A_126 : i32
        %sign3A_128 = arith.extui %sign3A_127 : i1 to i32
        %sign3A_129 = arith.constant 0 : i32
        %sign3A_130 = arith.cmpi slt, %jit3A, %sign3A_129 : i32
        %sign3A_131 = arith.extui %sign3A_130 : i1 to i32
        %sign3A_132 = arith.subi %sign3A_128, %sign3A_131 : i32
        %ne3A = arith.cmpi ne, %sign3A_125, %sign3A_132 : i32
        %rem3A = arith.remsi %add3A_51, %jit3A : i32
        %ne3A_133 = arith.constant 0 : i32
        %ne3A_134 = arith.cmpi ne, %rem3A, %ne3A_133 : i32
        %and3A = arith.andi %ne3A, %ne3A_134 : i1
        %sub3A = arith.constant 1 : i32
        %sub3A_135 = arith.subi %div3A, %sub3A : i32
        %select_n3A = arith.select %and3A, %sub3A_135, %div3A : i32
        %add3A_136 = arith.constant 3 : i32
        %add3A_137 = arith.addi %select_n3A, %add3A_136 : i32
        %scan3A_138 = arith.constant 0 : i32
        %scan3A_139 = arith.constant 4 : i32
        %scan3A_140 = arith.addi %scan3A_138, %scan3A_139 : i32
        %scan3A_141 = arith.constant 1 : i32
        scf.for %scan3A_146 = %scan3A_138 to %scan3A_140 step %scan3A_141  : i32 {
          %mul3A_147 = arith.constant 1 : i32
          %mul3A_148 = arith.muli %scan3A_146, %mul3A_147 : i32
          %add3A_149 = arith.constant 0 : i32
          %add3A_150 = arith.addi %add3A_149, %mul3A_148 : i32
          %mul3A_151 = arith.constant 16 : i32
          %mul3A_152 = arith.muli %add3A_150, %mul3A_151 : i32
          %add3A_153 = arith.constant 0 : i32
          %add3A_154 = arith.addi %add3A_153, %mul3A_152 : i32
          %get3A = arith.index_cast %add3A_137 : i32 to index
          %get3A_155 = arith.index_cast %add3A_154 : i32 to index
          %get3A_156 = tpu.vector_load %arg6[%get3A, %get3A_155] {strides = array<i32>} : memref<80x128xi32, #tpu.memory_space<vmem>>, vector<16xi32>,
          %and3A_157 = arith.constant 65535 : i32
          %and3A_158 = vector.broadcast %and3A_157 : i32 to vector<16xi32>
          %and3A_159 = arith.andi %get3A_156, %and3A_158 : vector<16xi32>
          %mul3A_160 = arith.constant 16 : i32
          %mul3A_161 = arith.muli %add3A_150, %mul3A_160 : i32
          %swap3A = arith.index_cast %mul3A_161 : i32 to index
          %swap3A_162 = tpu.vector_load %arg9[%swap3A] {strides = array<i32>} : memref<64xi32, #tpu.memory_space<vmem>>, vector<16xi32>,
          tpu.vector_store %arg9[%swap3A], %and3A_159 {strides = array<i32>} : memref<64xi32, #tpu.memory_space<vmem>>, vector<16xi32>,
          %shift_right_arithmetic3A = arith.constant 16 : i32
          %shift_right_arithmetic3A_163 = vector.broadcast %shift_right_arithmetic3A : i32 to vector<16xi32>
          %shift_right_arithmetic3A_164 = arith.shrsi %get3A_156, %shift_right_arithmetic3A_163 : vector<16xi32>
          %mul3A_165 = arith.constant 16 : i32
          %mul3A_166 = arith.muli %add3A_150, %mul3A_165 : i32
          %swap3A_167 = arith.index_cast %mul3A_166 : i32 to index
          %swap3A_168 = tpu.vector_load %arg13[%swap3A_167] {strides = array<i32>} : memref<64xi32, #tpu.memory_space<vmem>>, vector<16xi32>,
          tpu.vector_store %arg13[%swap3A_167], %shift_right_arithmetic3A_164 {strides = array<i32>} : memref<64xi32, #tpu.memory_space<vmem>>, vector<16xi32>,
        }
        %scan3A_142 = arith.constant 4 : i32
        %dma_start3A_143 = arith.constant 0 : i32
        %dma_start3A_144 = arith.constant 0 : i32
        %dma_start3A_145 = tpu.memref_slice %arg3[%dma_start3A_143, %dma_start3A_144] : memref<10000x128xf32, #tpu.memory_space<hbm>> -> memref<10000x128xf32, #tpu.memory_space<hbm>>
        tpu.enqueue_indirect_dma source(%dma_start3A_145 : memref<10000x128xf32, #tpu.memory_space<hbm>>) target(%arg17 : memref<64x128xf32, #tpu.memory_space<vmem>>) offsets(%arg9 : memref<64xi32, #tpu.memory_space<vmem>>) semaphore(%arg22 : memref<!tpu.dma_semaphore, #tpu.memory_space<semaphore_mem>>)
      } else {
      }
      %dma_wait3A_108 = arith.constant 0 : i32
      %dma_wait3A_109 = arith.constant 0 : i32
      %dma_wait3A_110 = tpu.memref_slice %arg19[%dma_wait3A_108, %dma_wait3A_109] : memref<10240x128xf32, #tpu.memory_space<vmem_shared>> -> memref<10240x128xf32, #tpu.memory_space<vmem_shared>>
      tpu.wait_indirect_dma semaphore(%arg27 : memref<!tpu.dma_semaphore, #tpu.memory_space<semaphore_mem>>) src(%arg18 : memref<64x128xf32, #tpu.memory_space<vmem>>) dst(%dma_wait3A_110 : memref<10240x128xf32, #tpu.memory_space<vmem_shared>>)
      %add3A_111 = arith.constant 4 : i32
      %add3A_112 = arith.addi %add3A_51, %add3A_111 : i32
      %add3A_113 = arith.constant 3 : i32
      %add3A_114 = arith.addi %add3A_112, %add3A_113 : i32
      %lt3A_115 = arith.constant 160 : i32
      %lt3A_116 = arith.cmpi slt, %add3A_114, %lt3A_115 : i32
      %convert_element_type3A_117 = arith.extui %lt3A_116 : i1 to i32
      %cond3A_118 = arith.constant 0 : i32
      %cond3A_119 = arith.cmpi ne, %convert_element_type3A_117, %cond3A_118 : i32
      scf.if %cond3A_119 {
        %jit3A = arith.constant 2 : i32
        %div3A = arith.divsi %add3A_51, %jit3A : i32
        %sign3A = arith.constant 0 : i32
        %sign3A_120 = arith.cmpi sgt, %add3A_51, %sign3A : i32
        %sign3A_121 = arith.extui %sign3A_120 : i1 to i32
        %sign3A_122 = arith.constant 0 : i32
        %sign3A_123 = arith.cmpi slt, %add3A_51, %sign3A_122 : i32
        %sign3A_124 = arith.extui %sign3A_123 : i1 to i32
        %sign3A_125 = arith.subi %sign3A_121, %sign3A_124 : i32
        %sign3A_126 = arith.constant 0 : i32
        %sign3A_127 = arith.cmpi sgt, %jit3A, %sign3A_126 : i32
        %sign3A_128 = arith.extui %sign3A_127 : i1 to i32
        %sign3A_129 = arith.constant 0 : i32
        %sign3A_130 = arith.cmpi slt, %jit3A, %sign3A_129 : i32
        %sign3A_131 = arith.extui %sign3A_130 : i1 to i32
        %sign3A_132 = arith.subi %sign3A_128, %sign3A_131 : i32
        %ne3A = arith.cmpi ne, %sign3A_125, %sign3A_132 : i32
        %rem3A = arith.remsi %add3A_51, %jit3A : i32
        %ne3A_133 = arith.constant 0 : i32
        %ne3A_134 = arith.cmpi ne, %rem3A, %ne3A_133 : i32
        %and3A = arith.andi %ne3A, %ne3A_134 : i1
        %sub3A = arith.constant 1 : i32
        %sub3A_135 = arith.subi %div3A, %sub3A : i32
        %select_n3A = arith.select %and3A, %sub3A_135, %div3A : i32
        %add3A_136 = arith.constant 3 : i32
        %add3A_137 = arith.addi %select_n3A, %add3A_136 : i32
        %scan3A_138 = arith.constant 0 : i32
        %scan3A_139 = arith.constant 4 : i32
        %scan3A_140 = arith.addi %scan3A_138, %scan3A_139 : i32
        %scan3A_141 = arith.constant 1 : i32
        scf.for %scan3A_146 = %scan3A_138 to %scan3A_140 step %scan3A_141  : i32 {
          %mul3A_147 = arith.constant 1 : i32
          %mul3A_148 = arith.muli %scan3A_146, %mul3A_147 : i32
          %add3A_149 = arith.constant 0 : i32
          %add3A_150 = arith.addi %add3A_149, %mul3A_148 : i32
          %mul3A_151 = arith.constant 16 : i32
          %mul3A_152 = arith.muli %add3A_150, %mul3A_151 : i32
          %add3A_153 = arith.constant 64 : i32
          %add3A_154 = arith.addi %add3A_153, %mul3A_152 : i32
          %get3A = arith.index_cast %add3A_137 : i32 to index
          %get3A_155 = arith.index_cast %add3A_154 : i32 to index
          %get3A_156 = tpu.vector_load %arg6[%get3A, %get3A_155] {strides = array<i32>} : memref<80x128xi32, #tpu.memory_space<vmem>>, vector<16xi32>,
          %and3A_157 = arith.constant 65535 : i32
          %and3A_158 = vector.broadcast %and3A_157 : i32 to vector<16xi32>
          %and3A_159 = arith.andi %get3A_156, %and3A_158 : vector<16xi32>
          %mul3A_160 = arith.constant 16 : i32
          %mul3A_161 = arith.muli %add3A_150, %mul3A_160 : i32
          %swap3A = arith.index_cast %mul3A_161 : i32 to index
          %swap3A_162 = tpu.vector_load %arg10[%swap3A] {strides = array<i32>} : memref<64xi32, #tpu.memory_space<vmem>>, vector<16xi32>,
          tpu.vector_store %arg10[%swap3A], %and3A_159 {strides = array<i32>} : memref<64xi32, #tpu.memory_space<vmem>>, vector<16xi32>,
          %shift_right_arithmetic3A = arith.constant 16 : i32
          %shift_right_arithmetic3A_163 = vector.broadcast %shift_right_arithmetic3A : i32 to vector<16xi32>
          %shift_right_arithmetic3A_164 = arith.shrsi %get3A_156, %shift_right_arithmetic3A_163 : vector<16xi32>
          %mul3A_165 = arith.constant 16 : i32
          %mul3A_166 = arith.muli %add3A_150, %mul3A_165 : i32
          %swap3A_167 = arith.index_cast %mul3A_166 : i32 to index
          %swap3A_168 = tpu.vector_load %arg14[%swap3A_167] {strides = array<i32>} : memref<64xi32, #tpu.memory_space<vmem>>, vector<16xi32>,
          tpu.vector_store %arg14[%swap3A_167], %shift_right_arithmetic3A_164 {strides = array<i32>} : memref<64xi32, #tpu.memory_space<vmem>>, vector<16xi32>,
        }
        %scan3A_142 = arith.constant 4 : i32
        %dma_start3A_143 = arith.constant 0 : i32
        %dma_start3A_144 = arith.constant 0 : i32
        %dma_start3A_145 = tpu.memref_slice %arg3[%dma_start3A_143, %dma_start3A_144] : memref<10000x128xf32, #tpu.memory_space<hbm>> -> memref<10000x128xf32, #tpu.memory_space<hbm>>
        tpu.enqueue_indirect_dma source(%dma_start3A_145 : memref<10000x128xf32, #tpu.memory_space<hbm>>) target(%arg18 : memref<64x128xf32, #tpu.memory_space<vmem>>) offsets(%arg10 : memref<64xi32, #tpu.memory_space<vmem>>) semaphore(%arg23 : memref<!tpu.dma_semaphore, #tpu.memory_space<semaphore_mem>>)
      } else {
      }
    }
    %scan3A_41 = arith.constant 40 : i32
    %barrier3A_42 = arith.constant 0 : index
    tpu.barrier barrier_id(%barrier3A_42)
    %mul3A_43 = arith.constant 640 : i32
    %mul3A_44 = arith.muli %arg1, %mul3A_43 : i32
    %mul3A_45 = arith.constant 640 : i32
    %mul3A_46 = arith.muli %arg1, %mul3A_45 : i32
    "tpu.region"() ({
      %run_scoped3A = tpu.sem_alloc : memref<!tpu.dma_semaphore, #tpu.memory_space<semaphore_mem>>
      %dma_start3A_47 = arith.constant 0 : i32
      %dma_start3A_48 = tpu.memref_slice %arg5[%arg0, %mul3A_46, %dma_start3A_47] : memref<2x10240x128xf32, #tpu.memory_space<hbm>> -> memref<1x640x128xf32, #tpu.memory_space<hbm>>
      %dma_start3A_49 = tpu.memref_squeeze %dma_start3A_48 : memref<1x640x128xf32, #tpu.memory_space<hbm>> -> memref<640x128xf32, #tpu.memory_space<hbm>>
      %dma_start3A_50 = arith.constant 0 : i32
      %dma_start3A_51 = tpu.memref_slice %arg19[%mul3A_44, %dma_start3A_50] : memref<10240x128xf32, #tpu.memory_space<vmem_shared>> -> memref<640x128xf32, #tpu.memory_space<vmem_shared>>
      tpu.enqueue_dma source(%dma_start3A_51 : memref<640x128xf32, #tpu.memory_space<vmem_shared>>) target(%dma_start3A_49 : memref<640x128xf32, #tpu.memory_space<hbm>>) target_semaphore(%run_scoped3A : memref<!tpu.dma_semaphore, #tpu.memory_space<semaphore_mem>>)
      %dma_wait3A = arith.constant 0 : i32
      %dma_wait3A_52 = tpu.memref_slice %arg5[%arg0, %mul3A_46, %dma_wait3A] : memref<2x10240x128xf32, #tpu.memory_space<hbm>> -> memref<1x640x128xf32, #tpu.memory_space<hbm>>
      %dma_wait3A_53 = tpu.memref_squeeze %dma_wait3A_52 : memref<1x640x128xf32, #tpu.memory_space<hbm>> -> memref<640x128xf32, #tpu.memory_space<hbm>>
      %dma_wait3A_54 = arith.constant 0 : i32
      %dma_wait3A_55 = tpu.memref_slice %arg19[%mul3A_44, %dma_wait3A_54] : memref<10240x128xf32, #tpu.memory_space<vmem_shared>> -> memref<640x128xf32, #tpu.memory_space<vmem_shared>>
      tpu.wait_dma2 semaphore(%run_scoped3A : memref<!tpu.dma_semaphore, #tpu.memory_space<semaphore_mem>>) src(%dma_wait3A_55 : memref<640x128xf32, #tpu.memory_space<vmem_shared>>) dst(%dma_wait3A_53 : memref<640x128xf32, #tpu.memory_space<hbm>>)
      tpu.yield
    }) : () -> ()
    return
  }
}

#map = affine_map<(d0, d1) -> (0, 0)>
#map1 = affine_map<(d0, d1) -> (0)>
module attributes {stable_mosaic.version = 14 : i64} {
  func.func @body(%arg0: i32, %arg1: i32, %arg2: memref<512x128xi32, #tpu.memory_space<hbm>>, %arg3: memref<512x128xi32, #tpu.memory_space<hbm>>, %arg4: memref<10000x128xf32, #tpu.memory_space<hbm>>, %arg5: memref<65536xf32, #tpu.memory_space<hbm>>, %arg6: memref<16x128xi32, #tpu.memory_space<vmem>>, %arg7: memref<16x128xi32, #tpu.memory_space<vmem>>, %arg8: memref<128x128xf32, #tpu.memory_space<vmem>>, %arg9: memref<128x128xf32, #tpu.memory_space<vmem>>, %arg10: memref<128x128xf32, #tpu.memory_space<vmem>>, %arg11: memref<128x128xf32, #tpu.memory_space<vmem>>, %arg12: memref<256xf32, #tpu.memory_space<vmem>>, %arg13: memref<128xf32, #tpu.memory_space<vmem>>, %arg14: memref<128xf32, #tpu.memory_space<vmem>>, %arg15: memref<!tpu.dma_semaphore, #tpu.memory_space<semaphore_mem>>, %arg16: memref<!tpu.dma_semaphore, #tpu.memory_space<semaphore_mem>>, %arg17: memref<!tpu.dma_semaphore, #tpu.memory_space<semaphore_mem>>, %arg18: memref<!tpu.dma_semaphore, #tpu.memory_space<semaphore_mem>>) attributes {dimension_semantics = [#tpu.dimension_semantics<core_parallel>, #tpu.dimension_semantics<subcore_parallel>], iteration_bounds = array<i64: 2, 16>, scalar_prefetch = 0 : i64, scratch_operands = 13 : i64, tpu.core_type = #tpu.core_type<sc_vector_subcore>, window_params = [{transform_indices = #map}, {transform_indices = #map}, {transform_indices = #map}, {transform_indices = #map1}]} {
    %mul3A = arith.constant 2 : i32
    %mul3A_0 = arith.muli %arg1, %mul3A : i32
    %add3A = arith.addi %mul3A_0, %arg0 : i32
    %mul3A_1 = arith.constant 16 : i32
    %mul3A_2 = arith.muli %add3A, %mul3A_1 : i32
    "tpu.region"() ({
      %run_scoped3A = tpu.sem_alloc : memref<!tpu.dma_semaphore, #tpu.memory_space<semaphore_mem>>
      %dma_start3A_40 = arith.constant 0 : i32
      %dma_start3A_41 = tpu.memref_slice %arg2[%mul3A_2, %dma_start3A_40] : memref<512x128xi32, #tpu.memory_space<hbm>> -> memref<16x128xi32, #tpu.memory_space<hbm>>
      %dma_start3A_42 = arith.constant 0 : i32
      %dma_start3A_43 = tpu.memref_slice %arg2[%mul3A_2, %dma_start3A_42] : memref<512x128xi32, #tpu.memory_space<hbm>> -> memref<16x128xi32, #tpu.memory_space<hbm>>
      tpu.enqueue_dma source(%dma_start3A_43 : memref<16x128xi32, #tpu.memory_space<hbm>>) target(%arg6 : memref<16x128xi32, #tpu.memory_space<vmem>>) target_semaphore(%run_scoped3A : memref<!tpu.dma_semaphore, #tpu.memory_space<semaphore_mem>>)
      %dma_wait3A = arith.constant 0 : i32
      %dma_wait3A_44 = tpu.memref_slice %arg2[%mul3A_2, %dma_wait3A] : memref<512x128xi32, #tpu.memory_space<hbm>> -> memref<16x128xi32, #tpu.memory_space<hbm>>
      %dma_wait3A_45 = arith.constant 0 : i32
      %dma_wait3A_46 = tpu.memref_slice %arg2[%mul3A_2, %dma_wait3A_45] : memref<512x128xi32, #tpu.memory_space<hbm>> -> memref<16x128xi32, #tpu.memory_space<hbm>>
      tpu.wait_dma2 semaphore(%run_scoped3A : memref<!tpu.dma_semaphore, #tpu.memory_space<semaphore_mem>>) src(%dma_wait3A_46 : memref<16x128xi32, #tpu.memory_space<hbm>>) dst(%arg6 : memref<16x128xi32, #tpu.memory_space<vmem>>)
      tpu.yield
    }) : () -> ()
    "tpu.region"() ({
      %run_scoped3A = tpu.sem_alloc : memref<!tpu.dma_semaphore, #tpu.memory_space<semaphore_mem>>
      %dma_start3A_40 = arith.constant 0 : i32
      %dma_start3A_41 = tpu.memref_slice %arg3[%mul3A_2, %dma_start3A_40] : memref<512x128xi32, #tpu.memory_space<hbm>> -> memref<16x128xi32, #tpu.memory_space<hbm>>
      %dma_start3A_42 = arith.constant 0 : i32
      %dma_start3A_43 = tpu.memref_slice %arg3[%mul3A_2, %dma_start3A_42] : memref<512x128xi32, #tpu.memory_space<hbm>> -> memref<16x128xi32, #tpu.memory_space<hbm>>
      tpu.enqueue_dma source(%dma_start3A_43 : memref<16x128xi32, #tpu.memory_space<hbm>>) target(%arg7 : memref<16x128xi32, #tpu.memory_space<vmem>>) target_semaphore(%run_scoped3A : memref<!tpu.dma_semaphore, #tpu.memory_space<semaphore_mem>>)
      %dma_wait3A = arith.constant 0 : i32
      %dma_wait3A_44 = tpu.memref_slice %arg3[%mul3A_2, %dma_wait3A] : memref<512x128xi32, #tpu.memory_space<hbm>> -> memref<16x128xi32, #tpu.memory_space<hbm>>
      %dma_wait3A_45 = arith.constant 0 : i32
      %dma_wait3A_46 = tpu.memref_slice %arg3[%mul3A_2, %dma_wait3A_45] : memref<512x128xi32, #tpu.memory_space<hbm>> -> memref<16x128xi32, #tpu.memory_space<hbm>>
      tpu.wait_dma2 semaphore(%run_scoped3A : memref<!tpu.dma_semaphore, #tpu.memory_space<semaphore_mem>>) src(%dma_wait3A_46 : memref<16x128xi32, #tpu.memory_space<hbm>>) dst(%arg7 : memref<16x128xi32, #tpu.memory_space<vmem>>)
      tpu.yield
    }) : () -> ()
    %dma_start3A = arith.constant 0 : i32
    %dma_start3A_3 = arith.constant 0 : i32
    %dma_start3A_4 = tpu.memref_slice %arg6[%dma_start3A, %dma_start3A_3] : memref<16x128xi32, #tpu.memory_space<vmem>> -> memref<1x128xi32, #tpu.memory_space<vmem>>
    %dma_start3A_5 = tpu.memref_squeeze %dma_start3A_4 : memref<1x128xi32, #tpu.memory_space<vmem>> -> memref<128xi32, #tpu.memory_space<vmem>>
    %dma_start3A_6 = arith.constant 0 : i32
    %dma_start3A_7 = arith.constant 0 : i32
    %dma_start3A_8 = tpu.memref_slice %arg4[%dma_start3A_6, %dma_start3A_7] : memref<10000x128xf32, #tpu.memory_space<hbm>> -> memref<10000x128xf32, #tpu.memory_space<hbm>>
    tpu.enqueue_indirect_dma source(%dma_start3A_8 : memref<10000x128xf32, #tpu.memory_space<hbm>>) target(%arg8 : memref<128x128xf32, #tpu.memory_space<vmem>>) offsets(%dma_start3A_5 : memref<128xi32, #tpu.memory_space<vmem>>) semaphore(%arg15 : memref<!tpu.dma_semaphore, #tpu.memory_space<semaphore_mem>>)
    %dma_start3A_9 = arith.constant 0 : i32
    %dma_start3A_10 = arith.constant 0 : i32
    %dma_start3A_11 = tpu.memref_slice %arg7[%dma_start3A_9, %dma_start3A_10] : memref<16x128xi32, #tpu.memory_space<vmem>> -> memref<1x128xi32, #tpu.memory_space<vmem>>
    %dma_start3A_12 = tpu.memref_squeeze %dma_start3A_11 : memref<1x128xi32, #tpu.memory_space<vmem>> -> memref<128xi32, #tpu.memory_space<vmem>>
    %dma_start3A_13 = arith.constant 0 : i32
    %dma_start3A_14 = arith.constant 0 : i32
    %dma_start3A_15 = tpu.memref_slice %arg4[%dma_start3A_13, %dma_start3A_14] : memref<10000x128xf32, #tpu.memory_space<hbm>> -> memref<10000x128xf32, #tpu.memory_space<hbm>>
    tpu.enqueue_indirect_dma source(%dma_start3A_15 : memref<10000x128xf32, #tpu.memory_space<hbm>>) target(%arg10 : memref<128x128xf32, #tpu.memory_space<vmem>>) offsets(%dma_start3A_12 : memref<128xi32, #tpu.memory_space<vmem>>) semaphore(%arg17 : memref<!tpu.dma_semaphore, #tpu.memory_space<semaphore_mem>>)
    %dma_start3A_16 = arith.constant 1 : i32
    %dma_start3A_17 = arith.constant 0 : i32
    %dma_start3A_18 = tpu.memref_slice %arg6[%dma_start3A_16, %dma_start3A_17] : memref<16x128xi32, #tpu.memory_space<vmem>> -> memref<1x128xi32, #tpu.memory_space<vmem>>
    %dma_start3A_19 = tpu.memref_squeeze %dma_start3A_18 : memref<1x128xi32, #tpu.memory_space<vmem>> -> memref<128xi32, #tpu.memory_space<vmem>>
    %dma_start3A_20 = arith.constant 0 : i32
    %dma_start3A_21 = arith.constant 0 : i32
    %dma_start3A_22 = tpu.memref_slice %arg4[%dma_start3A_20, %dma_start3A_21] : memref<10000x128xf32, #tpu.memory_space<hbm>> -> memref<10000x128xf32, #tpu.memory_space<hbm>>
    tpu.enqueue_indirect_dma source(%dma_start3A_22 : memref<10000x128xf32, #tpu.memory_space<hbm>>) target(%arg9 : memref<128x128xf32, #tpu.memory_space<vmem>>) offsets(%dma_start3A_19 : memref<128xi32, #tpu.memory_space<vmem>>) semaphore(%arg16 : memref<!tpu.dma_semaphore, #tpu.memory_space<semaphore_mem>>)
    %dma_start3A_23 = arith.constant 1 : i32
    %dma_start3A_24 = arith.constant 0 : i32
    %dma_start3A_25 = tpu.memref_slice %arg7[%dma_start3A_23, %dma_start3A_24] : memref<16x128xi32, #tpu.memory_space<vmem>> -> memref<1x128xi32, #tpu.memory_space<vmem>>
    %dma_start3A_26 = tpu.memref_squeeze %dma_start3A_25 : memref<1x128xi32, #tpu.memory_space<vmem>> -> memref<128xi32, #tpu.memory_space<vmem>>
    %dma_start3A_27 = arith.constant 0 : i32
    %dma_start3A_28 = arith.constant 0 : i32
    %dma_start3A_29 = tpu.memref_slice %arg4[%dma_start3A_27, %dma_start3A_28] : memref<10000x128xf32, #tpu.memory_space<hbm>> -> memref<10000x128xf32, #tpu.memory_space<hbm>>
    tpu.enqueue_indirect_dma source(%dma_start3A_29 : memref<10000x128xf32, #tpu.memory_space<hbm>>) target(%arg11 : memref<128x128xf32, #tpu.memory_space<vmem>>) offsets(%dma_start3A_26 : memref<128xi32, #tpu.memory_space<vmem>>) semaphore(%arg18 : memref<!tpu.dma_semaphore, #tpu.memory_space<semaphore_mem>>)
    %iota3A = tpu.iota {dimensions = array<i32: 0>} : vector<16xi32>
    %mul3A_30 = arith.constant 16 : i32
    %mul3A_31 = vector.broadcast %mul3A_30 : i32 to vector<16xi32>
    %mul3A_32 = arith.muli %mul3A_31, %iota3A : vector<16xi32>
    %add3A_33 = arith.constant 0 : i32
    %add3A_34 = vector.broadcast %add3A_33 : i32 to vector<16xi32>
    %add3A_35 = arith.addi %add3A_34, %mul3A_32 : vector<16xi32>
    %scan3A = arith.constant 0 : i32
    %scan3A_36 = arith.constant 8 : i32
    %scan3A_37 = arith.addi %scan3A, %scan3A_36 : i32
    %scan3A_38 = arith.constant 1 : i32
    scf.for %scan3A_40 = %scan3A to %scan3A_37 step %scan3A_38  : i32 {
      %mul3A_41 = arith.constant 2 : i32
      %mul3A_42 = arith.muli %scan3A_40, %mul3A_41 : i32
      %add3A_43 = arith.constant 0 : i32
      %add3A_44 = arith.addi %add3A_43, %mul3A_42 : i32
      %dma_wait3A = arith.constant 0 : i32
      %dma_wait3A_45 = arith.constant 0 : i32
      %dma_wait3A_46 = tpu.memref_slice %arg6[%dma_wait3A, %dma_wait3A_45] : memref<16x128xi32, #tpu.memory_space<vmem>> -> memref<1x128xi32, #tpu.memory_space<vmem>>
      %dma_wait3A_47 = tpu.memref_squeeze %dma_wait3A_46 : memref<1x128xi32, #tpu.memory_space<vmem>> -> memref<128xi32, #tpu.memory_space<vmem>>
      %dma_wait3A_48 = arith.constant 0 : i32
      %dma_wait3A_49 = arith.constant 0 : i32
      %dma_wait3A_50 = tpu.memref_slice %arg4[%dma_wait3A_48, %dma_wait3A_49] : memref<10000x128xf32, #tpu.memory_space<hbm>> -> memref<10000x128xf32, #tpu.memory_space<hbm>>
      tpu.wait_indirect_dma semaphore(%arg15 : memref<!tpu.dma_semaphore, #tpu.memory_space<semaphore_mem>>) src(%dma_wait3A_50 : memref<10000x128xf32, #tpu.memory_space<hbm>>) dst(%arg8 : memref<128x128xf32, #tpu.memory_space<vmem>>)
      %dma_wait3A_51 = arith.constant 0 : i32
      %dma_wait3A_52 = arith.constant 0 : i32
      %dma_wait3A_53 = tpu.memref_slice %arg7[%dma_wait3A_51, %dma_wait3A_52] : memref<16x128xi32, #tpu.memory_space<vmem>> -> memref<1x128xi32, #tpu.memory_space<vmem>>
      %dma_wait3A_54 = tpu.memref_squeeze %dma_wait3A_53 : memref<1x128xi32, #tpu.memory_space<vmem>> -> memref<128xi32, #tpu.memory_space<vmem>>
      %dma_wait3A_55 = arith.constant 0 : i32
      %dma_wait3A_56 = arith.constant 0 : i32
      %dma_wait3A_57 = tpu.memref_slice %arg4[%dma_wait3A_55, %dma_wait3A_56] : memref<10000x128xf32, #tpu.memory_space<hbm>> -> memref<10000x128xf32, #tpu.memory_space<hbm>>
      tpu.wait_indirect_dma semaphore(%arg17 : memref<!tpu.dma_semaphore, #tpu.memory_space<semaphore_mem>>) src(%dma_wait3A_57 : memref<10000x128xf32, #tpu.memory_space<hbm>>) dst(%arg10 : memref<128x128xf32, #tpu.memory_space<vmem>>)
      %scan3A_58 = arith.constant 0 : i32
      %scan3A_59 = arith.constant 8 : i32
      %scan3A_60 = arith.addi %scan3A_58, %scan3A_59 : i32
      %scan3A_61 = arith.constant 1 : i32
      scf.for %scan3A_107 = %scan3A_58 to %scan3A_60 step %scan3A_61  : i32 {
        %mul3A_108 = arith.constant 1 : i32
        %mul3A_109 = arith.muli %scan3A_107, %mul3A_108 : i32
        %add3A_110 = arith.constant 0 : i32
        %add3A_111 = arith.addi %add3A_110, %mul3A_109 : i32
        %mul3A_112 = arith.constant 16 : i32
        %mul3A_113 = arith.muli %add3A_111, %mul3A_112 : i32
        %add3A_114 = arith.constant 0 : i32
        %add3A_115 = arith.addi %mul3A_113, %add3A_114 : i32
        %get3A = arith.index_cast %add3A_115 : i32 to index
        %get3A_116 = arith.constant 0 : index
        %get3A_117 = tpu.vector_load %arg8[%get3A, %get3A_116] {strides = array<i32>} : memref<128x128xf32, #tpu.memory_space<vmem>>, vector<16xf32>,
        %get3A_118 = arith.index_cast %add3A_115 : i32 to index
        %get3A_119 = arith.constant 0 : index
        %get3A_120 = tpu.vector_load %arg10[%get3A_118, %get3A_119] {strides = array<i32>} : memref<128x128xf32, #tpu.memory_space<vmem>>, vector<16xf32>,
        %mul3A_121 = arith.mulf %get3A_117, %get3A_120 : vector<16xf32>
        %get3A_122 = arith.index_cast %add3A_115 : i32 to index
        %get3A_123 = arith.constant 16 : index
        %get3A_124 = tpu.vector_load %arg8[%get3A_122, %get3A_123] {strides = array<i32>} : memref<128x128xf32, #tpu.memory_space<vmem>>, vector<16xf32>,
        %get3A_125 = arith.index_cast %add3A_115 : i32 to index
        %get3A_126 = arith.constant 16 : index
        %get3A_127 = tpu.vector_load %arg10[%get3A_125, %get3A_126] {strides = array<i32>} : memref<128x128xf32, #tpu.memory_space<vmem>>, vector<16xf32>,
        %mul3A_128 = arith.mulf %get3A_124, %get3A_127 : vector<16xf32>
        %add3A_129 = arith.addf %mul3A_121, %mul3A_128 : vector<16xf32>
        %get3A_130 = arith.index_cast %add3A_115 : i32 to index
        %get3A_131 = arith.constant 32 : index
        %get3A_132 = tpu.vector_load %arg8[%get3A_130, %get3A_131] {strides = array<i32>} : memref<128x128xf32, #tpu.memory_space<vmem>>, vector<16xf32>,
        %get3A_133 = arith.index_cast %add3A_115 : i32 to index
        %get3A_134 = arith.constant 32 : index
        %get3A_135 = tpu.vector_load %arg10[%get3A_133, %get3A_134] {strides = array<i32>} : memref<128x128xf32, #tpu.memory_space<vmem>>, vector<16xf32>,
        %mul3A_136 = arith.mulf %get3A_132, %get3A_135 : vector<16xf32>
        %add3A_137 = arith.addf %add3A_129, %mul3A_136 : vector<16xf32>
        %get3A_138 = arith.index_cast %add3A_115 : i32 to index
        %get3A_139 = arith.constant 48 : index
        %get3A_140 = tpu.vector_load %arg8[%get3A_138, %get3A_139] {strides = array<i32>} : memref<128x128xf32, #tpu.memory_space<vmem>>, vector<16xf32>,
        %get3A_141 = arith.index_cast %add3A_115 : i32 to index
        %get3A_142 = arith.constant 48 : index
        %get3A_143 = tpu.vector_load %arg10[%get3A_141, %get3A_142] {strides = array<i32>} : memref<128x128xf32, #tpu.memory_space<vmem>>, vector<16xf32>,
        %mul3A_144 = arith.mulf %get3A_140, %get3A_143 : vector<16xf32>
        %add3A_145 = arith.addf %add3A_137, %mul3A_144 : vector<16xf32>
        %swap3A = arith.constant 0 : index
        %swap3A_146 = tpu.vector_load %arg12[%swap3A] {strides = array<i32>} : memref<256xf32, #tpu.memory_space<vmem>>, vector<16xf32>,
        tpu.vector_store %arg12[%swap3A], %add3A_145 {strides = array<i32>} : memref<256xf32, #tpu.memory_space<vmem>>, vector<16xf32>,
        %mul3A_147 = arith.constant 16 : i32
        %mul3A_148 = arith.muli %add3A_111, %mul3A_147 : i32
        %add3A_149 = arith.constant 1 : i32
        %add3A_150 = arith.addi %mul3A_148, %add3A_149 : i32
        %get3A_151 = arith.index_cast %add3A_150 : i32 to index
        %get3A_152 = arith.constant 0 : index
        %get3A_153 = tpu.vector_load %arg8[%get3A_151, %get3A_152] {strides = array<i32>} : memref<128x128xf32, #tpu.memory_space<vmem>>, vector<16xf32>,
        %get3A_154 = arith.index_cast %add3A_150 : i32 to index
        %get3A_155 = arith.constant 0 : index
        %get3A_156 = tpu.vector_load %arg10[%get3A_154, %get3A_155] {strides = array<i32>} : memref<128x128xf32, #tpu.memory_space<vmem>>, vector<16xf32>,
        %mul3A_157 = arith.mulf %get3A_153, %get3A_156 : vector<16xf32>
        %get3A_158 = arith.index_cast %add3A_150 : i32 to index
        %get3A_159 = arith.constant 16 : index
        %get3A_160 = tpu.vector_load %arg8[%get3A_158, %get3A_159] {strides = array<i32>} : memref<128x128xf32, #tpu.memory_space<vmem>>, vector<16xf32>,
        %get3A_161 = arith.index_cast %add3A_150 : i32 to index
        %get3A_162 = arith.constant 16 : index
        %get3A_163 = tpu.vector_load %arg10[%get3A_161, %get3A_162] {strides = array<i32>} : memref<128x128xf32, #tpu.memory_space<vmem>>, vector<16xf32>,
        %mul3A_164 = arith.mulf %get3A_160, %get3A_163 : vector<16xf32>
        %add3A_165 = arith.addf %mul3A_157, %mul3A_164 : vector<16xf32>
        %get3A_166 = arith.index_cast %add3A_150 : i32 to index
        %get3A_167 = arith.constant 32 : index
        %get3A_168 = tpu.vector_load %arg8[%get3A_166, %get3A_167] {strides = array<i32>} : memref<128x128xf32, #tpu.memory_space<vmem>>, vector<16xf32>,
        %get3A_169 = arith.index_cast %add3A_150 : i32 to index
        %get3A_170 = arith.constant 32 : index
        %get3A_171 = tpu.vector_load %arg10[%get3A_169, %get3A_170] {strides = array<i32>} : memref<128x128xf32, #tpu.memory_space<vmem>>, vector<16xf32>,
        %mul3A_172 = arith.mulf %get3A_168, %get3A_171 : vector<16xf32>
        %add3A_173 = arith.addf %add3A_165, %mul3A_172 : vector<16xf32>
        %get3A_174 = arith.index_cast %add3A_150 : i32 to index
        %get3A_175 = arith.constant 48 : index
        %get3A_176 = tpu.vector_load %arg8[%get3A_174, %get3A_175] {strides = array<i32>} : memref<128x128xf32, #tpu.memory_space<vmem>>, vector<16xf32>,
        %get3A_177 = arith.index_cast %add3A_150 : i32 to index
        %get3A_178 = arith.constant 48 : index
        %get3A_179 = tpu.vector_load %arg10[%get3A_177, %get3A_178] {strides = array<i32>} : memref<128x128xf32, #tpu.memory_space<vmem>>, vector<16xf32>,
        %mul3A_180 = arith.mulf %get3A_176, %get3A_179 : vector<16xf32>
        %add3A_181 = arith.addf %add3A_173, %mul3A_180 : vector<16xf32>
        %swap3A_182 = arith.constant 16 : index
        %swap3A_183 = tpu.vector_load %arg12[%swap3A_182] {strides = array<i32>} : memref<256xf32, #tpu.memory_space<vmem>>, vector<16xf32>,
        tpu.vector_store %arg12[%swap3A_182], %add3A_181 {strides = array<i32>} : memref<256xf32, #tpu.memory_space<vmem>>, vector<16xf32>,
        %mul3A_184 = arith.constant 16 : i32
        %mul3A_185 = arith.muli %add3A_111, %mul3A_184 : i32
        %add3A_186 = arith.constant 2 : i32
        %add3A_187 = arith.addi %mul3A_185, %add3A_186 : i32
        %get3A_188 = arith.index_cast %add3A_187 : i32 to index
        %get3A_189 = arith.constant 0 : index
        %get3A_190 = tpu.vector_load %arg8[%get3A_188, %get3A_189] {strides = array<i32>} : memref<128x128xf32, #tpu.memory_space<vmem>>, vector<16xf32>,
        %get3A_191 = arith.index_cast %add3A_187 : i32 to index
        %get3A_192 = arith.constant 0 : index
        %get3A_193 = tpu.vector_load %arg10[%get3A_191, %get3A_192] {strides = array<i32>} : memref<128x128xf32, #tpu.memory_space<vmem>>, vector<16xf32>,
        %mul3A_194 = arith.mulf %get3A_190, %get3A_193 : vector<16xf32>
        %get3A_195 = arith.index_cast %add3A_187 : i32 to index
        %get3A_196 = arith.constant 16 : index
        %get3A_197 = tpu.vector_load %arg8[%get3A_195, %get3A_196] {strides = array<i32>} : memref<128x128xf32, #tpu.memory_space<vmem>>, vector<16xf32>,
        %get3A_198 = arith.index_cast %add3A_187 : i32 to index
        %get3A_199 = arith.constant 16 : index
        %get3A_200 = tpu.vector_load %arg10[%get3A_198, %get3A_199] {strides = array<i32>} : memref<128x128xf32, #tpu.memory_space<vmem>>, vector<16xf32>,
        %mul3A_201 = arith.mulf %get3A_197, %get3A_200 : vector<16xf32>
        %add3A_202 = arith.addf %mul3A_194, %mul3A_201 : vector<16xf32>
        %get3A_203 = arith.index_cast %add3A_187 : i32 to index
        %get3A_204 = arith.constant 32 : index
        %get3A_205 = tpu.vector_load %arg8[%get3A_203, %get3A_204] {strides = array<i32>} : memref<128x128xf32, #tpu.memory_space<vmem>>, vector<16xf32>,
        %get3A_206 = arith.index_cast %add3A_187 : i32 to index
        %get3A_207 = arith.constant 32 : index
        %get3A_208 = tpu.vector_load %arg10[%get3A_206, %get3A_207] {strides = array<i32>} : memref<128x128xf32, #tpu.memory_space<vmem>>, vector<16xf32>,
        %mul3A_209 = arith.mulf %get3A_205, %get3A_208 : vector<16xf32>
        %add3A_210 = arith.addf %add3A_202, %mul3A_209 : vector<16xf32>
        %get3A_211 = arith.index_cast %add3A_187 : i32 to index
        %get3A_212 = arith.constant 48 : index
        %get3A_213 = tpu.vector_load %arg8[%get3A_211, %get3A_212] {strides = array<i32>} : memref<128x128xf32, #tpu.memory_space<vmem>>, vector<16xf32>,
        %get3A_214 = arith.index_cast %add3A_187 : i32 to index
        %get3A_215 = arith.constant 48 : index
        %get3A_216 = tpu.vector_load %arg10[%get3A_214, %get3A_215] {strides = array<i32>} : memref<128x128xf32, #tpu.memory_space<vmem>>, vector<16xf32>,
        %mul3A_217 = arith.mulf %get3A_213, %get3A_216 : vector<16xf32>
        %add3A_218 = arith.addf %add3A_210, %mul3A_217 : vector<16xf32>
        %swap3A_219 = arith.constant 32 : index
        %swap3A_220 = tpu.vector_load %arg12[%swap3A_219] {strides = array<i32>} : memref<256xf32, #tpu.memory_space<vmem>>, vector<16xf32>,
        tpu.vector_store %arg12[%swap3A_219], %add3A_218 {strides = array<i32>} : memref<256xf32, #tpu.memory_space<vmem>>, vector<16xf32>,
        %mul3A_221 = arith.constant 16 : i32
        %mul3A_222 = arith.muli %add3A_111, %mul3A_221 : i32
        %add3A_223 = arith.constant 3 : i32
        %add3A_224 = arith.addi %mul3A_222, %add3A_223 : i32
        %get3A_225 = arith.index_cast %add3A_224 : i32 to index
        %get3A_226 = arith.constant 0 : index
        %get3A_227 = tpu.vector_load %arg8[%get3A_225, %get3A_226] {strides = array<i32>} : memref<128x128xf32, #tpu.memory_space<vmem>>, vector<16xf32>,
        %get3A_228 = arith.index_cast %add3A_224 : i32 to index
        %get3A_229 = arith.constant 0 : index
        %get3A_230 = tpu.vector_load %arg10[%get3A_228, %get3A_229] {strides = array<i32>} : memref<128x128xf32, #tpu.memory_space<vmem>>, vector<16xf32>,
        %mul3A_231 = arith.mulf %get3A_227, %get3A_230 : vector<16xf32>
        %get3A_232 = arith.index_cast %add3A_224 : i32 to index
        %get3A_233 = arith.constant 16 : index
        %get3A_234 = tpu.vector_load %arg8[%get3A_232, %get3A_233] {strides = array<i32>} : memref<128x128xf32, #tpu.memory_space<vmem>>, vector<16xf32>,
        %get3A_235 = arith.index_cast %add3A_224 : i32 to index
        %get3A_236 = arith.constant 16 : index
        %get3A_237 = tpu.vector_load %arg10[%get3A_235, %get3A_236] {strides = array<i32>} : memref<128x128xf32, #tpu.memory_space<vmem>>, vector<16xf32>,
        %mul3A_238 = arith.mulf %get3A_234, %get3A_237 : vector<16xf32>
        %add3A_239 = arith.addf %mul3A_231, %mul3A_238 : vector<16xf32>
        %get3A_240 = arith.index_cast %add3A_224 : i32 to index
        %get3A_241 = arith.constant 32 : index
        %get3A_242 = tpu.vector_load %arg8[%get3A_240, %get3A_241] {strides = array<i32>} : memref<128x128xf32, #tpu.memory_space<vmem>>, vector<16xf32>,
        %get3A_243 = arith.index_cast %add3A_224 : i32 to index
        %get3A_244 = arith.constant 32 : index
        %get3A_245 = tpu.vector_load %arg10[%get3A_243, %get3A_244] {strides = array<i32>} : memref<128x128xf32, #tpu.memory_space<vmem>>, vector<16xf32>,
        %mul3A_246 = arith.mulf %get3A_242, %get3A_245 : vector<16xf32>
        %add3A_247 = arith.addf %add3A_239, %mul3A_246 : vector<16xf32>
        %get3A_248 = arith.index_cast %add3A_224 : i32 to index
        %get3A_249 = arith.constant 48 : index
        %get3A_250 = tpu.vector_load %arg8[%get3A_248, %get3A_249] {strides = array<i32>} : memref<128x128xf32, #tpu.memory_space<vmem>>, vector<16xf32>,
        %get3A_251 = arith.index_cast %add3A_224 : i32 to index
        %get3A_252 = arith.constant 48 : index
        %get3A_253 = tpu.vector_load %arg10[%get3A_251, %get3A_252] {strides = array<i32>} : memref<128x128xf32, #tpu.memory_space<vmem>>, vector<16xf32>,
        %mul3A_254 = arith.mulf %get3A_250, %get3A_253 : vector<16xf32>
        %add3A_255 = arith.addf %add3A_247, %mul3A_254 : vector<16xf32>
        %swap3A_256 = arith.constant 48 : index
        %swap3A_257 = tpu.vector_load %arg12[%swap3A_256] {strides = array<i32>} : memref<256xf32, #tpu.memory_space<vmem>>, vector<16xf32>,
        tpu.vector_store %arg12[%swap3A_256], %add3A_255 {strides = array<i32>} : memref<256xf32, #tpu.memory_space<vmem>>, vector<16xf32>,
        %mul3A_258 = arith.constant 16 : i32
        %mul3A_259 = arith.muli %add3A_111, %mul3A_258 : i32
        %add3A_260 = arith.constant 4 : i32
        %add3A_261 = arith.addi %mul3A_259, %add3A_260 : i32
        %get3A_262 = arith.index_cast %add3A_261 : i32 to index
        %get3A_263 = arith.constant 0 : index
        %get3A_264 = tpu.vector_load %arg8[%get3A_262, %get3A_263] {strides = array<i32>} : memref<128x128xf32, #tpu.memory_space<vmem>>, vector<16xf32>,
        %get3A_265 = arith.index_cast %add3A_261 : i32 to index
        %get3A_266 = arith.constant 0 : index
        %get3A_267 = tpu.vector_load %arg10[%get3A_265, %get3A_266] {strides = array<i32>} : memref<128x128xf32, #tpu.memory_space<vmem>>, vector<16xf32>,
        %mul3A_268 = arith.mulf %get3A_264, %get3A_267 : vector<16xf32>
        %get3A_269 = arith.index_cast %add3A_261 : i32 to index
        %get3A_270 = arith.constant 16 : index
        %get3A_271 = tpu.vector_load %arg8[%get3A_269, %get3A_270] {strides = array<i32>} : memref<128x128xf32, #tpu.memory_space<vmem>>, vector<16xf32>,
        %get3A_272 = arith.index_cast %add3A_261 : i32 to index
        %get3A_273 = arith.constant 16 : index
        %get3A_274 = tpu.vector_load %arg10[%get3A_272, %get3A_273] {strides = array<i32>} : memref<128x128xf32, #tpu.memory_space<vmem>>, vector<16xf32>,
        %mul3A_275 = arith.mulf %get3A_271, %get3A_274 : vector<16xf32>
        %add3A_276 = arith.addf %mul3A_268, %mul3A_275 : vector<16xf32>
        %get3A_277 = arith.index_cast %add3A_261 : i32 to index
        %get3A_278 = arith.constant 32 : index
        %get3A_279 = tpu.vector_load %arg8[%get3A_277, %get3A_278] {strides = array<i32>} : memref<128x128xf32, #tpu.memory_space<vmem>>, vector<16xf32>,
        %get3A_280 = arith.index_cast %add3A_261 : i32 to index
        %get3A_281 = arith.constant 32 : index
        %get3A_282 = tpu.vector_load %arg10[%get3A_280, %get3A_281] {strides = array<i32>} : memref<128x128xf32, #tpu.memory_space<vmem>>, vector<16xf32>,
        %mul3A_283 = arith.mulf %get3A_279, %get3A_282 : vector<16xf32>
        %add3A_284 = arith.addf %add3A_276, %mul3A_283 : vector<16xf32>
        %get3A_285 = arith.index_cast %add3A_261 : i32 to index
        %get3A_286 = arith.constant 48 : index
        %get3A_287 = tpu.vector_load %arg8[%get3A_285, %get3A_286] {strides = array<i32>} : memref<128x128xf32, #tpu.memory_space<vmem>>, vector<16xf32>,
        %get3A_288 = arith.index_cast %add3A_261 : i32 to index
        %get3A_289 = arith.constant 48 : index
        %get3A_290 = tpu.vector_load %arg10[%get3A_288, %get3A_289] {strides = array<i32>} : memref<128x128xf32, #tpu.memory_space<vmem>>, vector<16xf32>,
        %mul3A_291 = arith.mulf %get3A_287, %get3A_290 : vector<16xf32>
        %add3A_292 = arith.addf %add3A_284, %mul3A_291 : vector<16xf32>
        %swap3A_293 = arith.constant 64 : index
        %swap3A_294 = tpu.vector_load %arg12[%swap3A_293] {strides = array<i32>} : memref<256xf32, #tpu.memory_space<vmem>>, vector<16xf32>,
        tpu.vector_store %arg12[%swap3A_293], %add3A_292 {strides = array<i32>} : memref<256xf32, #tpu.memory_space<vmem>>, vector<16xf32>,
        %mul3A_295 = arith.constant 16 : i32
        %mul3A_296 = arith.muli %add3A_111, %mul3A_295 : i32
        %add3A_297 = arith.constant 5 : i32
        %add3A_298 = arith.addi %mul3A_296, %add3A_297 : i32
        %get3A_299 = arith.index_cast %add3A_298 : i32 to index
        %get3A_300 = arith.constant 0 : index
        %get3A_301 = tpu.vector_load %arg8[%get3A_299, %get3A_300] {strides = array<i32>} : memref<128x128xf32, #tpu.memory_space<vmem>>, vector<16xf32>,
        %get3A_302 = arith.index_cast %add3A_298 : i32 to index
        %get3A_303 = arith.constant 0 : index
        %get3A_304 = tpu.vector_load %arg10[%get3A_302, %get3A_303] {strides = array<i32>} : memref<128x128xf32, #tpu.memory_space<vmem>>, vector<16xf32>,
        %mul3A_305 = arith.mulf %get3A_301, %get3A_304 : vector<16xf32>
        %get3A_306 = arith.index_cast %add3A_298 : i32 to index
        %get3A_307 = arith.constant 16 : index
        %get3A_308 = tpu.vector_load %arg8[%get3A_306, %get3A_307] {strides = array<i32>} : memref<128x128xf32, #tpu.memory_space<vmem>>, vector<16xf32>,
        %get3A_309 = arith.index_cast %add3A_298 : i32 to index
        %get3A_310 = arith.constant 16 : index
        %get3A_311 = tpu.vector_load %arg10[%get3A_309, %get3A_310] {strides = array<i32>} : memref<128x128xf32, #tpu.memory_space<vmem>>, vector<16xf32>,
        %mul3A_312 = arith.mulf %get3A_308, %get3A_311 : vector<16xf32>
        %add3A_313 = arith.addf %mul3A_305, %mul3A_312 : vector<16xf32>
        %get3A_314 = arith.index_cast %add3A_298 : i32 to index
        %get3A_315 = arith.constant 32 : index
        %get3A_316 = tpu.vector_load %arg8[%get3A_314, %get3A_315] {strides = array<i32>} : memref<128x128xf32, #tpu.memory_space<vmem>>, vector<16xf32>,
        %get3A_317 = arith.index_cast %add3A_298 : i32 to index
        %get3A_318 = arith.constant 32 : index
        %get3A_319 = tpu.vector_load %arg10[%get3A_317, %get3A_318] {strides = array<i32>} : memref<128x128xf32, #tpu.memory_space<vmem>>, vector<16xf32>,
        %mul3A_320 = arith.mulf %get3A_316, %get3A_319 : vector<16xf32>
        %add3A_321 = arith.addf %add3A_313, %mul3A_320 : vector<16xf32>
        %get3A_322 = arith.index_cast %add3A_298 : i32 to index
        %get3A_323 = arith.constant 48 : index
        %get3A_324 = tpu.vector_load %arg8[%get3A_322, %get3A_323] {strides = array<i32>} : memref<128x128xf32, #tpu.memory_space<vmem>>, vector<16xf32>,
        %get3A_325 = arith.index_cast %add3A_298 : i32 to index
        %get3A_326 = arith.constant 48 : index
        %get3A_327 = tpu.vector_load %arg10[%get3A_325, %get3A_326] {strides = array<i32>} : memref<128x128xf32, #tpu.memory_space<vmem>>, vector<16xf32>,
        %mul3A_328 = arith.mulf %get3A_324, %get3A_327 : vector<16xf32>
        %add3A_329 = arith.addf %add3A_321, %mul3A_328 : vector<16xf32>
        %swap3A_330 = arith.constant 80 : index
        %swap3A_331 = tpu.vector_load %arg12[%swap3A_330] {strides = array<i32>} : memref<256xf32, #tpu.memory_space<vmem>>, vector<16xf32>,
        tpu.vector_store %arg12[%swap3A_330], %add3A_329 {strides = array<i32>} : memref<256xf32, #tpu.memory_space<vmem>>, vector<16xf32>,
        %mul3A_332 = arith.constant 16 : i32
        %mul3A_333 = arith.muli %add3A_111, %mul3A_332 : i32
        %add3A_334 = arith.constant 6 : i32
        %add3A_335 = arith.addi %mul3A_333, %add3A_334 : i32
        %get3A_336 = arith.index_cast %add3A_335 : i32 to index
        %get3A_337 = arith.constant 0 : index
        %get3A_338 = tpu.vector_load %arg8[%get3A_336, %get3A_337] {strides = array<i32>} : memref<128x128xf32, #tpu.memory_space<vmem>>, vector<16xf32>,
        %get3A_339 = arith.index_cast %add3A_335 : i32 to index
        %get3A_340 = arith.constant 0 : index
        %get3A_341 = tpu.vector_load %arg10[%get3A_339, %get3A_340] {strides = array<i32>} : memref<128x128xf32, #tpu.memory_space<vmem>>, vector<16xf32>,
        %mul3A_342 = arith.mulf %get3A_338, %get3A_341 : vector<16xf32>
        %get3A_343 = arith.index_cast %add3A_335 : i32 to index
        %get3A_344 = arith.constant 16 : index
        %get3A_345 = tpu.vector_load %arg8[%get3A_343, %get3A_344] {strides = array<i32>} : memref<128x128xf32, #tpu.memory_space<vmem>>, vector<16xf32>,
        %get3A_346 = arith.index_cast %add3A_335 : i32 to index
        %get3A_347 = arith.constant 16 : index
        %get3A_348 = tpu.vector_load %arg10[%get3A_346, %get3A_347] {strides = array<i32>} : memref<128x128xf32, #tpu.memory_space<vmem>>, vector<16xf32>,
        %mul3A_349 = arith.mulf %get3A_345, %get3A_348 : vector<16xf32>
        %add3A_350 = arith.addf %mul3A_342, %mul3A_349 : vector<16xf32>
        %get3A_351 = arith.index_cast %add3A_335 : i32 to index
        %get3A_352 = arith.constant 32 : index
        %get3A_353 = tpu.vector_load %arg8[%get3A_351, %get3A_352] {strides = array<i32>} : memref<128x128xf32, #tpu.memory_space<vmem>>, vector<16xf32>,
        %get3A_354 = arith.index_cast %add3A_335 : i32 to index
        %get3A_355 = arith.constant 32 : index
        %get3A_356 = tpu.vector_load %arg10[%get3A_354, %get3A_355] {strides = array<i32>} : memref<128x128xf32, #tpu.memory_space<vmem>>, vector<16xf32>,
        %mul3A_357 = arith.mulf %get3A_353, %get3A_356 : vector<16xf32>
        %add3A_358 = arith.addf %add3A_350, %mul3A_357 : vector<16xf32>
        %get3A_359 = arith.index_cast %add3A_335 : i32 to index
        %get3A_360 = arith.constant 48 : index
        %get3A_361 = tpu.vector_load %arg8[%get3A_359, %get3A_360] {strides = array<i32>} : memref<128x128xf32, #tpu.memory_space<vmem>>, vector<16xf32>,
        %get3A_362 = arith.index_cast %add3A_335 : i32 to index
        %get3A_363 = arith.constant 48 : index
        %get3A_364 = tpu.vector_load %arg10[%get3A_362, %get3A_363] {strides = array<i32>} : memref<128x128xf32, #tpu.memory_space<vmem>>, vector<16xf32>,
        %mul3A_365 = arith.mulf %get3A_361, %get3A_364 : vector<16xf32>
        %add3A_366 = arith.addf %add3A_358, %mul3A_365 : vector<16xf32>
        %swap3A_367 = arith.constant 96 : index
        %swap3A_368 = tpu.vector_load %arg12[%swap3A_367] {strides = array<i32>} : memref<256xf32, #tpu.memory_space<vmem>>, vector<16xf32>,
        tpu.vector_store %arg12[%swap3A_367], %add3A_366 {strides = array<i32>} : memref<256xf32, #tpu.memory_space<vmem>>, vector<16xf32>,
        %mul3A_369 = arith.constant 16 : i32
        %mul3A_370 = arith.muli %add3A_111, %mul3A_369 : i32
        %add3A_371 = arith.constant 7 : i32
        %add3A_372 = arith.addi %mul3A_370, %add3A_371 : i32
        %get3A_373 = arith.index_cast %add3A_372 : i32 to index
        %get3A_374 = arith.constant 0 : index
        %get3A_375 = tpu.vector_load %arg8[%get3A_373, %get3A_374] {strides = array<i32>} : memref<128x128xf32, #tpu.memory_space<vmem>>, vector<16xf32>,
        %get3A_376 = arith.index_cast %add3A_372 : i32 to index
        %get3A_377 = arith.constant 0 : index
        %get3A_378 = tpu.vector_load %arg10[%get3A_376, %get3A_377] {strides = array<i32>} : memref<128x128xf32, #tpu.memory_space<vmem>>, vector<16xf32>,
        %mul3A_379 = arith.mulf %get3A_375, %get3A_378 : vector<16xf32>
        %get3A_380 = arith.index_cast %add3A_372 : i32 to index
        %get3A_381 = arith.constant 16 : index
        %get3A_382 = tpu.vector_load %arg8[%get3A_380, %get3A_381] {strides = array<i32>} : memref<128x128xf32, #tpu.memory_space<vmem>>, vector<16xf32>,
        %get3A_383 = arith.index_cast %add3A_372 : i32 to index
        %get3A_384 = arith.constant 16 : index
        %get3A_385 = tpu.vector_load %arg10[%get3A_383, %get3A_384] {strides = array<i32>} : memref<128x128xf32, #tpu.memory_space<vmem>>, vector<16xf32>,
        %mul3A_386 = arith.mulf %get3A_382, %get3A_385 : vector<16xf32>
        %add3A_387 = arith.addf %mul3A_379, %mul3A_386 : vector<16xf32>
        %get3A_388 = arith.index_cast %add3A_372 : i32 to index
        %get3A_389 = arith.constant 32 : index
        %get3A_390 = tpu.vector_load %arg8[%get3A_388, %get3A_389] {strides = array<i32>} : memref<128x128xf32, #tpu.memory_space<vmem>>, vector<16xf32>,
        %get3A_391 = arith.index_cast %add3A_372 : i32 to index
        %get3A_392 = arith.constant 32 : index
        %get3A_393 = tpu.vector_load %arg10[%get3A_391, %get3A_392] {strides = array<i32>} : memref<128x128xf32, #tpu.memory_space<vmem>>, vector<16xf32>,
        %mul3A_394 = arith.mulf %get3A_390, %get3A_393 : vector<16xf32>
        %add3A_395 = arith.addf %add3A_387, %mul3A_394 : vector<16xf32>
        %get3A_396 = arith.index_cast %add3A_372 : i32 to index
        %get3A_397 = arith.constant 48 : index
        %get3A_398 = tpu.vector_load %arg8[%get3A_396, %get3A_397] {strides = array<i32>} : memref<128x128xf32, #tpu.memory_space<vmem>>, vector<16xf32>,
        %get3A_399 = arith.index_cast %add3A_372 : i32 to index
        %get3A_400 = arith.constant 48 : index
        %get3A_401 = tpu.vector_load %arg10[%get3A_399, %get3A_400] {strides = array<i32>} : memref<128x128xf32, #tpu.memory_space<vmem>>, vector<16xf32>,
        %mul3A_402 = arith.mulf %get3A_398, %get3A_401 : vector<16xf32>
        %add3A_403 = arith.addf %add3A_395, %mul3A_402 : vector<16xf32>
        %swap3A_404 = arith.constant 112 : index
        %swap3A_405 = tpu.vector_load %arg12[%swap3A_404] {strides = array<i32>} : memref<256xf32, #tpu.memory_space<vmem>>, vector<16xf32>,
        tpu.vector_store %arg12[%swap3A_404], %add3A_403 {strides = array<i32>} : memref<256xf32, #tpu.memory_space<vmem>>, vector<16xf32>,
        %mul3A_406 = arith.constant 16 : i32
        %mul3A_407 = arith.muli %add3A_111, %mul3A_406 : i32
        %add3A_408 = arith.constant 8 : i32
        %add3A_409 = arith.addi %mul3A_407, %add3A_408 : i32
        %get3A_410 = arith.index_cast %add3A_409 : i32 to index
        %get3A_411 = arith.constant 0 : index
        %get3A_412 = tpu.vector_load %arg8[%get3A_410, %get3A_411] {strides = array<i32>} : memref<128x128xf32, #tpu.memory_space<vmem>>, vector<16xf32>,
        %get3A_413 = arith.index_cast %add3A_409 : i32 to index
        %get3A_414 = arith.constant 0 : index
        %get3A_415 = tpu.vector_load %arg10[%get3A_413, %get3A_414] {strides = array<i32>} : memref<128x128xf32, #tpu.memory_space<vmem>>, vector<16xf32>,
        %mul3A_416 = arith.mulf %get3A_412, %get3A_415 : vector<16xf32>
        %get3A_417 = arith.index_cast %add3A_409 : i32 to index
        %get3A_418 = arith.constant 16 : index
        %get3A_419 = tpu.vector_load %arg8[%get3A_417, %get3A_418] {strides = array<i32>} : memref<128x128xf32, #tpu.memory_space<vmem>>, vector<16xf32>,
        %get3A_420 = arith.index_cast %add3A_409 : i32 to index
        %get3A_421 = arith.constant 16 : index
        %get3A_422 = tpu.vector_load %arg10[%get3A_420, %get3A_421] {strides = array<i32>} : memref<128x128xf32, #tpu.memory_space<vmem>>, vector<16xf32>,
        %mul3A_423 = arith.mulf %get3A_419, %get3A_422 : vector<16xf32>
        %add3A_424 = arith.addf %mul3A_416, %mul3A_423 : vector<16xf32>
        %get3A_425 = arith.index_cast %add3A_409 : i32 to index
        %get3A_426 = arith.constant 32 : index
        %get3A_427 = tpu.vector_load %arg8[%get3A_425, %get3A_426] {strides = array<i32>} : memref<128x128xf32, #tpu.memory_space<vmem>>, vector<16xf32>,
        %get3A_428 = arith.index_cast %add3A_409 : i32 to index
        %get3A_429 = arith.constant 32 : index
        %get3A_430 = tpu.vector_load %arg10[%get3A_428, %get3A_429] {strides = array<i32>} : memref<128x128xf32, #tpu.memory_space<vmem>>, vector<16xf32>,
        %mul3A_431 = arith.mulf %get3A_427, %get3A_430 : vector<16xf32>
        %add3A_432 = arith.addf %add3A_424, %mul3A_431 : vector<16xf32>
        %get3A_433 = arith.index_cast %add3A_409 : i32 to index
        %get3A_434 = arith.constant 48 : index
        %get3A_435 = tpu.vector_load %arg8[%get3A_433, %get3A_434] {strides = array<i32>} : memref<128x128xf32, #tpu.memory_space<vmem>>, vector<16xf32>,
        %get3A_436 = arith.index_cast %add3A_409 : i32 to index
        %get3A_437 = arith.constant 48 : index
        %get3A_438 = tpu.vector_load %arg10[%get3A_436, %get3A_437] {strides = array<i32>} : memref<128x128xf32, #tpu.memory_space<vmem>>, vector<16xf32>,
        %mul3A_439 = arith.mulf %get3A_435, %get3A_438 : vector<16xf32>
        %add3A_440 = arith.addf %add3A_432, %mul3A_439 : vector<16xf32>
        %swap3A_441 = arith.constant 128 : index
        %swap3A_442 = tpu.vector_load %arg12[%swap3A_441] {strides = array<i32>} : memref<256xf32, #tpu.memory_space<vmem>>, vector<16xf32>,
        tpu.vector_store %arg12[%swap3A_441], %add3A_440 {strides = array<i32>} : memref<256xf32, #tpu.memory_space<vmem>>, vector<16xf32>,
        %mul3A_443 = arith.constant 16 : i32
        %mul3A_444 = arith.muli %add3A_111, %mul3A_443 : i32
        %add3A_445 = arith.constant 9 : i32
        %add3A_446 = arith.addi %mul3A_444, %add3A_445 : i32
        %get3A_447 = arith.index_cast %add3A_446 : i32 to index
        %get3A_448 = arith.constant 0 : index
        %get3A_449 = tpu.vector_load %arg8[%get3A_447, %get3A_448] {strides = array<i32>} : memref<128x128xf32, #tpu.memory_space<vmem>>, vector<16xf32>,
        %get3A_450 = arith.index_cast %add3A_446 : i32 to index
        %get3A_451 = arith.constant 0 : index
        %get3A_452 = tpu.vector_load %arg10[%get3A_450, %get3A_451] {strides = array<i32>} : memref<128x128xf32, #tpu.memory_space<vmem>>, vector<16xf32>,
        %mul3A_453 = arith.mulf %get3A_449, %get3A_452 : vector<16xf32>
        %get3A_454 = arith.index_cast %add3A_446 : i32 to index
        %get3A_455 = arith.constant 16 : index
        %get3A_456 = tpu.vector_load %arg8[%get3A_454, %get3A_455] {strides = array<i32>} : memref<128x128xf32, #tpu.memory_space<vmem>>, vector<16xf32>,
        %get3A_457 = arith.index_cast %add3A_446 : i32 to index
        %get3A_458 = arith.constant 16 : index
        %get3A_459 = tpu.vector_load %arg10[%get3A_457, %get3A_458] {strides = array<i32>} : memref<128x128xf32, #tpu.memory_space<vmem>>, vector<16xf32>,
        %mul3A_460 = arith.mulf %get3A_456, %get3A_459 : vector<16xf32>
        %add3A_461 = arith.addf %mul3A_453, %mul3A_460 : vector<16xf32>
        %get3A_462 = arith.index_cast %add3A_446 : i32 to index
        %get3A_463 = arith.constant 32 : index
        %get3A_464 = tpu.vector_load %arg8[%get3A_462, %get3A_463] {strides = array<i32>} : memref<128x128xf32, #tpu.memory_space<vmem>>, vector<16xf32>,
        %get3A_465 = arith.index_cast %add3A_446 : i32 to index
        %get3A_466 = arith.constant 32 : index
        %get3A_467 = tpu.vector_load %arg10[%get3A_465, %get3A_466] {strides = array<i32>} : memref<128x128xf32, #tpu.memory_space<vmem>>, vector<16xf32>,
        %mul3A_468 = arith.mulf %get3A_464, %get3A_467 : vector<16xf32>
        %add3A_469 = arith.addf %add3A_461, %mul3A_468 : vector<16xf32>
        %get3A_470 = arith.index_cast %add3A_446 : i32 to index
        %get3A_471 = arith.constant 48 : index
        %get3A_472 = tpu.vector_load %arg8[%get3A_470, %get3A_471] {strides = array<i32>} : memref<128x128xf32, #tpu.memory_space<vmem>>, vector<16xf32>,
        %get3A_473 = arith.index_cast %add3A_446 : i32 to index
        %get3A_474 = arith.constant 48 : index
        %get3A_475 = tpu.vector_load %arg10[%get3A_473, %get3A_474] {strides = array<i32>} : memref<128x128xf32, #tpu.memory_space<vmem>>, vector<16xf32>,
        %mul3A_476 = arith.mulf %get3A_472, %get3A_475 : vector<16xf32>
        %add3A_477 = arith.addf %add3A_469, %mul3A_476 : vector<16xf32>
        %swap3A_478 = arith.constant 144 : index
        %swap3A_479 = tpu.vector_load %arg12[%swap3A_478] {strides = array<i32>} : memref<256xf32, #tpu.memory_space<vmem>>, vector<16xf32>,
        tpu.vector_store %arg12[%swap3A_478], %add3A_477 {strides = array<i32>} : memref<256xf32, #tpu.memory_space<vmem>>, vector<16xf32>,
        %mul3A_480 = arith.constant 16 : i32
        %mul3A_481 = arith.muli %add3A_111, %mul3A_480 : i32
        %add3A_482 = arith.constant 10 : i32
        %add3A_483 = arith.addi %mul3A_481, %add3A_482 : i32
        %get3A_484 = arith.index_cast %add3A_483 : i32 to index
        %get3A_485 = arith.constant 0 : index
        %get3A_486 = tpu.vector_load %arg8[%get3A_484, %get3A_485] {strides = array<i32>} : memref<128x128xf32, #tpu.memory_space<vmem>>, vector<16xf32>,
        %get3A_487 = arith.index_cast %add3A_483 : i32 to index
        %get3A_488 = arith.constant 0 : index
        %get3A_489 = tpu.vector_load %arg10[%get3A_487, %get3A_488] {strides = array<i32>} : memref<128x128xf32, #tpu.memory_space<vmem>>, vector<16xf32>,
        %mul3A_490 = arith.mulf %get3A_486, %get3A_489 : vector<16xf32>
        %get3A_491 = arith.index_cast %add3A_483 : i32 to index
        %get3A_492 = arith.constant 16 : index
        %get3A_493 = tpu.vector_load %arg8[%get3A_491, %get3A_492] {strides = array<i32>} : memref<128x128xf32, #tpu.memory_space<vmem>>, vector<16xf32>,
        %get3A_494 = arith.index_cast %add3A_483 : i32 to index
        %get3A_495 = arith.constant 16 : index
        %get3A_496 = tpu.vector_load %arg10[%get3A_494, %get3A_495] {strides = array<i32>} : memref<128x128xf32, #tpu.memory_space<vmem>>, vector<16xf32>,
        %mul3A_497 = arith.mulf %get3A_493, %get3A_496 : vector<16xf32>
        %add3A_498 = arith.addf %mul3A_490, %mul3A_497 : vector<16xf32>
        %get3A_499 = arith.index_cast %add3A_483 : i32 to index
        %get3A_500 = arith.constant 32 : index
        %get3A_501 = tpu.vector_load %arg8[%get3A_499, %get3A_500] {strides = array<i32>} : memref<128x128xf32, #tpu.memory_space<vmem>>, vector<16xf32>,
        %get3A_502 = arith.index_cast %add3A_483 : i32 to index
        %get3A_503 = arith.constant 32 : index
        %get3A_504 = tpu.vector_load %arg10[%get3A_502, %get3A_503] {strides = array<i32>} : memref<128x128xf32, #tpu.memory_space<vmem>>, vector<16xf32>,
        %mul3A_505 = arith.mulf %get3A_501, %get3A_504 : vector<16xf32>
        %add3A_506 = arith.addf %add3A_498, %mul3A_505 : vector<16xf32>
        %get3A_507 = arith.index_cast %add3A_483 : i32 to index
        %get3A_508 = arith.constant 48 : index
        %get3A_509 = tpu.vector_load %arg8[%get3A_507, %get3A_508] {strides = array<i32>} : memref<128x128xf32, #tpu.memory_space<vmem>>, vector<16xf32>,
        %get3A_510 = arith.index_cast %add3A_483 : i32 to index
        %get3A_511 = arith.constant 48 : index
        %get3A_512 = tpu.vector_load %arg10[%get3A_510, %get3A_511] {strides = array<i32>} : memref<128x128xf32, #tpu.memory_space<vmem>>, vector<16xf32>,
        %mul3A_513 = arith.mulf %get3A_509, %get3A_512 : vector<16xf32>
        %add3A_514 = arith.addf %add3A_506, %mul3A_513 : vector<16xf32>
        %swap3A_515 = arith.constant 160 : index
        %swap3A_516 = tpu.vector_load %arg12[%swap3A_515] {strides = array<i32>} : memref<256xf32, #tpu.memory_space<vmem>>, vector<16xf32>,
        tpu.vector_store %arg12[%swap3A_515], %add3A_514 {strides = array<i32>} : memref<256xf32, #tpu.memory_space<vmem>>, vector<16xf32>,
        %mul3A_517 = arith.constant 16 : i32
        %mul3A_518 = arith.muli %add3A_111, %mul3A_517 : i32
        %add3A_519 = arith.constant 11 : i32
        %add3A_520 = arith.addi %mul3A_518, %add3A_519 : i32
        %get3A_521 = arith.index_cast %add3A_520 : i32 to index
        %get3A_522 = arith.constant 0 : index
        %get3A_523 = tpu.vector_load %arg8[%get3A_521, %get3A_522] {strides = array<i32>} : memref<128x128xf32, #tpu.memory_space<vmem>>, vector<16xf32>,
        %get3A_524 = arith.index_cast %add3A_520 : i32 to index
        %get3A_525 = arith.constant 0 : index
        %get3A_526 = tpu.vector_load %arg10[%get3A_524, %get3A_525] {strides = array<i32>} : memref<128x128xf32, #tpu.memory_space<vmem>>, vector<16xf32>,
        %mul3A_527 = arith.mulf %get3A_523, %get3A_526 : vector<16xf32>
        %get3A_528 = arith.index_cast %add3A_520 : i32 to index
        %get3A_529 = arith.constant 16 : index
        %get3A_530 = tpu.vector_load %arg8[%get3A_528, %get3A_529] {strides = array<i32>} : memref<128x128xf32, #tpu.memory_space<vmem>>, vector<16xf32>,
        %get3A_531 = arith.index_cast %add3A_520 : i32 to index
        %get3A_532 = arith.constant 16 : index
        %get3A_533 = tpu.vector_load %arg10[%get3A_531, %get3A_532] {strides = array<i32>} : memref<128x128xf32, #tpu.memory_space<vmem>>, vector<16xf32>,
        %mul3A_534 = arith.mulf %get3A_530, %get3A_533 : vector<16xf32>
        %add3A_535 = arith.addf %mul3A_527, %mul3A_534 : vector<16xf32>
        %get3A_536 = arith.index_cast %add3A_520 : i32 to index
        %get3A_537 = arith.constant 32 : index
        %get3A_538 = tpu.vector_load %arg8[%get3A_536, %get3A_537] {strides = array<i32>} : memref<128x128xf32, #tpu.memory_space<vmem>>, vector<16xf32>,
        %get3A_539 = arith.index_cast %add3A_520 : i32 to index
        %get3A_540 = arith.constant 32 : index
        %get3A_541 = tpu.vector_load %arg10[%get3A_539, %get3A_540] {strides = array<i32>} : memref<128x128xf32, #tpu.memory_space<vmem>>, vector<16xf32>,
        %mul3A_542 = arith.mulf %get3A_538, %get3A_541 : vector<16xf32>
        %add3A_543 = arith.addf %add3A_535, %mul3A_542 : vector<16xf32>
        %get3A_544 = arith.index_cast %add3A_520 : i32 to index
        %get3A_545 = arith.constant 48 : index
        %get3A_546 = tpu.vector_load %arg8[%get3A_544, %get3A_545] {strides = array<i32>} : memref<128x128xf32, #tpu.memory_space<vmem>>, vector<16xf32>,
        %get3A_547 = arith.index_cast %add3A_520 : i32 to index
        %get3A_548 = arith.constant 48 : index
        %get3A_549 = tpu.vector_load %arg10[%get3A_547, %get3A_548] {strides = array<i32>} : memref<128x128xf32, #tpu.memory_space<vmem>>, vector<16xf32>,
        %mul3A_550 = arith.mulf %get3A_546, %get3A_549 : vector<16xf32>
        %add3A_551 = arith.addf %add3A_543, %mul3A_550 : vector<16xf32>
        %swap3A_552 = arith.constant 176 : index
        %swap3A_553 = tpu.vector_load %arg12[%swap3A_552] {strides = array<i32>} : memref<256xf32, #tpu.memory_space<vmem>>, vector<16xf32>,
        tpu.vector_store %arg12[%swap3A_552], %add3A_551 {strides = array<i32>} : memref<256xf32, #tpu.memory_space<vmem>>, vector<16xf32>,
        %mul3A_554 = arith.constant 16 : i32
        %mul3A_555 = arith.muli %add3A_111, %mul3A_554 : i32
        %add3A_556 = arith.constant 12 : i32
        %add3A_557 = arith.addi %mul3A_555, %add3A_556 : i32
        %get3A_558 = arith.index_cast %add3A_557 : i32 to index
        %get3A_559 = arith.constant 0 : index
        %get3A_560 = tpu.vector_load %arg8[%get3A_558, %get3A_559] {strides = array<i32>} : memref<128x128xf32, #tpu.memory_space<vmem>>, vector<16xf32>,
        %get3A_561 = arith.index_cast %add3A_557 : i32 to index
        %get3A_562 = arith.constant 0 : index
        %get3A_563 = tpu.vector_load %arg10[%get3A_561, %get3A_562] {strides = array<i32>} : memref<128x128xf32, #tpu.memory_space<vmem>>, vector<16xf32>,
        %mul3A_564 = arith.mulf %get3A_560, %get3A_563 : vector<16xf32>
        %get3A_565 = arith.index_cast %add3A_557 : i32 to index
        %get3A_566 = arith.constant 16 : index
        %get3A_567 = tpu.vector_load %arg8[%get3A_565, %get3A_566] {strides = array<i32>} : memref<128x128xf32, #tpu.memory_space<vmem>>, vector<16xf32>,
        %get3A_568 = arith.index_cast %add3A_557 : i32 to index
        %get3A_569 = arith.constant 16 : index
        %get3A_570 = tpu.vector_load %arg10[%get3A_568, %get3A_569] {strides = array<i32>} : memref<128x128xf32, #tpu.memory_space<vmem>>, vector<16xf32>,
        %mul3A_571 = arith.mulf %get3A_567, %get3A_570 : vector<16xf32>
        %add3A_572 = arith.addf %mul3A_564, %mul3A_571 : vector<16xf32>
        %get3A_573 = arith.index_cast %add3A_557 : i32 to index
        %get3A_574 = arith.constant 32 : index
        %get3A_575 = tpu.vector_load %arg8[%get3A_573, %get3A_574] {strides = array<i32>} : memref<128x128xf32, #tpu.memory_space<vmem>>, vector<16xf32>,
        %get3A_576 = arith.index_cast %add3A_557 : i32 to index
        %get3A_577 = arith.constant 32 : index
        %get3A_578 = tpu.vector_load %arg10[%get3A_576, %get3A_577] {strides = array<i32>} : memref<128x128xf32, #tpu.memory_space<vmem>>, vector<16xf32>,
        %mul3A_579 = arith.mulf %get3A_575, %get3A_578 : vector<16xf32>
        %add3A_580 = arith.addf %add3A_572, %mul3A_579 : vector<16xf32>
        %get3A_581 = arith.index_cast %add3A_557 : i32 to index
        %get3A_582 = arith.constant 48 : index
        %get3A_583 = tpu.vector_load %arg8[%get3A_581, %get3A_582] {strides = array<i32>} : memref<128x128xf32, #tpu.memory_space<vmem>>, vector<16xf32>,
        %get3A_584 = arith.index_cast %add3A_557 : i32 to index
        %get3A_585 = arith.constant 48 : index
        %get3A_586 = tpu.vector_load %arg10[%get3A_584, %get3A_585] {strides = array<i32>} : memref<128x128xf32, #tpu.memory_space<vmem>>, vector<16xf32>,
        %mul3A_587 = arith.mulf %get3A_583, %get3A_586 : vector<16xf32>
        %add3A_588 = arith.addf %add3A_580, %mul3A_587 : vector<16xf32>
        %swap3A_589 = arith.constant 192 : index
        %swap3A_590 = tpu.vector_load %arg12[%swap3A_589] {strides = array<i32>} : memref<256xf32, #tpu.memory_space<vmem>>, vector<16xf32>,
        tpu.vector_store %arg12[%swap3A_589], %add3A_588 {strides = array<i32>} : memref<256xf32, #tpu.memory_space<vmem>>, vector<16xf32>,
        %mul3A_591 = arith.constant 16 : i32
        %mul3A_592 = arith.muli %add3A_111, %mul3A_591 : i32
        %add3A_593 = arith.constant 13 : i32
        %add3A_594 = arith.addi %mul3A_592, %add3A_593 : i32
        %get3A_595 = arith.index_cast %add3A_594 : i32 to index
        %get3A_596 = arith.constant 0 : index
        %get3A_597 = tpu.vector_load %arg8[%get3A_595, %get3A_596] {strides = array<i32>} : memref<128x128xf32, #tpu.memory_space<vmem>>, vector<16xf32>,
        %get3A_598 = arith.index_cast %add3A_594 : i32 to index
        %get3A_599 = arith.constant 0 : index
        %get3A_600 = tpu.vector_load %arg10[%get3A_598, %get3A_599] {strides = array<i32>} : memref<128x128xf32, #tpu.memory_space<vmem>>, vector<16xf32>,
        %mul3A_601 = arith.mulf %get3A_597, %get3A_600 : vector<16xf32>
        %get3A_602 = arith.index_cast %add3A_594 : i32 to index
        %get3A_603 = arith.constant 16 : index
        %get3A_604 = tpu.vector_load %arg8[%get3A_602, %get3A_603] {strides = array<i32>} : memref<128x128xf32, #tpu.memory_space<vmem>>, vector<16xf32>,
        %get3A_605 = arith.index_cast %add3A_594 : i32 to index
        %get3A_606 = arith.constant 16 : index
        %get3A_607 = tpu.vector_load %arg10[%get3A_605, %get3A_606] {strides = array<i32>} : memref<128x128xf32, #tpu.memory_space<vmem>>, vector<16xf32>,
        %mul3A_608 = arith.mulf %get3A_604, %get3A_607 : vector<16xf32>
        %add3A_609 = arith.addf %mul3A_601, %mul3A_608 : vector<16xf32>
        %get3A_610 = arith.index_cast %add3A_594 : i32 to index
        %get3A_611 = arith.constant 32 : index
        %get3A_612 = tpu.vector_load %arg8[%get3A_610, %get3A_611] {strides = array<i32>} : memref<128x128xf32, #tpu.memory_space<vmem>>, vector<16xf32>,
        %get3A_613 = arith.index_cast %add3A_594 : i32 to index
        %get3A_614 = arith.constant 32 : index
        %get3A_615 = tpu.vector_load %arg10[%get3A_613, %get3A_614] {strides = array<i32>} : memref<128x128xf32, #tpu.memory_space<vmem>>, vector<16xf32>,
        %mul3A_616 = arith.mulf %get3A_612, %get3A_615 : vector<16xf32>
        %add3A_617 = arith.addf %add3A_609, %mul3A_616 : vector<16xf32>
        %get3A_618 = arith.index_cast %add3A_594 : i32 to index
        %get3A_619 = arith.constant 48 : index
        %get3A_620 = tpu.vector_load %arg8[%get3A_618, %get3A_619] {strides = array<i32>} : memref<128x128xf32, #tpu.memory_space<vmem>>, vector<16xf32>,
        %get3A_621 = arith.index_cast %add3A_594 : i32 to index
        %get3A_622 = arith.constant 48 : index
        %get3A_623 = tpu.vector_load %arg10[%get3A_621, %get3A_622] {strides = array<i32>} : memref<128x128xf32, #tpu.memory_space<vmem>>, vector<16xf32>,
        %mul3A_624 = arith.mulf %get3A_620, %get3A_623 : vector<16xf32>
        %add3A_625 = arith.addf %add3A_617, %mul3A_624 : vector<16xf32>
        %swap3A_626 = arith.constant 208 : index
        %swap3A_627 = tpu.vector_load %arg12[%swap3A_626] {strides = array<i32>} : memref<256xf32, #tpu.memory_space<vmem>>, vector<16xf32>,
        tpu.vector_store %arg12[%swap3A_626], %add3A_625 {strides = array<i32>} : memref<256xf32, #tpu.memory_space<vmem>>, vector<16xf32>,
        %mul3A_628 = arith.constant 16 : i32
        %mul3A_629 = arith.muli %add3A_111, %mul3A_628 : i32
        %add3A_630 = arith.constant 14 : i32
        %add3A_631 = arith.addi %mul3A_629, %add3A_630 : i32
        %get3A_632 = arith.index_cast %add3A_631 : i32 to index
        %get3A_633 = arith.constant 0 : index
        %get3A_634 = tpu.vector_load %arg8[%get3A_632, %get3A_633] {strides = array<i32>} : memref<128x128xf32, #tpu.memory_space<vmem>>, vector<16xf32>,
        %get3A_635 = arith.index_cast %add3A_631 : i32 to index
        %get3A_636 = arith.constant 0 : index
        %get3A_637 = tpu.vector_load %arg10[%get3A_635, %get3A_636] {strides = array<i32>} : memref<128x128xf32, #tpu.memory_space<vmem>>, vector<16xf32>,
        %mul3A_638 = arith.mulf %get3A_634, %get3A_637 : vector<16xf32>
        %get3A_639 = arith.index_cast %add3A_631 : i32 to index
        %get3A_640 = arith.constant 16 : index
        %get3A_641 = tpu.vector_load %arg8[%get3A_639, %get3A_640] {strides = array<i32>} : memref<128x128xf32, #tpu.memory_space<vmem>>, vector<16xf32>,
        %get3A_642 = arith.index_cast %add3A_631 : i32 to index
        %get3A_643 = arith.constant 16 : index
        %get3A_644 = tpu.vector_load %arg10[%get3A_642, %get3A_643] {strides = array<i32>} : memref<128x128xf32, #tpu.memory_space<vmem>>, vector<16xf32>,
        %mul3A_645 = arith.mulf %get3A_641, %get3A_644 : vector<16xf32>
        %add3A_646 = arith.addf %mul3A_638, %mul3A_645 : vector<16xf32>
        %get3A_647 = arith.index_cast %add3A_631 : i32 to index
        %get3A_648 = arith.constant 32 : index
        %get3A_649 = tpu.vector_load %arg8[%get3A_647, %get3A_648] {strides = array<i32>} : memref<128x128xf32, #tpu.memory_space<vmem>>, vector<16xf32>,
        %get3A_650 = arith.index_cast %add3A_631 : i32 to index
        %get3A_651 = arith.constant 32 : index
        %get3A_652 = tpu.vector_load %arg10[%get3A_650, %get3A_651] {strides = array<i32>} : memref<128x128xf32, #tpu.memory_space<vmem>>, vector<16xf32>,
        %mul3A_653 = arith.mulf %get3A_649, %get3A_652 : vector<16xf32>
        %add3A_654 = arith.addf %add3A_646, %mul3A_653 : vector<16xf32>
        %get3A_655 = arith.index_cast %add3A_631 : i32 to index
        %get3A_656 = arith.constant 48 : index
        %get3A_657 = tpu.vector_load %arg8[%get3A_655, %get3A_656] {strides = array<i32>} : memref<128x128xf32, #tpu.memory_space<vmem>>, vector<16xf32>,
        %get3A_658 = arith.index_cast %add3A_631 : i32 to index
        %get3A_659 = arith.constant 48 : index
        %get3A_660 = tpu.vector_load %arg10[%get3A_658, %get3A_659] {strides = array<i32>} : memref<128x128xf32, #tpu.memory_space<vmem>>, vector<16xf32>,
        %mul3A_661 = arith.mulf %get3A_657, %get3A_660 : vector<16xf32>
        %add3A_662 = arith.addf %add3A_654, %mul3A_661 : vector<16xf32>
        %swap3A_663 = arith.constant 224 : index
        %swap3A_664 = tpu.vector_load %arg12[%swap3A_663] {strides = array<i32>} : memref<256xf32, #tpu.memory_space<vmem>>, vector<16xf32>,
        tpu.vector_store %arg12[%swap3A_663], %add3A_662 {strides = array<i32>} : memref<256xf32, #tpu.memory_space<vmem>>, vector<16xf32>,
        %mul3A_665 = arith.constant 16 : i32
        %mul3A_666 = arith.muli %add3A_111, %mul3A_665 : i32
        %add3A_667 = arith.constant 15 : i32
        %add3A_668 = arith.addi %mul3A_666, %add3A_667 : i32
        %get3A_669 = arith.index_cast %add3A_668 : i32 to index
        %get3A_670 = arith.constant 0 : index
        %get3A_671 = tpu.vector_load %arg8[%get3A_669, %get3A_670] {strides = array<i32>} : memref<128x128xf32, #tpu.memory_space<vmem>>, vector<16xf32>,
        %get3A_672 = arith.index_cast %add3A_668 : i32 to index
        %get3A_673 = arith.constant 0 : index
        %get3A_674 = tpu.vector_load %arg10[%get3A_672, %get3A_673] {strides = array<i32>} : memref<128x128xf32, #tpu.memory_space<vmem>>, vector<16xf32>,
        %mul3A_675 = arith.mulf %get3A_671, %get3A_674 : vector<16xf32>
        %get3A_676 = arith.index_cast %add3A_668 : i32 to index
        %get3A_677 = arith.constant 16 : index
        %get3A_678 = tpu.vector_load %arg8[%get3A_676, %get3A_677] {strides = array<i32>} : memref<128x128xf32, #tpu.memory_space<vmem>>, vector<16xf32>,
        %get3A_679 = arith.index_cast %add3A_668 : i32 to index
        %get3A_680 = arith.constant 16 : index
        %get3A_681 = tpu.vector_load %arg10[%get3A_679, %get3A_680] {strides = array<i32>} : memref<128x128xf32, #tpu.memory_space<vmem>>, vector<16xf32>,
        %mul3A_682 = arith.mulf %get3A_678, %get3A_681 : vector<16xf32>
        %add3A_683 = arith.addf %mul3A_675, %mul3A_682 : vector<16xf32>
        %get3A_684 = arith.index_cast %add3A_668 : i32 to index
        %get3A_685 = arith.constant 32 : index
        %get3A_686 = tpu.vector_load %arg8[%get3A_684, %get3A_685] {strides = array<i32>} : memref<128x128xf32, #tpu.memory_space<vmem>>, vector<16xf32>,
        %get3A_687 = arith.index_cast %add3A_668 : i32 to index
        %get3A_688 = arith.constant 32 : index
        %get3A_689 = tpu.vector_load %arg10[%get3A_687, %get3A_688] {strides = array<i32>} : memref<128x128xf32, #tpu.memory_space<vmem>>, vector<16xf32>,
        %mul3A_690 = arith.mulf %get3A_686, %get3A_689 : vector<16xf32>
        %add3A_691 = arith.addf %add3A_683, %mul3A_690 : vector<16xf32>
        %get3A_692 = arith.index_cast %add3A_668 : i32 to index
        %get3A_693 = arith.constant 48 : index
        %get3A_694 = tpu.vector_load %arg8[%get3A_692, %get3A_693] {strides = array<i32>} : memref<128x128xf32, #tpu.memory_space<vmem>>, vector<16xf32>,
        %get3A_695 = arith.index_cast %add3A_668 : i32 to index
        %get3A_696 = arith.constant 48 : index
        %get3A_697 = tpu.vector_load %arg10[%get3A_695, %get3A_696] {strides = array<i32>} : memref<128x128xf32, #tpu.memory_space<vmem>>, vector<16xf32>,
        %mul3A_698 = arith.mulf %get3A_694, %get3A_697 : vector<16xf32>
        %add3A_699 = arith.addf %add3A_691, %mul3A_698 : vector<16xf32>
        %swap3A_700 = arith.constant 240 : index
        %swap3A_701 = tpu.vector_load %arg12[%swap3A_700] {strides = array<i32>} : memref<256xf32, #tpu.memory_space<vmem>>, vector<16xf32>,
        tpu.vector_store %arg12[%swap3A_700], %add3A_699 {strides = array<i32>} : memref<256xf32, #tpu.memory_space<vmem>>, vector<16xf32>,
        %gather3A = tpu.vector_load_idx %arg12[%add3A_35] : memref<256xf32, #tpu.memory_space<vmem>>[vector<16xi32>], vector<16xf32>,
        %add3A_702 = arith.constant 1 : i32
        %add3A_703 = vector.broadcast %add3A_702 : i32 to vector<16xi32>
        %add3A_704 = arith.addi %add3A_35, %add3A_703 : vector<16xi32>
        %gather3A_705 = tpu.vector_load_idx %arg12[%add3A_704] : memref<256xf32, #tpu.memory_space<vmem>>[vector<16xi32>], vector<16xf32>,
        %add3A_706 = arith.addf %gather3A, %gather3A_705 : vector<16xf32>
        %add3A_707 = arith.constant 2 : i32
        %add3A_708 = vector.broadcast %add3A_707 : i32 to vector<16xi32>
        %add3A_709 = arith.addi %add3A_35, %add3A_708 : vector<16xi32>
        %gather3A_710 = tpu.vector_load_idx %arg12[%add3A_709] : memref<256xf32, #tpu.memory_space<vmem>>[vector<16xi32>], vector<16xf32>,
        %add3A_711 = arith.addf %add3A_706, %gather3A_710 : vector<16xf32>
        %add3A_712 = arith.constant 3 : i32
        %add3A_713 = vector.broadcast %add3A_712 : i32 to vector<16xi32>
        %add3A_714 = arith.addi %add3A_35, %add3A_713 : vector<16xi32>
        %gather3A_715 = tpu.vector_load_idx %arg12[%add3A_714] : memref<256xf32, #tpu.memory_space<vmem>>[vector<16xi32>], vector<16xf32>,
        %add3A_716 = arith.addf %add3A_711, %gather3A_715 : vector<16xf32>
        %add3A_717 = arith.constant 4 : i32
        %add3A_718 = vector.broadcast %add3A_717 : i32 to vector<16xi32>
        %add3A_719 = arith.addi %add3A_35, %add3A_718 : vector<16xi32>
        %gather3A_720 = tpu.vector_load_idx %arg12[%add3A_719] : memref<256xf32, #tpu.memory_space<vmem>>[vector<16xi32>], vector<16xf32>,
        %add3A_721 = arith.addf %add3A_716, %gather3A_720 : vector<16xf32>
        %add3A_722 = arith.constant 5 : i32
        %add3A_723 = vector.broadcast %add3A_722 : i32 to vector<16xi32>
        %add3A_724 = arith.addi %add3A_35, %add3A_723 : vector<16xi32>
        %gather3A_725 = tpu.vector_load_idx %arg12[%add3A_724] : memref<256xf32, #tpu.memory_space<vmem>>[vector<16xi32>], vector<16xf32>,
        %add3A_726 = arith.addf %add3A_721, %gather3A_725 : vector<16xf32>
        %add3A_727 = arith.constant 6 : i32
        %add3A_728 = vector.broadcast %add3A_727 : i32 to vector<16xi32>
        %add3A_729 = arith.addi %add3A_35, %add3A_728 : vector<16xi32>
        %gather3A_730 = tpu.vector_load_idx %arg12[%add3A_729] : memref<256xf32, #tpu.memory_space<vmem>>[vector<16xi32>], vector<16xf32>,
        %add3A_731 = arith.addf %add3A_726, %gather3A_730 : vector<16xf32>
        %add3A_732 = arith.constant 7 : i32
        %add3A_733 = vector.broadcast %add3A_732 : i32 to vector<16xi32>
        %add3A_734 = arith.addi %add3A_35, %add3A_733 : vector<16xi32>
        %gather3A_735 = tpu.vector_load_idx %arg12[%add3A_734] : memref<256xf32, #tpu.memory_space<vmem>>[vector<16xi32>], vector<16xf32>,
        %add3A_736 = arith.addf %add3A_731, %gather3A_735 : vector<16xf32>
        %add3A_737 = arith.constant 8 : i32
        %add3A_738 = vector.broadcast %add3A_737 : i32 to vector<16xi32>
        %add3A_739 = arith.addi %add3A_35, %add3A_738 : vector<16xi32>
        %gather3A_740 = tpu.vector_load_idx %arg12[%add3A_739] : memref<256xf32, #tpu.memory_space<vmem>>[vector<16xi32>], vector<16xf32>,
        %add3A_741 = arith.addf %add3A_736, %gather3A_740 : vector<16xf32>
        %add3A_742 = arith.constant 9 : i32
        %add3A_743 = vector.broadcast %add3A_742 : i32 to vector<16xi32>
        %add3A_744 = arith.addi %add3A_35, %add3A_743 : vector<16xi32>
        %gather3A_745 = tpu.vector_load_idx %arg12[%add3A_744] : memref<256xf32, #tpu.memory_space<vmem>>[vector<16xi32>], vector<16xf32>,
        %add3A_746 = arith.addf %add3A_741, %gather3A_745 : vector<16xf32>
        %add3A_747 = arith.constant 10 : i32
        %add3A_748 = vector.broadcast %add3A_747 : i32 to vector<16xi32>
        %add3A_749 = arith.addi %add3A_35, %add3A_748 : vector<16xi32>
        %gather3A_750 = tpu.vector_load_idx %arg12[%add3A_749] : memref<256xf32, #tpu.memory_space<vmem>>[vector<16xi32>], vector<16xf32>,
        %add3A_751 = arith.addf %add3A_746, %gather3A_750 : vector<16xf32>
        %add3A_752 = arith.constant 11 : i32
        %add3A_753 = vector.broadcast %add3A_752 : i32 to vector<16xi32>
        %add3A_754 = arith.addi %add3A_35, %add3A_753 : vector<16xi32>
        %gather3A_755 = tpu.vector_load_idx %arg12[%add3A_754] : memref<256xf32, #tpu.memory_space<vmem>>[vector<16xi32>], vector<16xf32>,
        %add3A_756 = arith.addf %add3A_751, %gather3A_755 : vector<16xf32>
        %add3A_757 = arith.constant 12 : i32
        %add3A_758 = vector.broadcast %add3A_757 : i32 to vector<16xi32>
        %add3A_759 = arith.addi %add3A_35, %add3A_758 : vector<16xi32>
        %gather3A_760 = tpu.vector_load_idx %arg12[%add3A_759] : memref<256xf32, #tpu.memory_space<vmem>>[vector<16xi32>], vector<16xf32>,
        %add3A_761 = arith.addf %add3A_756, %gather3A_760 : vector<16xf32>
        %add3A_762 = arith.constant 13 : i32
        %add3A_763 = vector.broadcast %add3A_762 : i32 to vector<16xi32>
        %add3A_764 = arith.addi %add3A_35, %add3A_763 : vector<16xi32>
        %gather3A_765 = tpu.vector_load_idx %arg12[%add3A_764] : memref<256xf32, #tpu.memory_space<vmem>>[vector<16xi32>], vector<16xf32>,
        %add3A_766 = arith.addf %add3A_761, %gather3A_765 : vector<16xf32>
        %add3A_767 = arith.constant 14 : i32
        %add3A_768 = vector.broadcast %add3A_767 : i32 to vector<16xi32>
        %add3A_769 = arith.addi %add3A_35, %add3A_768 : vector<16xi32>
        %gather3A_770 = tpu.vector_load_idx %arg12[%add3A_769] : memref<256xf32, #tpu.memory_space<vmem>>[vector<16xi32>], vector<16xf32>,
        %add3A_771 = arith.addf %add3A_766, %gather3A_770 : vector<16xf32>
        %add3A_772 = arith.constant 15 : i32
        %add3A_773 = vector.broadcast %add3A_772 : i32 to vector<16xi32>
        %add3A_774 = arith.addi %add3A_35, %add3A_773 : vector<16xi32>
        %gather3A_775 = tpu.vector_load_idx %arg12[%add3A_774] : memref<256xf32, #tpu.memory_space<vmem>>[vector<16xi32>], vector<16xf32>,
        %add3A_776 = arith.addf %add3A_771, %gather3A_775 : vector<16xf32>
        %mul3A_777 = arith.constant 16 : i32
        %mul3A_778 = arith.muli %add3A_111, %mul3A_777 : i32
        %swap3A_779 = arith.index_cast %mul3A_778 : i32 to index
        %swap3A_780 = tpu.vector_load %arg13[%swap3A_779] {strides = array<i32>} : memref<128xf32, #tpu.memory_space<vmem>>, vector<16xf32>,
        tpu.vector_store %arg13[%swap3A_779], %add3A_776 {strides = array<i32>} : memref<128xf32, #tpu.memory_space<vmem>>, vector<16xf32>,
      }
      %scan3A_62 = arith.constant 8 : i32
      %add3A_63 = arith.addi %mul3A_2, %add3A_44 : i32
      %add3A_64 = arith.constant 0 : i32
      %add3A_65 = arith.addi %add3A_63, %add3A_64 : i32
      %mul3A_66 = arith.constant 128 : i32
      %mul3A_67 = arith.muli %add3A_65, %mul3A_66 : i32
      "tpu.region"() ({
        %run_scoped3A = tpu.sem_alloc : memref<!tpu.dma_semaphore, #tpu.memory_space<semaphore_mem>>
        %dma_start3A_107 = tpu.memref_slice %arg5[%mul3A_67] : memref<65536xf32, #tpu.memory_space<hbm>> -> memref<128xf32, #tpu.memory_space<hbm>>
        %dma_start3A_108 = tpu.memref_slice %arg5[%mul3A_67] : memref<65536xf32, #tpu.memory_space<hbm>> -> memref<128xf32, #tpu.memory_space<hbm>>
        tpu.enqueue_dma source(%arg13 : memref<128xf32, #tpu.memory_space<vmem>>) target(%dma_start3A_108 : memref<128xf32, #tpu.memory_space<hbm>>) target_semaphore(%run_scoped3A : memref<!tpu.dma_semaphore, #tpu.memory_space<semaphore_mem>>)
        %dma_wait3A_109 = tpu.memref_slice %arg5[%mul3A_67] : memref<65536xf32, #tpu.memory_space<hbm>> -> memref<128xf32, #tpu.memory_space<hbm>>
        %dma_wait3A_110 = tpu.memref_slice %arg5[%mul3A_67] : memref<65536xf32, #tpu.memory_space<hbm>> -> memref<128xf32, #tpu.memory_space<hbm>>
        tpu.wait_dma2 semaphore(%run_scoped3A : memref<!tpu.dma_semaphore, #tpu.memory_space<semaphore_mem>>) src(%arg13 : memref<128xf32, #tpu.memory_space<vmem>>) dst(%dma_wait3A_110 : memref<128xf32, #tpu.memory_space<hbm>>)
        tpu.yield
      }) : () -> ()
      %add3A_68 = arith.constant 2 : i32
      %add3A_69 = arith.addi %add3A_44, %add3A_68 : i32
      %add3A_70 = arith.constant 0 : i32
      %add3A_71 = arith.addi %add3A_69, %add3A_70 : i32
      %lt3A = arith.constant 16 : i32
      %lt3A_72 = arith.cmpi slt, %add3A_71, %lt3A : i32
      %convert_element_type3A = arith.extui %lt3A_72 : i1 to i32
      %cond3A = arith.constant 0 : i32
      %cond3A_73 = arith.cmpi ne, %convert_element_type3A, %cond3A : i32
      scf.if %cond3A_73 {
        %add3A_107 = arith.constant 2 : i32
        %add3A_108 = arith.addi %add3A_44, %add3A_107 : i32
        %add3A_109 = arith.constant 0 : i32
        %add3A_110 = arith.addi %add3A_108, %add3A_109 : i32
        %dma_start3A_111 = arith.constant 0 : i32
        %dma_start3A_112 = tpu.memref_slice %arg6[%add3A_110, %dma_start3A_111] : memref<16x128xi32, #tpu.memory_space<vmem>> -> memref<1x128xi32, #tpu.memory_space<vmem>>
        %dma_start3A_113 = tpu.memref_squeeze %dma_start3A_112 : memref<1x128xi32, #tpu.memory_space<vmem>> -> memref<128xi32, #tpu.memory_space<vmem>>
        %dma_start3A_114 = arith.constant 0 : i32
        %dma_start3A_115 = arith.constant 0 : i32
        %dma_start3A_116 = tpu.memref_slice %arg4[%dma_start3A_114, %dma_start3A_115] : memref<10000x128xf32, #tpu.memory_space<hbm>> -> memref<10000x128xf32, #tpu.memory_space<hbm>>
        tpu.enqueue_indirect_dma source(%dma_start3A_116 : memref<10000x128xf32, #tpu.memory_space<hbm>>) target(%arg8 : memref<128x128xf32, #tpu.memory_space<vmem>>) offsets(%dma_start3A_113 : memref<128xi32, #tpu.memory_space<vmem>>) semaphore(%arg15 : memref<!tpu.dma_semaphore, #tpu.memory_space<semaphore_mem>>)
        %add3A_117 = arith.constant 2 : i32
        %add3A_118 = arith.addi %add3A_44, %add3A_117 : i32
        %add3A_119 = arith.constant 0 : i32
        %add3A_120 = arith.addi %add3A_118, %add3A_119 : i32
        %dma_start3A_121 = arith.constant 0 : i32
        %dma_start3A_122 = tpu.memref_slice %arg7[%add3A_120, %dma_start3A_121] : memref<16x128xi32, #tpu.memory_space<vmem>> -> memref<1x128xi32, #tpu.memory_space<vmem>>
        %dma_start3A_123 = tpu.memref_squeeze %dma_start3A_122 : memref<1x128xi32, #tpu.memory_space<vmem>> -> memref<128xi32, #tpu.memory_space<vmem>>
        %dma_start3A_124 = arith.constant 0 : i32
        %dma_start3A_125 = arith.constant 0 : i32
        %dma_start3A_126 = tpu.memref_slice %arg4[%dma_start3A_124, %dma_start3A_125] : memref<10000x128xf32, #tpu.memory_space<hbm>> -> memref<10000x128xf32, #tpu.memory_space<hbm>>
        tpu.enqueue_indirect_dma source(%dma_start3A_126 : memref<10000x128xf32, #tpu.memory_space<hbm>>) target(%arg10 : memref<128x128xf32, #tpu.memory_space<vmem>>) offsets(%dma_start3A_123 : memref<128xi32, #tpu.memory_space<vmem>>) semaphore(%arg17 : memref<!tpu.dma_semaphore, #tpu.memory_space<semaphore_mem>>)
      } else {
      }
      %dma_wait3A_74 = arith.constant 0 : i32
      %dma_wait3A_75 = arith.constant 0 : i32
      %dma_wait3A_76 = tpu.memref_slice %arg6[%dma_wait3A_74, %dma_wait3A_75] : memref<16x128xi32, #tpu.memory_space<vmem>> -> memref<1x128xi32, #tpu.memory_space<vmem>>
      %dma_wait3A_77 = tpu.memref_squeeze %dma_wait3A_76 : memref<1x128xi32, #tpu.memory_space<vmem>> -> memref<128xi32, #tpu.memory_space<vmem>>
      %dma_wait3A_78 = arith.constant 0 : i32
      %dma_wait3A_79 = arith.constant 0 : i32
      %dma_wait3A_80 = tpu.memref_slice %arg4[%dma_wait3A_78, %dma_wait3A_79] : memref<10000x128xf32, #tpu.memory_space<hbm>> -> memref<10000x128xf32, #tpu.memory_space<hbm>>
      tpu.wait_indirect_dma semaphore(%arg16 : memref<!tpu.dma_semaphore, #tpu.memory_space<semaphore_mem>>) src(%dma_wait3A_80 : memref<10000x128xf32, #tpu.memory_space<hbm>>) dst(%arg9 : memref<128x128xf32, #tpu.memory_space<vmem>>)
      %dma_wait3A_81 = arith.constant 0 : i32
      %dma_wait3A_82 = arith.constant 0 : i32
      %dma_wait3A_83 = tpu.memref_slice %arg7[%dma_wait3A_81, %dma_wait3A_82] : memref<16x128xi32, #tpu.memory_space<vmem>> -> memref<1x128xi32, #tpu.memory_space<vmem>>
      %dma_wait3A_84 = tpu.memref_squeeze %dma_wait3A_83 : memref<1x128xi32, #tpu.memory_space<vmem>> -> memref<128xi32, #tpu.memory_space<vmem>>
      %dma_wait3A_85 = arith.constant 0 : i32
      %dma_wait3A_86 = arith.constant 0 : i32
      %dma_wait3A_87 = tpu.memref_slice %arg4[%dma_wait3A_85, %dma_wait3A_86] : memref<10000x128xf32, #tpu.memory_space<hbm>> -> memref<10000x128xf32, #tpu.memory_space<hbm>>
      tpu.wait_indirect_dma semaphore(%arg18 : memref<!tpu.dma_semaphore, #tpu.memory_space<semaphore_mem>>) src(%dma_wait3A_87 : memref<10000x128xf32, #tpu.memory_space<hbm>>) dst(%arg11 : memref<128x128xf32, #tpu.memory_space<vmem>>)
      %scan3A_88 = arith.constant 0 : i32
      %scan3A_89 = arith.constant 8 : i32
      %scan3A_90 = arith.addi %scan3A_88, %scan3A_89 : i32
      %scan3A_91 = arith.constant 1 : i32
      scf.for %scan3A_107 = %scan3A_88 to %scan3A_90 step %scan3A_91  : i32 {
        %mul3A_108 = arith.constant 1 : i32
        %mul3A_109 = arith.muli %scan3A_107, %mul3A_108 : i32
        %add3A_110 = arith.constant 0 : i32
        %add3A_111 = arith.addi %add3A_110, %mul3A_109 : i32
        %mul3A_112 = arith.constant 16 : i32
        %mul3A_113 = arith.muli %add3A_111, %mul3A_112 : i32
        %add3A_114 = arith.constant 0 : i32
        %add3A_115 = arith.addi %mul3A_113, %add3A_114 : i32
        %get3A = arith.index_cast %add3A_115 : i32 to index
        %get3A_116 = arith.constant 0 : index
        %get3A_117 = tpu.vector_load %arg9[%get3A, %get3A_116] {strides = array<i32>} : memref<128x128xf32, #tpu.memory_space<vmem>>, vector<16xf32>,
        %get3A_118 = arith.index_cast %add3A_115 : i32 to index
        %get3A_119 = arith.constant 0 : index
        %get3A_120 = tpu.vector_load %arg11[%get3A_118, %get3A_119] {strides = array<i32>} : memref<128x128xf32, #tpu.memory_space<vmem>>, vector<16xf32>,
        %mul3A_121 = arith.mulf %get3A_117, %get3A_120 : vector<16xf32>
        %get3A_122 = arith.index_cast %add3A_115 : i32 to index
        %get3A_123 = arith.constant 16 : index
        %get3A_124 = tpu.vector_load %arg9[%get3A_122, %get3A_123] {strides = array<i32>} : memref<128x128xf32, #tpu.memory_space<vmem>>, vector<16xf32>,
        %get3A_125 = arith.index_cast %add3A_115 : i32 to index
        %get3A_126 = arith.constant 16 : index
        %get3A_127 = tpu.vector_load %arg11[%get3A_125, %get3A_126] {strides = array<i32>} : memref<128x128xf32, #tpu.memory_space<vmem>>, vector<16xf32>,
        %mul3A_128 = arith.mulf %get3A_124, %get3A_127 : vector<16xf32>
        %add3A_129 = arith.addf %mul3A_121, %mul3A_128 : vector<16xf32>
        %get3A_130 = arith.index_cast %add3A_115 : i32 to index
        %get3A_131 = arith.constant 32 : index
        %get3A_132 = tpu.vector_load %arg9[%get3A_130, %get3A_131] {strides = array<i32>} : memref<128x128xf32, #tpu.memory_space<vmem>>, vector<16xf32>,
        %get3A_133 = arith.index_cast %add3A_115 : i32 to index
        %get3A_134 = arith.constant 32 : index
        %get3A_135 = tpu.vector_load %arg11[%get3A_133, %get3A_134] {strides = array<i32>} : memref<128x128xf32, #tpu.memory_space<vmem>>, vector<16xf32>,
        %mul3A_136 = arith.mulf %get3A_132, %get3A_135 : vector<16xf32>
        %add3A_137 = arith.addf %add3A_129, %mul3A_136 : vector<16xf32>
        %get3A_138 = arith.index_cast %add3A_115 : i32 to index
        %get3A_139 = arith.constant 48 : index
        %get3A_140 = tpu.vector_load %arg9[%get3A_138, %get3A_139] {strides = array<i32>} : memref<128x128xf32, #tpu.memory_space<vmem>>, vector<16xf32>,
        %get3A_141 = arith.index_cast %add3A_115 : i32 to index
        %get3A_142 = arith.constant 48 : index
        %get3A_143 = tpu.vector_load %arg11[%get3A_141, %get3A_142] {strides = array<i32>} : memref<128x128xf32, #tpu.memory_space<vmem>>, vector<16xf32>,
        %mul3A_144 = arith.mulf %get3A_140, %get3A_143 : vector<16xf32>
        %add3A_145 = arith.addf %add3A_137, %mul3A_144 : vector<16xf32>
        %swap3A = arith.constant 0 : index
        %swap3A_146 = tpu.vector_load %arg12[%swap3A] {strides = array<i32>} : memref<256xf32, #tpu.memory_space<vmem>>, vector<16xf32>,
        tpu.vector_store %arg12[%swap3A], %add3A_145 {strides = array<i32>} : memref<256xf32, #tpu.memory_space<vmem>>, vector<16xf32>,
        %mul3A_147 = arith.constant 16 : i32
        %mul3A_148 = arith.muli %add3A_111, %mul3A_147 : i32
        %add3A_149 = arith.constant 1 : i32
        %add3A_150 = arith.addi %mul3A_148, %add3A_149 : i32
        %get3A_151 = arith.index_cast %add3A_150 : i32 to index
        %get3A_152 = arith.constant 0 : index
        %get3A_153 = tpu.vector_load %arg9[%get3A_151, %get3A_152] {strides = array<i32>} : memref<128x128xf32, #tpu.memory_space<vmem>>, vector<16xf32>,
        %get3A_154 = arith.index_cast %add3A_150 : i32 to index
        %get3A_155 = arith.constant 0 : index
        %get3A_156 = tpu.vector_load %arg11[%get3A_154, %get3A_155] {strides = array<i32>} : memref<128x128xf32, #tpu.memory_space<vmem>>, vector<16xf32>,
        %mul3A_157 = arith.mulf %get3A_153, %get3A_156 : vector<16xf32>
        %get3A_158 = arith.index_cast %add3A_150 : i32 to index
        %get3A_159 = arith.constant 16 : index
        %get3A_160 = tpu.vector_load %arg9[%get3A_158, %get3A_159] {strides = array<i32>} : memref<128x128xf32, #tpu.memory_space<vmem>>, vector<16xf32>,
        %get3A_161 = arith.index_cast %add3A_150 : i32 to index
        %get3A_162 = arith.constant 16 : index
        %get3A_163 = tpu.vector_load %arg11[%get3A_161, %get3A_162] {strides = array<i32>} : memref<128x128xf32, #tpu.memory_space<vmem>>, vector<16xf32>,
        %mul3A_164 = arith.mulf %get3A_160, %get3A_163 : vector<16xf32>
        %add3A_165 = arith.addf %mul3A_157, %mul3A_164 : vector<16xf32>
        %get3A_166 = arith.index_cast %add3A_150 : i32 to index
        %get3A_167 = arith.constant 32 : index
        %get3A_168 = tpu.vector_load %arg9[%get3A_166, %get3A_167] {strides = array<i32>} : memref<128x128xf32, #tpu.memory_space<vmem>>, vector<16xf32>,
        %get3A_169 = arith.index_cast %add3A_150 : i32 to index
        %get3A_170 = arith.constant 32 : index
        %get3A_171 = tpu.vector_load %arg11[%get3A_169, %get3A_170] {strides = array<i32>} : memref<128x128xf32, #tpu.memory_space<vmem>>, vector<16xf32>,
        %mul3A_172 = arith.mulf %get3A_168, %get3A_171 : vector<16xf32>
        %add3A_173 = arith.addf %add3A_165, %mul3A_172 : vector<16xf32>
        %get3A_174 = arith.index_cast %add3A_150 : i32 to index
        %get3A_175 = arith.constant 48 : index
        %get3A_176 = tpu.vector_load %arg9[%get3A_174, %get3A_175] {strides = array<i32>} : memref<128x128xf32, #tpu.memory_space<vmem>>, vector<16xf32>,
        %get3A_177 = arith.index_cast %add3A_150 : i32 to index
        %get3A_178 = arith.constant 48 : index
        %get3A_179 = tpu.vector_load %arg11[%get3A_177, %get3A_178] {strides = array<i32>} : memref<128x128xf32, #tpu.memory_space<vmem>>, vector<16xf32>,
        %mul3A_180 = arith.mulf %get3A_176, %get3A_179 : vector<16xf32>
        %add3A_181 = arith.addf %add3A_173, %mul3A_180 : vector<16xf32>
        %swap3A_182 = arith.constant 16 : index
        %swap3A_183 = tpu.vector_load %arg12[%swap3A_182] {strides = array<i32>} : memref<256xf32, #tpu.memory_space<vmem>>, vector<16xf32>,
        tpu.vector_store %arg12[%swap3A_182], %add3A_181 {strides = array<i32>} : memref<256xf32, #tpu.memory_space<vmem>>, vector<16xf32>,
        %mul3A_184 = arith.constant 16 : i32
        %mul3A_185 = arith.muli %add3A_111, %mul3A_184 : i32
        %add3A_186 = arith.constant 2 : i32
        %add3A_187 = arith.addi %mul3A_185, %add3A_186 : i32
        %get3A_188 = arith.index_cast %add3A_187 : i32 to index
        %get3A_189 = arith.constant 0 : index
        %get3A_190 = tpu.vector_load %arg9[%get3A_188, %get3A_189] {strides = array<i32>} : memref<128x128xf32, #tpu.memory_space<vmem>>, vector<16xf32>,
        %get3A_191 = arith.index_cast %add3A_187 : i32 to index
        %get3A_192 = arith.constant 0 : index
        %get3A_193 = tpu.vector_load %arg11[%get3A_191, %get3A_192] {strides = array<i32>} : memref<128x128xf32, #tpu.memory_space<vmem>>, vector<16xf32>,
        %mul3A_194 = arith.mulf %get3A_190, %get3A_193 : vector<16xf32>
        %get3A_195 = arith.index_cast %add3A_187 : i32 to index
        %get3A_196 = arith.constant 16 : index
        %get3A_197 = tpu.vector_load %arg9[%get3A_195, %get3A_196] {strides = array<i32>} : memref<128x128xf32, #tpu.memory_space<vmem>>, vector<16xf32>,
        %get3A_198 = arith.index_cast %add3A_187 : i32 to index
        %get3A_199 = arith.constant 16 : index
        %get3A_200 = tpu.vector_load %arg11[%get3A_198, %get3A_199] {strides = array<i32>} : memref<128x128xf32, #tpu.memory_space<vmem>>, vector<16xf32>,
        %mul3A_201 = arith.mulf %get3A_197, %get3A_200 : vector<16xf32>
        %add3A_202 = arith.addf %mul3A_194, %mul3A_201 : vector<16xf32>
        %get3A_203 = arith.index_cast %add3A_187 : i32 to index
        %get3A_204 = arith.constant 32 : index
        %get3A_205 = tpu.vector_load %arg9[%get3A_203, %get3A_204] {strides = array<i32>} : memref<128x128xf32, #tpu.memory_space<vmem>>, vector<16xf32>,
        %get3A_206 = arith.index_cast %add3A_187 : i32 to index
        %get3A_207 = arith.constant 32 : index
        %get3A_208 = tpu.vector_load %arg11[%get3A_206, %get3A_207] {strides = array<i32>} : memref<128x128xf32, #tpu.memory_space<vmem>>, vector<16xf32>,
        %mul3A_209 = arith.mulf %get3A_205, %get3A_208 : vector<16xf32>
        %add3A_210 = arith.addf %add3A_202, %mul3A_209 : vector<16xf32>
        %get3A_211 = arith.index_cast %add3A_187 : i32 to index
        %get3A_212 = arith.constant 48 : index
        %get3A_213 = tpu.vector_load %arg9[%get3A_211, %get3A_212] {strides = array<i32>} : memref<128x128xf32, #tpu.memory_space<vmem>>, vector<16xf32>,
        %get3A_214 = arith.index_cast %add3A_187 : i32 to index
        %get3A_215 = arith.constant 48 : index
        %get3A_216 = tpu.vector_load %arg11[%get3A_214, %get3A_215] {strides = array<i32>} : memref<128x128xf32, #tpu.memory_space<vmem>>, vector<16xf32>,
        %mul3A_217 = arith.mulf %get3A_213, %get3A_216 : vector<16xf32>
        %add3A_218 = arith.addf %add3A_210, %mul3A_217 : vector<16xf32>
        %swap3A_219 = arith.constant 32 : index
        %swap3A_220 = tpu.vector_load %arg12[%swap3A_219] {strides = array<i32>} : memref<256xf32, #tpu.memory_space<vmem>>, vector<16xf32>,
        tpu.vector_store %arg12[%swap3A_219], %add3A_218 {strides = array<i32>} : memref<256xf32, #tpu.memory_space<vmem>>, vector<16xf32>,
        %mul3A_221 = arith.constant 16 : i32
        %mul3A_222 = arith.muli %add3A_111, %mul3A_221 : i32
        %add3A_223 = arith.constant 3 : i32
        %add3A_224 = arith.addi %mul3A_222, %add3A_223 : i32
        %get3A_225 = arith.index_cast %add3A_224 : i32 to index
        %get3A_226 = arith.constant 0 : index
        %get3A_227 = tpu.vector_load %arg9[%get3A_225, %get3A_226] {strides = array<i32>} : memref<128x128xf32, #tpu.memory_space<vmem>>, vector<16xf32>,
        %get3A_228 = arith.index_cast %add3A_224 : i32 to index
        %get3A_229 = arith.constant 0 : index
        %get3A_230 = tpu.vector_load %arg11[%get3A_228, %get3A_229] {strides = array<i32>} : memref<128x128xf32, #tpu.memory_space<vmem>>, vector<16xf32>,
        %mul3A_231 = arith.mulf %get3A_227, %get3A_230 : vector<16xf32>
        %get3A_232 = arith.index_cast %add3A_224 : i32 to index
        %get3A_233 = arith.constant 16 : index
        %get3A_234 = tpu.vector_load %arg9[%get3A_232, %get3A_233] {strides = array<i32>} : memref<128x128xf32, #tpu.memory_space<vmem>>, vector<16xf32>,
        %get3A_235 = arith.index_cast %add3A_224 : i32 to index
        %get3A_236 = arith.constant 16 : index
        %get3A_237 = tpu.vector_load %arg11[%get3A_235, %get3A_236] {strides = array<i32>} : memref<128x128xf32, #tpu.memory_space<vmem>>, vector<16xf32>,
        %mul3A_238 = arith.mulf %get3A_234, %get3A_237 : vector<16xf32>
        %add3A_239 = arith.addf %mul3A_231, %mul3A_238 : vector<16xf32>
        %get3A_240 = arith.index_cast %add3A_224 : i32 to index
        %get3A_241 = arith.constant 32 : index
        %get3A_242 = tpu.vector_load %arg9[%get3A_240, %get3A_241] {strides = array<i32>} : memref<128x128xf32, #tpu.memory_space<vmem>>, vector<16xf32>,
        %get3A_243 = arith.index_cast %add3A_224 : i32 to index
        %get3A_244 = arith.constant 32 : index
        %get3A_245 = tpu.vector_load %arg11[%get3A_243, %get3A_244] {strides = array<i32>} : memref<128x128xf32, #tpu.memory_space<vmem>>, vector<16xf32>,
        %mul3A_246 = arith.mulf %get3A_242, %get3A_245 : vector<16xf32>
        %add3A_247 = arith.addf %add3A_239, %mul3A_246 : vector<16xf32>
        %get3A_248 = arith.index_cast %add3A_224 : i32 to index
        %get3A_249 = arith.constant 48 : index
        %get3A_250 = tpu.vector_load %arg9[%get3A_248, %get3A_249] {strides = array<i32>} : memref<128x128xf32, #tpu.memory_space<vmem>>, vector<16xf32>,
        %get3A_251 = arith.index_cast %add3A_224 : i32 to index
        %get3A_252 = arith.constant 48 : index
        %get3A_253 = tpu.vector_load %arg11[%get3A_251, %get3A_252] {strides = array<i32>} : memref<128x128xf32, #tpu.memory_space<vmem>>, vector<16xf32>,
        %mul3A_254 = arith.mulf %get3A_250, %get3A_253 : vector<16xf32>
        %add3A_255 = arith.addf %add3A_247, %mul3A_254 : vector<16xf32>
        %swap3A_256 = arith.constant 48 : index
        %swap3A_257 = tpu.vector_load %arg12[%swap3A_256] {strides = array<i32>} : memref<256xf32, #tpu.memory_space<vmem>>, vector<16xf32>,
        tpu.vector_store %arg12[%swap3A_256], %add3A_255 {strides = array<i32>} : memref<256xf32, #tpu.memory_space<vmem>>, vector<16xf32>,
        %mul3A_258 = arith.constant 16 : i32
        %mul3A_259 = arith.muli %add3A_111, %mul3A_258 : i32
        %add3A_260 = arith.constant 4 : i32
        %add3A_261 = arith.addi %mul3A_259, %add3A_260 : i32
        %get3A_262 = arith.index_cast %add3A_261 : i32 to index
        %get3A_263 = arith.constant 0 : index
        %get3A_264 = tpu.vector_load %arg9[%get3A_262, %get3A_263] {strides = array<i32>} : memref<128x128xf32, #tpu.memory_space<vmem>>, vector<16xf32>,
        %get3A_265 = arith.index_cast %add3A_261 : i32 to index
        %get3A_266 = arith.constant 0 : index
        %get3A_267 = tpu.vector_load %arg11[%get3A_265, %get3A_266] {strides = array<i32>} : memref<128x128xf32, #tpu.memory_space<vmem>>, vector<16xf32>,
        %mul3A_268 = arith.mulf %get3A_264, %get3A_267 : vector<16xf32>
        %get3A_269 = arith.index_cast %add3A_261 : i32 to index
        %get3A_270 = arith.constant 16 : index
        %get3A_271 = tpu.vector_load %arg9[%get3A_269, %get3A_270] {strides = array<i32>} : memref<128x128xf32, #tpu.memory_space<vmem>>, vector<16xf32>,
        %get3A_272 = arith.index_cast %add3A_261 : i32 to index
        %get3A_273 = arith.constant 16 : index
        %get3A_274 = tpu.vector_load %arg11[%get3A_272, %get3A_273] {strides = array<i32>} : memref<128x128xf32, #tpu.memory_space<vmem>>, vector<16xf32>,
        %mul3A_275 = arith.mulf %get3A_271, %get3A_274 : vector<16xf32>
        %add3A_276 = arith.addf %mul3A_268, %mul3A_275 : vector<16xf32>
        %get3A_277 = arith.index_cast %add3A_261 : i32 to index
        %get3A_278 = arith.constant 32 : index
        %get3A_279 = tpu.vector_load %arg9[%get3A_277, %get3A_278] {strides = array<i32>} : memref<128x128xf32, #tpu.memory_space<vmem>>, vector<16xf32>,
        %get3A_280 = arith.index_cast %add3A_261 : i32 to index
        %get3A_281 = arith.constant 32 : index
        %get3A_282 = tpu.vector_load %arg11[%get3A_280, %get3A_281] {strides = array<i32>} : memref<128x128xf32, #tpu.memory_space<vmem>>, vector<16xf32>,
        %mul3A_283 = arith.mulf %get3A_279, %get3A_282 : vector<16xf32>
        %add3A_284 = arith.addf %add3A_276, %mul3A_283 : vector<16xf32>
        %get3A_285 = arith.index_cast %add3A_261 : i32 to index
        %get3A_286 = arith.constant 48 : index
        %get3A_287 = tpu.vector_load %arg9[%get3A_285, %get3A_286] {strides = array<i32>} : memref<128x128xf32, #tpu.memory_space<vmem>>, vector<16xf32>,
        %get3A_288 = arith.index_cast %add3A_261 : i32 to index
        %get3A_289 = arith.constant 48 : index
        %get3A_290 = tpu.vector_load %arg11[%get3A_288, %get3A_289] {strides = array<i32>} : memref<128x128xf32, #tpu.memory_space<vmem>>, vector<16xf32>,
        %mul3A_291 = arith.mulf %get3A_287, %get3A_290 : vector<16xf32>
        %add3A_292 = arith.addf %add3A_284, %mul3A_291 : vector<16xf32>
        %swap3A_293 = arith.constant 64 : index
        %swap3A_294 = tpu.vector_load %arg12[%swap3A_293] {strides = array<i32>} : memref<256xf32, #tpu.memory_space<vmem>>, vector<16xf32>,
        tpu.vector_store %arg12[%swap3A_293], %add3A_292 {strides = array<i32>} : memref<256xf32, #tpu.memory_space<vmem>>, vector<16xf32>,
        %mul3A_295 = arith.constant 16 : i32
        %mul3A_296 = arith.muli %add3A_111, %mul3A_295 : i32
        %add3A_297 = arith.constant 5 : i32
        %add3A_298 = arith.addi %mul3A_296, %add3A_297 : i32
        %get3A_299 = arith.index_cast %add3A_298 : i32 to index
        %get3A_300 = arith.constant 0 : index
        %get3A_301 = tpu.vector_load %arg9[%get3A_299, %get3A_300] {strides = array<i32>} : memref<128x128xf32, #tpu.memory_space<vmem>>, vector<16xf32>,
        %get3A_302 = arith.index_cast %add3A_298 : i32 to index
        %get3A_303 = arith.constant 0 : index
        %get3A_304 = tpu.vector_load %arg11[%get3A_302, %get3A_303] {strides = array<i32>} : memref<128x128xf32, #tpu.memory_space<vmem>>, vector<16xf32>,
        %mul3A_305 = arith.mulf %get3A_301, %get3A_304 : vector<16xf32>
        %get3A_306 = arith.index_cast %add3A_298 : i32 to index
        %get3A_307 = arith.constant 16 : index
        %get3A_308 = tpu.vector_load %arg9[%get3A_306, %get3A_307] {strides = array<i32>} : memref<128x128xf32, #tpu.memory_space<vmem>>, vector<16xf32>,
        %get3A_309 = arith.index_cast %add3A_298 : i32 to index
        %get3A_310 = arith.constant 16 : index
        %get3A_311 = tpu.vector_load %arg11[%get3A_309, %get3A_310] {strides = array<i32>} : memref<128x128xf32, #tpu.memory_space<vmem>>, vector<16xf32>,
        %mul3A_312 = arith.mulf %get3A_308, %get3A_311 : vector<16xf32>
        %add3A_313 = arith.addf %mul3A_305, %mul3A_312 : vector<16xf32>
        %get3A_314 = arith.index_cast %add3A_298 : i32 to index
        %get3A_315 = arith.constant 32 : index
        %get3A_316 = tpu.vector_load %arg9[%get3A_314, %get3A_315] {strides = array<i32>} : memref<128x128xf32, #tpu.memory_space<vmem>>, vector<16xf32>,
        %get3A_317 = arith.index_cast %add3A_298 : i32 to index
        %get3A_318 = arith.constant 32 : index
        %get3A_319 = tpu.vector_load %arg11[%get3A_317, %get3A_318] {strides = array<i32>} : memref<128x128xf32, #tpu.memory_space<vmem>>, vector<16xf32>,
        %mul3A_320 = arith.mulf %get3A_316, %get3A_319 : vector<16xf32>
        %add3A_321 = arith.addf %add3A_313, %mul3A_320 : vector<16xf32>
        %get3A_322 = arith.index_cast %add3A_298 : i32 to index
        %get3A_323 = arith.constant 48 : index
        %get3A_324 = tpu.vector_load %arg9[%get3A_322, %get3A_323] {strides = array<i32>} : memref<128x128xf32, #tpu.memory_space<vmem>>, vector<16xf32>,
        %get3A_325 = arith.index_cast %add3A_298 : i32 to index
        %get3A_326 = arith.constant 48 : index
        %get3A_327 = tpu.vector_load %arg11[%get3A_325, %get3A_326] {strides = array<i32>} : memref<128x128xf32, #tpu.memory_space<vmem>>, vector<16xf32>,
        %mul3A_328 = arith.mulf %get3A_324, %get3A_327 : vector<16xf32>
        %add3A_329 = arith.addf %add3A_321, %mul3A_328 : vector<16xf32>
        %swap3A_330 = arith.constant 80 : index
        %swap3A_331 = tpu.vector_load %arg12[%swap3A_330] {strides = array<i32>} : memref<256xf32, #tpu.memory_space<vmem>>, vector<16xf32>,
        tpu.vector_store %arg12[%swap3A_330], %add3A_329 {strides = array<i32>} : memref<256xf32, #tpu.memory_space<vmem>>, vector<16xf32>,
        %mul3A_332 = arith.constant 16 : i32
        %mul3A_333 = arith.muli %add3A_111, %mul3A_332 : i32
        %add3A_334 = arith.constant 6 : i32
        %add3A_335 = arith.addi %mul3A_333, %add3A_334 : i32
        %get3A_336 = arith.index_cast %add3A_335 : i32 to index
        %get3A_337 = arith.constant 0 : index
        %get3A_338 = tpu.vector_load %arg9[%get3A_336, %get3A_337] {strides = array<i32>} : memref<128x128xf32, #tpu.memory_space<vmem>>, vector<16xf32>,
        %get3A_339 = arith.index_cast %add3A_335 : i32 to index
        %get3A_340 = arith.constant 0 : index
        %get3A_341 = tpu.vector_load %arg11[%get3A_339, %get3A_340] {strides = array<i32>} : memref<128x128xf32, #tpu.memory_space<vmem>>, vector<16xf32>,
        %mul3A_342 = arith.mulf %get3A_338, %get3A_341 : vector<16xf32>
        %get3A_343 = arith.index_cast %add3A_335 : i32 to index
        %get3A_344 = arith.constant 16 : index
        %get3A_345 = tpu.vector_load %arg9[%get3A_343, %get3A_344] {strides = array<i32>} : memref<128x128xf32, #tpu.memory_space<vmem>>, vector<16xf32>,
        %get3A_346 = arith.index_cast %add3A_335 : i32 to index
        %get3A_347 = arith.constant 16 : index
        %get3A_348 = tpu.vector_load %arg11[%get3A_346, %get3A_347] {strides = array<i32>} : memref<128x128xf32, #tpu.memory_space<vmem>>, vector<16xf32>,
        %mul3A_349 = arith.mulf %get3A_345, %get3A_348 : vector<16xf32>
        %add3A_350 = arith.addf %mul3A_342, %mul3A_349 : vector<16xf32>
        %get3A_351 = arith.index_cast %add3A_335 : i32 to index
        %get3A_352 = arith.constant 32 : index
        %get3A_353 = tpu.vector_load %arg9[%get3A_351, %get3A_352] {strides = array<i32>} : memref<128x128xf32, #tpu.memory_space<vmem>>, vector<16xf32>,
        %get3A_354 = arith.index_cast %add3A_335 : i32 to index
        %get3A_355 = arith.constant 32 : index
        %get3A_356 = tpu.vector_load %arg11[%get3A_354, %get3A_355] {strides = array<i32>} : memref<128x128xf32, #tpu.memory_space<vmem>>, vector<16xf32>,
        %mul3A_357 = arith.mulf %get3A_353, %get3A_356 : vector<16xf32>
        %add3A_358 = arith.addf %add3A_350, %mul3A_357 : vector<16xf32>
        %get3A_359 = arith.index_cast %add3A_335 : i32 to index
        %get3A_360 = arith.constant 48 : index
        %get3A_361 = tpu.vector_load %arg9[%get3A_359, %get3A_360] {strides = array<i32>} : memref<128x128xf32, #tpu.memory_space<vmem>>, vector<16xf32>,
        %get3A_362 = arith.index_cast %add3A_335 : i32 to index
        %get3A_363 = arith.constant 48 : index
        %get3A_364 = tpu.vector_load %arg11[%get3A_362, %get3A_363] {strides = array<i32>} : memref<128x128xf32, #tpu.memory_space<vmem>>, vector<16xf32>,
        %mul3A_365 = arith.mulf %get3A_361, %get3A_364 : vector<16xf32>
        %add3A_366 = arith.addf %add3A_358, %mul3A_365 : vector<16xf32>
        %swap3A_367 = arith.constant 96 : index
        %swap3A_368 = tpu.vector_load %arg12[%swap3A_367] {strides = array<i32>} : memref<256xf32, #tpu.memory_space<vmem>>, vector<16xf32>,
        tpu.vector_store %arg12[%swap3A_367], %add3A_366 {strides = array<i32>} : memref<256xf32, #tpu.memory_space<vmem>>, vector<16xf32>,
        %mul3A_369 = arith.constant 16 : i32
        %mul3A_370 = arith.muli %add3A_111, %mul3A_369 : i32
        %add3A_371 = arith.constant 7 : i32
        %add3A_372 = arith.addi %mul3A_370, %add3A_371 : i32
        %get3A_373 = arith.index_cast %add3A_372 : i32 to index
        %get3A_374 = arith.constant 0 : index
        %get3A_375 = tpu.vector_load %arg9[%get3A_373, %get3A_374] {strides = array<i32>} : memref<128x128xf32, #tpu.memory_space<vmem>>, vector<16xf32>,
        %get3A_376 = arith.index_cast %add3A_372 : i32 to index
        %get3A_377 = arith.constant 0 : index
        %get3A_378 = tpu.vector_load %arg11[%get3A_376, %get3A_377] {strides = array<i32>} : memref<128x128xf32, #tpu.memory_space<vmem>>, vector<16xf32>,
        %mul3A_379 = arith.mulf %get3A_375, %get3A_378 : vector<16xf32>
        %get3A_380 = arith.index_cast %add3A_372 : i32 to index
        %get3A_381 = arith.constant 16 : index
        %get3A_382 = tpu.vector_load %arg9[%get3A_380, %get3A_381] {strides = array<i32>} : memref<128x128xf32, #tpu.memory_space<vmem>>, vector<16xf32>,
        %get3A_383 = arith.index_cast %add3A_372 : i32 to index
        %get3A_384 = arith.constant 16 : index
        %get3A_385 = tpu.vector_load %arg11[%get3A_383, %get3A_384] {strides = array<i32>} : memref<128x128xf32, #tpu.memory_space<vmem>>, vector<16xf32>,
        %mul3A_386 = arith.mulf %get3A_382, %get3A_385 : vector<16xf32>
        %add3A_387 = arith.addf %mul3A_379, %mul3A_386 : vector<16xf32>
        %get3A_388 = arith.index_cast %add3A_372 : i32 to index
        %get3A_389 = arith.constant 32 : index
        %get3A_390 = tpu.vector_load %arg9[%get3A_388, %get3A_389] {strides = array<i32>} : memref<128x128xf32, #tpu.memory_space<vmem>>, vector<16xf32>,
        %get3A_391 = arith.index_cast %add3A_372 : i32 to index
        %get3A_392 = arith.constant 32 : index
        %get3A_393 = tpu.vector_load %arg11[%get3A_391, %get3A_392] {strides = array<i32>} : memref<128x128xf32, #tpu.memory_space<vmem>>, vector<16xf32>,
        %mul3A_394 = arith.mulf %get3A_390, %get3A_393 : vector<16xf32>
        %add3A_395 = arith.addf %add3A_387, %mul3A_394 : vector<16xf32>
        %get3A_396 = arith.index_cast %add3A_372 : i32 to index
        %get3A_397 = arith.constant 48 : index
        %get3A_398 = tpu.vector_load %arg9[%get3A_396, %get3A_397] {strides = array<i32>} : memref<128x128xf32, #tpu.memory_space<vmem>>, vector<16xf32>,
        %get3A_399 = arith.index_cast %add3A_372 : i32 to index
        %get3A_400 = arith.constant 48 : index
        %get3A_401 = tpu.vector_load %arg11[%get3A_399, %get3A_400] {strides = array<i32>} : memref<128x128xf32, #tpu.memory_space<vmem>>, vector<16xf32>,
        %mul3A_402 = arith.mulf %get3A_398, %get3A_401 : vector<16xf32>
        %add3A_403 = arith.addf %add3A_395, %mul3A_402 : vector<16xf32>
        %swap3A_404 = arith.constant 112 : index
        %swap3A_405 = tpu.vector_load %arg12[%swap3A_404] {strides = array<i32>} : memref<256xf32, #tpu.memory_space<vmem>>, vector<16xf32>,
        tpu.vector_store %arg12[%swap3A_404], %add3A_403 {strides = array<i32>} : memref<256xf32, #tpu.memory_space<vmem>>, vector<16xf32>,
        %mul3A_406 = arith.constant 16 : i32
        %mul3A_407 = arith.muli %add3A_111, %mul3A_406 : i32
        %add3A_408 = arith.constant 8 : i32
        %add3A_409 = arith.addi %mul3A_407, %add3A_408 : i32
        %get3A_410 = arith.index_cast %add3A_409 : i32 to index
        %get3A_411 = arith.constant 0 : index
        %get3A_412 = tpu.vector_load %arg9[%get3A_410, %get3A_411] {strides = array<i32>} : memref<128x128xf32, #tpu.memory_space<vmem>>, vector<16xf32>,
        %get3A_413 = arith.index_cast %add3A_409 : i32 to index
        %get3A_414 = arith.constant 0 : index
        %get3A_415 = tpu.vector_load %arg11[%get3A_413, %get3A_414] {strides = array<i32>} : memref<128x128xf32, #tpu.memory_space<vmem>>, vector<16xf32>,
        %mul3A_416 = arith.mulf %get3A_412, %get3A_415 : vector<16xf32>
        %get3A_417 = arith.index_cast %add3A_409 : i32 to index
        %get3A_418 = arith.constant 16 : index
        %get3A_419 = tpu.vector_load %arg9[%get3A_417, %get3A_418] {strides = array<i32>} : memref<128x128xf32, #tpu.memory_space<vmem>>, vector<16xf32>,
        %get3A_420 = arith.index_cast %add3A_409 : i32 to index
        %get3A_421 = arith.constant 16 : index
        %get3A_422 = tpu.vector_load %arg11[%get3A_420, %get3A_421] {strides = array<i32>} : memref<128x128xf32, #tpu.memory_space<vmem>>, vector<16xf32>,
        %mul3A_423 = arith.mulf %get3A_419, %get3A_422 : vector<16xf32>
        %add3A_424 = arith.addf %mul3A_416, %mul3A_423 : vector<16xf32>
        %get3A_425 = arith.index_cast %add3A_409 : i32 to index
        %get3A_426 = arith.constant 32 : index
        %get3A_427 = tpu.vector_load %arg9[%get3A_425, %get3A_426] {strides = array<i32>} : memref<128x128xf32, #tpu.memory_space<vmem>>, vector<16xf32>,
        %get3A_428 = arith.index_cast %add3A_409 : i32 to index
        %get3A_429 = arith.constant 32 : index
        %get3A_430 = tpu.vector_load %arg11[%get3A_428, %get3A_429] {strides = array<i32>} : memref<128x128xf32, #tpu.memory_space<vmem>>, vector<16xf32>,
        %mul3A_431 = arith.mulf %get3A_427, %get3A_430 : vector<16xf32>
        %add3A_432 = arith.addf %add3A_424, %mul3A_431 : vector<16xf32>
        %get3A_433 = arith.index_cast %add3A_409 : i32 to index
        %get3A_434 = arith.constant 48 : index
        %get3A_435 = tpu.vector_load %arg9[%get3A_433, %get3A_434] {strides = array<i32>} : memref<128x128xf32, #tpu.memory_space<vmem>>, vector<16xf32>,
        %get3A_436 = arith.index_cast %add3A_409 : i32 to index
        %get3A_437 = arith.constant 48 : index
        %get3A_438 = tpu.vector_load %arg11[%get3A_436, %get3A_437] {strides = array<i32>} : memref<128x128xf32, #tpu.memory_space<vmem>>, vector<16xf32>,
        %mul3A_439 = arith.mulf %get3A_435, %get3A_438 : vector<16xf32>
        %add3A_440 = arith.addf %add3A_432, %mul3A_439 : vector<16xf32>
        %swap3A_441 = arith.constant 128 : index
        %swap3A_442 = tpu.vector_load %arg12[%swap3A_441] {strides = array<i32>} : memref<256xf32, #tpu.memory_space<vmem>>, vector<16xf32>,
        tpu.vector_store %arg12[%swap3A_441], %add3A_440 {strides = array<i32>} : memref<256xf32, #tpu.memory_space<vmem>>, vector<16xf32>,
        %mul3A_443 = arith.constant 16 : i32
        %mul3A_444 = arith.muli %add3A_111, %mul3A_443 : i32
        %add3A_445 = arith.constant 9 : i32
        %add3A_446 = arith.addi %mul3A_444, %add3A_445 : i32
        %get3A_447 = arith.index_cast %add3A_446 : i32 to index
        %get3A_448 = arith.constant 0 : index
        %get3A_449 = tpu.vector_load %arg9[%get3A_447, %get3A_448] {strides = array<i32>} : memref<128x128xf32, #tpu.memory_space<vmem>>, vector<16xf32>,
        %get3A_450 = arith.index_cast %add3A_446 : i32 to index
        %get3A_451 = arith.constant 0 : index
        %get3A_452 = tpu.vector_load %arg11[%get3A_450, %get3A_451] {strides = array<i32>} : memref<128x128xf32, #tpu.memory_space<vmem>>, vector<16xf32>,
        %mul3A_453 = arith.mulf %get3A_449, %get3A_452 : vector<16xf32>
        %get3A_454 = arith.index_cast %add3A_446 : i32 to index
        %get3A_455 = arith.constant 16 : index
        %get3A_456 = tpu.vector_load %arg9[%get3A_454, %get3A_455] {strides = array<i32>} : memref<128x128xf32, #tpu.memory_space<vmem>>, vector<16xf32>,
        %get3A_457 = arith.index_cast %add3A_446 : i32 to index
        %get3A_458 = arith.constant 16 : index
        %get3A_459 = tpu.vector_load %arg11[%get3A_457, %get3A_458] {strides = array<i32>} : memref<128x128xf32, #tpu.memory_space<vmem>>, vector<16xf32>,
        %mul3A_460 = arith.mulf %get3A_456, %get3A_459 : vector<16xf32>
        %add3A_461 = arith.addf %mul3A_453, %mul3A_460 : vector<16xf32>
        %get3A_462 = arith.index_cast %add3A_446 : i32 to index
        %get3A_463 = arith.constant 32 : index
        %get3A_464 = tpu.vector_load %arg9[%get3A_462, %get3A_463] {strides = array<i32>} : memref<128x128xf32, #tpu.memory_space<vmem>>, vector<16xf32>,
        %get3A_465 = arith.index_cast %add3A_446 : i32 to index
        %get3A_466 = arith.constant 32 : index
        %get3A_467 = tpu.vector_load %arg11[%get3A_465, %get3A_466] {strides = array<i32>} : memref<128x128xf32, #tpu.memory_space<vmem>>, vector<16xf32>,
        %mul3A_468 = arith.mulf %get3A_464, %get3A_467 : vector<16xf32>
        %add3A_469 = arith.addf %add3A_461, %mul3A_468 : vector<16xf32>
        %get3A_470 = arith.index_cast %add3A_446 : i32 to index
        %get3A_471 = arith.constant 48 : index
        %get3A_472 = tpu.vector_load %arg9[%get3A_470, %get3A_471] {strides = array<i32>} : memref<128x128xf32, #tpu.memory_space<vmem>>, vector<16xf32>,
        %get3A_473 = arith.index_cast %add3A_446 : i32 to index
        %get3A_474 = arith.constant 48 : index
        %get3A_475 = tpu.vector_load %arg11[%get3A_473, %get3A_474] {strides = array<i32>} : memref<128x128xf32, #tpu.memory_space<vmem>>, vector<16xf32>,
        %mul3A_476 = arith.mulf %get3A_472, %get3A_475 : vector<16xf32>
        %add3A_477 = arith.addf %add3A_469, %mul3A_476 : vector<16xf32>
        %swap3A_478 = arith.constant 144 : index
        %swap3A_479 = tpu.vector_load %arg12[%swap3A_478] {strides = array<i32>} : memref<256xf32, #tpu.memory_space<vmem>>, vector<16xf32>,
        tpu.vector_store %arg12[%swap3A_478], %add3A_477 {strides = array<i32>} : memref<256xf32, #tpu.memory_space<vmem>>, vector<16xf32>,
        %mul3A_480 = arith.constant 16 : i32
        %mul3A_481 = arith.muli %add3A_111, %mul3A_480 : i32
        %add3A_482 = arith.constant 10 : i32
        %add3A_483 = arith.addi %mul3A_481, %add3A_482 : i32
        %get3A_484 = arith.index_cast %add3A_483 : i32 to index
        %get3A_485 = arith.constant 0 : index
        %get3A_486 = tpu.vector_load %arg9[%get3A_484, %get3A_485] {strides = array<i32>} : memref<128x128xf32, #tpu.memory_space<vmem>>, vector<16xf32>,
        %get3A_487 = arith.index_cast %add3A_483 : i32 to index
        %get3A_488 = arith.constant 0 : index
        %get3A_489 = tpu.vector_load %arg11[%get3A_487, %get3A_488] {strides = array<i32>} : memref<128x128xf32, #tpu.memory_space<vmem>>, vector<16xf32>,
        %mul3A_490 = arith.mulf %get3A_486, %get3A_489 : vector<16xf32>
        %get3A_491 = arith.index_cast %add3A_483 : i32 to index
        %get3A_492 = arith.constant 16 : index
        %get3A_493 = tpu.vector_load %arg9[%get3A_491, %get3A_492] {strides = array<i32>} : memref<128x128xf32, #tpu.memory_space<vmem>>, vector<16xf32>,
        %get3A_494 = arith.index_cast %add3A_483 : i32 to index
        %get3A_495 = arith.constant 16 : index
        %get3A_496 = tpu.vector_load %arg11[%get3A_494, %get3A_495] {strides = array<i32>} : memref<128x128xf32, #tpu.memory_space<vmem>>, vector<16xf32>,
        %mul3A_497 = arith.mulf %get3A_493, %get3A_496 : vector<16xf32>
        %add3A_498 = arith.addf %mul3A_490, %mul3A_497 : vector<16xf32>
        %get3A_499 = arith.index_cast %add3A_483 : i32 to index
        %get3A_500 = arith.constant 32 : index
        %get3A_501 = tpu.vector_load %arg9[%get3A_499, %get3A_500] {strides = array<i32>} : memref<128x128xf32, #tpu.memory_space<vmem>>, vector<16xf32>,
        %get3A_502 = arith.index_cast %add3A_483 : i32 to index
        %get3A_503 = arith.constant 32 : index
        %get3A_504 = tpu.vector_load %arg11[%get3A_502, %get3A_503] {strides = array<i32>} : memref<128x128xf32, #tpu.memory_space<vmem>>, vector<16xf32>,
        %mul3A_505 = arith.mulf %get3A_501, %get3A_504 : vector<16xf32>
        %add3A_506 = arith.addf %add3A_498, %mul3A_505 : vector<16xf32>
        %get3A_507 = arith.index_cast %add3A_483 : i32 to index
        %get3A_508 = arith.constant 48 : index
        %get3A_509 = tpu.vector_load %arg9[%get3A_507, %get3A_508] {strides = array<i32>} : memref<128x128xf32, #tpu.memory_space<vmem>>, vector<16xf32>,
        %get3A_510 = arith.index_cast %add3A_483 : i32 to index
        %get3A_511 = arith.constant 48 : index
        %get3A_512 = tpu.vector_load %arg11[%get3A_510, %get3A_511] {strides = array<i32>} : memref<128x128xf32, #tpu.memory_space<vmem>>, vector<16xf32>,
        %mul3A_513 = arith.mulf %get3A_509, %get3A_512 : vector<16xf32>
        %add3A_514 = arith.addf %add3A_506, %mul3A_513 : vector<16xf32>
        %swap3A_515 = arith.constant 160 : index
        %swap3A_516 = tpu.vector_load %arg12[%swap3A_515] {strides = array<i32>} : memref<256xf32, #tpu.memory_space<vmem>>, vector<16xf32>,
        tpu.vector_store %arg12[%swap3A_515], %add3A_514 {strides = array<i32>} : memref<256xf32, #tpu.memory_space<vmem>>, vector<16xf32>,
        %mul3A_517 = arith.constant 16 : i32
        %mul3A_518 = arith.muli %add3A_111, %mul3A_517 : i32
        %add3A_519 = arith.constant 11 : i32
        %add3A_520 = arith.addi %mul3A_518, %add3A_519 : i32
        %get3A_521 = arith.index_cast %add3A_520 : i32 to index
        %get3A_522 = arith.constant 0 : index
        %get3A_523 = tpu.vector_load %arg9[%get3A_521, %get3A_522] {strides = array<i32>} : memref<128x128xf32, #tpu.memory_space<vmem>>, vector<16xf32>,
        %get3A_524 = arith.index_cast %add3A_520 : i32 to index
        %get3A_525 = arith.constant 0 : index
        %get3A_526 = tpu.vector_load %arg11[%get3A_524, %get3A_525] {strides = array<i32>} : memref<128x128xf32, #tpu.memory_space<vmem>>, vector<16xf32>,
        %mul3A_527 = arith.mulf %get3A_523, %get3A_526 : vector<16xf32>
        %get3A_528 = arith.index_cast %add3A_520 : i32 to index
        %get3A_529 = arith.constant 16 : index
        %get3A_530 = tpu.vector_load %arg9[%get3A_528, %get3A_529] {strides = array<i32>} : memref<128x128xf32, #tpu.memory_space<vmem>>, vector<16xf32>,
        %get3A_531 = arith.index_cast %add3A_520 : i32 to index
        %get3A_532 = arith.constant 16 : index
        %get3A_533 = tpu.vector_load %arg11[%get3A_531, %get3A_532] {strides = array<i32>} : memref<128x128xf32, #tpu.memory_space<vmem>>, vector<16xf32>,
        %mul3A_534 = arith.mulf %get3A_530, %get3A_533 : vector<16xf32>
        %add3A_535 = arith.addf %mul3A_527, %mul3A_534 : vector<16xf32>
        %get3A_536 = arith.index_cast %add3A_520 : i32 to index
        %get3A_537 = arith.constant 32 : index
        %get3A_538 = tpu.vector_load %arg9[%get3A_536, %get3A_537] {strides = array<i32>} : memref<128x128xf32, #tpu.memory_space<vmem>>, vector<16xf32>,
        %get3A_539 = arith.index_cast %add3A_520 : i32 to index
        %get3A_540 = arith.constant 32 : index
        %get3A_541 = tpu.vector_load %arg11[%get3A_539, %get3A_540] {strides = array<i32>} : memref<128x128xf32, #tpu.memory_space<vmem>>, vector<16xf32>,
        %mul3A_542 = arith.mulf %get3A_538, %get3A_541 : vector<16xf32>
        %add3A_543 = arith.addf %add3A_535, %mul3A_542 : vector<16xf32>
        %get3A_544 = arith.index_cast %add3A_520 : i32 to index
        %get3A_545 = arith.constant 48 : index
        %get3A_546 = tpu.vector_load %arg9[%get3A_544, %get3A_545] {strides = array<i32>} : memref<128x128xf32, #tpu.memory_space<vmem>>, vector<16xf32>,
        %get3A_547 = arith.index_cast %add3A_520 : i32 to index
        %get3A_548 = arith.constant 48 : index
        %get3A_549 = tpu.vector_load %arg11[%get3A_547, %get3A_548] {strides = array<i32>} : memref<128x128xf32, #tpu.memory_space<vmem>>, vector<16xf32>,
        %mul3A_550 = arith.mulf %get3A_546, %get3A_549 : vector<16xf32>
        %add3A_551 = arith.addf %add3A_543, %mul3A_550 : vector<16xf32>
        %swap3A_552 = arith.constant 176 : index
        %swap3A_553 = tpu.vector_load %arg12[%swap3A_552] {strides = array<i32>} : memref<256xf32, #tpu.memory_space<vmem>>, vector<16xf32>,
        tpu.vector_store %arg12[%swap3A_552], %add3A_551 {strides = array<i32>} : memref<256xf32, #tpu.memory_space<vmem>>, vector<16xf32>,
        %mul3A_554 = arith.constant 16 : i32
        %mul3A_555 = arith.muli %add3A_111, %mul3A_554 : i32
        %add3A_556 = arith.constant 12 : i32
        %add3A_557 = arith.addi %mul3A_555, %add3A_556 : i32
        %get3A_558 = arith.index_cast %add3A_557 : i32 to index
        %get3A_559 = arith.constant 0 : index
        %get3A_560 = tpu.vector_load %arg9[%get3A_558, %get3A_559] {strides = array<i32>} : memref<128x128xf32, #tpu.memory_space<vmem>>, vector<16xf32>,
        %get3A_561 = arith.index_cast %add3A_557 : i32 to index
        %get3A_562 = arith.constant 0 : index
        %get3A_563 = tpu.vector_load %arg11[%get3A_561, %get3A_562] {strides = array<i32>} : memref<128x128xf32, #tpu.memory_space<vmem>>, vector<16xf32>,
        %mul3A_564 = arith.mulf %get3A_560, %get3A_563 : vector<16xf32>
        %get3A_565 = arith.index_cast %add3A_557 : i32 to index
        %get3A_566 = arith.constant 16 : index
        %get3A_567 = tpu.vector_load %arg9[%get3A_565, %get3A_566] {strides = array<i32>} : memref<128x128xf32, #tpu.memory_space<vmem>>, vector<16xf32>,
        %get3A_568 = arith.index_cast %add3A_557 : i32 to index
        %get3A_569 = arith.constant 16 : index
        %get3A_570 = tpu.vector_load %arg11[%get3A_568, %get3A_569] {strides = array<i32>} : memref<128x128xf32, #tpu.memory_space<vmem>>, vector<16xf32>,
        %mul3A_571 = arith.mulf %get3A_567, %get3A_570 : vector<16xf32>
        %add3A_572 = arith.addf %mul3A_564, %mul3A_571 : vector<16xf32>
        %get3A_573 = arith.index_cast %add3A_557 : i32 to index
        %get3A_574 = arith.constant 32 : index
        %get3A_575 = tpu.vector_load %arg9[%get3A_573, %get3A_574] {strides = array<i32>} : memref<128x128xf32, #tpu.memory_space<vmem>>, vector<16xf32>,
        %get3A_576 = arith.index_cast %add3A_557 : i32 to index
        %get3A_577 = arith.constant 32 : index
        %get3A_578 = tpu.vector_load %arg11[%get3A_576, %get3A_577] {strides = array<i32>} : memref<128x128xf32, #tpu.memory_space<vmem>>, vector<16xf32>,
        %mul3A_579 = arith.mulf %get3A_575, %get3A_578 : vector<16xf32>
        %add3A_580 = arith.addf %add3A_572, %mul3A_579 : vector<16xf32>
        %get3A_581 = arith.index_cast %add3A_557 : i32 to index
        %get3A_582 = arith.constant 48 : index
        %get3A_583 = tpu.vector_load %arg9[%get3A_581, %get3A_582] {strides = array<i32>} : memref<128x128xf32, #tpu.memory_space<vmem>>, vector<16xf32>,
        %get3A_584 = arith.index_cast %add3A_557 : i32 to index
        %get3A_585 = arith.constant 48 : index
        %get3A_586 = tpu.vector_load %arg11[%get3A_584, %get3A_585] {strides = array<i32>} : memref<128x128xf32, #tpu.memory_space<vmem>>, vector<16xf32>,
        %mul3A_587 = arith.mulf %get3A_583, %get3A_586 : vector<16xf32>
        %add3A_588 = arith.addf %add3A_580, %mul3A_587 : vector<16xf32>
        %swap3A_589 = arith.constant 192 : index
        %swap3A_590 = tpu.vector_load %arg12[%swap3A_589] {strides = array<i32>} : memref<256xf32, #tpu.memory_space<vmem>>, vector<16xf32>,
        tpu.vector_store %arg12[%swap3A_589], %add3A_588 {strides = array<i32>} : memref<256xf32, #tpu.memory_space<vmem>>, vector<16xf32>,
        %mul3A_591 = arith.constant 16 : i32
        %mul3A_592 = arith.muli %add3A_111, %mul3A_591 : i32
        %add3A_593 = arith.constant 13 : i32
        %add3A_594 = arith.addi %mul3A_592, %add3A_593 : i32
        %get3A_595 = arith.index_cast %add3A_594 : i32 to index
        %get3A_596 = arith.constant 0 : index
        %get3A_597 = tpu.vector_load %arg9[%get3A_595, %get3A_596] {strides = array<i32>} : memref<128x128xf32, #tpu.memory_space<vmem>>, vector<16xf32>,
        %get3A_598 = arith.index_cast %add3A_594 : i32 to index
        %get3A_599 = arith.constant 0 : index
        %get3A_600 = tpu.vector_load %arg11[%get3A_598, %get3A_599] {strides = array<i32>} : memref<128x128xf32, #tpu.memory_space<vmem>>, vector<16xf32>,
        %mul3A_601 = arith.mulf %get3A_597, %get3A_600 : vector<16xf32>
        %get3A_602 = arith.index_cast %add3A_594 : i32 to index
        %get3A_603 = arith.constant 16 : index
        %get3A_604 = tpu.vector_load %arg9[%get3A_602, %get3A_603] {strides = array<i32>} : memref<128x128xf32, #tpu.memory_space<vmem>>, vector<16xf32>,
        %get3A_605 = arith.index_cast %add3A_594 : i32 to index
        %get3A_606 = arith.constant 16 : index
        %get3A_607 = tpu.vector_load %arg11[%get3A_605, %get3A_606] {strides = array<i32>} : memref<128x128xf32, #tpu.memory_space<vmem>>, vector<16xf32>,
        %mul3A_608 = arith.mulf %get3A_604, %get3A_607 : vector<16xf32>
        %add3A_609 = arith.addf %mul3A_601, %mul3A_608 : vector<16xf32>
        %get3A_610 = arith.index_cast %add3A_594 : i32 to index
        %get3A_611 = arith.constant 32 : index
        %get3A_612 = tpu.vector_load %arg9[%get3A_610, %get3A_611] {strides = array<i32>} : memref<128x128xf32, #tpu.memory_space<vmem>>, vector<16xf32>,
        %get3A_613 = arith.index_cast %add3A_594 : i32 to index
        %get3A_614 = arith.constant 32 : index
        %get3A_615 = tpu.vector_load %arg11[%get3A_613, %get3A_614] {strides = array<i32>} : memref<128x128xf32, #tpu.memory_space<vmem>>, vector<16xf32>,
        %mul3A_616 = arith.mulf %get3A_612, %get3A_615 : vector<16xf32>
        %add3A_617 = arith.addf %add3A_609, %mul3A_616 : vector<16xf32>
        %get3A_618 = arith.index_cast %add3A_594 : i32 to index
        %get3A_619 = arith.constant 48 : index
        %get3A_620 = tpu.vector_load %arg9[%get3A_618, %get3A_619] {strides = array<i32>} : memref<128x128xf32, #tpu.memory_space<vmem>>, vector<16xf32>,
        %get3A_621 = arith.index_cast %add3A_594 : i32 to index
        %get3A_622 = arith.constant 48 : index
        %get3A_623 = tpu.vector_load %arg11[%get3A_621, %get3A_622] {strides = array<i32>} : memref<128x128xf32, #tpu.memory_space<vmem>>, vector<16xf32>,
        %mul3A_624 = arith.mulf %get3A_620, %get3A_623 : vector<16xf32>
        %add3A_625 = arith.addf %add3A_617, %mul3A_624 : vector<16xf32>
        %swap3A_626 = arith.constant 208 : index
        %swap3A_627 = tpu.vector_load %arg12[%swap3A_626] {strides = array<i32>} : memref<256xf32, #tpu.memory_space<vmem>>, vector<16xf32>,
        tpu.vector_store %arg12[%swap3A_626], %add3A_625 {strides = array<i32>} : memref<256xf32, #tpu.memory_space<vmem>>, vector<16xf32>,
        %mul3A_628 = arith.constant 16 : i32
        %mul3A_629 = arith.muli %add3A_111, %mul3A_628 : i32
        %add3A_630 = arith.constant 14 : i32
        %add3A_631 = arith.addi %mul3A_629, %add3A_630 : i32
        %get3A_632 = arith.index_cast %add3A_631 : i32 to index
        %get3A_633 = arith.constant 0 : index
        %get3A_634 = tpu.vector_load %arg9[%get3A_632, %get3A_633] {strides = array<i32>} : memref<128x128xf32, #tpu.memory_space<vmem>>, vector<16xf32>,
        %get3A_635 = arith.index_cast %add3A_631 : i32 to index
        %get3A_636 = arith.constant 0 : index
        %get3A_637 = tpu.vector_load %arg11[%get3A_635, %get3A_636] {strides = array<i32>} : memref<128x128xf32, #tpu.memory_space<vmem>>, vector<16xf32>,
        %mul3A_638 = arith.mulf %get3A_634, %get3A_637 : vector<16xf32>
        %get3A_639 = arith.index_cast %add3A_631 : i32 to index
        %get3A_640 = arith.constant 16 : index
        %get3A_641 = tpu.vector_load %arg9[%get3A_639, %get3A_640] {strides = array<i32>} : memref<128x128xf32, #tpu.memory_space<vmem>>, vector<16xf32>,
        %get3A_642 = arith.index_cast %add3A_631 : i32 to index
        %get3A_643 = arith.constant 16 : index
        %get3A_644 = tpu.vector_load %arg11[%get3A_642, %get3A_643] {strides = array<i32>} : memref<128x128xf32, #tpu.memory_space<vmem>>, vector<16xf32>,
        %mul3A_645 = arith.mulf %get3A_641, %get3A_644 : vector<16xf32>
        %add3A_646 = arith.addf %mul3A_638, %mul3A_645 : vector<16xf32>
        %get3A_647 = arith.index_cast %add3A_631 : i32 to index
        %get3A_648 = arith.constant 32 : index
        %get3A_649 = tpu.vector_load %arg9[%get3A_647, %get3A_648] {strides = array<i32>} : memref<128x128xf32, #tpu.memory_space<vmem>>, vector<16xf32>,
        %get3A_650 = arith.index_cast %add3A_631 : i32 to index
        %get3A_651 = arith.constant 32 : index
        %get3A_652 = tpu.vector_load %arg11[%get3A_650, %get3A_651] {strides = array<i32>} : memref<128x128xf32, #tpu.memory_space<vmem>>, vector<16xf32>,
        %mul3A_653 = arith.mulf %get3A_649, %get3A_652 : vector<16xf32>
        %add3A_654 = arith.addf %add3A_646, %mul3A_653 : vector<16xf32>
        %get3A_655 = arith.index_cast %add3A_631 : i32 to index
        %get3A_656 = arith.constant 48 : index
        %get3A_657 = tpu.vector_load %arg9[%get3A_655, %get3A_656] {strides = array<i32>} : memref<128x128xf32, #tpu.memory_space<vmem>>, vector<16xf32>,
        %get3A_658 = arith.index_cast %add3A_631 : i32 to index
        %get3A_659 = arith.constant 48 : index
        %get3A_660 = tpu.vector_load %arg11[%get3A_658, %get3A_659] {strides = array<i32>} : memref<128x128xf32, #tpu.memory_space<vmem>>, vector<16xf32>,
        %mul3A_661 = arith.mulf %get3A_657, %get3A_660 : vector<16xf32>
        %add3A_662 = arith.addf %add3A_654, %mul3A_661 : vector<16xf32>
        %swap3A_663 = arith.constant 224 : index
        %swap3A_664 = tpu.vector_load %arg12[%swap3A_663] {strides = array<i32>} : memref<256xf32, #tpu.memory_space<vmem>>, vector<16xf32>,
        tpu.vector_store %arg12[%swap3A_663], %add3A_662 {strides = array<i32>} : memref<256xf32, #tpu.memory_space<vmem>>, vector<16xf32>,
        %mul3A_665 = arith.constant 16 : i32
        %mul3A_666 = arith.muli %add3A_111, %mul3A_665 : i32
        %add3A_667 = arith.constant 15 : i32
        %add3A_668 = arith.addi %mul3A_666, %add3A_667 : i32
        %get3A_669 = arith.index_cast %add3A_668 : i32 to index
        %get3A_670 = arith.constant 0 : index
        %get3A_671 = tpu.vector_load %arg9[%get3A_669, %get3A_670] {strides = array<i32>} : memref<128x128xf32, #tpu.memory_space<vmem>>, vector<16xf32>,
        %get3A_672 = arith.index_cast %add3A_668 : i32 to index
        %get3A_673 = arith.constant 0 : index
        %get3A_674 = tpu.vector_load %arg11[%get3A_672, %get3A_673] {strides = array<i32>} : memref<128x128xf32, #tpu.memory_space<vmem>>, vector<16xf32>,
        %mul3A_675 = arith.mulf %get3A_671, %get3A_674 : vector<16xf32>
        %get3A_676 = arith.index_cast %add3A_668 : i32 to index
        %get3A_677 = arith.constant 16 : index
        %get3A_678 = tpu.vector_load %arg9[%get3A_676, %get3A_677] {strides = array<i32>} : memref<128x128xf32, #tpu.memory_space<vmem>>, vector<16xf32>,
        %get3A_679 = arith.index_cast %add3A_668 : i32 to index
        %get3A_680 = arith.constant 16 : index
        %get3A_681 = tpu.vector_load %arg11[%get3A_679, %get3A_680] {strides = array<i32>} : memref<128x128xf32, #tpu.memory_space<vmem>>, vector<16xf32>,
        %mul3A_682 = arith.mulf %get3A_678, %get3A_681 : vector<16xf32>
        %add3A_683 = arith.addf %mul3A_675, %mul3A_682 : vector<16xf32>
        %get3A_684 = arith.index_cast %add3A_668 : i32 to index
        %get3A_685 = arith.constant 32 : index
        %get3A_686 = tpu.vector_load %arg9[%get3A_684, %get3A_685] {strides = array<i32>} : memref<128x128xf32, #tpu.memory_space<vmem>>, vector<16xf32>,
        %get3A_687 = arith.index_cast %add3A_668 : i32 to index
        %get3A_688 = arith.constant 32 : index
        %get3A_689 = tpu.vector_load %arg11[%get3A_687, %get3A_688] {strides = array<i32>} : memref<128x128xf32, #tpu.memory_space<vmem>>, vector<16xf32>,
        %mul3A_690 = arith.mulf %get3A_686, %get3A_689 : vector<16xf32>
        %add3A_691 = arith.addf %add3A_683, %mul3A_690 : vector<16xf32>
        %get3A_692 = arith.index_cast %add3A_668 : i32 to index
        %get3A_693 = arith.constant 48 : index
        %get3A_694 = tpu.vector_load %arg9[%get3A_692, %get3A_693] {strides = array<i32>} : memref<128x128xf32, #tpu.memory_space<vmem>>, vector<16xf32>,
        %get3A_695 = arith.index_cast %add3A_668 : i32 to index
        %get3A_696 = arith.constant 48 : index
        %get3A_697 = tpu.vector_load %arg11[%get3A_695, %get3A_696] {strides = array<i32>} : memref<128x128xf32, #tpu.memory_space<vmem>>, vector<16xf32>,
        %mul3A_698 = arith.mulf %get3A_694, %get3A_697 : vector<16xf32>
        %add3A_699 = arith.addf %add3A_691, %mul3A_698 : vector<16xf32>
        %swap3A_700 = arith.constant 240 : index
        %swap3A_701 = tpu.vector_load %arg12[%swap3A_700] {strides = array<i32>} : memref<256xf32, #tpu.memory_space<vmem>>, vector<16xf32>,
        tpu.vector_store %arg12[%swap3A_700], %add3A_699 {strides = array<i32>} : memref<256xf32, #tpu.memory_space<vmem>>, vector<16xf32>,
        %gather3A = tpu.vector_load_idx %arg12[%add3A_35] : memref<256xf32, #tpu.memory_space<vmem>>[vector<16xi32>], vector<16xf32>,
        %add3A_702 = arith.constant 1 : i32
        %add3A_703 = vector.broadcast %add3A_702 : i32 to vector<16xi32>
        %add3A_704 = arith.addi %add3A_35, %add3A_703 : vector<16xi32>
        %gather3A_705 = tpu.vector_load_idx %arg12[%add3A_704] : memref<256xf32, #tpu.memory_space<vmem>>[vector<16xi32>], vector<16xf32>,
        %add3A_706 = arith.addf %gather3A, %gather3A_705 : vector<16xf32>
        %add3A_707 = arith.constant 2 : i32
        %add3A_708 = vector.broadcast %add3A_707 : i32 to vector<16xi32>
        %add3A_709 = arith.addi %add3A_35, %add3A_708 : vector<16xi32>
        %gather3A_710 = tpu.vector_load_idx %arg12[%add3A_709] : memref<256xf32, #tpu.memory_space<vmem>>[vector<16xi32>], vector<16xf32>,
        %add3A_711 = arith.addf %add3A_706, %gather3A_710 : vector<16xf32>
        %add3A_712 = arith.constant 3 : i32
        %add3A_713 = vector.broadcast %add3A_712 : i32 to vector<16xi32>
        %add3A_714 = arith.addi %add3A_35, %add3A_713 : vector<16xi32>
        %gather3A_715 = tpu.vector_load_idx %arg12[%add3A_714] : memref<256xf32, #tpu.memory_space<vmem>>[vector<16xi32>], vector<16xf32>,
        %add3A_716 = arith.addf %add3A_711, %gather3A_715 : vector<16xf32>
        %add3A_717 = arith.constant 4 : i32
        %add3A_718 = vector.broadcast %add3A_717 : i32 to vector<16xi32>
        %add3A_719 = arith.addi %add3A_35, %add3A_718 : vector<16xi32>
        %gather3A_720 = tpu.vector_load_idx %arg12[%add3A_719] : memref<256xf32, #tpu.memory_space<vmem>>[vector<16xi32>], vector<16xf32>,
        %add3A_721 = arith.addf %add3A_716, %gather3A_720 : vector<16xf32>
        %add3A_722 = arith.constant 5 : i32
        %add3A_723 = vector.broadcast %add3A_722 : i32 to vector<16xi32>
        %add3A_724 = arith.addi %add3A_35, %add3A_723 : vector<16xi32>
        %gather3A_725 = tpu.vector_load_idx %arg12[%add3A_724] : memref<256xf32, #tpu.memory_space<vmem>>[vector<16xi32>], vector<16xf32>,
        %add3A_726 = arith.addf %add3A_721, %gather3A_725 : vector<16xf32>
        %add3A_727 = arith.constant 6 : i32
        %add3A_728 = vector.broadcast %add3A_727 : i32 to vector<16xi32>
        %add3A_729 = arith.addi %add3A_35, %add3A_728 : vector<16xi32>
        %gather3A_730 = tpu.vector_load_idx %arg12[%add3A_729] : memref<256xf32, #tpu.memory_space<vmem>>[vector<16xi32>], vector<16xf32>,
        %add3A_731 = arith.addf %add3A_726, %gather3A_730 : vector<16xf32>
        %add3A_732 = arith.constant 7 : i32
        %add3A_733 = vector.broadcast %add3A_732 : i32 to vector<16xi32>
        %add3A_734 = arith.addi %add3A_35, %add3A_733 : vector<16xi32>
        %gather3A_735 = tpu.vector_load_idx %arg12[%add3A_734] : memref<256xf32, #tpu.memory_space<vmem>>[vector<16xi32>], vector<16xf32>,
        %add3A_736 = arith.addf %add3A_731, %gather3A_735 : vector<16xf32>
        %add3A_737 = arith.constant 8 : i32
        %add3A_738 = vector.broadcast %add3A_737 : i32 to vector<16xi32>
        %add3A_739 = arith.addi %add3A_35, %add3A_738 : vector<16xi32>
        %gather3A_740 = tpu.vector_load_idx %arg12[%add3A_739] : memref<256xf32, #tpu.memory_space<vmem>>[vector<16xi32>], vector<16xf32>,
        %add3A_741 = arith.addf %add3A_736, %gather3A_740 : vector<16xf32>
        %add3A_742 = arith.constant 9 : i32
        %add3A_743 = vector.broadcast %add3A_742 : i32 to vector<16xi32>
        %add3A_744 = arith.addi %add3A_35, %add3A_743 : vector<16xi32>
        %gather3A_745 = tpu.vector_load_idx %arg12[%add3A_744] : memref<256xf32, #tpu.memory_space<vmem>>[vector<16xi32>], vector<16xf32>,
        %add3A_746 = arith.addf %add3A_741, %gather3A_745 : vector<16xf32>
        %add3A_747 = arith.constant 10 : i32
        %add3A_748 = vector.broadcast %add3A_747 : i32 to vector<16xi32>
        %add3A_749 = arith.addi %add3A_35, %add3A_748 : vector<16xi32>
        %gather3A_750 = tpu.vector_load_idx %arg12[%add3A_749] : memref<256xf32, #tpu.memory_space<vmem>>[vector<16xi32>], vector<16xf32>,
        %add3A_751 = arith.addf %add3A_746, %gather3A_750 : vector<16xf32>
        %add3A_752 = arith.constant 11 : i32
        %add3A_753 = vector.broadcast %add3A_752 : i32 to vector<16xi32>
        %add3A_754 = arith.addi %add3A_35, %add3A_753 : vector<16xi32>
        %gather3A_755 = tpu.vector_load_idx %arg12[%add3A_754] : memref<256xf32, #tpu.memory_space<vmem>>[vector<16xi32>], vector<16xf32>,
        %add3A_756 = arith.addf %add3A_751, %gather3A_755 : vector<16xf32>
        %add3A_757 = arith.constant 12 : i32
        %add3A_758 = vector.broadcast %add3A_757 : i32 to vector<16xi32>
        %add3A_759 = arith.addi %add3A_35, %add3A_758 : vector<16xi32>
        %gather3A_760 = tpu.vector_load_idx %arg12[%add3A_759] : memref<256xf32, #tpu.memory_space<vmem>>[vector<16xi32>], vector<16xf32>,
        %add3A_761 = arith.addf %add3A_756, %gather3A_760 : vector<16xf32>
        %add3A_762 = arith.constant 13 : i32
        %add3A_763 = vector.broadcast %add3A_762 : i32 to vector<16xi32>
        %add3A_764 = arith.addi %add3A_35, %add3A_763 : vector<16xi32>
        %gather3A_765 = tpu.vector_load_idx %arg12[%add3A_764] : memref<256xf32, #tpu.memory_space<vmem>>[vector<16xi32>], vector<16xf32>,
        %add3A_766 = arith.addf %add3A_761, %gather3A_765 : vector<16xf32>
        %add3A_767 = arith.constant 14 : i32
        %add3A_768 = vector.broadcast %add3A_767 : i32 to vector<16xi32>
        %add3A_769 = arith.addi %add3A_35, %add3A_768 : vector<16xi32>
        %gather3A_770 = tpu.vector_load_idx %arg12[%add3A_769] : memref<256xf32, #tpu.memory_space<vmem>>[vector<16xi32>], vector<16xf32>,
        %add3A_771 = arith.addf %add3A_766, %gather3A_770 : vector<16xf32>
        %add3A_772 = arith.constant 15 : i32
        %add3A_773 = vector.broadcast %add3A_772 : i32 to vector<16xi32>
        %add3A_774 = arith.addi %add3A_35, %add3A_773 : vector<16xi32>
        %gather3A_775 = tpu.vector_load_idx %arg12[%add3A_774] : memref<256xf32, #tpu.memory_space<vmem>>[vector<16xi32>], vector<16xf32>,
        %add3A_776 = arith.addf %add3A_771, %gather3A_775 : vector<16xf32>
        %mul3A_777 = arith.constant 16 : i32
        %mul3A_778 = arith.muli %add3A_111, %mul3A_777 : i32
        %swap3A_779 = arith.index_cast %mul3A_778 : i32 to index
        %swap3A_780 = tpu.vector_load %arg14[%swap3A_779] {strides = array<i32>} : memref<128xf32, #tpu.memory_space<vmem>>, vector<16xf32>,
        tpu.vector_store %arg14[%swap3A_779], %add3A_776 {strides = array<i32>} : memref<128xf32, #tpu.memory_space<vmem>>, vector<16xf32>,
      }
      %scan3A_92 = arith.constant 8 : i32
      %add3A_93 = arith.addi %mul3A_2, %add3A_44 : i32
      %add3A_94 = arith.constant 1 : i32
      %add3A_95 = arith.addi %add3A_93, %add3A_94 : i32
      %mul3A_96 = arith.constant 128 : i32
      %mul3A_97 = arith.muli %add3A_95, %mul3A_96 : i32
      "tpu.region"() ({
        %run_scoped3A = tpu.sem_alloc : memref<!tpu.dma_semaphore, #tpu.memory_space<semaphore_mem>>
        %dma_start3A_107 = tpu.memref_slice %arg5[%mul3A_97] : memref<65536xf32, #tpu.memory_space<hbm>> -> memref<128xf32, #tpu.memory_space<hbm>>
        %dma_start3A_108 = tpu.memref_slice %arg5[%mul3A_97] : memref<65536xf32, #tpu.memory_space<hbm>> -> memref<128xf32, #tpu.memory_space<hbm>>
        tpu.enqueue_dma source(%arg14 : memref<128xf32, #tpu.memory_space<vmem>>) target(%dma_start3A_108 : memref<128xf32, #tpu.memory_space<hbm>>) target_semaphore(%run_scoped3A : memref<!tpu.dma_semaphore, #tpu.memory_space<semaphore_mem>>)
        %dma_wait3A_109 = tpu.memref_slice %arg5[%mul3A_97] : memref<65536xf32, #tpu.memory_space<hbm>> -> memref<128xf32, #tpu.memory_space<hbm>>
        %dma_wait3A_110 = tpu.memref_slice %arg5[%mul3A_97] : memref<65536xf32, #tpu.memory_space<hbm>> -> memref<128xf32, #tpu.memory_space<hbm>>
        tpu.wait_dma2 semaphore(%run_scoped3A : memref<!tpu.dma_semaphore, #tpu.memory_space<semaphore_mem>>) src(%arg14 : memref<128xf32, #tpu.memory_space<vmem>>) dst(%dma_wait3A_110 : memref<128xf32, #tpu.memory_space<hbm>>)
        tpu.yield
      }) : () -> ()
      %add3A_98 = arith.constant 2 : i32
      %add3A_99 = arith.addi %add3A_44, %add3A_98 : i32
      %add3A_100 = arith.constant 1 : i32
      %add3A_101 = arith.addi %add3A_99, %add3A_100 : i32
      %lt3A_102 = arith.constant 16 : i32
      %lt3A_103 = arith.cmpi slt, %add3A_101, %lt3A_102 : i32
      %convert_element_type3A_104 = arith.extui %lt3A_103 : i1 to i32
      %cond3A_105 = arith.constant 0 : i32
      %cond3A_106 = arith.cmpi ne, %convert_element_type3A_104, %cond3A_105 : i32
      scf.if %cond3A_106 {
        %add3A_107 = arith.constant 2 : i32
        %add3A_108 = arith.addi %add3A_44, %add3A_107 : i32
        %add3A_109 = arith.constant 1 : i32
        %add3A_110 = arith.addi %add3A_108, %add3A_109 : i32
        %dma_start3A_111 = arith.constant 0 : i32
        %dma_start3A_112 = tpu.memref_slice %arg6[%add3A_110, %dma_start3A_111] : memref<16x128xi32, #tpu.memory_space<vmem>> -> memref<1x128xi32, #tpu.memory_space<vmem>>
        %dma_start3A_113 = tpu.memref_squeeze %dma_start3A_112 : memref<1x128xi32, #tpu.memory_space<vmem>> -> memref<128xi32, #tpu.memory_space<vmem>>
        %dma_start3A_114 = arith.constant 0 : i32
        %dma_start3A_115 = arith.constant 0 : i32
        %dma_start3A_116 = tpu.memref_slice %arg4[%dma_start3A_114, %dma_start3A_115] : memref<10000x128xf32, #tpu.memory_space<hbm>> -> memref<10000x128xf32, #tpu.memory_space<hbm>>
        tpu.enqueue_indirect_dma source(%dma_start3A_116 : memref<10000x128xf32, #tpu.memory_space<hbm>>) target(%arg9 : memref<128x128xf32, #tpu.memory_space<vmem>>) offsets(%dma_start3A_113 : memref<128xi32, #tpu.memory_space<vmem>>) semaphore(%arg16 : memref<!tpu.dma_semaphore, #tpu.memory_space<semaphore_mem>>)
        %add3A_117 = arith.constant 2 : i32
        %add3A_118 = arith.addi %add3A_44, %add3A_117 : i32
        %add3A_119 = arith.constant 1 : i32
        %add3A_120 = arith.addi %add3A_118, %add3A_119 : i32
        %dma_start3A_121 = arith.constant 0 : i32
        %dma_start3A_122 = tpu.memref_slice %arg7[%add3A_120, %dma_start3A_121] : memref<16x128xi32, #tpu.memory_space<vmem>> -> memref<1x128xi32, #tpu.memory_space<vmem>>
        %dma_start3A_123 = tpu.memref_squeeze %dma_start3A_122 : memref<1x128xi32, #tpu.memory_space<vmem>> -> memref<128xi32, #tpu.memory_space<vmem>>
        %dma_start3A_124 = arith.constant 0 : i32
        %dma_start3A_125 = arith.constant 0 : i32
        %dma_start3A_126 = tpu.memref_slice %arg4[%dma_start3A_124, %dma_start3A_125] : memref<10000x128xf32, #tpu.memory_space<hbm>> -> memref<10000x128xf32, #tpu.memory_space<hbm>>
        tpu.enqueue_indirect_dma source(%dma_start3A_126 : memref<10000x128xf32, #tpu.memory_space<hbm>>) target(%arg11 : memref<128x128xf32, #tpu.memory_space<vmem>>) offsets(%dma_start3A_123 : memref<128xi32, #tpu.memory_space<vmem>>) semaphore(%arg18 : memref<!tpu.dma_semaphore, #tpu.memory_space<semaphore_mem>>)
      } else {
      }
    }
    %scan3A_39 = arith.constant 8 : i32
    return
  }
}

module attributes {stable_mosaic.version = 14 : i64} {
  func.func @body(%arg0: memref<2x10240x128xf32, #tpu.memory_space<vmem>>, %arg1: memref<32x10240xf32, #tpu.memory_space<vmem>>, %arg2: memref<10000x128xf32, #tpu.memory_space<vmem>>, %arg3: memref<128x128xf32, #tpu.memory_space<vmem>>, %arg4: memref<128x128xf32, #tpu.memory_space<vmem>>, %arg5: memref<1x128xf32, #tpu.memory_space<vmem>>, %arg6: memref<64x128xf32, #tpu.memory_space<vmem>>, %arg7: memref<1x64xf32, #tpu.memory_space<vmem>>, %arg8: memref<10000x128xf32, #tpu.memory_space<vmem>>, %arg9: memref<10000x64xf32, #tpu.memory_space<vmem>>, %arg10: memref<10000x1xf32, #tpu.memory_space<vmem>>) attributes {dimension_semantics = [], scalar_prefetch = 0 : i64, scratch_operands = 0 : i64, tpu.core_type = #tpu.core_type<tc>} {
    %broadcast_in_dim3A = arith.constant 1.000000e+00 : f32
    %broadcast_in_dim3A_0 = vector.broadcast %broadcast_in_dim3A : f32 to vector<32x1xf32>
    %get3A = arith.constant 0 : index
    %get3A_1 = arith.constant 0 : index
    %get3A_2 = vector.load %arg1[%get3A, %get3A_1] : memref<32x10240xf32, #tpu.memory_space<vmem>>, vector<32x10000xf32>
    %dot_general3A = arith.constant dense<0.000000e+00> : vector<10000x1xf32>
    %dot_general3A_3 = tpu.matmul %get3A_2, %broadcast_in_dim3A_0, %dot_general3A {dimension_numbers = #tpu.dot_dimension_numbers<[0], [0], [1], [1], [0, 1, 1, 1], [], []>, transpose_lhs_hint = false} : vector<32x10000xf32>, vector<32x1xf32>, vector<10000x1xf32> -> vector<10000x1xf32>
    %max3A = arith.constant 1.000000e+00 : f32
    %max3A_4 = vector.broadcast %max3A : f32 to vector<10000x1xf32>
    %max3A_5 = arith.maximumf %dot_general3A_3, %max3A_4 : vector<10000x1xf32>
    %div3A = arith.constant 1.000000e+00 : f32
    %div3A_6 = vector.broadcast %div3A : f32 to vector<10000x1xf32>
    %div3A_7 = arith.divf %div3A_6, %max3A_5 : vector<10000x1xf32>
    %get3A_8 = arith.constant 0 : index
    %get3A_9 = arith.constant 0 : index
    %get3A_10 = arith.constant 0 : index
    %get3A_11 = vector.load %arg0[%get3A_8, %get3A_9, %get3A_10] : memref<2x10240x128xf32, #tpu.memory_space<vmem>>, vector<1x10000x128xf32>
    %get3A_12 = vector.shape_cast %get3A_11 : vector<1x10000x128xf32> to vector<10000x128xf32>
    %get3A_13 = arith.constant 1 : index
    %get3A_14 = arith.constant 0 : index
    %get3A_15 = arith.constant 0 : index
    %get3A_16 = vector.load %arg0[%get3A_13, %get3A_14, %get3A_15] : memref<2x10240x128xf32, #tpu.memory_space<vmem>>, vector<1x10000x128xf32>
    %get3A_17 = vector.shape_cast %get3A_16 : vector<1x10000x128xf32> to vector<10000x128xf32>
    %add3A = arith.addf %get3A_12, %get3A_17 : vector<10000x128xf32>
    %mul3A = vector.broadcast %div3A_7 : vector<10000x1xf32> to vector<10000x128xf32>
    %mul3A_18 = arith.mulf %add3A, %mul3A : vector<10000x128xf32>
    %get3A_19 = arith.constant 0 : index
    %get3A_20 = arith.constant 0 : index
    %get3A_21 = vector.load %arg3[%get3A_19, %get3A_20] : memref<128x128xf32, #tpu.memory_space<vmem>>, vector<128x128xf32>
    %transpose3A = tpu.transpose %get3A_21, [1, 0] : vector<128x128xf32> -> vector<128x128xf32>
    %dot_general3A_22 = arith.constant dense<0.000000e+00> : vector<10000x128xf32>
    %dot_general3A_23 = tpu.matmul %mul3A_18, %transpose3A, %dot_general3A_22 {dimension_numbers = #tpu.dot_dimension_numbers<[1], [0], [0], [1], [0, 0, 1, 1], [], []>, transpose_lhs_hint = false} : vector<10000x128xf32>, vector<128x128xf32>, vector<10000x128xf32> -> vector<10000x128xf32>
    %get3A_24 = arith.constant 0 : index
    %get3A_25 = arith.constant 0 : index
    %get3A_26 = vector.load %arg2[%get3A_24, %get3A_25] : memref<10000x128xf32, #tpu.memory_space<vmem>>, vector<10000x128xf32>
    %get3A_27 = arith.constant 0 : index
    %get3A_28 = arith.constant 0 : index
    %get3A_29 = vector.load %arg4[%get3A_27, %get3A_28] : memref<128x128xf32, #tpu.memory_space<vmem>>, vector<128x128xf32>
    %transpose3A_30 = tpu.transpose %get3A_29, [1, 0] : vector<128x128xf32> -> vector<128x128xf32>
    %dot_general3A_31 = arith.constant dense<0.000000e+00> : vector<10000x128xf32>
    %dot_general3A_32 = tpu.matmul %get3A_26, %transpose3A_30, %dot_general3A_31 {dimension_numbers = #tpu.dot_dimension_numbers<[1], [0], [0], [1], [0, 0, 1, 1], [], []>, transpose_lhs_hint = false} : vector<10000x128xf32>, vector<128x128xf32>, vector<10000x128xf32> -> vector<10000x128xf32>
    %add3A_33 = arith.addf %dot_general3A_23, %dot_general3A_32 : vector<10000x128xf32>
    %get3A_34 = arith.constant 0 : index
    %get3A_35 = arith.constant 0 : index
    %get3A_36 = vector.load %arg5[%get3A_34, %get3A_35] : memref<1x128xf32, #tpu.memory_space<vmem>>, vector<1x128xf32>
    %add3A_37 = vector.broadcast %get3A_36 : vector<1x128xf32> to vector<10000x128xf32>
    %add3A_38 = arith.addf %add3A_33, %add3A_37 : vector<10000x128xf32>
    %max3A_39 = arith.constant 0.000000e+00 : f32
    %max3A_40 = vector.broadcast %max3A_39 : f32 to vector<10000x128xf32>
    %max3A_41 = arith.maximumf %add3A_38, %max3A_40 : vector<10000x128xf32>
    %swap3A = arith.constant 0 : index
    %swap3A_42 = arith.constant 0 : index
    %swap3A_43 = vector.load %arg8[%swap3A, %swap3A_42] : memref<10000x128xf32, #tpu.memory_space<vmem>>, vector<10000x128xf32>
    tpu.vector_store %arg8[%swap3A, %swap3A_42], %max3A_41 {strides = array<i32>} : memref<10000x128xf32, #tpu.memory_space<vmem>>, vector<10000x128xf32>,
    %get3A_44 = arith.constant 0 : index
    %get3A_45 = arith.constant 0 : index
    %get3A_46 = vector.load %arg6[%get3A_44, %get3A_45] : memref<64x128xf32, #tpu.memory_space<vmem>>, vector<64x128xf32>
    %transpose3A_47 = tpu.transpose %get3A_46, [1, 0] : vector<64x128xf32> -> vector<128x64xf32>
    %dot_general3A_48 = arith.constant dense<0.000000e+00> : vector<10000x64xf32>
    %dot_general3A_49 = tpu.matmul %max3A_41, %transpose3A_47, %dot_general3A_48 {dimension_numbers = #tpu.dot_dimension_numbers<[1], [0], [0], [1], [0, 0, 1, 1], [], []>, transpose_lhs_hint = false} : vector<10000x128xf32>, vector<128x64xf32>, vector<10000x64xf32> -> vector<10000x64xf32>
    %get3A_50 = arith.constant 0 : index
    %get3A_51 = arith.constant 0 : index
    %get3A_52 = vector.load %arg7[%get3A_50, %get3A_51] : memref<1x64xf32, #tpu.memory_space<vmem>>, vector<1x64xf32>
    %add3A_53 = vector.broadcast %get3A_52 : vector<1x64xf32> to vector<10000x64xf32>
    %add3A_54 = arith.addf %dot_general3A_49, %add3A_53 : vector<10000x64xf32>
    %swap3A_55 = arith.constant 0 : index
    %swap3A_56 = arith.constant 0 : index
    %swap3A_57 = vector.load %arg9[%swap3A_55, %swap3A_56] : memref<10000x64xf32, #tpu.memory_space<vmem>>, vector<10000x64xf32>
    tpu.vector_store %arg9[%swap3A_55, %swap3A_56], %add3A_54 {strides = array<i32>} : memref<10000x64xf32, #tpu.memory_space<vmem>>, vector<10000x64xf32>,
    %swap3A_58 = arith.constant 0 : index
    %swap3A_59 = arith.constant 0 : index
    %swap3A_60 = vector.load %arg10[%swap3A_58, %swap3A_59] : memref<10000x1xf32, #tpu.memory_space<vmem>>, vector<10000x1xf32>
    tpu.vector_store %arg10[%swap3A_58, %swap3A_59], %div3A_7 {strides = array<i32>} : memref<10000x1xf32, #tpu.memory_space<vmem>>, vector<10000x1xf32>,
    return
  }
}

module attributes {stable_mosaic.version = 14 : i64} {
  func.func @body(%arg0: memref<2x10240x128xf32, #tpu.memory_space<vmem>>, %arg1: memref<10000x1xf32, #tpu.memory_space<vmem>>, %arg2: memref<10000x64xf32, #tpu.memory_space<vmem>>, %arg3: memref<64x128xf32, #tpu.memory_space<vmem>>, %arg4: memref<10000x128xf32, #tpu.memory_space<vmem>>) attributes {dimension_semantics = [], scalar_prefetch = 0 : i64, scratch_operands = 0 : i64, tpu.core_type = #tpu.core_type<tc>} {
    %get3A = arith.constant 0 : index
    %get3A_0 = arith.constant 0 : index
    %get3A_1 = arith.constant 0 : index
    %get3A_2 = vector.load %arg0[%get3A, %get3A_0, %get3A_1] : memref<2x10240x128xf32, #tpu.memory_space<vmem>>, vector<1x10000x128xf32>
    %get3A_3 = vector.shape_cast %get3A_2 : vector<1x10000x128xf32> to vector<10000x128xf32>
    %get3A_4 = arith.constant 1 : index
    %get3A_5 = arith.constant 0 : index
    %get3A_6 = arith.constant 0 : index
    %get3A_7 = vector.load %arg0[%get3A_4, %get3A_5, %get3A_6] : memref<2x10240x128xf32, #tpu.memory_space<vmem>>, vector<1x10000x128xf32>
    %get3A_8 = vector.shape_cast %get3A_7 : vector<1x10000x128xf32> to vector<10000x128xf32>
    %add3A = arith.addf %get3A_3, %get3A_8 : vector<10000x128xf32>
    %get3A_9 = arith.constant 0 : index
    %get3A_10 = arith.constant 0 : index
    %get3A_11 = vector.load %arg1[%get3A_9, %get3A_10] : memref<10000x1xf32, #tpu.memory_space<vmem>>, vector<10000x1xf32>
    %mul3A = vector.broadcast %get3A_11 : vector<10000x1xf32> to vector<10000x128xf32>
    %mul3A_12 = arith.mulf %add3A, %mul3A : vector<10000x128xf32>
    %get3A_13 = arith.constant 0 : index
    %get3A_14 = arith.constant 0 : index
    %get3A_15 = vector.load %arg3[%get3A_13, %get3A_14] : memref<64x128xf32, #tpu.memory_space<vmem>>, vector<64x128xf32>
    %transpose3A = tpu.transpose %get3A_15, [1, 0] : vector<64x128xf32> -> vector<128x64xf32>
    %dot_general3A = arith.constant dense<0.000000e+00> : vector<10000x64xf32>
    %dot_general3A_16 = tpu.matmul %mul3A_12, %transpose3A, %dot_general3A {dimension_numbers = #tpu.dot_dimension_numbers<[1], [0], [0], [1], [0, 0, 1, 1], [], []>, transpose_lhs_hint = false} : vector<10000x128xf32>, vector<128x64xf32>, vector<10000x64xf32> -> vector<10000x64xf32>
    %get3A_17 = arith.constant 0 : index
    %get3A_18 = arith.constant 0 : index
    %get3A_19 = vector.load %arg2[%get3A_17, %get3A_18] : memref<10000x64xf32, #tpu.memory_space<vmem>>, vector<10000x64xf32>
    %add3A_20 = arith.addf %dot_general3A_16, %get3A_19 : vector<10000x64xf32>
    %swap3A = arith.constant 0 : index
    %swap3A_21 = arith.constant 0 : index
    %swap3A_22 = vector.load %arg4[%swap3A, %swap3A_21] : memref<10000x128xf32, #tpu.memory_space<vmem>>, vector<10000x64xf32>
    tpu.vector_store %arg4[%swap3A, %swap3A_21], %add3A_20 {strides = array<i32>} : memref<10000x128xf32, #tpu.memory_space<vmem>>, vector<10000x64xf32>,
    %broadcast_in_dim3A = arith.constant 0.000000e+00 : f32
    %broadcast_in_dim3A_23 = vector.broadcast %broadcast_in_dim3A : f32 to vector<10000x64xf32>
    %swap3A_24 = arith.constant 0 : index
    %swap3A_25 = arith.constant 64 : index
    %swap3A_26 = vector.load %arg4[%swap3A_24, %swap3A_25] : memref<10000x128xf32, #tpu.memory_space<vmem>>, vector<10000x64xf32>
    tpu.vector_store %arg4[%swap3A_24, %swap3A_25], %broadcast_in_dim3A_23 {strides = array<i32>} : memref<10000x128xf32, #tpu.memory_space<vmem>>, vector<10000x64xf32>,
    return
  }
}

</mosaic_0001>

<sc_bundles>
// kernel: kernel.11.cloned.1.call-start
scs
__scs_entry_jumppad:
0x0: {  	(pc) =	sbr.rel $0x88, $3  }
0x1: {  	(tag) =	ssettag $0x0;
	lr =	simm.s32 $0x1  }
0x2: {  	[smem:$0x3F94] =	sst lr;
	_ =	strace $0xD0000000  }
0x3: {  	_ = 	snop  }
0x4: {  	_ = 	snop  }
0x5: {  	_ = 	snop  }
0x6: {  	_ = 	snop  }
0x7: {  	_ = 	snop  }
__scs_overlays_trampoline_lowered:
0x8: {  	[smem:$0x3FA3] =	sst s0  }
0x9: {  	[smem:$0x3FA4] =	sst s1  }
0xa: {  	[smem:$0x3FA5] =	sst s2  }
0xb: {  	[smem:$0x3FA6] =	sst s3  }
0xc: {  	[smem:$0x3FA7] =	sst s4  }
0xd: {  	[smem:$0x3FA8] =	sst s5  }
0xe: {  	[smem:$0x3FA9] =	sst s6  }
0xf: {  	[smem:$0x3FAA] =	sst s7  }
0x10: {  	[smem:$0x3FAB] =	sst s8  }
0x11: {  	[smem:$0x3FAC] =	sst s9;
	s0 =	simm.s32 @!p0 $0x0  }
0x12: {  	s1 =	sld [smem:$0x3F92];
	s0 =	simm.s32 @p0 $0x1  }
0x13: {  	[smem:$0x3FAD] =	sst s0;
	s0 =	simm.s32 @!p1 $0x0  }
0x14: {  	s2 =	sld [smem:$0x3F91];
	s0 =	simm.s32 @p1 $0x1  }
0x15: {  	[smem:$0x3FAE] =	sst s0;
	s0 =	simm.s32 @!p2 $0x0  }
0x16: {  	s3 =	sld [smem:$0x3FDB];
	s0 =	simm.s32 @p2 $0x1  }
0x17: {  	s4 =	simm.s32 $0x1BF5;
	[smem:$0x3FB0] =	sst s0  }
0x18: {  	s0 =	sld [smem:$0x3F93];
	_ =	swait.ge [sflag:s4], $0x0  }
0x19: {  	s7 =	sld [smem:$0x3F94]  }
0x1a: {  	s8 =	sadd.s32 $0xFFFFE003, lr  }
0x1b: {  	s9 =	sadd.s32 $0xFFFFFEF7, lr;
	s5 =	simm.s32 $0xFFFFFFFF;
	p2 =	slt.u32 s8, $0xFFFFF086  }
0x1c: {  	p1 =	slt.u32 s9, $0xF7A;
	s5 =	simm.s32 @!p2 $0x0  }
0x1d: {  	s5 =	simm.s32 @p1 $0x1;
	p0 =	seq.s32 s7, s2  }
0x1e: {  	s7 =	smul.u32 @!p0 $0xF7A, s2;
	p2 =	seq.s32 @!p0 s5, $0x0  }
0x1f: {  	s9 =	smul.u32 $0xF7A, s1;
	s8 =	simm.s32 @!p0 $0x1BF5;
	p2 =	por !p2, p0  }
0x20: {  	[sflag:s8] =	ssyncset.s32 @!p0 $0xFFFFF086;
	s6 =	sadd.s32 @!p0 s3, s7;
	s7 =	simm.s32 @!p0 $0x108  }
0x21: {  	s3 =	sadd.s32 s3, s9;
	s6 =	sadd.s32 @!p0 $0x88, s6;
	s7 =	simm.s32 @p2 $0x1082  }
0x22: {  	[simem:s7], [sflag:s8] =	dma.local @!p0 [hbm:s6], $0xF7A  }
0x23: {  	s9 =	sor.u32 $0xD0000000, s2;
	s6 =	simm.s32 $0x108;
	_ =	swait.ge @!p0 [sflag:s8], $0x0  }
0x24: {  	s3 =	sadd.s32 $0x88, s3;
	s6 =	simm.s32 @!p1 $0x1082;
	[sflag:s4] =	ssyncset.s32 $0xFFFFF086  }
0x25: {  	[simem:s6], [sflag:s4] =	dma.local [hbm:s3], $0xF7A  }
0x26: {  	[smem:$0x3F94] =	sst s1;
	(tag) =	ssettag s2;
	_ =	strace s9  }
0x27: {  	s1 =	sld [smem:$0x3FA4]  }
0x28: {  	s2 =	sld [smem:$0x3FA5]  }
0x29: {  	s4 =	sld [smem:$0x3FA7]  }
0x2a: {  	p0 =	seq.s32 s5, $0x0;
	s5 =	sld [smem:$0x3FA8]  }
0x2b: {  	s6 =	sld [smem:$0x3FA9]  }
0x2c: {  	s7 =	sld [smem:$0x3FAA]  }
0x2d: {  	s3 =	simm.s32 $0x108;
	s8 =	sld [smem:$0x3FAB]  }
0x2e: {  	s3 =	simm.s32 @!p0 $0x1082;
	s9 =	sld [smem:$0x3FAC]  }
0x2f: {  	lr =	sadd.s32 s0, s3;
	s0 =	sld [smem:$0x3FA3]  }
0x30: {  	s3 =	sld [smem:$0x3FA6]  }
0x31: {  	[smem:$0x3FAF] =	sst s10  }
0x32: {  	s10 =	sld [smem:$0x3FAD];
	_ =	sdelay $0x3  }
0x33: {  	p0 =	seq.s32 s10, $0x1;
	s10 =	sld [smem:$0x3FAF];
	_ =	sdelay $0x3  }
0x34: {  	[smem:$0x3FAF] =	sst s10  }
0x35: {  	s10 =	sld [smem:$0x3FAE];
	_ =	sdelay $0x3  }
0x36: {  	p1 =	seq.s32 s10, $0x1;
	s10 =	sld [smem:$0x3FAF];
	_ =	sdelay $0x3  }
0x37: {  	[smem:$0x3FAF] =	sst s10  }
0x38: {  	s10 =	sld [smem:$0x3FB0]  }
0x39: {  	_ = 	snop;
	(pc) =	sbr.ind lr, $3  }
0x3a: {  	_ = 	snop  }
0x3b: {  	_ = 	snop  }
0x3c: {  	p2 =	seq.s32 s10, $0x1;
	s10 =	sld [smem:$0x3FAF]  }
0x3d: {  	_ =	shalt  }
0x3e: {  	_ =	shalt  }
0x3f: {  	_ =	shalt  }
0x40: {  	_ =	shalt  }
0x41: {  	_ =	shalt  }
0x42: {  	_ =	shalt  }
0x43: {  	_ =	shalt  }
0x44: {  	_ =	shalt  }
0x45: {  	_ =	shalt  }
0x46: {  	_ =	shalt  }
0x47: {  	_ =	shalt  }
0x48: {  	_ =	shalt  }
0x49: {  	_ =	shalt  }
0x4a: {  	_ =	shalt  }
0x4b: {  	_ =	shalt  }
0x4c: {  	_ =	shalt  }
0x4d: {  	_ =	shalt  }
0x4e: {  	_ =	shalt  }
0x4f: {  	_ =	shalt  }
0x50: {  	_ =	shalt  }
0x51: {  	_ =	shalt  }
0x52: {  	_ =	shalt  }
0x53: {  	_ =	shalt  }
0x54: {  	_ =	shalt  }
0x55: {  	_ =	shalt  }
0x56: {  	_ =	shalt  }
0x57: {  	_ =	shalt  }
0x58: {  	_ =	shalt  }
0x59: {  	_ =	shalt  }
0x5a: {  	_ =	shalt  }
0x5b: {  	_ =	shalt  }
0x5c: {  	_ =	shalt  }
0x5d: {  	_ =	shalt  }
0x5e: {  	_ =	shalt  }
0x5f: {  	_ =	shalt  }
0x60: {  	_ =	shalt  }
0x61: {  	_ =	shalt  }
0x62: {  	_ =	shalt  }
0x63: {  	_ =	shalt  }
0x64: {  	_ =	shalt  }
0x65: {  	_ =	shalt  }
0x66: {  	_ =	shalt  }
0x67: {  	_ =	shalt  }
0x68: {  	_ =	shalt  }
0x69: {  	_ =	shalt  }
0x6a: {  	_ =	shalt  }
0x6b: {  	_ =	shalt  }
0x6c: {  	_ =	shalt  }
0x6d: {  	_ =	shalt  }
0x6e: {  	_ =	shalt  }
0x6f: {  	_ =	shalt  }
0x70: {  	_ =	shalt  }
0x71: {  	_ =	shalt  }
0x72: {  	_ =	shalt  }
0x73: {  	_ =	shalt  }
0x74: {  	_ =	shalt  }
0x75: {  	_ =	shalt  }
0x76: {  	_ =	shalt  }
0x77: {  	_ =	shalt  }
0x78: {  	_ =	shalt  }
0x79: {  	_ =	shalt  }
0x7a: {  	_ =	shalt  }
0x7b: {  	_ =	shalt  }
0x7c: {  	_ =	shalt  }
0x7d: {  	_ =	shalt  }
0x7e: {  	_ =	shalt  }
0x7f: {  	_ =	shalt  }
0x80: {  	_ =	shalt  }
0x81: {  	_ =	shalt  }
0x82: {  	_ =	shalt  }
0x83: {  	_ =	shalt  }
0x84: {  	_ =	shalt  }
0x85: {  	_ =	shalt  }
0x86: {  	_ =	shalt  }
0x87: {  	_ =	shalt  }
.Lfunc_end0:
.L_simem_size_0:
called_computation.1_lowered:
.L_overlay_start_0:
0x88: {  	s2 =	sld [smem:$0x3FD9]  }
0x89: {  	s3 =	sld [smem:$0x3FFE];
	_ =	sdelay $0x1  }
0x8a: {  	s1 =	srdreg.scid  }
0x8b: {  	s0 =	sand.u32 $0x1, s1  }
0x8c: {  	s17 =	sshll.u32 s0, $0xA;
	s2 =	sadd.s32 s3, s2  }
0x8d: {  	s2 =	sadd.s32 s2, s17  }
0x8e: {  	[smem:$0x3FBB] =	sst s2  }
0x8f: {  	_ = 	snop  }
0x90: {  	s18 =	sld [smem:$0x3FC9];
	(tm) =	ssettm $0x1  }
0x91: {  	s19 =	sld [smem:$0x3FFB];
	_ =	sdelay $0x3  }
0x92: {  	_ =	strace s19  }
0x93: {  	s2 =	sld [smem:$0x3FFC];
	_ =	sdelay $0x3  }
0x94: {  	_ =	strace s2  }
0x95: {  	s2 =	sld [smem:$0x3FFD];
	_ =	sdelay $0x3  }
0x96: {  	_ =	strace s2  }
0x97: {  	_ =	strace $0x8FFFFFFF  }
0x98: {  	s20 =	sld [smem:$0x3FDB];
	_ =	sdelay $0x1  }
0x99: {  	s4 =	simm.s32 $_scs_section_size  }
0x9a: {  	s5 =	simm.s32 $_size__tile_overlayer_lowered;
	s6 =	simm.s32 $_tile_overlayer_lowered  }
0x9b: {  	s7 =	simm.s32 $0x1BFF;
	s21 =	sshll.u32 s6, $0x1;
	s4 =	sadd.s32 s4, s20  }
0x9c: {  	s22 =	simm.s32 $0x0;
	s5 =	sshll.u32 s5, $0x1;
	s6 =	sadd.s32 s21, s4  }
0x9d: {  	[timem:s22], [sflag:s7] =	dma.local [hbm:s6], s5  }
0x9e: {  	_ =	swait.ge [sflag:s7], s5  }
0x9f: {  	s5 =	ssub.s32 $0x0, s5;
	[sflag:s7] =	ssyncset.done $0x0  }
0xa0: {  	[sflag:s7] =	ssyncadd.s32 s5;
	_ =	sdelay $0x1  }
0xa1: {  	s23 =	simm.s32 $0x1B8B  }
0xa2: {  	_ =	swait.ge [sflag:s23], $0x1  }
0xa3: {  	[sflag:s23] =	ssyncset.done $0x0  }
0xa4: {  	[sflag:s23] =	ssyncadd.s32 $0xFFFFFFFF  }
0xa5: {  	s5 =	sld [smem:$0x0]  }
0xa6: {  	s6 =	sand.u32 $0xFFFFFFFE, s1  }
0xa7: {  	p0 =	sne.s32 s1, s6  }
0xa8: {  	s6 =	sshll.u32 @p0 s6, $0xE  }
0xa9: {  	s6 =	sadd.s32 @p0 $0x11B8D, s6;
	s7 =	sshll.u32 @p0 s5, $0x11  }
0xaa: {  	s6 =	sor.u32 @p0 s7, s6  }
0xab: {  	[sflag:s6] =	ssyncadd.remote.s32 @p0 $0x1;
	_ =	sdelay $0x1  }
0xac: {  	s6 =	simm.s32 @p0 $0x1B8D  }
0xad: {  	_ =	swait.eq @p0 [sflag:s6], $0x1  }
0xae: {  	[sflag:s6] =	ssyncadd.s32 @p0 $0xFFFFFFFF  }
0xaf: {  	s7 =	sshll.u32 @!p0 s1, $0xE  }
0xb0: {  	s7 =	sor.u32 @!p0 $0x4000, s7;
	s6 =	simm.s32 @!p0 $0x1B8D  }
0xb1: {  	s5 =	sshll.u32 @!p0 s5, $0x11;
	s7 =	sadd.s32 @!p0 $0x11B8D, s7;
	_ =	swait.eq @!p0 [sflag:s6], $0x1  }
0xb2: {  	s5 =	sor.u32 @!p0 s5, s7;
	[sflag:s6] =	ssyncadd.s32 @!p0 $0xFFFFFFFF  }
0xb3: {  	s25 =	simm.s32 $0x1B8E;
	s24 =	sld [smem:$0x3FFE];
	[sflag:s5] =	ssyncadd.remote.s32 @!p0 $0x1  }
0xb4: {  	s26 =	simm.s32 $execute0_lowered;
	[smem:$0x3FD2] =	sst s25  }
0xb5: {  	s6 =	sshll.u32 s26, $0x1;
	_ =	strace $0x80000049;
	[dreg:$0x1] =	wrdreg $0xFFFFFFFF  }
0xb6: {  	s28 =	simm.s32 $_size_execute0_lowered;
	s4 =	sadd.s32 s4, s6;
	[dreg:$0x0] =	wrdreg $0x0  }
0xb7: {  	s6 =	sshll.u32 s28, $0x1;
	[dreg:$0x2] =	wrdreg s4  }
0xb8: {  	[dreg:$0x3] =	wrdreg s6  }
0xb9: {  	[dreg:$0x4] =	wrdreg $0xC0  }
0xba: {  	_ =	task [dreg:s22], $0x5FFFF  }
0xbb: {  	[dreg:$0x1] =	wrdreg $0xFFFFFFFF  }
0xbc: {  	[dreg:$0x0] =	wrdreg $0x60  }
0xbd: {  	[dreg:$0x2] =	wrdreg s24  }
0xbe: {  	[dreg:$0x3] =	wrdreg s18  }
0xbf: {  	[dreg:$0x4] =	wrdreg $0xAC000  }
0xc0: {  	[dreg:$0x5] =	wrdreg $0xA  }
0xc1: {  	_ =	task.clear_ibuf [dreg:s22], $0x6FFFF;
	_ =	strace $0x90000049  }
0xc2: {  	s29 =	simm.s32 $0xA;
	_ =	strace $0x8000004B  }
0xc3: {  	_ =	swait.ge [sflag:s29], $0x1  }
0xc4: {  	[sflag:s29] =	ssyncadd.s32 $0xFFFFFFFF  }
0xc5: {  	_ =	strace $0x9000004B  }
0xc6: {  	_ =	sfence  }
0xc7: {  	s30 =	sld [smem:$0x0];
	_ =	sdelay $0x2  }
0xc8: {  	s31 =	sshll.u32 s1, $0xD;
	s1 =	sshrl.u32 s1, $0x2  }
0xc9: {  	s4 =	sand.u32 $0x4000, s31;
	s1 =	sadd.s32 s1, s30  }
0xca: {  	s0 =	sor.u32 s4, s0;
	s1 =	sshll.u32 s1, $0x11  }
0xcb: {  	s0 =	sor.u32 s1, s0  }
0xcc: {  	s0 =	sadd.s32 $0x8F2B, s0  }
0xcd: {  	[sflag:s0] =	ssyncadd.remote.s32 $0x1  }
0xce: {  	_ =	sfence.sel $0xFFFF  }
0xcf: {  	[dreg:$0x0] =	wrdreg $0xFFFFFFFF;
	(pc) =	sbr.abs _section_cstart, $3  }
0xd0: {  	[dreg:$0x1] =	wrdreg $0xFFFFFFFF  }
0xd1: {  	_ =	task.clear_ibuf [dreg:s22], $0x2FFFF;
	_ =	strace $0x9FFFFFFF  }
0xd2: {  	(tm) =	ssettm $0x7FFFFFFF  }
0xd3: {  	_ =	shalt  }
tec
execute0_lowered:
.L_overlay_start_1:
0x0: {  	(tag) =	ssettag $0x1  }
0x1: {  	s0 =	srdreg.scid;
	s1 =	rddreg [dreg:$0x0]  }
0x2: {  	s8 =	stileid.u32;
	s2 =	rddreg [dreg:$0x1];
	s6 =	simm.s32 $0x0  }
0x3: {  	s11 =	simm.s32 $0x9;
	s12 =	simm.s32 $0x40;
	s13 =	simm.s32 $0x2800  }
0x4: {  	s14 =	simm.s32 $0x2C00;
	s15 =	simm.s32 $0x2880;
	s16 =	simm.s32 $0x4C00  }
0x5: {  	s17 =	simm.s32 $0x2900;
	s18 =	simm.s32 $0x6C00;
	s19 =	simm.s32 $0x2980  }
0x6: {  	s20 =	simm.s32 $0x8C00;
	s21 =	simm.s32 $0x1;
	s28 =	simm.s32 $0x4  }
0x7: {  	s29 =	simm.s32 $0x2B80;
	s30 =	simm.s32 $0x5;
	s31 =	simm.s32 $0x6  }
0x8: {  	s0 =	sand.u32 $0x1, s0;
	s3 =	sshll.u32 s8, $0x1;
	s5 =	smul.u32 $0x14000, s8  }
0x9: {  	[smem:$0x7FF] =	sst s6;
	s23 =	smul.u32 $0x50000, s8;
	s26 =	sshll.u32 s8, $0x6  }
0xa: {  	s4 =	sor.u32 s0, s3;
	s3 =	rddreg [dreg:$0x2];
	s22 =	smul.u32 $0x140000, s0  }
0xb: {  	_ =	strace $0x8000004A;
	s0 =	ssub.s32 $0x2, s0;
	s6 =	sor.u32 $0x1C09, s26  }
0xc: {  	s26 =	simm.s32 $0x2B00;
	s4 =	smul.u32 $0x500, s4;
	s7 =	sshrl.u32 s5, $0x3  }
0xd: {  	s24 =	sshrl.u32 s0, $0x1;
	s25 =	sshrl.u32 s23, $0x2;
	s23 =	simm.s32 $0x2  }
0xe: {  	s5 =	sadd.s32 s5, s22;
	s7 =	sadd.s32 s7, s1;
	s0 =	ssub.s32 s0, s24  }
0xf: {  	s22 =	simm.s32 $0x2A00;
	s24 =	simm.s32 $0x2A80;
	s4 =	sadd.s32 s4, s1  }
.Ltmp0:
0x10: {  	s5 =	sshrl.u32 s5, $0x3;
	s7 =	sadd.s32 $0x2AA00, s7;
	(pc) =	sbr.rel .LBB2_1-.Ltmp0, $4  }
0x11: {  	s9 =	smax.u32 s0, $0x1;
	s0 =	simm.s32 $0x8;
	s1 =	sadd.s32 s5, s1  }
0x12: {  	s5 =	sadd.s32 s25, s3;
	[dreg:$0x4] =	wrdreg s7;
	s4 =	sadd.s32 $0x2A00, s4  }
0x13: {  	s25 =	simm.s32 $0x3;
	[dreg:$0x5] =	wrdreg s4;
	s8 =	sadd.s32 $0x52A00, s1  }
0x14: {  	s10 =	sshrl.u32 s5, $0x3;
	s1 =	simm.s32 $0x7;
	s4 =	simm.s32 $0x0  }
.LBB2_4:
0x15: {  	_ =	swait.ge [sflag:s31], $0x2000  }
0x16: {  	[sflag:s31] =	ssyncset.done $0x0  }
0x17: {  	[sflag:s31] =	ssyncadd.s32 $0xFFFFE000  }
0x18: {  	_ =	swait.ge [sflag:s1], $0x2000  }
0x19: {  	[sflag:s1] =	ssyncset.done $0x0  }
0x1a: {  	[sflag:s1] =	ssyncadd.s32 $0xFFFFE000  }
0x1b: {  	_ =	swait.ge [sflag:s0], $0x2000  }
0x1c: {  	s4 =	sadd.s32 $0x1, s4;
	[sflag:s0] =	ssyncset.done $0x0  }
0x1d: {  	p0 =	sne.s32 s4, s9;
	[sflag:s0] =	ssyncadd.s32 $0xFFFFE000  }
.Ltmp1:
0x1e: {  	[bflag:$0x0] =	sbarrier.arrive $0xFFFF;
	(pc) =	sbr.rel @!p0 .LBB2_5-.Ltmp1, $4  }
0x1f: {  	[hbm:s8], [sflag:s6] =	dma.local [spmem:s10], $0x2800  }
0x20: {  	_ =	swait.ge [sflag:s11], $0x2800  }
0x21: {  	[sflag:s11] =	ssyncset.done $0x0  }
0x22: {  	[sflag:s11] =	ssyncadd.s32 $0xFFFFD800  }
.LBB2_1:
0x23: {  	s5 =	rddreg [dreg:$0x4]  }
0x24: {  	[spmem:s10], [sflag:s6] =	dma.local [hbm:s5], $0x2800  }
0x25: {  	_ =	swait.ge [sflag:s11], $0x2800  }
0x26: {  	[sflag:s11] =	ssyncset.done $0x0  }
0x27: {  	s5 =	simm.s32 $0x0;
	s7 =	rddreg [dreg:$0x5];
	[sflag:s11] =	ssyncadd.s32 $0xFFFFD800  }
0x28: {  	[tilespmem:s5], [sflag:$0x9] =	stream.linear.gather [hbm4b:s7+s5], $0x2800, $0x38;
	[tilespmem:$0x1EC00] =	vst v63  }
0x29: {  	_ =	swait.ge [sflag:s11], $0x2800  }
0x2a: {  	[sflag:s11] =	ssyncset.done $0x0  }
0x2b: {  	[sflag:s11] =	ssyncadd.s32 $0xFFFFD800  }
0x2c: {  	[bflag:$0x0] =	sbarrier.arrive $0xFFFF  }
0x2d: {  	v0 =	vld [tilespmem:$0x0];
	_ =	sdelay $0x1  }
0x2e: {  	v1 =	vld [tilespmem:$0x10];
	_ =	sdelay $0x1  }
0x2f: {  	v2 =	vld [tilespmem:$0x20]  }
0x30: {  	v3 =	vand.u32 $0xFFFF, v0  }
0x31: {  	v24 =	vld [tilespmem:$0x30];
	v0 =	vshra.s32 v0, $0x10;
	[tilespmem:$0x2800] =	vst v3  }
0x32: {  	v25 =	vand.u32 $0xFFFF, v1;
	[tilespmem:$0x2A00] =	vst v0  }
0x33: {  	v26 =	vshra.s32 v1, $0x10;
	[tilespmem:$0x2810] =	vst v25  }
0x34: {  	v27 =	vand.u32 $0xFFFF, v2;
	[tilespmem:$0x2A10] =	vst v26  }
0x35: {  	v28 =	vshra.s32 v2, $0x10;
	[tilespmem:$0x2820] =	vst v27  }
0x36: {  	v29 =	vand.u32 $0xFFFF, v24;
	[tilespmem:$0x2A20] =	vst v28  }
0x37: {  	v30 =	vshra.s32 v24, $0x10;
	[tilespmem:$0x2830] =	vst v29  }
0x38: {  	[tilespmem:$0x2A30] =	vst v30  }
0x39: {  	[tilespmem:s14], [sflag:$0x1] =	stream.indirect.gather [hbm4b:s2+s12], $0x80, s13, s12, $0xb8;
	[tilespmem:$0x1EC00] =	vst v63  }
0x3a: {  	v31 =	vld [tilespmem:$0x40];
	_ =	sdelay $0x1  }
0x3b: {  	v32 =	vld [tilespmem:$0x50];
	_ =	sdelay $0x1  }
0x3c: {  	v33 =	vld [tilespmem:$0x60]  }
0x3d: {  	v34 =	vand.u32 $0xFFFF, v31  }
0x3e: {  	v35 =	vld [tilespmem:$0x70];
	v0 =	vshra.s32 v31, $0x10;
	[tilespmem:$0x2880] =	vst v34  }
0x3f: {  	v36 =	vand.u32 $0xFFFF, v32;
	[tilespmem:$0x2A80] =	vst v0  }
0x40: {  	v37 =	vshra.s32 v32, $0x10;
	[tilespmem:$0x2890] =	vst v36  }
0x41: {  	v38 =	vand.u32 $0xFFFF, v33;
	[tilespmem:$0x2A90] =	vst v37  }
0x42: {  	v39 =	vshra.s32 v33, $0x10;
	[tilespmem:$0x28A0] =	vst v38  }
0x43: {  	v40 =	vand.u32 $0xFFFF, v35;
	[tilespmem:$0x2AA0] =	vst v39  }
0x44: {  	v41 =	vshra.s32 v35, $0x10;
	[tilespmem:$0x28B0] =	vst v40  }
0x45: {  	[tilespmem:$0x2AB0] =	vst v41  }
0x46: {  	[tilespmem:s16], [sflag:$0x2] =	stream.indirect.gather [hbm4b:s2+s12], $0x80, s15, s12, $0xb8;
	[tilespmem:$0x1EC00] =	vst v63  }
0x47: {  	v42 =	vld [tilespmem:$0x80];
	_ =	sdelay $0x1  }
0x48: {  	v43 =	vld [tilespmem:$0x90];
	_ =	sdelay $0x1  }
0x49: {  	v44 =	vld [tilespmem:$0xA0]  }
0x4a: {  	v45 =	vand.u32 $0xFFFF, v42  }
0x4b: {  	v46 =	vld [tilespmem:$0xB0];
	v0 =	vshra.s32 v42, $0x10;
	[tilespmem:$0x2900] =	vst v45  }
0x4c: {  	v47 =	vand.u32 $0xFFFF, v43;
	[tilespmem:$0x2B00] =	vst v0  }
0x4d: {  	v48 =	vshra.s32 v43, $0x10;
	[tilespmem:$0x2910] =	vst v47  }
0x4e: {  	v49 =	vand.u32 $0xFFFF, v44;
	[tilespmem:$0x2B10] =	vst v48  }
0x4f: {  	v50 =	vshra.s32 v44, $0x10;
	[tilespmem:$0x2920] =	vst v49  }
0x50: {  	v51 =	vand.u32 $0xFFFF, v46;
	[tilespmem:$0x2B20] =	vst v50  }
0x51: {  	v52 =	vshra.s32 v46, $0x10;
	[tilespmem:$0x2930] =	vst v51  }
0x52: {  	[tilespmem:$0x2B30] =	vst v52  }
0x53: {  	[tilespmem:s18], [sflag:$0x3] =	stream.indirect.gather [hbm4b:s2+s12], $0x80, s17, s12, $0xb8;
	[tilespmem:$0x1EC00] =	vst v63  }
0x54: {  	v53 =	vld [tilespmem:$0xC0];
	_ =	sdelay $0x1  }
0x55: {  	v54 =	vld [tilespmem:$0xD0];
	_ =	sdelay $0x1  }
0x56: {  	v55 =	vld [tilespmem:$0xE0]  }
0x57: {  	v56 =	vand.u32 $0xFFFF, v53  }
0x58: {  	v57 =	vld [tilespmem:$0xF0];
	v0 =	vshra.s32 v53, $0x10;
	[tilespmem:$0x2980] =	vst v56  }
0x59: {  	v58 =	vand.u32 $0xFFFF, v54;
	[tilespmem:$0x2B80] =	vst v0  }
0x5a: {  	v59 =	vshra.s32 v54, $0x10;
	[tilespmem:$0x2990] =	vst v58  }
0x5b: {  	v60 =	vand.u32 $0xFFFF, v55;
	[tilespmem:$0x2B90] =	vst v59  }
0x5c: {  	v61 =	vshra.s32 v55, $0x10;
	[tilespmem:$0x29A0] =	vst v60  }
0x5d: {  	v62 =	vand.u32 $0xFFFF, v57;
	[tilespmem:$0x2BA0] =	vst v61  }
0x5e: {  	v63 =	vshra.s32 v57, $0x10;
	[tilespmem:$0x29B0] =	vst v62  }
0x5f: {  	s5 =	simm.s32 $0x0;
	[tilespmem:$0x2BB0] =	vst v63  }
0x60: {  	[tilespmem:s20], [sflag:$0x4] =	stream.indirect.gather [hbm4b:s2+s12], $0x80, s19, s12, $0xb8;
	[tilespmem:$0x1EC00] =	vst v63  }
.LBB2_2:
0x61: {  	_ =	swait.ge [sflag:s21], $0x2000  }
0x62: {  	[sflag:s21] =	ssyncset.done $0x0  }
0x63: {  	[sflag:s21] =	ssyncadd.s32 $0xFFFFE000  }
0x64: {  	[spmem:s3] =	stream.indirect.scatter.add.f32 [tilespmem:s14], [sflag:$0x5], $0x80, s22, s12, $0xb8;
	[tilespmem:$0x1EC00] =	vst v63  }
0x65: {  	_ =	swait.ge [sflag:s23], $0x2000  }
0x66: {  	[sflag:s23] =	ssyncset.done $0x0  }
0x67: {  	[sflag:s23] =	ssyncadd.s32 $0xFFFFE000  }
0x68: {  	[spmem:s3] =	stream.indirect.scatter.add.f32 [tilespmem:s16], [sflag:$0x6], $0x80, s24, s12, $0xb8;
	[tilespmem:$0x1EC00] =	vst v63  }
0x69: {  	_ =	swait.ge [sflag:s25], $0x2000  }
0x6a: {  	[sflag:s25] =	ssyncset.done $0x0  }
0x6b: {  	[sflag:s25] =	ssyncadd.s32 $0xFFFFE000  }
0x6c: {  	[spmem:s3] =	stream.indirect.scatter.add.f32 [tilespmem:s18], [sflag:$0x7], $0x80, s26, s12, $0xb8;
	[tilespmem:$0x1EC00] =	vst v63  }
0x6d: {  	_ =	swait.ge [sflag:s28], $0x2000  }
0x6e: {  	p0 =	seq.s32 s5, $0x9C00;
	[sflag:s28] =	ssyncset.done $0x0  }
.Ltmp2:
0x6f: {  	[sflag:s28] =	ssyncadd.s32 $0xFFFFE000;
	(pc) =	sbr.rel @p0 .LBB2_4-.Ltmp2, $4  }
0x70: {  	[spmem:s3] =	stream.indirect.scatter.add.f32 [tilespmem:s20], [sflag:$0x8], $0x80, s29, s12, $0xb8;
	[tilespmem:$0x1EC00] =	vst v63  }
0x71: {  	_ =	swait.ge [sflag:s30], $0x2000  }
0x72: {  	[sflag:s30] =	ssyncset.done $0x0  }
0x73: {  	[sflag:s30] =	ssyncadd.s32 $0xFFFFE000  }
0x74: {  	s7 =	sshra.s32 s5, $0x2  }
0x75: {  	v0 =	vld [tilespmem:s7+$0x100];
	_ =	sdelay $0x4  }
0x76: {  	v1 =	vand.u32 $0xFFFF, v0  }
0x77: {  	v0 =	vshra.s32 v0, $0x10;
	[tilespmem:$0x2800] =	vst v1  }
0x78: {  	[tilespmem:$0x2A00] =	vst v0  }
0x79: {  	v0 =	vld [tilespmem:s7+$0x110];
	_ =	sdelay $0x4  }
0x7a: {  	v46 =	vand.u32 $0xFFFF, v0  }
0x7b: {  	v0 =	vshra.s32 v0, $0x10;
	[tilespmem:$0x2810] =	vst v46  }
0x7c: {  	[tilespmem:$0x2A10] =	vst v0  }
0x7d: {  	v0 =	vld [tilespmem:s7+$0x120];
	_ =	sdelay $0x4  }
0x7e: {  	v47 =	vand.u32 $0xFFFF, v0  }
0x7f: {  	v0 =	vshra.s32 v0, $0x10;
	[tilespmem:$0x2820] =	vst v47  }
0x80: {  	[tilespmem:$0x2A20] =	vst v0  }
0x81: {  	v0 =	vld [tilespmem:s7+$0x130];
	_ =	sdelay $0x4  }
0x82: {  	v48 =	vand.u32 $0xFFFF, v0  }
0x83: {  	v0 =	vshra.s32 v0, $0x10;
	[tilespmem:$0x2830] =	vst v48  }
0x84: {  	[tilespmem:$0x2A30] =	vst v0  }
0x85: {  	[tilespmem:s14], [sflag:$0x1] =	stream.indirect.gather [hbm4b:s2+s12], $0x80, s13, s12, $0xb8;
	[tilespmem:$0x1EC00] =	vst v63  }
0x86: {  	_ =	swait.ge [sflag:s31], $0x2000  }
0x87: {  	[sflag:s31] =	ssyncset.done $0x0  }
0x88: {  	[sflag:s31] =	ssyncadd.s32 $0xFFFFE000  }
0x89: {  	v49 =	vld [tilespmem:s7+$0x140];
	_ =	sdelay $0x4  }
0x8a: {  	v50 =	vand.u32 $0xFFFF, v49  }
0x8b: {  	v0 =	vshra.s32 v49, $0x10;
	[tilespmem:$0x2880] =	vst v50  }
0x8c: {  	[tilespmem:$0x2A80] =	vst v0  }
0x8d: {  	v0 =	vld [tilespmem:s7+$0x150];
	_ =	sdelay $0x4  }
0x8e: {  	v51 =	vand.u32 $0xFFFF, v0  }
0x8f: {  	v0 =	vshra.s32 v0, $0x10;
	[tilespmem:$0x2890] =	vst v51  }
0x90: {  	[tilespmem:$0x2A90] =	vst v0  }
0x91: {  	v0 =	vld [tilespmem:s7+$0x160];
	_ =	sdelay $0x4  }
0x92: {  	v52 =	vand.u32 $0xFFFF, v0  }
0x93: {  	v0 =	vshra.s32 v0, $0x10;
	[tilespmem:$0x28A0] =	vst v52  }
0x94: {  	[tilespmem:$0x2AA0] =	vst v0  }
0x95: {  	v0 =	vld [tilespmem:s7+$0x170];
	_ =	sdelay $0x4  }
0x96: {  	v53 =	vand.u32 $0xFFFF, v0  }
0x97: {  	v0 =	vshra.s32 v0, $0x10;
	[tilespmem:$0x28B0] =	vst v53  }
0x98: {  	[tilespmem:$0x2AB0] =	vst v0  }
0x99: {  	[tilespmem:s16], [sflag:$0x2] =	stream.indirect.gather [hbm4b:s2+s12], $0x80, s15, s12, $0xb8;
	[tilespmem:$0x1EC00] =	vst v63  }
0x9a: {  	_ =	swait.ge [sflag:s1], $0x2000  }
0x9b: {  	[sflag:s1] =	ssyncset.done $0x0  }
0x9c: {  	[sflag:s1] =	ssyncadd.s32 $0xFFFFE000  }
0x9d: {  	v54 =	vld [tilespmem:s7+$0x180];
	_ =	sdelay $0x4  }
0x9e: {  	v55 =	vand.u32 $0xFFFF, v54  }
0x9f: {  	v0 =	vshra.s32 v54, $0x10;
	[tilespmem:$0x2900] =	vst v55  }
0xa0: {  	[tilespmem:$0x2B00] =	vst v0  }
0xa1: {  	v0 =	vld [tilespmem:s7+$0x190];
	_ =	sdelay $0x4  }
0xa2: {  	v56 =	vand.u32 $0xFFFF, v0  }
0xa3: {  	v0 =	vshra.s32 v0, $0x10;
	[tilespmem:$0x2910] =	vst v56  }
0xa4: {  	[tilespmem:$0x2B10] =	vst v0  }
0xa5: {  	v0 =	vld [tilespmem:s7+$0x1A0];
	_ =	sdelay $0x4  }
0xa6: {  	v57 =	vand.u32 $0xFFFF, v0  }
0xa7: {  	v0 =	vshra.s32 v0, $0x10;
	[tilespmem:$0x2920] =	vst v57  }
0xa8: {  	[tilespmem:$0x2B20] =	vst v0  }
0xa9: {  	v0 =	vld [tilespmem:s7+$0x1B0];
	_ =	sdelay $0x4  }
0xaa: {  	v58 =	vand.u32 $0xFFFF, v0  }
0xab: {  	v0 =	vshra.s32 v0, $0x10;
	[tilespmem:$0x2930] =	vst v58  }
0xac: {  	[tilespmem:$0x2B30] =	vst v0  }
0xad: {  	[tilespmem:s18], [sflag:$0x3] =	stream.indirect.gather [hbm4b:s2+s12], $0x80, s17, s12, $0xb8;
	[tilespmem:$0x1EC00] =	vst v63  }
0xae: {  	_ =	swait.ge [sflag:s0], $0x2000  }
0xaf: {  	[sflag:s0] =	ssyncset.done $0x0  }
0xb0: {  	[sflag:s0] =	ssyncadd.s32 $0xFFFFE000  }
0xb1: {  	v59 =	vld [tilespmem:s7+$0x1C0];
	_ =	sdelay $0x4  }
0xb2: {  	v60 =	vand.u32 $0xFFFF, v59  }
0xb3: {  	v0 =	vshra.s32 v59, $0x10;
	[tilespmem:$0x2980] =	vst v60  }
0xb4: {  	[tilespmem:$0x2B80] =	vst v0  }
0xb5: {  	v0 =	vld [tilespmem:s7+$0x1D0];
	_ =	sdelay $0x4  }
0xb6: {  	v61 =	vand.u32 $0xFFFF, v0  }
0xb7: {  	v0 =	vshra.s32 v0, $0x10;
	[tilespmem:$0x2990] =	vst v61  }
0xb8: {  	[tilespmem:$0x2B90] =	vst v0  }
0xb9: {  	v0 =	vld [tilespmem:s7+$0x1E0];
	_ =	sdelay $0x4  }
0xba: {  	v62 =	vand.u32 $0xFFFF, v0  }
0xbb: {  	v0 =	vshra.s32 v0, $0x10;
	[tilespmem:$0x29A0] =	vst v62  }
0xbc: {  	[tilespmem:$0x2BA0] =	vst v0  }
0xbd: {  	v0 =	vld [tilespmem:s7+$0x1F0];
	_ =	sdelay $0x3  }
.Ltmp3:
0xbe: {  	_ = 	snop;
	(pc) =	sbr.rel .LBB2_2-.Ltmp3, $4  }
0xbf: {  	v63 =	vand.u32 $0xFFFF, v0  }
0xc0: {  	v0 =	vshra.s32 v0, $0x10;
	[tilespmem:$0x29B0] =	vst v63  }
0xc1: {  	s5 =	sadd.s32 $0x400, s5;
	[tilespmem:$0x2BB0] =	vst v0  }
0xc2: {  	[tilespmem:s20], [sflag:$0x4] =	stream.indirect.gather [hbm4b:s2+s12], $0x80, s19, s12, $0xb8;
	[tilespmem:$0x1EC00] =	vst v63  }
.LBB2_5:
0xc3: {  	_ =	sfence.sel $0x180000  }
0xc4: {  	[bflag:$0x0] =	sbarrier.arrive $0xFFFF  }
0xc5: {  	_ =	strace $0x9000004A  }
0xc6: {  	s0 =	stileid.u32;
	[bflag:$0x2] =	sbarrier.arrive $0xFFFF  }
0xc7: {  	p0 =	sne.s32 s0, $0x0;
	s0 =	rddreg [dreg:$0x3]  }
0xc8: {  	s0 =	sadd.s32 @!p0 $0x100000, s0  }
0xc9: {  	[sflag:s0] =	ssyncadd.tile.s32 @!p0 $0x1;
	_ =	shalt  }
.Lfunc_end2:
_tile_overlayer_lowered:
.L_overlay_start_2:
0xca: {  	(tag) =	ssettag $0x2  }
0xcb: {  	s0 =	rddreg [dreg:$0x0];
	s2 =	stileid.u32  }
0xcc: {  	s1 =	rddreg [dreg:$0x1];
	p0 =	sne.s32 s2, $0x0  }
0xcd: {  	s3 =	rddreg [dreg:$0x2];
	[bflag:$0x3] =	sbarrier.arrive $0xFFFF;
	s2 =	simm.s32 @!p0 $0x1C09  }
0xce: {  	[timem:s3], [sflag:s2] =	dma.local @!p0 [hbm:s0], s1  }
0xcf: {  	s0 =	simm.s32 @!p0 $0x9  }
0xd0: {  	_ =	swait.ge @!p0 [sflag:s0], s1  }
0xd1: {  	s1 =	ssub.s32 @!p0 $0x0, s1;
	[sflag:s0] =	ssyncset.done @!p0 $0x0  }
0xd2: {  	[sflag:s0] =	ssyncadd.s32 @!p0 s1  }
0xd3: {  	[bflag:$0x3] =	sbarrier.arrive $0xFFFF  }
0xd4: {  	_ =	shalt  }

// kernel: kernel.14.cloned.1.call-start
scs
__scs_entry_jumppad:
0x0: {  	(pc) =	sbr.rel $0x88, $3  }
0x1: {  	(tag) =	ssettag $0x0;
	lr =	simm.s32 $0x1  }
0x2: {  	[smem:$0x3F94] =	sst lr;
	_ =	strace $0xD0000000  }
0x3: {  	_ = 	snop  }
0x4: {  	_ = 	snop  }
0x5: {  	_ = 	snop  }
0x6: {  	_ = 	snop  }
0x7: {  	_ = 	snop  }
__scs_overlays_trampoline_lowered:
0x8: {  	[smem:$0x3FA3] =	sst s0  }
0x9: {  	[smem:$0x3FA4] =	sst s1  }
0xa: {  	[smem:$0x3FA5] =	sst s2  }
0xb: {  	[smem:$0x3FA6] =	sst s3  }
0xc: {  	[smem:$0x3FA7] =	sst s4  }
0xd: {  	[smem:$0x3FA8] =	sst s5  }
0xe: {  	[smem:$0x3FA9] =	sst s6  }
0xf: {  	[smem:$0x3FAA] =	sst s7  }
0x10: {  	[smem:$0x3FAB] =	sst s8  }
0x11: {  	[smem:$0x3FAC] =	sst s9;
	s0 =	simm.s32 @!p0 $0x0  }
0x12: {  	s1 =	sld [smem:$0x3F92];
	s0 =	simm.s32 @p0 $0x1  }
0x13: {  	[smem:$0x3FAD] =	sst s0;
	s0 =	simm.s32 @!p1 $0x0  }
0x14: {  	s2 =	sld [smem:$0x3F91];
	s0 =	simm.s32 @p1 $0x1  }
0x15: {  	[smem:$0x3FAE] =	sst s0;
	s0 =	simm.s32 @!p2 $0x0  }
0x16: {  	s3 =	sld [smem:$0x3FDB];
	s0 =	simm.s32 @p2 $0x1  }
0x17: {  	s4 =	simm.s32 $0x1BF5;
	[smem:$0x3FB0] =	sst s0  }
0x18: {  	s0 =	sld [smem:$0x3F93];
	_ =	swait.ge [sflag:s4], $0x0  }
0x19: {  	s7 =	sld [smem:$0x3F94]  }
0x1a: {  	s8 =	sadd.s32 $0xFFFFE003, lr  }
0x1b: {  	s9 =	sadd.s32 $0xFFFFFEF7, lr;
	s5 =	simm.s32 $0xFFFFFFFF;
	p2 =	slt.u32 s8, $0xFFFFF086  }
0x1c: {  	p1 =	slt.u32 s9, $0xF7A;
	s5 =	simm.s32 @!p2 $0x0  }
0x1d: {  	s5 =	simm.s32 @p1 $0x1;
	p0 =	seq.s32 s7, s2  }
0x1e: {  	s7 =	smul.u32 @!p0 $0xF7A, s2;
	p2 =	seq.s32 @!p0 s5, $0x0  }
0x1f: {  	s9 =	smul.u32 $0xF7A, s1;
	s8 =	simm.s32 @!p0 $0x1BF5;
	p2 =	por !p2, p0  }
0x20: {  	[sflag:s8] =	ssyncset.s32 @!p0 $0xFFFFF086;
	s6 =	sadd.s32 @!p0 s3, s7;
	s7 =	simm.s32 @!p0 $0x108  }
0x21: {  	s3 =	sadd.s32 s3, s9;
	s6 =	sadd.s32 @!p0 $0x88, s6;
	s7 =	simm.s32 @p2 $0x1082  }
0x22: {  	[simem:s7], [sflag:s8] =	dma.local @!p0 [hbm:s6], $0xF7A  }
0x23: {  	s9 =	sor.u32 $0xD0000000, s2;
	s6 =	simm.s32 $0x108;
	_ =	swait.ge @!p0 [sflag:s8], $0x0  }
0x24: {  	s3 =	sadd.s32 $0x88, s3;
	s6 =	simm.s32 @!p1 $0x1082;
	[sflag:s4] =	ssyncset.s32 $0xFFFFF086  }
0x25: {  	[simem:s6], [sflag:s4] =	dma.local [hbm:s3], $0xF7A  }
0x26: {  	[smem:$0x3F94] =	sst s1;
	(tag) =	ssettag s2;
	_ =	strace s9  }
0x27: {  	s1 =	sld [smem:$0x3FA4]  }
0x28: {  	s2 =	sld [smem:$0x3FA5]  }
0x29: {  	s4 =	sld [smem:$0x3FA7]  }
0x2a: {  	p0 =	seq.s32 s5, $0x0;
	s5 =	sld [smem:$0x3FA8]  }
0x2b: {  	s6 =	sld [smem:$0x3FA9]  }
0x2c: {  	s7 =	sld [smem:$0x3FAA]  }
0x2d: {  	s3 =	simm.s32 $0x108;
	s8 =	sld [smem:$0x3FAB]  }
0x2e: {  	s3 =	simm.s32 @!p0 $0x1082;
	s9 =	sld [smem:$0x3FAC]  }
0x2f: {  	lr =	sadd.s32 s0, s3;
	s0 =	sld [smem:$0x3FA3]  }
0x30: {  	s3 =	sld [smem:$0x3FA6]  }
0x31: {  	[smem:$0x3FAF] =	sst s10  }
0x32: {  	s10 =	sld [smem:$0x3FAD];
	_ =	sdelay $0x3  }
0x33: {  	p0 =	seq.s32 s10, $0x1;
	s10 =	sld [smem:$0x3FAF];
	_ =	sdelay $0x3  }
0x34: {  	[smem:$0x3FAF] =	sst s10  }
0x35: {  	s10 =	sld [smem:$0x3FAE];
	_ =	sdelay $0x3  }
0x36: {  	p1 =	seq.s32 s10, $0x1;
	s10 =	sld [smem:$0x3FAF];
	_ =	sdelay $0x3  }
0x37: {  	[smem:$0x3FAF] =	sst s10  }
0x38: {  	s10 =	sld [smem:$0x3FB0]  }
0x39: {  	_ = 	snop;
	(pc) =	sbr.ind lr, $3  }
0x3a: {  	_ = 	snop  }
0x3b: {  	_ = 	snop  }
0x3c: {  	p2 =	seq.s32 s10, $0x1;
	s10 =	sld [smem:$0x3FAF]  }
0x3d: {  	_ =	shalt  }
0x3e: {  	_ =	shalt  }
0x3f: {  	_ =	shalt  }
0x40: {  	_ =	shalt  }
0x41: {  	_ =	shalt  }
0x42: {  	_ =	shalt  }
0x43: {  	_ =	shalt  }
0x44: {  	_ =	shalt  }
0x45: {  	_ =	shalt  }
0x46: {  	_ =	shalt  }
0x47: {  	_ =	shalt  }
0x48: {  	_ =	shalt  }
0x49: {  	_ =	shalt  }
0x4a: {  	_ =	shalt  }
0x4b: {  	_ =	shalt  }
0x4c: {  	_ =	shalt  }
0x4d: {  	_ =	shalt  }
0x4e: {  	_ =	shalt  }
0x4f: {  	_ =	shalt  }
0x50: {  	_ =	shalt  }
0x51: {  	_ =	shalt  }
0x52: {  	_ =	shalt  }
0x53: {  	_ =	shalt  }
0x54: {  	_ =	shalt  }
0x55: {  	_ =	shalt  }
0x56: {  	_ =	shalt  }
0x57: {  	_ =	shalt  }
0x58: {  	_ =	shalt  }
0x59: {  	_ =	shalt  }
0x5a: {  	_ =	shalt  }
0x5b: {  	_ =	shalt  }
0x5c: {  	_ =	shalt  }
0x5d: {  	_ =	shalt  }
0x5e: {  	_ =	shalt  }
0x5f: {  	_ =	shalt  }
0x60: {  	_ =	shalt  }
0x61: {  	_ =	shalt  }
0x62: {  	_ =	shalt  }
0x63: {  	_ =	shalt  }
0x64: {  	_ =	shalt  }
0x65: {  	_ =	shalt  }
0x66: {  	_ =	shalt  }
0x67: {  	_ =	shalt  }
0x68: {  	_ =	shalt  }
0x69: {  	_ =	shalt  }
0x6a: {  	_ =	shalt  }
0x6b: {  	_ =	shalt  }
0x6c: {  	_ =	shalt  }
0x6d: {  	_ =	shalt  }
0x6e: {  	_ =	shalt  }
0x6f: {  	_ =	shalt  }
0x70: {  	_ =	shalt  }
0x71: {  	_ =	shalt  }
0x72: {  	_ =	shalt  }
0x73: {  	_ =	shalt  }
0x74: {  	_ =	shalt  }
0x75: {  	_ =	shalt  }
0x76: {  	_ =	shalt  }
0x77: {  	_ =	shalt  }
0x78: {  	_ =	shalt  }
0x79: {  	_ =	shalt  }
0x7a: {  	_ =	shalt  }
0x7b: {  	_ =	shalt  }
0x7c: {  	_ =	shalt  }
0x7d: {  	_ =	shalt  }
0x7e: {  	_ =	shalt  }
0x7f: {  	_ =	shalt  }
0x80: {  	_ =	shalt  }
0x81: {  	_ =	shalt  }
0x82: {  	_ =	shalt  }
0x83: {  	_ =	shalt  }
0x84: {  	_ =	shalt  }
0x85: {  	_ =	shalt  }
0x86: {  	_ =	shalt  }
0x87: {  	_ =	shalt  }
.Lfunc_end0:
.L_simem_size_0:
called_computation.2_lowered:
.L_overlay_start_0:
0x88: {  	s2 =	sld [smem:$0x3FD9]  }
0x89: {  	s3 =	sld [smem:$0x3FFE];
	_ =	sdelay $0x1  }
0x8a: {  	s1 =	srdreg.scid  }
0x8b: {  	s0 =	sand.u32 $0x1, s1  }
0x8c: {  	s16 =	sshll.u32 s0, $0xA;
	s2 =	sadd.s32 s3, s2  }
0x8d: {  	s2 =	sadd.s32 s2, s16  }
0x8e: {  	[smem:$0x3FBB] =	sst s2  }
0x8f: {  	_ = 	snop  }
0x90: {  	(tm) =	ssettm $0x1  }
0x91: {  	s17 =	sld [smem:$0x3FFB];
	_ =	sdelay $0x3  }
0x92: {  	_ =	strace s17  }
0x93: {  	s2 =	sld [smem:$0x3FFC];
	_ =	sdelay $0x3  }
0x94: {  	_ =	strace s2  }
0x95: {  	s2 =	sld [smem:$0x3FFD];
	_ =	sdelay $0x3  }
0x96: {  	_ =	strace s2  }
0x97: {  	_ =	strace $0x8FFFFFFF  }
0x98: {  	s18 =	sld [smem:$0x3FDB];
	_ =	sdelay $0x1  }
0x99: {  	s19 =	simm.s32 $_scs_section_size  }
0x9a: {  	s4 =	simm.s32 $_size__tile_overlayer_lowered;
	s5 =	simm.s32 $_tile_overlayer_lowered  }
0x9b: {  	s22 =	simm.s32 $0x1BFF;
	s21 =	sshll.u32 s5, $0x1;
	s2 =	sadd.s32 s19, s18  }
0x9c: {  	s6 =	simm.s32 $0x0;
	s20 =	sshll.u32 s4, $0x1;
	s4 =	sadd.s32 s21, s2  }
0x9d: {  	[timem:s6], [sflag:s22] =	dma.local [hbm:s4], s20  }
0x9e: {  	_ =	swait.ge [sflag:s22], s20  }
0x9f: {  	s3 =	ssub.s32 $0x0, s20;
	[sflag:s22] =	ssyncset.done $0x0  }
0xa0: {  	[sflag:s22] =	ssyncadd.s32 s3;
	_ =	sdelay $0x1  }
0xa1: {  	s23 =	simm.s32 $0x1B8B  }
0xa2: {  	_ =	swait.ge [sflag:s23], $0x1  }
0xa3: {  	[sflag:s23] =	ssyncset.done $0x0  }
0xa4: {  	s25 =	simm.s32 $0x1B8E;
	s24 =	sld [smem:$0x3FFE];
	[sflag:s23] =	ssyncadd.s32 $0xFFFFFFFF  }
0xa5: {  	s26 =	simm.s32 $execute0_lowered;
	[smem:$0x3FD2] =	sst s25  }
0xa6: {  	s4 =	sshll.u32 s26, $0x1;
	_ =	strace $0x8000004C;
	[dreg:$0x1] =	wrdreg $0xFFFFFFFF  }
0xa7: {  	s28 =	simm.s32 $_size_execute0_lowered;
	s2 =	sadd.s32 s2, s4;
	[dreg:$0x0] =	wrdreg $0x0  }
0xa8: {  	s4 =	sshll.u32 s28, $0x1;
	[dreg:$0x2] =	wrdreg s2  }
0xa9: {  	[dreg:$0x3] =	wrdreg s4  }
0xaa: {  	[dreg:$0x4] =	wrdreg $0xC0  }
0xab: {  	_ =	task [dreg:s6], $0x5FFFF  }
0xac: {  	[dreg:$0x1] =	wrdreg $0xFFFFFFFF  }
0xad: {  	[dreg:$0x0] =	wrdreg $0x60  }
0xae: {  	[dreg:$0x2] =	wrdreg s24  }
0xaf: {  	[dreg:$0x3] =	wrdreg $0xAC000  }
0xb0: {  	[dreg:$0x4] =	wrdreg $0x9  }
0xb1: {  	_ =	task.clear_ibuf [dreg:s6], $0x5FFFF;
	_ =	strace $0x9000004C  }
0xb2: {  	s29 =	simm.s32 $0x9;
	_ =	strace $0x8000004E  }
0xb3: {  	_ =	swait.ge [sflag:s29], $0x1  }
0xb4: {  	[sflag:s29] =	ssyncadd.s32 $0xFFFFFFFF  }
0xb5: {  	_ =	strace $0x9000004E  }
0xb6: {  	_ =	sfence  }
0xb7: {  	s30 =	sld [smem:$0x0];
	_ =	sdelay $0x2  }
0xb8: {  	s31 =	sshll.u32 s1, $0xD;
	s1 =	sshrl.u32 s1, $0x2  }
0xb9: {  	s3 =	sand.u32 $0x4000, s31;
	s1 =	sadd.s32 s1, s30  }
0xba: {  	s0 =	sor.u32 s3, s0;
	s1 =	sshll.u32 s1, $0x11  }
0xbb: {  	s0 =	sor.u32 s1, s0  }
0xbc: {  	s0 =	sadd.s32 $0x8F2B, s0  }
0xbd: {  	[sflag:s0] =	ssyncadd.remote.s32 $0x1  }
0xbe: {  	_ =	sfence.sel $0xFFFF  }
0xbf: {  	[dreg:$0x0] =	wrdreg $0xFFFFFFFF;
	(pc) =	sbr.abs _section_cstart, $3  }
0xc0: {  	[dreg:$0x1] =	wrdreg $0xFFFFFFFF  }
0xc1: {  	_ =	task.clear_ibuf [dreg:s6], $0x2FFFF;
	_ =	strace $0x9FFFFFFF  }
0xc2: {  	(tm) =	ssettm $0x7FFFFFFF  }
0xc3: {  	_ =	shalt  }
tec
execute0_lowered:
.L_overlay_start_1:
0x0: {  	(tag) =	ssettag $0x1  }
0x1: {  	s0 =	srdreg.scid;
	s3 =	rddreg [dreg:$0x0]  }
0x2: {  	s8 =	stileid.u32;
	s2 =	rddreg [dreg:$0x1];
	s4 =	simm.s32 $0x0  }
0x3: {  	s11 =	simm.s32 $0x9;
	s12 =	simm.s32 $0x40;
	s13 =	simm.s32 $0x2800  }
0x4: {  	s14 =	simm.s32 $0x2C00;
	s15 =	simm.s32 $0x2880;
	s16 =	simm.s32 $0x4C00  }
0x5: {  	s17 =	simm.s32 $0x2900;
	s18 =	simm.s32 $0x6C00;
	s19 =	simm.s32 $0x2980  }
0x6: {  	s20 =	simm.s32 $0x8C00;
	s21 =	simm.s32 $0x1;
	s22 =	simm.s32 $0x2A00  }
0x7: {  	s28 =	simm.s32 $0x4;
	s29 =	simm.s32 $0x2B80;
	s30 =	simm.s32 $0x5  }
0x8: {  	s31 =	simm.s32 $0x6;
	s0 =	sand.u32 $0x1, s0;
	s1 =	sshll.u32 s8, $0x1  }
0x9: {  	s5 =	smul.u32 $0x14000, s8;
	[smem:$0x7FF] =	sst s4;
	s4 =	sadd.s32 $0x52A00, s3  }
0xa: {  	s23 =	smul.u32 $0x50000, s8;
	s26 =	sshll.u32 s8, $0x6;
	s1 =	sor.u32 s0, s1  }
0xb: {  	s6 =	smul.u32 $0x140000, s0;
	_ =	strace $0x8000004D;
	s0 =	ssub.s32 $0x2, s0  }
0xc: {  	s1 =	smul.u32 $0x500, s1;
	s7 =	sshrl.u32 s5, $0x3;
	s24 =	sshrl.u32 s0, $0x1  }
0xd: {  	s25 =	sshrl.u32 s23, $0x2;
	s23 =	simm.s32 $0x2;
	s5 =	sadd.s32 s5, s6  }
0xe: {  	s7 =	sadd.s32 s7, s3;
	s0 =	ssub.s32 s0, s24;
	s6 =	sor.u32 $0x1C09, s26  }
0xf: {  	s24 =	simm.s32 $0x2A80;
	s26 =	simm.s32 $0x2B00;
	s1 =	sadd.s32 s1, s3  }
.Ltmp0:
0x10: {  	s5 =	sshrl.u32 s5, $0x3;
	s7 =	sadd.s32 $0x2AA00, s7;
	(pc) =	sbr.rel .LBB2_1-.Ltmp0, $4  }
0x11: {  	s9 =	smax.u32 s0, $0x1;
	s0 =	simm.s32 $0x8;
	s3 =	sadd.s32 s5, s3  }
0x12: {  	s5 =	sadd.s32 s25, s2;
	[dreg:$0x3] =	wrdreg s7;
	s1 =	sadd.s32 $0x2A00, s1  }
0x13: {  	s25 =	simm.s32 $0x3;
	[dreg:$0x4] =	wrdreg s1;
	s8 =	sadd.s32 $0x79C00, s3  }
0x14: {  	s10 =	sshrl.u32 s5, $0x3;
	s1 =	simm.s32 $0x7;
	s3 =	simm.s32 $0x0  }
.LBB2_4:
0x15: {  	_ =	swait.ge [sflag:s31], $0x2000  }
0x16: {  	[sflag:s31] =	ssyncset.done $0x0  }
0x17: {  	[sflag:s31] =	ssyncadd.s32 $0xFFFFE000  }
0x18: {  	_ =	swait.ge [sflag:s1], $0x2000  }
0x19: {  	[sflag:s1] =	ssyncset.done $0x0  }
0x1a: {  	[sflag:s1] =	ssyncadd.s32 $0xFFFFE000  }
0x1b: {  	_ =	swait.ge [sflag:s0], $0x2000  }
0x1c: {  	s3 =	sadd.s32 $0x1, s3;
	[sflag:s0] =	ssyncset.done $0x0  }
0x1d: {  	p0 =	sne.s32 s3, s9;
	[sflag:s0] =	ssyncadd.s32 $0xFFFFE000  }
.Ltmp1:
0x1e: {  	[bflag:$0x0] =	sbarrier.arrive $0xFFFF;
	(pc) =	sbr.rel @!p0 .LBB2_5-.Ltmp1, $4  }
0x1f: {  	[hbm:s8], [sflag:s6] =	dma.local [spmem:s10], $0x2800  }
0x20: {  	_ =	swait.ge [sflag:s11], $0x2800  }
0x21: {  	[sflag:s11] =	ssyncset.done $0x0  }
0x22: {  	[sflag:s11] =	ssyncadd.s32 $0xFFFFD800  }
.LBB2_1:
0x23: {  	s5 =	rddreg [dreg:$0x3]  }
0x24: {  	[spmem:s10], [sflag:s6] =	dma.local [hbm:s5], $0x2800  }
0x25: {  	_ =	swait.ge [sflag:s11], $0x2800  }
0x26: {  	[sflag:s11] =	ssyncset.done $0x0  }
0x27: {  	s5 =	simm.s32 $0x0;
	s7 =	rddreg [dreg:$0x4];
	[sflag:s11] =	ssyncadd.s32 $0xFFFFD800  }
0x28: {  	[tilespmem:s5], [sflag:$0x9] =	stream.linear.gather [hbm4b:s7+s5], $0x2800, $0x38;
	[tilespmem:$0x1EC00] =	vst v63  }
0x29: {  	_ =	swait.ge [sflag:s11], $0x2800  }
0x2a: {  	[sflag:s11] =	ssyncset.done $0x0  }
0x2b: {  	[sflag:s11] =	ssyncadd.s32 $0xFFFFD800  }
0x2c: {  	[bflag:$0x0] =	sbarrier.arrive $0xFFFF  }
0x2d: {  	v0 =	vld [tilespmem:$0x0];
	_ =	sdelay $0x1  }
0x2e: {  	v1 =	vld [tilespmem:$0x10];
	_ =	sdelay $0x1  }
0x2f: {  	v2 =	vld [tilespmem:$0x20]  }
0x30: {  	v3 =	vand.u32 $0xFFFF, v0  }
0x31: {  	v24 =	vld [tilespmem:$0x30];
	v0 =	vshra.s32 v0, $0x10;
	[tilespmem:$0x2800] =	vst v3  }
0x32: {  	v25 =	vand.u32 $0xFFFF, v1;
	[tilespmem:$0x2A00] =	vst v0  }
0x33: {  	v26 =	vshra.s32 v1, $0x10;
	[tilespmem:$0x2810] =	vst v25  }
0x34: {  	v27 =	vand.u32 $0xFFFF, v2;
	[tilespmem:$0x2A10] =	vst v26  }
0x35: {  	v28 =	vshra.s32 v2, $0x10;
	[tilespmem:$0x2820] =	vst v27  }
0x36: {  	v29 =	vand.u32 $0xFFFF, v24;
	[tilespmem:$0x2A20] =	vst v28  }
0x37: {  	v30 =	vshra.s32 v24, $0x10;
	[tilespmem:$0x2830] =	vst v29  }
0x38: {  	[tilespmem:$0x2A30] =	vst v30  }
0x39: {  	[tilespmem:s14], [sflag:$0x1] =	stream.indirect.gather [hbm4b:s4+s12], $0x80, s13, s12, $0xb8;
	[tilespmem:$0x1EC00] =	vst v63  }
0x3a: {  	v31 =	vld [tilespmem:$0x40];
	_ =	sdelay $0x1  }
0x3b: {  	v32 =	vld [tilespmem:$0x50];
	_ =	sdelay $0x1  }
0x3c: {  	v33 =	vld [tilespmem:$0x60]  }
0x3d: {  	v34 =	vand.u32 $0xFFFF, v31  }
0x3e: {  	v35 =	vld [tilespmem:$0x70];
	v0 =	vshra.s32 v31, $0x10;
	[tilespmem:$0x2880] =	vst v34  }
0x3f: {  	v36 =	vand.u32 $0xFFFF, v32;
	[tilespmem:$0x2A80] =	vst v0  }
0x40: {  	v37 =	vshra.s32 v32, $0x10;
	[tilespmem:$0x2890] =	vst v36  }
0x41: {  	v38 =	vand.u32 $0xFFFF, v33;
	[tilespmem:$0x2A90] =	vst v37  }
0x42: {  	v39 =	vshra.s32 v33, $0x10;
	[tilespmem:$0x28A0] =	vst v38  }
0x43: {  	v40 =	vand.u32 $0xFFFF, v35;
	[tilespmem:$0x2AA0] =	vst v39  }
0x44: {  	v41 =	vshra.s32 v35, $0x10;
	[tilespmem:$0x28B0] =	vst v40  }
0x45: {  	[tilespmem:$0x2AB0] =	vst v41  }
0x46: {  	[tilespmem:s16], [sflag:$0x2] =	stream.indirect.gather [hbm4b:s4+s12], $0x80, s15, s12, $0xb8;
	[tilespmem:$0x1EC00] =	vst v63  }
0x47: {  	v42 =	vld [tilespmem:$0x80];
	_ =	sdelay $0x1  }
0x48: {  	v43 =	vld [tilespmem:$0x90];
	_ =	sdelay $0x1  }
0x49: {  	v44 =	vld [tilespmem:$0xA0]  }
0x4a: {  	v45 =	vand.u32 $0xFFFF, v42  }
0x4b: {  	v46 =	vld [tilespmem:$0xB0];
	v0 =	vshra.s32 v42, $0x10;
	[tilespmem:$0x2900] =	vst v45  }
0x4c: {  	v47 =	vand.u32 $0xFFFF, v43;
	[tilespmem:$0x2B00] =	vst v0  }
0x4d: {  	v48 =	vshra.s32 v43, $0x10;
	[tilespmem:$0x2910] =	vst v47  }
0x4e: {  	v49 =	vand.u32 $0xFFFF, v44;
	[tilespmem:$0x2B10] =	vst v48  }
0x4f: {  	v50 =	vshra.s32 v44, $0x10;
	[tilespmem:$0x2920] =	vst v49  }
0x50: {  	v51 =	vand.u32 $0xFFFF, v46;
	[tilespmem:$0x2B20] =	vst v50  }
0x51: {  	v52 =	vshra.s32 v46, $0x10;
	[tilespmem:$0x2930] =	vst v51  }
0x52: {  	[tilespmem:$0x2B30] =	vst v52  }
0x53: {  	[tilespmem:s18], [sflag:$0x3] =	stream.indirect.gather [hbm4b:s4+s12], $0x80, s17, s12, $0xb8;
	[tilespmem:$0x1EC00] =	vst v63  }
0x54: {  	v53 =	vld [tilespmem:$0xC0];
	_ =	sdelay $0x1  }
0x55: {  	v54 =	vld [tilespmem:$0xD0];
	_ =	sdelay $0x1  }
0x56: {  	v55 =	vld [tilespmem:$0xE0]  }
0x57: {  	v56 =	vand.u32 $0xFFFF, v53  }
0x58: {  	v57 =	vld [tilespmem:$0xF0];
	v0 =	vshra.s32 v53, $0x10;
	[tilespmem:$0x2980] =	vst v56  }
0x59: {  	v58 =	vand.u32 $0xFFFF, v54;
	[tilespmem:$0x2B80] =	vst v0  }
0x5a: {  	v59 =	vshra.s32 v54, $0x10;
	[tilespmem:$0x2990] =	vst v58  }
0x5b: {  	v60 =	vand.u32 $0xFFFF, v55;
	[tilespmem:$0x2B90] =	vst v59  }
0x5c: {  	v61 =	vshra.s32 v55, $0x10;
	[tilespmem:$0x29A0] =	vst v60  }
0x5d: {  	v62 =	vand.u32 $0xFFFF, v57;
	[tilespmem:$0x2BA0] =	vst v61  }
0x5e: {  	v63 =	vshra.s32 v57, $0x10;
	[tilespmem:$0x29B0] =	vst v62  }
0x5f: {  	s5 =	simm.s32 $0x0;
	[tilespmem:$0x2BB0] =	vst v63  }
0x60: {  	[tilespmem:s20], [sflag:$0x4] =	stream.indirect.gather [hbm4b:s4+s12], $0x80, s19, s12, $0xb8;
	[tilespmem:$0x1EC00] =	vst v63  }
.LBB2_2:
0x61: {  	_ =	swait.ge [sflag:s21], $0x2000  }
0x62: {  	[sflag:s21] =	ssyncset.done $0x0  }
0x63: {  	[sflag:s21] =	ssyncadd.s32 $0xFFFFE000  }
0x64: {  	[spmem:s2] =	stream.indirect.scatter.add.f32 [tilespmem:s14], [sflag:$0x5], $0x80, s22, s12, $0xb8;
	[tilespmem:$0x1EC00] =	vst v63  }
0x65: {  	_ =	swait.ge [sflag:s23], $0x2000  }
0x66: {  	[sflag:s23] =	ssyncset.done $0x0  }
0x67: {  	[sflag:s23] =	ssyncadd.s32 $0xFFFFE000  }
0x68: {  	[spmem:s2] =	stream.indirect.scatter.add.f32 [tilespmem:s16], [sflag:$0x6], $0x80, s24, s12, $0xb8;
	[tilespmem:$0x1EC00] =	vst v63  }
0x69: {  	_ =	swait.ge [sflag:s25], $0x2000  }
0x6a: {  	[sflag:s25] =	ssyncset.done $0x0  }
0x6b: {  	[sflag:s25] =	ssyncadd.s32 $0xFFFFE000  }
0x6c: {  	[spmem:s2] =	stream.indirect.scatter.add.f32 [tilespmem:s18], [sflag:$0x7], $0x80, s26, s12, $0xb8;
	[tilespmem:$0x1EC00] =	vst v63  }
0x6d: {  	_ =	swait.ge [sflag:s28], $0x2000  }
0x6e: {  	p0 =	seq.s32 s5, $0x9C00;
	[sflag:s28] =	ssyncset.done $0x0  }
.Ltmp2:
0x6f: {  	[sflag:s28] =	ssyncadd.s32 $0xFFFFE000;
	(pc) =	sbr.rel @p0 .LBB2_4-.Ltmp2, $4  }
0x70: {  	[spmem:s2] =	stream.indirect.scatter.add.f32 [tilespmem:s20], [sflag:$0x8], $0x80, s29, s12, $0xb8;
	[tilespmem:$0x1EC00] =	vst v63  }
0x71: {  	_ =	swait.ge [sflag:s30], $0x2000  }
0x72: {  	[sflag:s30] =	ssyncset.done $0x0  }
0x73: {  	[sflag:s30] =	ssyncadd.s32 $0xFFFFE000  }
0x74: {  	s7 =	sshra.s32 s5, $0x2  }
0x75: {  	v0 =	vld [tilespmem:s7+$0x100];
	_ =	sdelay $0x4  }
0x76: {  	v1 =	vand.u32 $0xFFFF, v0  }
0x77: {  	v0 =	vshra.s32 v0, $0x10;
	[tilespmem:$0x2800] =	vst v1  }
0x78: {  	[tilespmem:$0x2A00] =	vst v0  }
0x79: {  	v0 =	vld [tilespmem:s7+$0x110];
	_ =	sdelay $0x4  }
0x7a: {  	v46 =	vand.u32 $0xFFFF, v0  }
0x7b: {  	v0 =	vshra.s32 v0, $0x10;
	[tilespmem:$0x2810] =	vst v46  }
0x7c: {  	[tilespmem:$0x2A10] =	vst v0  }
0x7d: {  	v0 =	vld [tilespmem:s7+$0x120];
	_ =	sdelay $0x4  }
0x7e: {  	v47 =	vand.u32 $0xFFFF, v0  }
0x7f: {  	v0 =	vshra.s32 v0, $0x10;
	[tilespmem:$0x2820] =	vst v47  }
0x80: {  	[tilespmem:$0x2A20] =	vst v0  }
0x81: {  	v0 =	vld [tilespmem:s7+$0x130];
	_ =	sdelay $0x4  }
0x82: {  	v48 =	vand.u32 $0xFFFF, v0  }
0x83: {  	v0 =	vshra.s32 v0, $0x10;
	[tilespmem:$0x2830] =	vst v48  }
0x84: {  	[tilespmem:$0x2A30] =	vst v0  }
0x85: {  	[tilespmem:s14], [sflag:$0x1] =	stream.indirect.gather [hbm4b:s4+s12], $0x80, s13, s12, $0xb8;
	[tilespmem:$0x1EC00] =	vst v63  }
0x86: {  	_ =	swait.ge [sflag:s31], $0x2000  }
0x87: {  	[sflag:s31] =	ssyncset.done $0x0  }
0x88: {  	[sflag:s31] =	ssyncadd.s32 $0xFFFFE000  }
0x89: {  	v49 =	vld [tilespmem:s7+$0x140];
	_ =	sdelay $0x4  }
0x8a: {  	v50 =	vand.u32 $0xFFFF, v49  }
0x8b: {  	v0 =	vshra.s32 v49, $0x10;
	[tilespmem:$0x2880] =	vst v50  }
0x8c: {  	[tilespmem:$0x2A80] =	vst v0  }
0x8d: {  	v0 =	vld [tilespmem:s7+$0x150];
	_ =	sdelay $0x4  }
0x8e: {  	v51 =	vand.u32 $0xFFFF, v0  }
0x8f: {  	v0 =	vshra.s32 v0, $0x10;
	[tilespmem:$0x2890] =	vst v51  }
0x90: {  	[tilespmem:$0x2A90] =	vst v0  }
0x91: {  	v0 =	vld [tilespmem:s7+$0x160];
	_ =	sdelay $0x4  }
0x92: {  	v52 =	vand.u32 $0xFFFF, v0  }
0x93: {  	v0 =	vshra.s32 v0, $0x10;
	[tilespmem:$0x28A0] =	vst v52  }
0x94: {  	[tilespmem:$0x2AA0] =	vst v0  }
0x95: {  	v0 =	vld [tilespmem:s7+$0x170];
	_ =	sdelay $0x4  }
0x96: {  	v53 =	vand.u32 $0xFFFF, v0  }
0x97: {  	v0 =	vshra.s32 v0, $0x10;
	[tilespmem:$0x28B0] =	vst v53  }
0x98: {  	[tilespmem:$0x2AB0] =	vst v0  }
0x99: {  	[tilespmem:s16], [sflag:$0x2] =	stream.indirect.gather [hbm4b:s4+s12], $0x80, s15, s12, $0xb8;
	[tilespmem:$0x1EC00] =	vst v63  }
0x9a: {  	_ =	swait.ge [sflag:s1], $0x2000  }
0x9b: {  	[sflag:s1] =	ssyncset.done $0x0  }
0x9c: {  	[sflag:s1] =	ssyncadd.s32 $0xFFFFE000  }
0x9d: {  	v54 =	vld [tilespmem:s7+$0x180];
	_ =	sdelay $0x4  }
0x9e: {  	v55 =	vand.u32 $0xFFFF, v54  }
0x9f: {  	v0 =	vshra.s32 v54, $0x10;
	[tilespmem:$0x2900] =	vst v55  }
0xa0: {  	[tilespmem:$0x2B00] =	vst v0  }
0xa1: {  	v0 =	vld [tilespmem:s7+$0x190];
	_ =	sdelay $0x4  }
0xa2: {  	v56 =	vand.u32 $0xFFFF, v0  }
0xa3: {  	v0 =	vshra.s32 v0, $0x10;
	[tilespmem:$0x2910] =	vst v56  }
0xa4: {  	[tilespmem:$0x2B10] =	vst v0  }
0xa5: {  	v0 =	vld [tilespmem:s7+$0x1A0];
	_ =	sdelay $0x4  }
0xa6: {  	v57 =	vand.u32 $0xFFFF, v0  }
0xa7: {  	v0 =	vshra.s32 v0, $0x10;
	[tilespmem:$0x2920] =	vst v57  }
0xa8: {  	[tilespmem:$0x2B20] =	vst v0  }
0xa9: {  	v0 =	vld [tilespmem:s7+$0x1B0];
	_ =	sdelay $0x4  }
0xaa: {  	v58 =	vand.u32 $0xFFFF, v0  }
0xab: {  	v0 =	vshra.s32 v0, $0x10;
	[tilespmem:$0x2930] =	vst v58  }
0xac: {  	[tilespmem:$0x2B30] =	vst v0  }
0xad: {  	[tilespmem:s18], [sflag:$0x3] =	stream.indirect.gather [hbm4b:s4+s12], $0x80, s17, s12, $0xb8;
	[tilespmem:$0x1EC00] =	vst v63  }
0xae: {  	_ =	swait.ge [sflag:s0], $0x2000  }
0xaf: {  	[sflag:s0] =	ssyncset.done $0x0  }
0xb0: {  	[sflag:s0] =	ssyncadd.s32 $0xFFFFE000  }
0xb1: {  	v59 =	vld [tilespmem:s7+$0x1C0];
	_ =	sdelay $0x4  }
0xb2: {  	v60 =	vand.u32 $0xFFFF, v59  }
0xb3: {  	v0 =	vshra.s32 v59, $0x10;
	[tilespmem:$0x2980] =	vst v60  }
0xb4: {  	[tilespmem:$0x2B80] =	vst v0  }
0xb5: {  	v0 =	vld [tilespmem:s7+$0x1D0];
	_ =	sdelay $0x4  }
0xb6: {  	v61 =	vand.u32 $0xFFFF, v0  }
0xb7: {  	v0 =	vshra.s32 v0, $0x10;
	[tilespmem:$0x2990] =	vst v61  }
0xb8: {  	[tilespmem:$0x2B90] =	vst v0  }
0xb9: {  	v0 =	vld [tilespmem:s7+$0x1E0];
	_ =	sdelay $0x4  }
0xba: {  	v62 =	vand.u32 $0xFFFF, v0  }
0xbb: {  	v0 =	vshra.s32 v0, $0x10;
	[tilespmem:$0x29A0] =	vst v62  }
0xbc: {  	[tilespmem:$0x2BA0] =	vst v0  }
0xbd: {  	v0 =	vld [tilespmem:s7+$0x1F0];
	_ =	sdelay $0x3  }
.Ltmp3:
0xbe: {  	_ = 	snop;
	(pc) =	sbr.rel .LBB2_2-.Ltmp3, $4  }
0xbf: {  	v63 =	vand.u32 $0xFFFF, v0  }
0xc0: {  	v0 =	vshra.s32 v0, $0x10;
	[tilespmem:$0x29B0] =	vst v63  }
0xc1: {  	s5 =	sadd.s32 $0x400, s5;
	[tilespmem:$0x2BB0] =	vst v0  }
0xc2: {  	[tilespmem:s20], [sflag:$0x4] =	stream.indirect.gather [hbm4b:s4+s12], $0x80, s19, s12, $0xb8;
	[tilespmem:$0x1EC00] =	vst v63  }
.LBB2_5:
0xc3: {  	_ =	sfence.sel $0x180000  }
0xc4: {  	[bflag:$0x0] =	sbarrier.arrive $0xFFFF  }
0xc5: {  	_ =	strace $0x9000004D  }
0xc6: {  	s0 =	stileid.u32;
	[bflag:$0x2] =	sbarrier.arrive $0xFFFF  }
0xc7: {  	p0 =	sne.s32 s0, $0x0;
	s0 =	rddreg [dreg:$0x2]  }
0xc8: {  	s0 =	sadd.s32 @!p0 $0x100000, s0  }
0xc9: {  	[sflag:s0] =	ssyncadd.tile.s32 @!p0 $0x1;
	_ =	shalt  }
.Lfunc_end2:
_tile_overlayer_lowered:
.L_overlay_start_2:
0xca: {  	(tag) =	ssettag $0x2  }
0xcb: {  	s0 =	rddreg [dreg:$0x0];
	s2 =	stileid.u32  }
0xcc: {  	s1 =	rddreg [dreg:$0x1];
	p0 =	sne.s32 s2, $0x0  }
0xcd: {  	s3 =	rddreg [dreg:$0x2];
	[bflag:$0x3] =	sbarrier.arrive $0xFFFF;
	s2 =	simm.s32 @!p0 $0x1C09  }
0xce: {  	[timem:s3], [sflag:s2] =	dma.local @!p0 [hbm:s0], s1  }
0xcf: {  	s0 =	simm.s32 @!p0 $0x9  }
0xd0: {  	_ =	swait.ge @!p0 [sflag:s0], s1  }
0xd1: {  	s1 =	ssub.s32 @!p0 $0x0, s1;
	[sflag:s0] =	ssyncset.done @!p0 $0x0  }
0xd2: {  	[sflag:s0] =	ssyncadd.s32 @!p0 s1  }
0xd3: {  	[bflag:$0x3] =	sbarrier.arrive $0xFFFF  }
0xd4: {  	_ =	shalt  }

// kernel: kernel.17.cloned.1.call-start
scs
__scs_entry_jumppad:
0x0: {  	(pc) =	sbr.rel $0x88, $3  }
0x1: {  	(tag) =	ssettag $0x0;
	lr =	simm.s32 $0x1  }
0x2: {  	[smem:$0x3F94] =	sst lr;
	_ =	strace $0xD0000000  }
0x3: {  	_ = 	snop  }
0x4: {  	_ = 	snop  }
0x5: {  	_ = 	snop  }
0x6: {  	_ = 	snop  }
0x7: {  	_ = 	snop  }
__scs_overlays_trampoline_lowered:
0x8: {  	[smem:$0x3FA3] =	sst s0  }
0x9: {  	[smem:$0x3FA4] =	sst s1  }
0xa: {  	[smem:$0x3FA5] =	sst s2  }
0xb: {  	[smem:$0x3FA6] =	sst s3  }
0xc: {  	[smem:$0x3FA7] =	sst s4  }
0xd: {  	[smem:$0x3FA8] =	sst s5  }
0xe: {  	[smem:$0x3FA9] =	sst s6  }
0xf: {  	[smem:$0x3FAA] =	sst s7  }
0x10: {  	[smem:$0x3FAB] =	sst s8  }
0x11: {  	[smem:$0x3FAC] =	sst s9;
	s0 =	simm.s32 @!p0 $0x0  }
0x12: {  	s1 =	sld [smem:$0x3F92];
	s0 =	simm.s32 @p0 $0x1  }
0x13: {  	[smem:$0x3FAD] =	sst s0;
	s0 =	simm.s32 @!p1 $0x0  }
0x14: {  	s2 =	sld [smem:$0x3F91];
	s0 =	simm.s32 @p1 $0x1  }
0x15: {  	[smem:$0x3FAE] =	sst s0;
	s0 =	simm.s32 @!p2 $0x0  }
0x16: {  	s3 =	sld [smem:$0x3FDB];
	s0 =	simm.s32 @p2 $0x1  }
0x17: {  	s4 =	simm.s32 $0x1BF5;
	[smem:$0x3FB0] =	sst s0  }
0x18: {  	s0 =	sld [smem:$0x3F93];
	_ =	swait.ge [sflag:s4], $0x0  }
0x19: {  	s7 =	sld [smem:$0x3F94]  }
0x1a: {  	s8 =	sadd.s32 $0xFFFFE003, lr  }
0x1b: {  	s9 =	sadd.s32 $0xFFFFFEF7, lr;
	s5 =	simm.s32 $0xFFFFFFFF;
	p2 =	slt.u32 s8, $0xFFFFF086  }
0x1c: {  	p1 =	slt.u32 s9, $0xF7A;
	s5 =	simm.s32 @!p2 $0x0  }
0x1d: {  	s5 =	simm.s32 @p1 $0x1;
	p0 =	seq.s32 s7, s2  }
0x1e: {  	s7 =	smul.u32 @!p0 $0xF7A, s2;
	p2 =	seq.s32 @!p0 s5, $0x0  }
0x1f: {  	s9 =	smul.u32 $0xF7A, s1;
	s8 =	simm.s32 @!p0 $0x1BF5;
	p2 =	por !p2, p0  }
0x20: {  	[sflag:s8] =	ssyncset.s32 @!p0 $0xFFFFF086;
	s6 =	sadd.s32 @!p0 s3, s7;
	s7 =	simm.s32 @!p0 $0x108  }
0x21: {  	s3 =	sadd.s32 s3, s9;
	s6 =	sadd.s32 @!p0 $0x88, s6;
	s7 =	simm.s32 @p2 $0x1082  }
0x22: {  	[simem:s7], [sflag:s8] =	dma.local @!p0 [hbm:s6], $0xF7A  }
0x23: {  	s9 =	sor.u32 $0xD0000000, s2;
	s6 =	simm.s32 $0x108;
	_ =	swait.ge @!p0 [sflag:s8], $0x0  }
0x24: {  	s3 =	sadd.s32 $0x88, s3;
	s6 =	simm.s32 @!p1 $0x1082;
	[sflag:s4] =	ssyncset.s32 $0xFFFFF086  }
0x25: {  	[simem:s6], [sflag:s4] =	dma.local [hbm:s3], $0xF7A  }
0x26: {  	[smem:$0x3F94] =	sst s1;
	(tag) =	ssettag s2;
	_ =	strace s9  }
0x27: {  	s1 =	sld [smem:$0x3FA4]  }
0x28: {  	s2 =	sld [smem:$0x3FA5]  }
0x29: {  	s4 =	sld [smem:$0x3FA7]  }
0x2a: {  	p0 =	seq.s32 s5, $0x0;
	s5 =	sld [smem:$0x3FA8]  }
0x2b: {  	s6 =	sld [smem:$0x3FA9]  }
0x2c: {  	s7 =	sld [smem:$0x3FAA]  }
0x2d: {  	s3 =	simm.s32 $0x108;
	s8 =	sld [smem:$0x3FAB]  }
0x2e: {  	s3 =	simm.s32 @!p0 $0x1082;
	s9 =	sld [smem:$0x3FAC]  }
0x2f: {  	lr =	sadd.s32 s0, s3;
	s0 =	sld [smem:$0x3FA3]  }
0x30: {  	s3 =	sld [smem:$0x3FA6]  }
0x31: {  	[smem:$0x3FAF] =	sst s10  }
0x32: {  	s10 =	sld [smem:$0x3FAD];
	_ =	sdelay $0x3  }
0x33: {  	p0 =	seq.s32 s10, $0x1;
	s10 =	sld [smem:$0x3FAF];
	_ =	sdelay $0x3  }
0x34: {  	[smem:$0x3FAF] =	sst s10  }
0x35: {  	s10 =	sld [smem:$0x3FAE];
	_ =	sdelay $0x3  }
0x36: {  	p1 =	seq.s32 s10, $0x1;
	s10 =	sld [smem:$0x3FAF];
	_ =	sdelay $0x3  }
0x37: {  	[smem:$0x3FAF] =	sst s10  }
0x38: {  	s10 =	sld [smem:$0x3FB0]  }
0x39: {  	_ = 	snop;
	(pc) =	sbr.ind lr, $3  }
0x3a: {  	_ = 	snop  }
0x3b: {  	_ = 	snop  }
0x3c: {  	p2 =	seq.s32 s10, $0x1;
	s10 =	sld [smem:$0x3FAF]  }
0x3d: {  	_ =	shalt  }
0x3e: {  	_ =	shalt  }
0x3f: {  	_ =	shalt  }
0x40: {  	_ =	shalt  }
0x41: {  	_ =	shalt  }
0x42: {  	_ =	shalt  }
0x43: {  	_ =	shalt  }
0x44: {  	_ =	shalt  }
0x45: {  	_ =	shalt  }
0x46: {  	_ =	shalt  }
0x47: {  	_ =	shalt  }
0x48: {  	_ =	shalt  }
0x49: {  	_ =	shalt  }
0x4a: {  	_ =	shalt  }
0x4b: {  	_ =	shalt  }
0x4c: {  	_ =	shalt  }
0x4d: {  	_ =	shalt  }
0x4e: {  	_ =	shalt  }
0x4f: {  	_ =	shalt  }
0x50: {  	_ =	shalt  }
0x51: {  	_ =	shalt  }
0x52: {  	_ =	shalt  }
0x53: {  	_ =	shalt  }
0x54: {  	_ =	shalt  }
0x55: {  	_ =	shalt  }
0x56: {  	_ =	shalt  }
0x57: {  	_ =	shalt  }
0x58: {  	_ =	shalt  }
0x59: {  	_ =	shalt  }
0x5a: {  	_ =	shalt  }
0x5b: {  	_ =	shalt  }
0x5c: {  	_ =	shalt  }
0x5d: {  	_ =	shalt  }
0x5e: {  	_ =	shalt  }
0x5f: {  	_ =	shalt  }
0x60: {  	_ =	shalt  }
0x61: {  	_ =	shalt  }
0x62: {  	_ =	shalt  }
0x63: {  	_ =	shalt  }
0x64: {  	_ =	shalt  }
0x65: {  	_ =	shalt  }
0x66: {  	_ =	shalt  }
0x67: {  	_ =	shalt  }
0x68: {  	_ =	shalt  }
0x69: {  	_ =	shalt  }
0x6a: {  	_ =	shalt  }
0x6b: {  	_ =	shalt  }
0x6c: {  	_ =	shalt  }
0x6d: {  	_ =	shalt  }
0x6e: {  	_ =	shalt  }
0x6f: {  	_ =	shalt  }
0x70: {  	_ =	shalt  }
0x71: {  	_ =	shalt  }
0x72: {  	_ =	shalt  }
0x73: {  	_ =	shalt  }
0x74: {  	_ =	shalt  }
0x75: {  	_ =	shalt  }
0x76: {  	_ =	shalt  }
0x77: {  	_ =	shalt  }
0x78: {  	_ =	shalt  }
0x79: {  	_ =	shalt  }
0x7a: {  	_ =	shalt  }
0x7b: {  	_ =	shalt  }
0x7c: {  	_ =	shalt  }
0x7d: {  	_ =	shalt  }
0x7e: {  	_ =	shalt  }
0x7f: {  	_ =	shalt  }
0x80: {  	_ =	shalt  }
0x81: {  	_ =	shalt  }
0x82: {  	_ =	shalt  }
0x83: {  	_ =	shalt  }
0x84: {  	_ =	shalt  }
0x85: {  	_ =	shalt  }
0x86: {  	_ =	shalt  }
0x87: {  	_ =	shalt  }
.Lfunc_end0:
.L_simem_size_0:
called_computation.3_lowered:
.L_overlay_start_0:
0x88: {  	s2 =	sld [smem:$0x3FD9]  }
0x89: {  	s3 =	sld [smem:$0x3FFE];
	_ =	sdelay $0x1  }
0x8a: {  	s1 =	srdreg.scid  }
0x8b: {  	s0 =	sand.u32 $0x1, s1  }
0x8c: {  	s16 =	sshll.u32 s0, $0xA;
	s2 =	sadd.s32 s3, s2  }
0x8d: {  	s2 =	sadd.s32 s2, s16  }
0x8e: {  	[smem:$0x3FBB] =	sst s2  }
0x8f: {  	_ = 	snop  }
0x90: {  	(tm) =	ssettm $0x1  }
0x91: {  	s17 =	sld [smem:$0x3FFB];
	_ =	sdelay $0x3  }
0x92: {  	_ =	strace s17  }
0x93: {  	s2 =	sld [smem:$0x3FFC];
	_ =	sdelay $0x3  }
0x94: {  	_ =	strace s2  }
0x95: {  	s2 =	sld [smem:$0x3FFD];
	_ =	sdelay $0x3  }
0x96: {  	_ =	strace s2  }
0x97: {  	_ =	strace $0x8FFFFFFF  }
0x98: {  	s18 =	sld [smem:$0x3FDB];
	_ =	sdelay $0x1  }
0x99: {  	s19 =	simm.s32 $_scs_section_size  }
0x9a: {  	s4 =	simm.s32 $_size__tile_overlayer_lowered;
	s5 =	simm.s32 $_tile_overlayer_lowered  }
0x9b: {  	s22 =	simm.s32 $0x1BFF;
	s21 =	sshll.u32 s5, $0x1;
	s2 =	sadd.s32 s19, s18  }
0x9c: {  	s6 =	simm.s32 $0x0;
	s20 =	sshll.u32 s4, $0x1;
	s4 =	sadd.s32 s21, s2  }
0x9d: {  	[timem:s6], [sflag:s22] =	dma.local [hbm:s4], s20  }
0x9e: {  	_ =	swait.ge [sflag:s22], s20  }
0x9f: {  	s3 =	ssub.s32 $0x0, s20;
	[sflag:s22] =	ssyncset.done $0x0  }
0xa0: {  	[sflag:s22] =	ssyncadd.s32 s3;
	_ =	sdelay $0x1  }
0xa1: {  	s23 =	simm.s32 $0x1B8B  }
0xa2: {  	_ =	swait.ge [sflag:s23], $0x1  }
0xa3: {  	[sflag:s23] =	ssyncset.done $0x0  }
0xa4: {  	s25 =	simm.s32 $0x1B8E;
	s24 =	sld [smem:$0x3FFE];
	[sflag:s23] =	ssyncadd.s32 $0xFFFFFFFF  }
0xa5: {  	s26 =	simm.s32 $execute0_lowered;
	[smem:$0x3FD2] =	sst s25  }
0xa6: {  	s4 =	sshll.u32 s26, $0x1;
	_ =	strace $0x8000004F;
	[dreg:$0x1] =	wrdreg $0xFFFFFFFF  }
0xa7: {  	s28 =	simm.s32 $_size_execute0_lowered;
	s2 =	sadd.s32 s2, s4;
	[dreg:$0x0] =	wrdreg $0x0  }
0xa8: {  	s4 =	sshll.u32 s28, $0x1;
	[dreg:$0x2] =	wrdreg s2  }
0xa9: {  	[dreg:$0x3] =	wrdreg s4  }
0xaa: {  	[dreg:$0x4] =	wrdreg $0xC0  }
0xab: {  	_ =	task [dreg:s6], $0x5FFFF  }
0xac: {  	[dreg:$0x1] =	wrdreg $0xFFFFFFFF  }
0xad: {  	[dreg:$0x0] =	wrdreg $0x60  }
0xae: {  	[dreg:$0x2] =	wrdreg s24  }
0xaf: {  	[dreg:$0x3] =	wrdreg $0x9  }
0xb0: {  	_ =	task.clear_ibuf [dreg:s6], $0x4FFFF;
	_ =	strace $0x9000004F  }
0xb1: {  	s29 =	simm.s32 $0x9;
	_ =	strace $0x80000051  }
0xb2: {  	_ =	swait.ge [sflag:s29], $0x1  }
0xb3: {  	[sflag:s29] =	ssyncadd.s32 $0xFFFFFFFF  }
0xb4: {  	_ =	strace $0x90000051  }
0xb5: {  	_ =	sfence  }
0xb6: {  	s30 =	sld [smem:$0x0];
	_ =	sdelay $0x2  }
0xb7: {  	s31 =	sshll.u32 s1, $0xD;
	s1 =	sshrl.u32 s1, $0x2  }
0xb8: {  	s3 =	sand.u32 $0x4000, s31;
	s1 =	sadd.s32 s1, s30  }
0xb9: {  	s0 =	sor.u32 s3, s0;
	s1 =	sshll.u32 s1, $0x11  }
0xba: {  	s0 =	sor.u32 s1, s0  }
0xbb: {  	s0 =	sadd.s32 $0x8F2B, s0  }
0xbc: {  	[sflag:s0] =	ssyncadd.remote.s32 $0x1  }
0xbd: {  	_ =	sfence.sel $0xFFFF  }
0xbe: {  	[dreg:$0x0] =	wrdreg $0xFFFFFFFF;
	(pc) =	sbr.abs _section_cstart, $3  }
0xbf: {  	[dreg:$0x1] =	wrdreg $0xFFFFFFFF  }
0xc0: {  	_ =	task.clear_ibuf [dreg:s6], $0x2FFFF;
	_ =	strace $0x9FFFFFFF  }
0xc1: {  	(tm) =	ssettm $0x7FFFFFFF  }
tec
execute0_lowered:
.L_overlay_start_1:
0x0: {  	(tag) =	ssettag $0x1  }
0x1: {  	s0 =	rddreg [dreg:$0x0]  }
0x2: {  	s1 =	srdreg.scid;
	s3 =	stileid.u32;
	s2 =	simm.s32 $0x0  }
0x3: {  	s10 =	simm.s32 $0x5;
	s11 =	simm.s32 $0x800;
	s12 =	simm.s32 $0x80  }
0x4: {  	s13 =	simm.s32 $0x1000;
	s14 =	simm.s32 $0x9000;
	s15 =	simm.s32 $0x5000  }
0x5: {  	s16 =	simm.s32 $0x880;
	s17 =	simm.s32 $0xD000;
	s18 =	simm.s32 $0x1  }
0x6: {  	v0 =	vlaneseq.u32;
	s19 =	simm.s32 $0x3;
	s20 =	simm.s32 $0x11000;
	s21 =	simm.s32 $0x11100  }
0x7: {  	s22 =	simm.s32 $0x2;
	s23 =	simm.s32 $0x4;
	s24 =	simm.s32 $0x11180;
	v0 =	vmul.u32 $0x10, v0  }
0x8: {  	s25 =	simm.s32 $0x0;
	s1 =	sand.u32 $0x1, s1;
	s3 =	sshll.u32 s3, $0x9  }
.Ltmp0:
0x9: {  	[smem:$0x7FF] =	sst s2;
	s5 =	sadd.s32 $0x2A00, s0;
	v1 =	vor.u32 $0x1, v0;
	v2 =	vor.u32 $0x2, v0;
	v3 =	vor.u32 $0x3, v0;
	(pc) =	sbr.rel .LBB2_1-.Ltmp0, $4  }
0xa: {  	s8 =	sadd.s32 $0x2A10, s0;
	s4 =	sshll.u32 s1, $0x8;
	s1 =	ssub.s32 $0x2, s1;
	v4 =	vor.u32 $0x4, v0;
	v5 =	vor.u32 $0x5, v0;
	v6 =	vor.u32 $0x6, v0  }
0xb: {  	_ =	strace $0x80000050;
	s3 =	sor.u32 s4, s3;
	s6 =	sshrl.u32 s1, $0x1;
	v7 =	vor.u32 $0x7, v0;
	v8 =	vor.u32 $0x8, v0;
	v9 =	vor.u32 $0x9, v0  }
0xc: {  	s4 =	sadd.s32 $0x10A00, s0;
	v10 =	vor.u32 $0xA, v0;
	v11 =	vor.u32 $0xB, v0;
	v12 =	vor.u32 $0xC, v0;
	s7 =	sadd.s32 s3, s0;
	s1 =	ssub.s32 s1, s6  }
0xd: {  	v13 =	vor.u32 $0xD, v0;
	v14 =	vor.u32 $0xE, v0;
	v15 =	vor.u32 $0xF, v0;
	s6 =	sadd.s32 $0xEA00, s7;
	s7 =	sadd.s32 $0xCA00, s7;
	s9 =	smax.u32 s1, $0x1  }
.LBB2_8:
0xe: {  	s25 =	sadd.s32 $0x1, s25  }
0xf: {  	p0 =	sne.s32 s25, s9  }
.Ltmp1:
0x10: {  	_ = 	snop;
	(pc) =	sbr.rel @!p0 .LBB2_9-.Ltmp1, $1  }
0x11: {  	_ =	sdelay $0x3  }
.LBB2_1:
0x12: {  	[tilespmem:s2], [sflag:$0x5] =	stream.linear.gather [hbm4b:s6+s2], $0x800, $0x38;
	[tilespmem:$0x11200] =	vst v63  }
0x13: {  	_ =	swait.ge [sflag:s10], $0x800  }
0x14: {  	[sflag:s10] =	ssyncset.done $0x0  }
0x15: {  	[sflag:s10] =	ssyncadd.s32 $0xFFFFF800  }
0x16: {  	[tilespmem:s11], [sflag:$0x5] =	stream.linear.gather [hbm4b:s7+s2], $0x800, $0x38;
	[tilespmem:$0x11200] =	vst v63  }
0x17: {  	_ =	swait.ge [sflag:s10], $0x800  }
0x18: {  	[sflag:s10] =	ssyncset.done $0x0  }
0x19: {  	[sflag:s10] =	ssyncadd.s32 $0xFFFFF800  }
0x1a: {  	[tilespmem:s13], [sflag:$0x1] =	stream.indirect.gather [hbm4b:s4+s12], $0x80, s2, s12, $0xb8;
	[tilespmem:$0x11200] =	vst v63  }
0x1b: {  	_ = 	snop  }
0x1c: {  	[tilespmem:s14], [sflag:$0x3] =	stream.indirect.gather [hbm4b:s4+s12], $0x80, s11, s12, $0xb8;
	[tilespmem:$0x11200] =	vst v63  }
0x1d: {  	_ = 	snop  }
0x1e: {  	[tilespmem:s15], [sflag:$0x2] =	stream.indirect.gather [hbm4b:s4+s12], $0x80, s12, s12, $0xb8;
	[tilespmem:$0x11200] =	vst v63  }
0x1f: {  	s26 =	simm.s32 $0x0  }
0x20: {  	[tilespmem:s17], [sflag:$0x4] =	stream.indirect.gather [hbm4b:s4+s12], $0x80, s16, s12, $0xb8;
	[tilespmem:$0x11200] =	vst v63  }
.LBB2_2:
0x21: {  	_ =	swait.ge [sflag:s18], $0x4000  }
0x22: {  	[sflag:s18] =	ssyncset.done $0x0  }
0x23: {  	[sflag:s18] =	ssyncadd.s32 $0xFFFFC000  }
0x24: {  	_ =	swait.ge [sflag:s19], $0x4000  }
0x25: {  	[sflag:s19] =	ssyncset.done $0x0  }
0x26: {  	s28 =	simm.s32 $0x0;
	[sflag:s19] =	ssyncadd.s32 $0xFFFFC000  }
0x27: {  	v16 =	vld [tilespmem:s28+$0x9010]  }
0x28: {  	v17 =	vld [tilespmem:s28+$0x1000]  }
0x29: {  	v18 =	vld [tilespmem:s28+$0x1010]  }
0x2a: {  	v19 =	vld [tilespmem:s28+$0x9000]  }
0x2b: {  	v20 =	vld [tilespmem:s28+$0x9020]  }
0x2c: {  	v21 =	vld [tilespmem:s28+$0x1020]  }
0x2d: {  	v22 =	vld [tilespmem:s28+$0x9030]  }
0x2e: {  	v23 =	vld [tilespmem:s28+$0x1030]  }
0x2f: {  	v16 =	vmul.f32 v16, v18;
	v17 =	vmul.f32 v19, v17;
	_ =	sdelay $0x1  }
0x30: {  	v16 =	vadd.f32 v16, v17;
	v17 =	vmul.f32 v20, v21;
	_ =	sdelay $0x1  }
0x31: {  	v16 =	vadd.f32 v17, v16;
	v17 =	vmul.f32 v22, v23;
	_ =	sdelay $0x1  }
0x32: {  	v16 =	vadd.f32 v17, v16;
	_ =	sdelay $0x1  }
0x33: {  	[tilespmem:$0x11000] =	vst v16  }
0x34: {  	v16 =	vld [tilespmem:s28+$0x1080]  }
0x35: {  	v17 =	vld [tilespmem:s28+$0x9080]  }
0x36: {  	v18 =	vld [tilespmem:s28+$0x1090]  }
0x37: {  	v19 =	vld [tilespmem:s28+$0x9090]  }
0x38: {  	v20 =	vld [tilespmem:s28+$0x90A0]  }
0x39: {  	v21 =	vld [tilespmem:s28+$0x10A0]  }
0x3a: {  	v22 =	vld [tilespmem:s28+$0x90B0]  }
0x3b: {  	v23 =	vld [tilespmem:s28+$0x10B0]  }
0x3c: {  	v16 =	vmul.f32 v17, v16;
	v17 =	vmul.f32 v19, v18;
	_ =	sdelay $0x1  }
0x3d: {  	v16 =	vadd.f32 v17, v16;
	v17 =	vmul.f32 v20, v21;
	_ =	sdelay $0x1  }
0x3e: {  	v16 =	vadd.f32 v17, v16;
	v17 =	vmul.f32 v22, v23;
	_ =	sdelay $0x1  }
0x3f: {  	v16 =	vadd.f32 v17, v16;
	_ =	sdelay $0x1  }
0x40: {  	[tilespmem:$0x11010] =	vst v16  }
0x41: {  	v16 =	vld [tilespmem:s28+$0x9110]  }
0x42: {  	v17 =	vld [tilespmem:s28+$0x1100]  }
0x43: {  	v18 =	vld [tilespmem:s28+$0x9100]  }
0x44: {  	v19 =	vld [tilespmem:s28+$0x1110]  }
0x45: {  	v20 =	vld [tilespmem:s28+$0x9120]  }
0x46: {  	v21 =	vld [tilespmem:s28+$0x1120]  }
0x47: {  	v22 =	vld [tilespmem:s28+$0x9130]  }
0x48: {  	v23 =	vld [tilespmem:s28+$0x1130]  }
0x49: {  	v17 =	vmul.f32 v18, v17;
	v16 =	vmul.f32 v16, v19;
	_ =	sdelay $0x1  }
0x4a: {  	v16 =	vadd.f32 v16, v17;
	v17 =	vmul.f32 v20, v21;
	_ =	sdelay $0x1  }
0x4b: {  	v16 =	vadd.f32 v17, v16;
	v17 =	vmul.f32 v22, v23;
	_ =	sdelay $0x1  }
0x4c: {  	v16 =	vadd.f32 v17, v16;
	_ =	sdelay $0x1  }
0x4d: {  	[tilespmem:$0x11020] =	vst v16  }
0x4e: {  	v16 =	vld [tilespmem:s28+$0x9190]  }
0x4f: {  	v17 =	vld [tilespmem:s28+$0x1180]  }
0x50: {  	v18 =	vld [tilespmem:s28+$0x9180]  }
0x51: {  	v19 =	vld [tilespmem:s28+$0x1190]  }
0x52: {  	v20 =	vld [tilespmem:s28+$0x11A0]  }
0x53: {  	v21 =	vld [tilespmem:s28+$0x91A0]  }
0x54: {  	v22 =	vld [tilespmem:s28+$0x91B0]  }
0x55: {  	v23 =	vld [tilespmem:s28+$0x11B0]  }
0x56: {  	v17 =	vmul.f32 v18, v17;
	v16 =	vmul.f32 v16, v19;
	_ =	sdelay $0x1  }
0x57: {  	v16 =	vadd.f32 v16, v17;
	v17 =	vmul.f32 v21, v20;
	_ =	sdelay $0x1  }
0x58: {  	v16 =	vadd.f32 v17, v16;
	v17 =	vmul.f32 v22, v23;
	_ =	sdelay $0x1  }
0x59: {  	v16 =	vadd.f32 v17, v16;
	_ =	sdelay $0x1  }
0x5a: {  	[tilespmem:$0x11030] =	vst v16  }
0x5b: {  	v16 =	vld [tilespmem:s28+$0x9200]  }
0x5c: {  	v17 =	vld [tilespmem:s28+$0x9210]  }
0x5d: {  	v18 =	vld [tilespmem:s28+$0x1200]  }
0x5e: {  	v19 =	vld [tilespmem:s28+$0x1210]  }
0x5f: {  	v20 =	vld [tilespmem:s28+$0x1220]  }
0x60: {  	v21 =	vld [tilespmem:s28+$0x9220]  }
0x61: {  	v22 =	vld [tilespmem:s28+$0x9230]  }
0x62: {  	v23 =	vld [tilespmem:s28+$0x1230]  }
0x63: {  	v16 =	vmul.f32 v16, v18;
	v17 =	vmul.f32 v17, v19;
	_ =	sdelay $0x1  }
0x64: {  	v16 =	vadd.f32 v17, v16;
	v17 =	vmul.f32 v21, v20;
	_ =	sdelay $0x1  }
0x65: {  	v16 =	vadd.f32 v17, v16;
	v17 =	vmul.f32 v22, v23;
	_ =	sdelay $0x1  }
0x66: {  	v16 =	vadd.f32 v17, v16;
	_ =	sdelay $0x1  }
0x67: {  	[tilespmem:$0x11040] =	vst v16  }
0x68: {  	v16 =	vld [tilespmem:s28+$0x9280]  }
0x69: {  	v17 =	vld [tilespmem:s28+$0x9290]  }
0x6a: {  	v18 =	vld [tilespmem:s28+$0x1280]  }
0x6b: {  	v19 =	vld [tilespmem:s28+$0x1290]  }
0x6c: {  	v20 =	vld [tilespmem:s28+$0x12A0]  }
0x6d: {  	v21 =	vld [tilespmem:s28+$0x92A0]  }
0x6e: {  	v22 =	vld [tilespmem:s28+$0x92B0]  }
0x6f: {  	v23 =	vld [tilespmem:s28+$0x12B0]  }
0x70: {  	v16 =	vmul.f32 v16, v18;
	v17 =	vmul.f32 v17, v19;
	_ =	sdelay $0x1  }
0x71: {  	v16 =	vadd.f32 v17, v16;
	v17 =	vmul.f32 v21, v20;
	_ =	sdelay $0x1  }
0x72: {  	v16 =	vadd.f32 v17, v16;
	v17 =	vmul.f32 v22, v23;
	_ =	sdelay $0x1  }
0x73: {  	v16 =	vadd.f32 v17, v16;
	_ =	sdelay $0x1  }
0x74: {  	[tilespmem:$0x11050] =	vst v16  }
0x75: {  	v16 =	vld [tilespmem:s28+$0x9300]  }
0x76: {  	v17 =	vld [tilespmem:s28+$0x9310]  }
0x77: {  	v18 =	vld [tilespmem:s28+$0x1310]  }
0x78: {  	v19 =	vld [tilespmem:s28+$0x1300]  }
0x79: {  	v20 =	vld [tilespmem:s28+$0x9320]  }
0x7a: {  	v21 =	vld [tilespmem:s28+$0x1320]  }
0x7b: {  	v22 =	vld [tilespmem:s28+$0x9330]  }
0x7c: {  	v23 =	vld [tilespmem:s28+$0x1330]  }
0x7d: {  	v17 =	vmul.f32 v17, v18;
	v16 =	vmul.f32 v16, v19;
	_ =	sdelay $0x1  }
0x7e: {  	v16 =	vadd.f32 v17, v16;
	v17 =	vmul.f32 v20, v21;
	_ =	sdelay $0x1  }
0x7f: {  	v16 =	vadd.f32 v17, v16;
	v17 =	vmul.f32 v22, v23;
	_ =	sdelay $0x1  }
0x80: {  	v16 =	vadd.f32 v17, v16;
	_ =	sdelay $0x1  }
0x81: {  	[tilespmem:$0x11060] =	vst v16  }
0x82: {  	v16 =	vld [tilespmem:s28+$0x1380]  }
0x83: {  	v17 =	vld [tilespmem:s28+$0x9380]  }
0x84: {  	v18 =	vld [tilespmem:s28+$0x9390]  }
0x85: {  	v19 =	vld [tilespmem:s28+$0x1390]  }
0x86: {  	v20 =	vld [tilespmem:s28+$0x93A0]  }
0x87: {  	v21 =	vld [tilespmem:s28+$0x13A0]  }
0x88: {  	v22 =	vld [tilespmem:s28+$0x93B0]  }
0x89: {  	v23 =	vld [tilespmem:s28+$0x13B0]  }
0x8a: {  	v16 =	vmul.f32 v17, v16;
	v17 =	vmul.f32 v18, v19;
	_ =	sdelay $0x1  }
0x8b: {  	v16 =	vadd.f32 v17, v16;
	v17 =	vmul.f32 v20, v21;
	_ =	sdelay $0x1  }
0x8c: {  	v16 =	vadd.f32 v17, v16;
	v17 =	vmul.f32 v22, v23;
	_ =	sdelay $0x1  }
0x8d: {  	v16 =	vadd.f32 v17, v16;
	_ =	sdelay $0x1  }
0x8e: {  	[tilespmem:$0x11070] =	vst v16  }
0x8f: {  	v16 =	vld [tilespmem:s28+$0x9400]  }
0x90: {  	v17 =	vld [tilespmem:s28+$0x9410]  }
0x91: {  	v18 =	vld [tilespmem:s28+$0x1400]  }
0x92: {  	v19 =	vld [tilespmem:s28+$0x1410]  }
0x93: {  	v20 =	vld [tilespmem:s28+$0x9420]  }
0x94: {  	v21 =	vld [tilespmem:s28+$0x1420]  }
0x95: {  	v22 =	vld [tilespmem:s28+$0x9430]  }
0x96: {  	v23 =	vld [tilespmem:s28+$0x1430]  }
0x97: {  	v16 =	vmul.f32 v16, v18;
	v17 =	vmul.f32 v17, v19;
	_ =	sdelay $0x1  }
0x98: {  	v16 =	vadd.f32 v17, v16;
	v17 =	vmul.f32 v20, v21;
	_ =	sdelay $0x1  }
0x99: {  	v16 =	vadd.f32 v17, v16;
	v17 =	vmul.f32 v22, v23;
	_ =	sdelay $0x1  }
0x9a: {  	v16 =	vadd.f32 v17, v16;
	_ =	sdelay $0x1  }
0x9b: {  	[tilespmem:$0x11080] =	vst v16  }
0x9c: {  	v16 =	vld [tilespmem:s28+$0x9480]  }
0x9d: {  	v17 =	vld [tilespmem:s28+$0x9490]  }
0x9e: {  	v18 =	vld [tilespmem:s28+$0x1490]  }
0x9f: {  	v19 =	vld [tilespmem:s28+$0x1480]  }
0xa0: {  	v20 =	vld [tilespmem:s28+$0x14A0]  }
0xa1: {  	v21 =	vld [tilespmem:s28+$0x94A0]  }
0xa2: {  	v22 =	vld [tilespmem:s28+$0x14B0]  }
0xa3: {  	v23 =	vld [tilespmem:s28+$0x94B0]  }
0xa4: {  	v17 =	vmul.f32 v17, v18;
	v16 =	vmul.f32 v16, v19;
	_ =	sdelay $0x1  }
0xa5: {  	v16 =	vadd.f32 v17, v16;
	v17 =	vmul.f32 v21, v20;
	_ =	sdelay $0x1  }
0xa6: {  	v16 =	vadd.f32 v17, v16;
	v17 =	vmul.f32 v23, v22;
	_ =	sdelay $0x1  }
0xa7: {  	v16 =	vadd.f32 v17, v16;
	_ =	sdelay $0x1  }
0xa8: {  	[tilespmem:$0x11090] =	vst v16  }
0xa9: {  	v16 =	vld [tilespmem:s28+$0x9510]  }
0xaa: {  	v17 =	vld [tilespmem:s28+$0x9500]  }
0xab: {  	v18 =	vld [tilespmem:s28+$0x1500]  }
0xac: {  	v19 =	vld [tilespmem:s28+$0x1510]  }
0xad: {  	v20 =	vld [tilespmem:s28+$0x1520]  }
0xae: {  	v21 =	vld [tilespmem:s28+$0x9520]  }
0xaf: {  	v22 =	vld [tilespmem:s28+$0x1530]  }
0xb0: {  	v23 =	vld [tilespmem:s28+$0x9530]  }
0xb1: {  	v17 =	vmul.f32 v17, v18;
	v16 =	vmul.f32 v16, v19;
	_ =	sdelay $0x1  }
0xb2: {  	v16 =	vadd.f32 v16, v17;
	v17 =	vmul.f32 v21, v20;
	_ =	sdelay $0x1  }
0xb3: {  	v16 =	vadd.f32 v17, v16;
	v17 =	vmul.f32 v23, v22;
	_ =	sdelay $0x1  }
0xb4: {  	v16 =	vadd.f32 v17, v16;
	_ =	sdelay $0x1  }
0xb5: {  	[tilespmem:$0x110A0] =	vst v16  }
0xb6: {  	v16 =	vld [tilespmem:s28+$0x9580]  }
0xb7: {  	v17 =	vld [tilespmem:s28+$0x9590]  }
0xb8: {  	v18 =	vld [tilespmem:s28+$0x1580]  }
0xb9: {  	v19 =	vld [tilespmem:s28+$0x1590]  }
0xba: {  	v20 =	vld [tilespmem:s28+$0x15A0]  }
0xbb: {  	v21 =	vld [tilespmem:s28+$0x95A0]  }
0xbc: {  	v22 =	vld [tilespmem:s28+$0x15B0]  }
0xbd: {  	v23 =	vld [tilespmem:s28+$0x95B0]  }
0xbe: {  	v16 =	vmul.f32 v16, v18;
	v17 =	vmul.f32 v17, v19;
	_ =	sdelay $0x1  }
0xbf: {  	v16 =	vadd.f32 v17, v16;
	v17 =	vmul.f32 v21, v20;
	_ =	sdelay $0x1  }
0xc0: {  	v16 =	vadd.f32 v17, v16;
	v17 =	vmul.f32 v23, v22;
	_ =	sdelay $0x1  }
0xc1: {  	v16 =	vadd.f32 v17, v16;
	_ =	sdelay $0x1  }
0xc2: {  	[tilespmem:$0x110B0] =	vst v16  }
0xc3: {  	v16 =	vld [tilespmem:s28+$0x9600]  }
0xc4: {  	v17 =	vld [tilespmem:s28+$0x9610]  }
0xc5: {  	v18 =	vld [tilespmem:s28+$0x1600]  }
0xc6: {  	v19 =	vld [tilespmem:s28+$0x1610]  }
0xc7: {  	v20 =	vld [tilespmem:s28+$0x1620]  }
0xc8: {  	v21 =	vld [tilespmem:s28+$0x9620]  }
0xc9: {  	v22 =	vld [tilespmem:s28+$0x1630]  }
0xca: {  	v23 =	vld [tilespmem:s28+$0x9630]  }
0xcb: {  	v16 =	vmul.f32 v16, v18;
	v17 =	vmul.f32 v17, v19;
	_ =	sdelay $0x1  }
0xcc: {  	v16 =	vadd.f32 v17, v16;
	v17 =	vmul.f32 v21, v20;
	_ =	sdelay $0x1  }
0xcd: {  	v16 =	vadd.f32 v17, v16;
	v17 =	vmul.f32 v23, v22;
	_ =	sdelay $0x1  }
0xce: {  	v16 =	vadd.f32 v17, v16;
	_ =	sdelay $0x1  }
0xcf: {  	[tilespmem:$0x110C0] =	vst v16  }
0xd0: {  	v16 =	vld [tilespmem:s28+$0x9680]  }
0xd1: {  	v17 =	vld [tilespmem:s28+$0x9690]  }
0xd2: {  	v18 =	vld [tilespmem:s28+$0x1680]  }
0xd3: {  	v19 =	vld [tilespmem:s28+$0x1690]  }
0xd4: {  	v20 =	vld [tilespmem:s28+$0x16A0]  }
0xd5: {  	v21 =	vld [tilespmem:s28+$0x96A0]  }
0xd6: {  	v22 =	vld [tilespmem:s28+$0x16B0]  }
0xd7: {  	v23 =	vld [tilespmem:s28+$0x96B0]  }
0xd8: {  	v16 =	vmul.f32 v16, v18;
	v17 =	vmul.f32 v17, v19;
	_ =	sdelay $0x1  }
0xd9: {  	v16 =	vadd.f32 v17, v16;
	v17 =	vmul.f32 v21, v20;
	_ =	sdelay $0x1  }
0xda: {  	v16 =	vadd.f32 v17, v16;
	v17 =	vmul.f32 v23, v22;
	_ =	sdelay $0x1  }
0xdb: {  	v16 =	vadd.f32 v17, v16;
	_ =	sdelay $0x1  }
0xdc: {  	[tilespmem:$0x110D0] =	vst v16  }
0xdd: {  	v16 =	vld [tilespmem:s28+$0x9700]  }
0xde: {  	v17 =	vld [tilespmem:s28+$0x9710]  }
0xdf: {  	v18 =	vld [tilespmem:s28+$0x1700]  }
0xe0: {  	v19 =	vld [tilespmem:s28+$0x1710]  }
0xe1: {  	v20 =	vld [tilespmem:s28+$0x1720]  }
0xe2: {  	v21 =	vld [tilespmem:s28+$0x9720]  }
0xe3: {  	v22 =	vld [tilespmem:s28+$0x1730]  }
0xe4: {  	v23 =	vld [tilespmem:s28+$0x9730]  }
0xe5: {  	v16 =	vmul.f32 v16, v18;
	v17 =	vmul.f32 v17, v19;
	_ =	sdelay $0x1  }
0xe6: {  	v16 =	vadd.f32 v17, v16;
	v17 =	vmul.f32 v21, v20;
	_ =	sdelay $0x1  }
0xe7: {  	v16 =	vadd.f32 v17, v16;
	v17 =	vmul.f32 v23, v22;
	_ =	sdelay $0x1  }
0xe8: {  	v16 =	vadd.f32 v17, v16;
	_ =	sdelay $0x1  }
0xe9: {  	[tilespmem:$0x110E0] =	vst v16  }
0xea: {  	v16 =	vld [tilespmem:s28+$0x9780]  }
0xeb: {  	v19 =	vld [tilespmem:s28+$0x1780]  }
0xec: {  	v17 =	vld [tilespmem:s28+$0x9790]  }
0xed: {  	v20 =	vld [tilespmem:s28+$0x1790]  }
0xee: {  	s30 =	simm.s32 $0x11100;
	s31 =	simm.s32 $0x2000;
	s29 =	simm.s32 $0x11100;
	v18 =	vld [tilespmem:s28+$0x17A0]  }
.LBB2_3:
0xef: {  	p0 =	sne.s32 s31, $0xE000  }
0xf0: {  	v21 =	vld [tilespmem:s28+$0x97A0];
	s30 =	sadd.s32 $0x10, s30;
	s0 =	smov.u32 s31;
	s31 =	sadd.s32 $0x2000, s31  }
0xf1: {  	v16 =	vmul.f32 v16, v19;
	v19 =	vld [tilespmem:s28+$0x17B0]  }
0xf2: {  	v22 =	vld [tilespmem:s28+$0x97B0]  }
0xf3: {  	v17 =	vmul.f32 v17, v20;
	_ =	sdelay $0x1  }
0xf4: {  	v16 =	vadd.f32 v17, v16;
	v17 =	vmul.f32 v21, v18;
	_ =	sdelay $0x1  }
0xf5: {  	v16 =	vadd.f32 v17, v16;
	v17 =	vmul.f32 v22, v19;
	_ =	sdelay $0x1  }
0xf6: {  	v16 =	vadd.f32 v17, v16;
	_ =	sdelay $0x1  }
0xf7: {  	[tilespmem:$0x110F0] =	vst v16  }
0xf8: {  	v16 =	vld.idx.msk [tilespmem:v0+s20+$0x0], $0xffff  }
0xf9: {  	v17 =	vld.idx.msk [tilespmem:v1+s20+$0x0], $0xffff  }
0xfa: {  	v18 =	vld.idx.msk [tilespmem:v2+s20+$0x0], $0xffff  }
0xfb: {  	v19 =	vld.idx.msk [tilespmem:v3+s20+$0x0], $0xffff  }
0xfc: {  	v20 =	vld.idx.msk [tilespmem:v4+s20+$0x0], $0xffff  }
0xfd: {  	v21 =	vld.idx.msk [tilespmem:v5+s20+$0x0], $0xffff  }
0xfe: {  	v22 =	vld.idx.msk [tilespmem:v6+s20+$0x0], $0xffff  }
0xff: {  	v16 =	vadd.f32 v17, v16;
	v17 =	vld.idx.msk [tilespmem:v7+s20+$0x0], $0xffff  }
0x100: {  	v23 =	vld.idx.msk [tilespmem:v8+s20+$0x0], $0xffff  }
0x101: {  	v16 =	vadd.f32 v18, v16;
	v18 =	vld.idx.msk [tilespmem:v9+s20+$0x0], $0xffff  }
0x102: {  	v24 =	vld.idx.msk [tilespmem:v10+s20+$0x0], $0xffff  }
0x103: {  	v16 =	vadd.f32 v19, v16;
	v19 =	vld.idx.msk [tilespmem:v11+s20+$0x0], $0xffff  }
0x104: {  	v25 =	vld.idx.msk [tilespmem:v12+s20+$0x0], $0xffff  }
0x105: {  	v16 =	vadd.f32 v20, v16;
	v20 =	vld.idx.msk [tilespmem:v13+s20+$0x0], $0xffff  }
0x106: {  	v26 =	vld.idx.msk [tilespmem:v14+s20+$0x0], $0xffff  }
0x107: {  	v16 =	vadd.f32 v21, v16;
	v21 =	vld.idx.msk [tilespmem:v15+s20+$0x0], $0xffff;
	_ =	sdelay $0x1  }
0x108: {  	v16 =	vadd.f32 v22, v16;
	_ =	sdelay $0x1  }
0x109: {  	v16 =	vadd.f32 v17, v16;
	_ =	sdelay $0x1  }
0x10a: {  	v16 =	vadd.f32 v23, v16;
	_ =	sdelay $0x1  }
0x10b: {  	v16 =	vadd.f32 v18, v16;
	_ =	sdelay $0x1  }
0x10c: {  	v16 =	vadd.f32 v24, v16;
	_ =	sdelay $0x1  }
0x10d: {  	v16 =	vadd.f32 v19, v16;
	_ =	sdelay $0x1  }
0x10e: {  	v16 =	vadd.f32 v25, v16;
	_ =	sdelay $0x1  }
0x10f: {  	v16 =	vadd.f32 v20, v16;
	_ =	sdelay $0x1  }
0x110: {  	v16 =	vadd.f32 v26, v16;
	_ =	sdelay $0x1  }
0x111: {  	v16 =	vadd.f32 v21, v16;
	_ =	sdelay $0x1  }
0x112: {  	s28 =	sshra.s32 s0, $0x2;
	[tilespmem:s29+$0x0] =	vst v16;
	s29 =	smov.u32 s30  }
0x113: {  	v16 =	vld [tilespmem:s28+$0x9010]  }
0x114: {  	v17 =	vld [tilespmem:s28+$0x1000]  }
0x115: {  	v18 =	vld [tilespmem:s28+$0x1010]  }
0x116: {  	v19 =	vld [tilespmem:s28+$0x9000]  }
0x117: {  	v20 =	vld [tilespmem:s28+$0x9020]  }
0x118: {  	v21 =	vld [tilespmem:s28+$0x1020]  }
0x119: {  	v22 =	vld [tilespmem:s28+$0x9030]  }
0x11a: {  	v16 =	vmul.f32 v16, v18;
	v18 =	vld [tilespmem:s28+$0x1030]  }
0x11b: {  	v17 =	vmul.f32 v19, v17;
	_ =	sdelay $0x1  }
0x11c: {  	v16 =	vadd.f32 v16, v17;
	v17 =	vmul.f32 v20, v21;
	_ =	sdelay $0x1  }
0x11d: {  	v16 =	vadd.f32 v17, v16;
	v17 =	vmul.f32 v22, v18;
	_ =	sdelay $0x1  }
0x11e: {  	v16 =	vadd.f32 v17, v16;
	_ =	sdelay $0x1  }
0x11f: {  	[tilespmem:$0x11000] =	vst v16  }
0x120: {  	v16 =	vld [tilespmem:s28+$0x1080]  }
0x121: {  	v17 =	vld [tilespmem:s28+$0x9080]  }
0x122: {  	v18 =	vld [tilespmem:s28+$0x1090]  }
0x123: {  	v19 =	vld [tilespmem:s28+$0x9090]  }
0x124: {  	v20 =	vld [tilespmem:s28+$0x90A0]  }
0x125: {  	v21 =	vld [tilespmem:s28+$0x10A0]  }
0x126: {  	v16 =	vmul.f32 v17, v16;
	v17 =	vld [tilespmem:s28+$0x90B0]  }
0x127: {  	v22 =	vld [tilespmem:s28+$0x10B0]  }
0x128: {  	v18 =	vmul.f32 v19, v18;
	_ =	sdelay $0x1  }
0x129: {  	v16 =	vadd.f32 v18, v16;
	v18 =	vmul.f32 v20, v21;
	_ =	sdelay $0x1  }
0x12a: {  	v16 =	vadd.f32 v18, v16;
	v17 =	vmul.f32 v17, v22;
	_ =	sdelay $0x1  }
0x12b: {  	v16 =	vadd.f32 v17, v16;
	_ =	sdelay $0x1  }
0x12c: {  	[tilespmem:$0x11010] =	vst v16  }
0x12d: {  	v16 =	vld [tilespmem:s28+$0x9110]  }
0x12e: {  	v17 =	vld [tilespmem:s28+$0x1100]  }
0x12f: {  	v18 =	vld [tilespmem:s28+$0x9100]  }
0x130: {  	v19 =	vld [tilespmem:s28+$0x1110]  }
0x131: {  	v20 =	vld [tilespmem:s28+$0x9120]  }
0x132: {  	v21 =	vld [tilespmem:s28+$0x1120]  }
0x133: {  	v22 =	vld [tilespmem:s28+$0x9130]  }
0x134: {  	v17 =	vmul.f32 v18, v17;
	v18 =	vld [tilespmem:s28+$0x1130]  }
0x135: {  	v16 =	vmul.f32 v16, v19;
	_ =	sdelay $0x1  }
0x136: {  	v16 =	vadd.f32 v16, v17;
	v17 =	vmul.f32 v20, v21;
	_ =	sdelay $0x1  }
0x137: {  	v16 =	vadd.f32 v17, v16;
	v17 =	vmul.f32 v22, v18;
	_ =	sdelay $0x1  }
0x138: {  	v16 =	vadd.f32 v17, v16;
	_ =	sdelay $0x1  }
0x139: {  	[tilespmem:$0x11020] =	vst v16  }
0x13a: {  	v16 =	vld [tilespmem:s28+$0x9190]  }
0x13b: {  	v17 =	vld [tilespmem:s28+$0x1180]  }
0x13c: {  	v18 =	vld [tilespmem:s28+$0x9180]  }
0x13d: {  	v19 =	vld [tilespmem:s28+$0x1190]  }
0x13e: {  	v20 =	vld [tilespmem:s28+$0x11A0]  }
0x13f: {  	v21 =	vld [tilespmem:s28+$0x91A0]  }
0x140: {  	v22 =	vld [tilespmem:s28+$0x91B0]  }
0x141: {  	v17 =	vmul.f32 v18, v17;
	v18 =	vld [tilespmem:s28+$0x11B0]  }
0x142: {  	v16 =	vmul.f32 v16, v19;
	_ =	sdelay $0x1  }
0x143: {  	v16 =	vadd.f32 v16, v17;
	v17 =	vmul.f32 v21, v20;
	_ =	sdelay $0x1  }
0x144: {  	v16 =	vadd.f32 v17, v16;
	v17 =	vmul.f32 v22, v18;
	_ =	sdelay $0x1  }
0x145: {  	v16 =	vadd.f32 v17, v16;
	_ =	sdelay $0x1  }
0x146: {  	[tilespmem:$0x11030] =	vst v16  }
0x147: {  	v16 =	vld [tilespmem:s28+$0x9200]  }
0x148: {  	v17 =	vld [tilespmem:s28+$0x9210]  }
0x149: {  	v18 =	vld [tilespmem:s28+$0x1200]  }
0x14a: {  	v19 =	vld [tilespmem:s28+$0x1210]  }
0x14b: {  	v20 =	vld [tilespmem:s28+$0x1220]  }
0x14c: {  	v21 =	vld [tilespmem:s28+$0x9220]  }
0x14d: {  	v22 =	vld [tilespmem:s28+$0x9230]  }
0x14e: {  	v16 =	vmul.f32 v16, v18;
	v18 =	vld [tilespmem:s28+$0x1230]  }
0x14f: {  	v17 =	vmul.f32 v17, v19;
	_ =	sdelay $0x1  }
0x150: {  	v16 =	vadd.f32 v17, v16;
	v17 =	vmul.f32 v21, v20;
	_ =	sdelay $0x1  }
0x151: {  	v16 =	vadd.f32 v17, v16;
	v17 =	vmul.f32 v22, v18;
	_ =	sdelay $0x1  }
0x152: {  	v16 =	vadd.f32 v17, v16;
	_ =	sdelay $0x1  }
0x153: {  	[tilespmem:$0x11040] =	vst v16  }
0x154: {  	v16 =	vld [tilespmem:s28+$0x9280]  }
0x155: {  	v17 =	vld [tilespmem:s28+$0x9290]  }
0x156: {  	v18 =	vld [tilespmem:s28+$0x1280]  }
0x157: {  	v19 =	vld [tilespmem:s28+$0x1290]  }
0x158: {  	v20 =	vld [tilespmem:s28+$0x12A0]  }
0x159: {  	v21 =	vld [tilespmem:s28+$0x92A0]  }
0x15a: {  	v22 =	vld [tilespmem:s28+$0x92B0]  }
0x15b: {  	v16 =	vmul.f32 v16, v18;
	v18 =	vld [tilespmem:s28+$0x12B0]  }
0x15c: {  	v17 =	vmul.f32 v17, v19;
	_ =	sdelay $0x1  }
0x15d: {  	v16 =	vadd.f32 v17, v16;
	v17 =	vmul.f32 v21, v20;
	_ =	sdelay $0x1  }
0x15e: {  	v16 =	vadd.f32 v17, v16;
	v17 =	vmul.f32 v22, v18;
	_ =	sdelay $0x1  }
0x15f: {  	v16 =	vadd.f32 v17, v16;
	_ =	sdelay $0x1  }
0x160: {  	[tilespmem:$0x11050] =	vst v16  }
0x161: {  	v16 =	vld [tilespmem:s28+$0x9300]  }
0x162: {  	v17 =	vld [tilespmem:s28+$0x9310]  }
0x163: {  	v18 =	vld [tilespmem:s28+$0x1310]  }
0x164: {  	v19 =	vld [tilespmem:s28+$0x1300]  }
0x165: {  	v20 =	vld [tilespmem:s28+$0x9320]  }
0x166: {  	v21 =	vld [tilespmem:s28+$0x1320]  }
0x167: {  	v22 =	vld [tilespmem:s28+$0x9330]  }
0x168: {  	v17 =	vmul.f32 v17, v18;
	v18 =	vld [tilespmem:s28+$0x1330]  }
0x169: {  	v16 =	vmul.f32 v16, v19;
	_ =	sdelay $0x1  }
0x16a: {  	v16 =	vadd.f32 v17, v16;
	v17 =	vmul.f32 v20, v21;
	_ =	sdelay $0x1  }
0x16b: {  	v16 =	vadd.f32 v17, v16;
	v17 =	vmul.f32 v22, v18;
	_ =	sdelay $0x1  }
0x16c: {  	v16 =	vadd.f32 v17, v16;
	_ =	sdelay $0x1  }
0x16d: {  	[tilespmem:$0x11060] =	vst v16  }
0x16e: {  	v16 =	vld [tilespmem:s28+$0x1380]  }
0x16f: {  	v17 =	vld [tilespmem:s28+$0x9380]  }
0x170: {  	v18 =	vld [tilespmem:s28+$0x9390]  }
0x171: {  	v19 =	vld [tilespmem:s28+$0x1390]  }
0x172: {  	v20 =	vld [tilespmem:s28+$0x93A0]  }
0x173: {  	v21 =	vld [tilespmem:s28+$0x13A0]  }
0x174: {  	v16 =	vmul.f32 v17, v16;
	v17 =	vld [tilespmem:s28+$0x93B0]  }
0x175: {  	v22 =	vld [tilespmem:s28+$0x13B0]  }
0x176: {  	v18 =	vmul.f32 v18, v19;
	_ =	sdelay $0x1  }
0x177: {  	v16 =	vadd.f32 v18, v16;
	v18 =	vmul.f32 v20, v21;
	_ =	sdelay $0x1  }
0x178: {  	v16 =	vadd.f32 v18, v16;
	v17 =	vmul.f32 v17, v22;
	_ =	sdelay $0x1  }
0x179: {  	v16 =	vadd.f32 v17, v16;
	_ =	sdelay $0x1  }
0x17a: {  	[tilespmem:$0x11070] =	vst v16  }
0x17b: {  	v16 =	vld [tilespmem:s28+$0x9400]  }
0x17c: {  	v17 =	vld [tilespmem:s28+$0x9410]  }
0x17d: {  	v18 =	vld [tilespmem:s28+$0x1400]  }
0x17e: {  	v19 =	vld [tilespmem:s28+$0x1410]  }
0x17f: {  	v20 =	vld [tilespmem:s28+$0x9420]  }
0x180: {  	v21 =	vld [tilespmem:s28+$0x1420]  }
0x181: {  	v22 =	vld [tilespmem:s28+$0x9430]  }
0x182: {  	v16 =	vmul.f32 v16, v18;
	v18 =	vld [tilespmem:s28+$0x1430]  }
0x183: {  	v17 =	vmul.f32 v17, v19;
	_ =	sdelay $0x1  }
0x184: {  	v16 =	vadd.f32 v17, v16;
	v17 =	vmul.f32 v20, v21;
	_ =	sdelay $0x1  }
0x185: {  	v16 =	vadd.f32 v17, v16;
	v17 =	vmul.f32 v22, v18;
	_ =	sdelay $0x1  }
0x186: {  	v16 =	vadd.f32 v17, v16;
	_ =	sdelay $0x1  }
0x187: {  	[tilespmem:$0x11080] =	vst v16  }
0x188: {  	v16 =	vld [tilespmem:s28+$0x9480]  }
0x189: {  	v17 =	vld [tilespmem:s28+$0x9490]  }
0x18a: {  	v18 =	vld [tilespmem:s28+$0x1490]  }
0x18b: {  	v19 =	vld [tilespmem:s28+$0x1480]  }
0x18c: {  	v20 =	vld [tilespmem:s28+$0x14A0]  }
0x18d: {  	v21 =	vld [tilespmem:s28+$0x94A0]  }
0x18e: {  	v22 =	vld [tilespmem:s28+$0x14B0]  }
0x18f: {  	v17 =	vmul.f32 v17, v18;
	v18 =	vld [tilespmem:s28+$0x94B0]  }
0x190: {  	v16 =	vmul.f32 v16, v19;
	_ =	sdelay $0x1  }
0x191: {  	v16 =	vadd.f32 v17, v16;
	v17 =	vmul.f32 v21, v20;
	_ =	sdelay $0x1  }
0x192: {  	v16 =	vadd.f32 v17, v16;
	v17 =	vmul.f32 v18, v22;
	_ =	sdelay $0x1  }
0x193: {  	v16 =	vadd.f32 v17, v16;
	_ =	sdelay $0x1  }
0x194: {  	[tilespmem:$0x11090] =	vst v16  }
0x195: {  	v16 =	vld [tilespmem:s28+$0x9510]  }
0x196: {  	v17 =	vld [tilespmem:s28+$0x9500]  }
0x197: {  	v18 =	vld [tilespmem:s28+$0x1500]  }
0x198: {  	v19 =	vld [tilespmem:s28+$0x1510]  }
0x199: {  	v20 =	vld [tilespmem:s28+$0x1520]  }
0x19a: {  	v21 =	vld [tilespmem:s28+$0x9520]  }
0x19b: {  	v22 =	vld [tilespmem:s28+$0x1530]  }
0x19c: {  	v17 =	vmul.f32 v17, v18;
	v18 =	vld [tilespmem:s28+$0x9530]  }
0x19d: {  	v16 =	vmul.f32 v16, v19;
	_ =	sdelay $0x1  }
0x19e: {  	v16 =	vadd.f32 v16, v17;
	v17 =	vmul.f32 v21, v20;
	_ =	sdelay $0x1  }
0x19f: {  	v16 =	vadd.f32 v17, v16;
	v17 =	vmul.f32 v18, v22;
	_ =	sdelay $0x1  }
0x1a0: {  	v16 =	vadd.f32 v17, v16;
	_ =	sdelay $0x1  }
0x1a1: {  	[tilespmem:$0x110A0] =	vst v16  }
0x1a2: {  	v16 =	vld [tilespmem:s28+$0x9580]  }
0x1a3: {  	v17 =	vld [tilespmem:s28+$0x9590]  }
0x1a4: {  	v18 =	vld [tilespmem:s28+$0x1580]  }
0x1a5: {  	v19 =	vld [tilespmem:s28+$0x1590]  }
0x1a6: {  	v20 =	vld [tilespmem:s28+$0x15A0]  }
0x1a7: {  	v21 =	vld [tilespmem:s28+$0x95A0]  }
0x1a8: {  	v22 =	vld [tilespmem:s28+$0x15B0]  }
0x1a9: {  	v16 =	vmul.f32 v16, v18;
	v18 =	vld [tilespmem:s28+$0x95B0]  }
0x1aa: {  	v17 =	vmul.f32 v17, v19;
	_ =	sdelay $0x1  }
0x1ab: {  	v16 =	vadd.f32 v17, v16;
	v17 =	vmul.f32 v21, v20;
	_ =	sdelay $0x1  }
0x1ac: {  	v16 =	vadd.f32 v17, v16;
	v17 =	vmul.f32 v18, v22;
	_ =	sdelay $0x1  }
0x1ad: {  	v16 =	vadd.f32 v17, v16;
	_ =	sdelay $0x1  }
0x1ae: {  	[tilespmem:$0x110B0] =	vst v16  }
0x1af: {  	v16 =	vld [tilespmem:s28+$0x9600]  }
0x1b0: {  	v17 =	vld [tilespmem:s28+$0x9610]  }
0x1b1: {  	v18 =	vld [tilespmem:s28+$0x1600]  }
0x1b2: {  	v19 =	vld [tilespmem:s28+$0x1610]  }
0x1b3: {  	v20 =	vld [tilespmem:s28+$0x1620]  }
0x1b4: {  	v21 =	vld [tilespmem:s28+$0x9620]  }
0x1b5: {  	v22 =	vld [tilespmem:s28+$0x1630]  }
0x1b6: {  	v16 =	vmul.f32 v16, v18;
	v18 =	vld [tilespmem:s28+$0x9630]  }
0x1b7: {  	v17 =	vmul.f32 v17, v19;
	_ =	sdelay $0x1  }
0x1b8: {  	v16 =	vadd.f32 v17, v16;
	v17 =	vmul.f32 v21, v20;
	_ =	sdelay $0x1  }
0x1b9: {  	v16 =	vadd.f32 v17, v16;
	v17 =	vmul.f32 v18, v22;
	_ =	sdelay $0x1  }
0x1ba: {  	v16 =	vadd.f32 v17, v16;
	_ =	sdelay $0x1  }
0x1bb: {  	[tilespmem:$0x110C0] =	vst v16  }
0x1bc: {  	v16 =	vld [tilespmem:s28+$0x9680]  }
0x1bd: {  	v17 =	vld [tilespmem:s28+$0x9690]  }
0x1be: {  	v18 =	vld [tilespmem:s28+$0x1680]  }
0x1bf: {  	v19 =	vld [tilespmem:s28+$0x1690]  }
0x1c0: {  	v20 =	vld [tilespmem:s28+$0x16A0]  }
0x1c1: {  	v21 =	vld [tilespmem:s28+$0x96A0]  }
0x1c2: {  	v22 =	vld [tilespmem:s28+$0x16B0]  }
0x1c3: {  	v16 =	vmul.f32 v16, v18;
	v18 =	vld [tilespmem:s28+$0x96B0]  }
0x1c4: {  	v17 =	vmul.f32 v17, v19;
	_ =	sdelay $0x1  }
0x1c5: {  	v16 =	vadd.f32 v17, v16;
	v17 =	vmul.f32 v21, v20;
	_ =	sdelay $0x1  }
0x1c6: {  	v16 =	vadd.f32 v17, v16;
	v17 =	vmul.f32 v18, v22;
	_ =	sdelay $0x1  }
0x1c7: {  	v16 =	vadd.f32 v17, v16;
	_ =	sdelay $0x1  }
0x1c8: {  	[tilespmem:$0x110D0] =	vst v16  }
0x1c9: {  	v16 =	vld [tilespmem:s28+$0x9700]  }
0x1ca: {  	v17 =	vld [tilespmem:s28+$0x9710]  }
0x1cb: {  	v18 =	vld [tilespmem:s28+$0x1700]  }
0x1cc: {  	v19 =	vld [tilespmem:s28+$0x1710]  }
0x1cd: {  	v20 =	vld [tilespmem:s28+$0x1720]  }
0x1ce: {  	v21 =	vld [tilespmem:s28+$0x9720]  }
0x1cf: {  	v22 =	vld [tilespmem:s28+$0x1730]  }
0x1d0: {  	v16 =	vmul.f32 v16, v18;
	v18 =	vld [tilespmem:s28+$0x9730]  }
0x1d1: {  	v17 =	vmul.f32 v17, v19;
	_ =	sdelay $0x1  }
0x1d2: {  	v16 =	vadd.f32 v17, v16;
	v17 =	vmul.f32 v21, v20;
	_ =	sdelay $0x1  }
0x1d3: {  	v16 =	vadd.f32 v17, v16;
	v17 =	vmul.f32 v18, v22;
	_ =	sdelay $0x1  }
0x1d4: {  	v16 =	vadd.f32 v17, v16;
	_ =	sdelay $0x1  }
0x1d5: {  	[tilespmem:$0x110E0] =	vst v16  }
.Ltmp2:
0x1d6: {  	v16 =	vld [tilespmem:s28+$0x9780];
	(pc) =	sbr.rel @p0 .LBB2_3-.Ltmp2, $4  }
0x1d7: {  	v19 =	vld [tilespmem:s28+$0x1780]  }
0x1d8: {  	v17 =	vld [tilespmem:s28+$0x9790]  }
0x1d9: {  	v20 =	vld [tilespmem:s28+$0x1790]  }
0x1da: {  	v18 =	vld [tilespmem:s28+$0x17A0]  }
0x1db: {  	v21 =	vld [tilespmem:s28+$0x97A0]  }
0x1dc: {  	v22 =	vld [tilespmem:s28+$0x17B0]  }
0x1dd: {  	v23 =	vld [tilespmem:s28+$0x97B0]  }
0x1de: {  	v16 =	vmul.f32 v16, v19;
	v17 =	vmul.f32 v17, v20;
	_ =	sdelay $0x1  }
0x1df: {  	v16 =	vadd.f32 v17, v16;
	v17 =	vmul.f32 v21, v18;
	_ =	sdelay $0x1  }
0x1e0: {  	v16 =	vadd.f32 v17, v16;
	v17 =	vmul.f32 v23, v22;
	_ =	sdelay $0x1  }
0x1e1: {  	v16 =	vadd.f32 v17, v16;
	_ =	sdelay $0x1  }
0x1e2: {  	[tilespmem:$0x110F0] =	vst v16  }
0x1e3: {  	v16 =	vld.idx.msk [tilespmem:v0+s20+$0x0], $0xffff  }
0x1e4: {  	v17 =	vld.idx.msk [tilespmem:v1+s20+$0x0], $0xffff;
	_ =	sdelay $0x1  }
0x1e5: {  	v18 =	vld.idx.msk [tilespmem:v2+s20+$0x0], $0xffff;
	_ =	sdelay $0x1  }
0x1e6: {  	v19 =	vld.idx.msk [tilespmem:v3+s20+$0x0], $0xffff  }
0x1e7: {  	v16 =	vadd.f32 v17, v16  }
0x1e8: {  	v17 =	vld.idx.msk [tilespmem:v4+s20+$0x0], $0xffff  }
0x1e9: {  	v16 =	vadd.f32 v18, v16  }
0x1ea: {  	v18 =	vld.idx.msk [tilespmem:v5+s20+$0x0], $0xffff  }
0x1eb: {  	v16 =	vadd.f32 v19, v16  }
0x1ec: {  	v19 =	vld.idx.msk [tilespmem:v6+s20+$0x0], $0xffff  }
0x1ed: {  	v16 =	vadd.f32 v17, v16  }
0x1ee: {  	v17 =	vld.idx.msk [tilespmem:v7+s20+$0x0], $0xffff  }
0x1ef: {  	v16 =	vadd.f32 v18, v16  }
0x1f0: {  	v18 =	vld.idx.msk [tilespmem:v8+s20+$0x0], $0xffff  }
0x1f1: {  	v16 =	vadd.f32 v19, v16  }
0x1f2: {  	v19 =	vld.idx.msk [tilespmem:v9+s20+$0x0], $0xffff  }
0x1f3: {  	v16 =	vadd.f32 v17, v16  }
0x1f4: {  	v17 =	vld.idx.msk [tilespmem:v10+s20+$0x0], $0xffff  }
0x1f5: {  	v16 =	vadd.f32 v18, v16  }
0x1f6: {  	v18 =	vld.idx.msk [tilespmem:v11+s20+$0x0], $0xffff  }
0x1f7: {  	v16 =	vadd.f32 v19, v16  }
0x1f8: {  	v19 =	vld.idx.msk [tilespmem:v12+s20+$0x0], $0xffff  }
0x1f9: {  	v16 =	vadd.f32 v17, v16  }
0x1fa: {  	v17 =	vld.idx.msk [tilespmem:v13+s20+$0x0], $0xffff  }
0x1fb: {  	v16 =	vadd.f32 v18, v16  }
0x1fc: {  	v18 =	vld.idx.msk [tilespmem:v14+s20+$0x0], $0xffff  }
0x1fd: {  	v16 =	vadd.f32 v19, v16  }
0x1fe: {  	v19 =	vld.idx.msk [tilespmem:v15+s20+$0x0], $0xffff  }
0x1ff: {  	v16 =	vadd.f32 v17, v16;
	_ =	sdelay $0x1  }
0x200: {  	v16 =	vadd.f32 v18, v16;
	_ =	sdelay $0x1  }
0x201: {  	s0 =	sshll.u32 s26, $0x5;
	v16 =	vadd.f32 v19, v16  }
0x202: {  	s28 =	sadd.s32 s3, s0  }
0x203: {  	s0 =	sadd.s32 s5, s28;
	[tilespmem:s29+$0x0] =	vst v16  }
0x204: {  	[hbm4b:s0+s2] =	stream.linear.scatter [tilespmem:s21], [sflag:$0x5], $0x80, $0x38;
	[tilespmem:$0x11200] =	vst v63  }
0x205: {  	p0 =	seq.s32 s26, $0x7;
	_ =	swait.ge [sflag:s10], $0x80  }
0x206: {  	s30 =	simm.s32 @!p0 $0x1000;
	s0 =	sshll.u32 @!p0 s26, $0x8;
	[sflag:s10] =	ssyncset.done $0x0  }
0x207: {  	s29 =	simm.s32 @!p0 $0x80;
	s1 =	sadd.s32 @!p0 $0x100, s0;
	[sflag:s10] =	ssyncadd.s32 $0xFFFFFF80  }
0x208: {  	[tilespmem:s30], [sflag:$0x1] =	stream.indirect.gather @!p0 [hbm4b:s4+s29], $0x80, s1, s29, $0xb8;
	[tilespmem:$0x11200] =	vst v63  }
0x209: {  	s0 =	sadd.s32 @!p0 $0x900, s0;
	s1 =	simm.s32 @!p0 $0x9000  }
0x20a: {  	[tilespmem:s1], [sflag:$0x3] =	stream.indirect.gather @!p0 [hbm4b:s4+s29], $0x80, s0, s29, $0xb8;
	[tilespmem:$0x11200] =	vst v63  }
0x20b: {  	_ =	swait.ge [sflag:s22], $0x4000  }
0x20c: {  	[sflag:s22] =	ssyncset.done $0x0  }
0x20d: {  	[sflag:s22] =	ssyncadd.s32 $0xFFFFC000  }
0x20e: {  	_ =	swait.ge [sflag:s23], $0x4000  }
0x20f: {  	[sflag:s23] =	ssyncset.done $0x0  }
0x210: {  	s29 =	simm.s32 $0x0;
	[sflag:s23] =	ssyncadd.s32 $0xFFFFC000  }
0x211: {  	v16 =	vld [tilespmem:s29+$0xD010]  }
0x212: {  	v17 =	vld [tilespmem:s29+$0x5000]  }
0x213: {  	v18 =	vld [tilespmem:s29+$0x5010]  }
0x214: {  	v19 =	vld [tilespmem:s29+$0xD000]  }
0x215: {  	v20 =	vld [tilespmem:s29+$0xD020]  }
0x216: {  	v21 =	vld [tilespmem:s29+$0x5020]  }
0x217: {  	v22 =	vld [tilespmem:s29+$0xD030]  }
0x218: {  	v23 =	vld [tilespmem:s29+$0x5030]  }
0x219: {  	v16 =	vmul.f32 v16, v18;
	v17 =	vmul.f32 v19, v17;
	_ =	sdelay $0x1  }
0x21a: {  	v16 =	vadd.f32 v16, v17;
	v17 =	vmul.f32 v20, v21;
	_ =	sdelay $0x1  }
0x21b: {  	v16 =	vadd.f32 v17, v16;
	v17 =	vmul.f32 v22, v23;
	_ =	sdelay $0x1  }
0x21c: {  	v16 =	vadd.f32 v17, v16;
	_ =	sdelay $0x1  }
0x21d: {  	[tilespmem:$0x11000] =	vst v16  }
0x21e: {  	v16 =	vld [tilespmem:s29+$0x5080]  }
0x21f: {  	v17 =	vld [tilespmem:s29+$0xD080]  }
0x220: {  	v18 =	vld [tilespmem:s29+$0x5090]  }
0x221: {  	v19 =	vld [tilespmem:s29+$0xD090]  }
0x222: {  	v20 =	vld [tilespmem:s29+$0xD0A0]  }
0x223: {  	v21 =	vld [tilespmem:s29+$0x50A0]  }
0x224: {  	v22 =	vld [tilespmem:s29+$0xD0B0]  }
0x225: {  	v23 =	vld [tilespmem:s29+$0x50B0]  }
0x226: {  	v16 =	vmul.f32 v17, v16;
	v17 =	vmul.f32 v19, v18;
	_ =	sdelay $0x1  }
0x227: {  	v16 =	vadd.f32 v17, v16;
	v17 =	vmul.f32 v20, v21;
	_ =	sdelay $0x1  }
0x228: {  	v16 =	vadd.f32 v17, v16;
	v17 =	vmul.f32 v22, v23;
	_ =	sdelay $0x1  }
0x229: {  	v16 =	vadd.f32 v17, v16;
	_ =	sdelay $0x1  }
0x22a: {  	[tilespmem:$0x11010] =	vst v16  }
0x22b: {  	v16 =	vld [tilespmem:s29+$0xD110]  }
0x22c: {  	v17 =	vld [tilespmem:s29+$0x5100]  }
0x22d: {  	v18 =	vld [tilespmem:s29+$0xD100]  }
0x22e: {  	v19 =	vld [tilespmem:s29+$0x5110]  }
0x22f: {  	v20 =	vld [tilespmem:s29+$0xD120]  }
0x230: {  	v21 =	vld [tilespmem:s29+$0x5120]  }
0x231: {  	v22 =	vld [tilespmem:s29+$0xD130]  }
0x232: {  	v23 =	vld [tilespmem:s29+$0x5130]  }
0x233: {  	v17 =	vmul.f32 v18, v17;
	v16 =	vmul.f32 v16, v19;
	_ =	sdelay $0x1  }
0x234: {  	v16 =	vadd.f32 v16, v17;
	v17 =	vmul.f32 v20, v21;
	_ =	sdelay $0x1  }
0x235: {  	v16 =	vadd.f32 v17, v16;
	v17 =	vmul.f32 v22, v23;
	_ =	sdelay $0x1  }
0x236: {  	v16 =	vadd.f32 v17, v16;
	_ =	sdelay $0x1  }
0x237: {  	[tilespmem:$0x11020] =	vst v16  }
0x238: {  	v16 =	vld [tilespmem:s29+$0xD190]  }
0x239: {  	v17 =	vld [tilespmem:s29+$0x5180]  }
0x23a: {  	v18 =	vld [tilespmem:s29+$0xD180]  }
0x23b: {  	v19 =	vld [tilespmem:s29+$0x5190]  }
0x23c: {  	v20 =	vld [tilespmem:s29+$0x51A0]  }
0x23d: {  	v21 =	vld [tilespmem:s29+$0xD1A0]  }
0x23e: {  	v22 =	vld [tilespmem:s29+$0xD1B0]  }
0x23f: {  	v23 =	vld [tilespmem:s29+$0x51B0]  }
0x240: {  	v17 =	vmul.f32 v18, v17;
	v16 =	vmul.f32 v16, v19;
	_ =	sdelay $0x1  }
0x241: {  	v16 =	vadd.f32 v16, v17;
	v17 =	vmul.f32 v21, v20;
	_ =	sdelay $0x1  }
0x242: {  	v16 =	vadd.f32 v17, v16;
	v17 =	vmul.f32 v22, v23;
	_ =	sdelay $0x1  }
0x243: {  	v16 =	vadd.f32 v17, v16;
	_ =	sdelay $0x1  }
0x244: {  	[tilespmem:$0x11030] =	vst v16  }
0x245: {  	v16 =	vld [tilespmem:s29+$0xD200]  }
0x246: {  	v17 =	vld [tilespmem:s29+$0xD210]  }
0x247: {  	v18 =	vld [tilespmem:s29+$0x5200]  }
0x248: {  	v19 =	vld [tilespmem:s29+$0x5210]  }
0x249: {  	v20 =	vld [tilespmem:s29+$0x5220]  }
0x24a: {  	v21 =	vld [tilespmem:s29+$0xD220]  }
0x24b: {  	v22 =	vld [tilespmem:s29+$0xD230]  }
0x24c: {  	v23 =	vld [tilespmem:s29+$0x5230]  }
0x24d: {  	v16 =	vmul.f32 v16, v18;
	v17 =	vmul.f32 v17, v19;
	_ =	sdelay $0x1  }
0x24e: {  	v16 =	vadd.f32 v17, v16;
	v17 =	vmul.f32 v21, v20;
	_ =	sdelay $0x1  }
0x24f: {  	v16 =	vadd.f32 v17, v16;
	v17 =	vmul.f32 v22, v23;
	_ =	sdelay $0x1  }
0x250: {  	v16 =	vadd.f32 v17, v16;
	_ =	sdelay $0x1  }
0x251: {  	[tilespmem:$0x11040] =	vst v16  }
0x252: {  	v16 =	vld [tilespmem:s29+$0xD280]  }
0x253: {  	v17 =	vld [tilespmem:s29+$0xD290]  }
0x254: {  	v18 =	vld [tilespmem:s29+$0x5280]  }
0x255: {  	v19 =	vld [tilespmem:s29+$0x5290]  }
0x256: {  	v20 =	vld [tilespmem:s29+$0x52A0]  }
0x257: {  	v21 =	vld [tilespmem:s29+$0xD2A0]  }
0x258: {  	v22 =	vld [tilespmem:s29+$0xD2B0]  }
0x259: {  	v23 =	vld [tilespmem:s29+$0x52B0]  }
0x25a: {  	v16 =	vmul.f32 v16, v18;
	v17 =	vmul.f32 v17, v19;
	_ =	sdelay $0x1  }
0x25b: {  	v16 =	vadd.f32 v17, v16;
	v17 =	vmul.f32 v21, v20;
	_ =	sdelay $0x1  }
0x25c: {  	v16 =	vadd.f32 v17, v16;
	v17 =	vmul.f32 v22, v23;
	_ =	sdelay $0x1  }
0x25d: {  	v16 =	vadd.f32 v17, v16;
	_ =	sdelay $0x1  }
0x25e: {  	[tilespmem:$0x11050] =	vst v16  }
0x25f: {  	v16 =	vld [tilespmem:s29+$0xD300]  }
0x260: {  	v17 =	vld [tilespmem:s29+$0xD310]  }
0x261: {  	v18 =	vld [tilespmem:s29+$0x5310]  }
0x262: {  	v19 =	vld [tilespmem:s29+$0x5300]  }
0x263: {  	v20 =	vld [tilespmem:s29+$0xD320]  }
0x264: {  	v21 =	vld [tilespmem:s29+$0x5320]  }
0x265: {  	v22 =	vld [tilespmem:s29+$0xD330]  }
0x266: {  	v23 =	vld [tilespmem:s29+$0x5330]  }
0x267: {  	v17 =	vmul.f32 v17, v18;
	v16 =	vmul.f32 v16, v19;
	_ =	sdelay $0x1  }
0x268: {  	v16 =	vadd.f32 v17, v16;
	v17 =	vmul.f32 v20, v21;
	_ =	sdelay $0x1  }
0x269: {  	v16 =	vadd.f32 v17, v16;
	v17 =	vmul.f32 v22, v23;
	_ =	sdelay $0x1  }
0x26a: {  	v16 =	vadd.f32 v17, v16;
	_ =	sdelay $0x1  }
0x26b: {  	[tilespmem:$0x11060] =	vst v16  }
0x26c: {  	v16 =	vld [tilespmem:s29+$0x5380]  }
0x26d: {  	v17 =	vld [tilespmem:s29+$0xD380]  }
0x26e: {  	v18 =	vld [tilespmem:s29+$0xD390]  }
0x26f: {  	v19 =	vld [tilespmem:s29+$0x5390]  }
0x270: {  	v20 =	vld [tilespmem:s29+$0xD3A0]  }
0x271: {  	v21 =	vld [tilespmem:s29+$0x53A0]  }
0x272: {  	v22 =	vld [tilespmem:s29+$0xD3B0]  }
0x273: {  	v23 =	vld [tilespmem:s29+$0x53B0]  }
0x274: {  	v16 =	vmul.f32 v17, v16;
	v17 =	vmul.f32 v18, v19;
	_ =	sdelay $0x1  }
0x275: {  	v16 =	vadd.f32 v17, v16;
	v17 =	vmul.f32 v20, v21;
	_ =	sdelay $0x1  }
0x276: {  	v16 =	vadd.f32 v17, v16;
	v17 =	vmul.f32 v22, v23;
	_ =	sdelay $0x1  }
0x277: {  	v16 =	vadd.f32 v17, v16;
	_ =	sdelay $0x1  }
0x278: {  	[tilespmem:$0x11070] =	vst v16  }
0x279: {  	v16 =	vld [tilespmem:s29+$0xD400]  }
0x27a: {  	v17 =	vld [tilespmem:s29+$0xD410]  }
0x27b: {  	v18 =	vld [tilespmem:s29+$0x5400]  }
0x27c: {  	v19 =	vld [tilespmem:s29+$0x5410]  }
0x27d: {  	v20 =	vld [tilespmem:s29+$0xD420]  }
0x27e: {  	v21 =	vld [tilespmem:s29+$0x5420]  }
0x27f: {  	v22 =	vld [tilespmem:s29+$0xD430]  }
0x280: {  	v23 =	vld [tilespmem:s29+$0x5430]  }
0x281: {  	v16 =	vmul.f32 v16, v18;
	v17 =	vmul.f32 v17, v19;
	_ =	sdelay $0x1  }
0x282: {  	v16 =	vadd.f32 v17, v16;
	v17 =	vmul.f32 v20, v21;
	_ =	sdelay $0x1  }
0x283: {  	v16 =	vadd.f32 v17, v16;
	v17 =	vmul.f32 v22, v23;
	_ =	sdelay $0x1  }
0x284: {  	v16 =	vadd.f32 v17, v16;
	_ =	sdelay $0x1  }
0x285: {  	[tilespmem:$0x11080] =	vst v16  }
0x286: {  	v16 =	vld [tilespmem:s29+$0xD480]  }
0x287: {  	v17 =	vld [tilespmem:s29+$0xD490]  }
0x288: {  	v18 =	vld [tilespmem:s29+$0x5490]  }
0x289: {  	v19 =	vld [tilespmem:s29+$0x5480]  }
0x28a: {  	v20 =	vld [tilespmem:s29+$0x54A0]  }
0x28b: {  	v21 =	vld [tilespmem:s29+$0xD4A0]  }
0x28c: {  	v22 =	vld [tilespmem:s29+$0x54B0]  }
0x28d: {  	v23 =	vld [tilespmem:s29+$0xD4B0]  }
0x28e: {  	v17 =	vmul.f32 v17, v18;
	v16 =	vmul.f32 v16, v19;
	_ =	sdelay $0x1  }
0x28f: {  	v16 =	vadd.f32 v17, v16;
	v17 =	vmul.f32 v21, v20;
	_ =	sdelay $0x1  }
0x290: {  	v16 =	vadd.f32 v17, v16;
	v17 =	vmul.f32 v23, v22;
	_ =	sdelay $0x1  }
0x291: {  	v16 =	vadd.f32 v17, v16;
	_ =	sdelay $0x1  }
0x292: {  	[tilespmem:$0x11090] =	vst v16  }
0x293: {  	v16 =	vld [tilespmem:s29+$0xD510]  }
0x294: {  	v17 =	vld [tilespmem:s29+$0xD500]  }
0x295: {  	v18 =	vld [tilespmem:s29+$0x5500]  }
0x296: {  	v19 =	vld [tilespmem:s29+$0x5510]  }
0x297: {  	v20 =	vld [tilespmem:s29+$0x5520]  }
0x298: {  	v21 =	vld [tilespmem:s29+$0xD520]  }
0x299: {  	v22 =	vld [tilespmem:s29+$0x5530]  }
0x29a: {  	v23 =	vld [tilespmem:s29+$0xD530]  }
0x29b: {  	v17 =	vmul.f32 v17, v18;
	v16 =	vmul.f32 v16, v19;
	_ =	sdelay $0x1  }
0x29c: {  	v16 =	vadd.f32 v16, v17;
	v17 =	vmul.f32 v21, v20;
	_ =	sdelay $0x1  }
0x29d: {  	v16 =	vadd.f32 v17, v16;
	v17 =	vmul.f32 v23, v22;
	_ =	sdelay $0x1  }
0x29e: {  	v16 =	vadd.f32 v17, v16;
	_ =	sdelay $0x1  }
0x29f: {  	[tilespmem:$0x110A0] =	vst v16  }
0x2a0: {  	v16 =	vld [tilespmem:s29+$0xD580]  }
0x2a1: {  	v17 =	vld [tilespmem:s29+$0xD590]  }
0x2a2: {  	v18 =	vld [tilespmem:s29+$0x5580]  }
0x2a3: {  	v19 =	vld [tilespmem:s29+$0x5590]  }
0x2a4: {  	v20 =	vld [tilespmem:s29+$0x55A0]  }
0x2a5: {  	v21 =	vld [tilespmem:s29+$0xD5A0]  }
0x2a6: {  	v22 =	vld [tilespmem:s29+$0x55B0]  }
0x2a7: {  	v23 =	vld [tilespmem:s29+$0xD5B0]  }
0x2a8: {  	v16 =	vmul.f32 v16, v18;
	v17 =	vmul.f32 v17, v19;
	_ =	sdelay $0x1  }
0x2a9: {  	v16 =	vadd.f32 v17, v16;
	v17 =	vmul.f32 v21, v20;
	_ =	sdelay $0x1  }
0x2aa: {  	v16 =	vadd.f32 v17, v16;
	v17 =	vmul.f32 v23, v22;
	_ =	sdelay $0x1  }
0x2ab: {  	v16 =	vadd.f32 v17, v16;
	_ =	sdelay $0x1  }
0x2ac: {  	[tilespmem:$0x110B0] =	vst v16  }
0x2ad: {  	v16 =	vld [tilespmem:s29+$0xD600]  }
0x2ae: {  	v17 =	vld [tilespmem:s29+$0xD610]  }
0x2af: {  	v18 =	vld [tilespmem:s29+$0x5600]  }
0x2b0: {  	v19 =	vld [tilespmem:s29+$0x5610]  }
0x2b1: {  	v20 =	vld [tilespmem:s29+$0x5620]  }
0x2b2: {  	v21 =	vld [tilespmem:s29+$0xD620]  }
0x2b3: {  	v22 =	vld [tilespmem:s29+$0x5630]  }
0x2b4: {  	v23 =	vld [tilespmem:s29+$0xD630]  }
0x2b5: {  	v16 =	vmul.f32 v16, v18;
	v17 =	vmul.f32 v17, v19;
	_ =	sdelay $0x1  }
0x2b6: {  	v16 =	vadd.f32 v17, v16;
	v17 =	vmul.f32 v21, v20;
	_ =	sdelay $0x1  }
0x2b7: {  	v16 =	vadd.f32 v17, v16;
	v17 =	vmul.f32 v23, v22;
	_ =	sdelay $0x1  }
0x2b8: {  	v16 =	vadd.f32 v17, v16;
	_ =	sdelay $0x1  }
0x2b9: {  	[tilespmem:$0x110C0] =	vst v16  }
0x2ba: {  	v16 =	vld [tilespmem:s29+$0xD680]  }
0x2bb: {  	v17 =	vld [tilespmem:s29+$0xD690]  }
0x2bc: {  	v18 =	vld [tilespmem:s29+$0x5680]  }
0x2bd: {  	v19 =	vld [tilespmem:s29+$0x5690]  }
0x2be: {  	v20 =	vld [tilespmem:s29+$0x56A0]  }
0x2bf: {  	v21 =	vld [tilespmem:s29+$0xD6A0]  }
0x2c0: {  	v22 =	vld [tilespmem:s29+$0x56B0]  }
0x2c1: {  	v23 =	vld [tilespmem:s29+$0xD6B0]  }
0x2c2: {  	v16 =	vmul.f32 v16, v18;
	v17 =	vmul.f32 v17, v19;
	_ =	sdelay $0x1  }
0x2c3: {  	v16 =	vadd.f32 v17, v16;
	v17 =	vmul.f32 v21, v20;
	_ =	sdelay $0x1  }
0x2c4: {  	v16 =	vadd.f32 v17, v16;
	v17 =	vmul.f32 v23, v22;
	_ =	sdelay $0x1  }
0x2c5: {  	v16 =	vadd.f32 v17, v16;
	_ =	sdelay $0x1  }
0x2c6: {  	[tilespmem:$0x110D0] =	vst v16  }
0x2c7: {  	v16 =	vld [tilespmem:s29+$0xD700]  }
0x2c8: {  	v17 =	vld [tilespmem:s29+$0xD710]  }
0x2c9: {  	v18 =	vld [tilespmem:s29+$0x5700]  }
0x2ca: {  	v19 =	vld [tilespmem:s29+$0x5710]  }
0x2cb: {  	v20 =	vld [tilespmem:s29+$0x5720]  }
0x2cc: {  	v21 =	vld [tilespmem:s29+$0xD720]  }
0x2cd: {  	v22 =	vld [tilespmem:s29+$0x5730]  }
0x2ce: {  	v23 =	vld [tilespmem:s29+$0xD730]  }
0x2cf: {  	v16 =	vmul.f32 v16, v18;
	v17 =	vmul.f32 v17, v19;
	_ =	sdelay $0x1  }
0x2d0: {  	v16 =	vadd.f32 v17, v16;
	v17 =	vmul.f32 v21, v20;
	_ =	sdelay $0x1  }
0x2d1: {  	v16 =	vadd.f32 v17, v16;
	v17 =	vmul.f32 v23, v22;
	_ =	sdelay $0x1  }
0x2d2: {  	v16 =	vadd.f32 v17, v16;
	_ =	sdelay $0x1  }
0x2d3: {  	[tilespmem:$0x110E0] =	vst v16  }
0x2d4: {  	v16 =	vld [tilespmem:s29+$0xD780]  }
0x2d5: {  	v19 =	vld [tilespmem:s29+$0x5780]  }
0x2d6: {  	v17 =	vld [tilespmem:s29+$0xD790]  }
0x2d7: {  	v20 =	vld [tilespmem:s29+$0x5790]  }
0x2d8: {  	s31 =	simm.s32 $0x11180;
	s30 =	simm.s32 $0x11180;
	s0 =	simm.s32 $0x2000;
	v18 =	vld [tilespmem:s29+$0x57A0]  }
.LBB2_5:
0x2d9: {  	p1 =	sne.s32 s0, $0xE000  }
0x2da: {  	v21 =	vld [tilespmem:s29+$0xD7A0];
	s31 =	sadd.s32 $0x10, s31;
	s1 =	smov.u32 s0;
	s0 =	sadd.s32 $0x2000, s0  }
0x2db: {  	v16 =	vmul.f32 v16, v19;
	v19 =	vld [tilespmem:s29+$0x57B0]  }
0x2dc: {  	v22 =	vld [tilespmem:s29+$0xD7B0]  }
0x2dd: {  	v17 =	vmul.f32 v17, v20;
	_ =	sdelay $0x1  }
0x2de: {  	v16 =	vadd.f32 v17, v16;
	v17 =	vmul.f32 v21, v18;
	_ =	sdelay $0x1  }
0x2df: {  	v16 =	vadd.f32 v17, v16;
	v17 =	vmul.f32 v22, v19;
	_ =	sdelay $0x1  }
0x2e0: {  	v16 =	vadd.f32 v17, v16;
	_ =	sdelay $0x1  }
0x2e1: {  	[tilespmem:$0x110F0] =	vst v16  }
0x2e2: {  	v16 =	vld.idx.msk [tilespmem:v0+s20+$0x0], $0xffff  }
0x2e3: {  	v17 =	vld.idx.msk [tilespmem:v1+s20+$0x0], $0xffff  }
0x2e4: {  	v18 =	vld.idx.msk [tilespmem:v2+s20+$0x0], $0xffff  }
0x2e5: {  	v19 =	vld.idx.msk [tilespmem:v3+s20+$0x0], $0xffff  }
0x2e6: {  	v20 =	vld.idx.msk [tilespmem:v4+s20+$0x0], $0xffff  }
0x2e7: {  	v21 =	vld.idx.msk [tilespmem:v5+s20+$0x0], $0xffff  }
0x2e8: {  	v22 =	vld.idx.msk [tilespmem:v6+s20+$0x0], $0xffff  }
0x2e9: {  	v16 =	vadd.f32 v17, v16;
	v17 =	vld.idx.msk [tilespmem:v7+s20+$0x0], $0xffff  }
0x2ea: {  	v23 =	vld.idx.msk [tilespmem:v8+s20+$0x0], $0xffff  }
0x2eb: {  	v16 =	vadd.f32 v18, v16;
	v18 =	vld.idx.msk [tilespmem:v9+s20+$0x0], $0xffff  }
0x2ec: {  	v24 =	vld.idx.msk [tilespmem:v10+s20+$0x0], $0xffff  }
0x2ed: {  	v16 =	vadd.f32 v19, v16;
	v19 =	vld.idx.msk [tilespmem:v11+s20+$0x0], $0xffff  }
0x2ee: {  	v25 =	vld.idx.msk [tilespmem:v12+s20+$0x0], $0xffff  }
0x2ef: {  	v16 =	vadd.f32 v20, v16;
	v20 =	vld.idx.msk [tilespmem:v13+s20+$0x0], $0xffff  }
0x2f0: {  	v26 =	vld.idx.msk [tilespmem:v14+s20+$0x0], $0xffff  }
0x2f1: {  	v16 =	vadd.f32 v21, v16;
	v21 =	vld.idx.msk [tilespmem:v15+s20+$0x0], $0xffff;
	_ =	sdelay $0x1  }
0x2f2: {  	v16 =	vadd.f32 v22, v16;
	_ =	sdelay $0x1  }
0x2f3: {  	v16 =	vadd.f32 v17, v16;
	_ =	sdelay $0x1  }
0x2f4: {  	v16 =	vadd.f32 v23, v16;
	_ =	sdelay $0x1  }
0x2f5: {  	v16 =	vadd.f32 v18, v16;
	_ =	sdelay $0x1  }
0x2f6: {  	v16 =	vadd.f32 v24, v16;
	_ =	sdelay $0x1  }
0x2f7: {  	v16 =	vadd.f32 v19, v16;
	_ =	sdelay $0x1  }
0x2f8: {  	v16 =	vadd.f32 v25, v16;
	_ =	sdelay $0x1  }
0x2f9: {  	v16 =	vadd.f32 v20, v16;
	_ =	sdelay $0x1  }
0x2fa: {  	v16 =	vadd.f32 v26, v16;
	_ =	sdelay $0x1  }
0x2fb: {  	v16 =	vadd.f32 v21, v16;
	_ =	sdelay $0x1  }
0x2fc: {  	s29 =	sshra.s32 s1, $0x2;
	[tilespmem:s30+$0x0] =	vst v16;
	s30 =	smov.u32 s31  }
0x2fd: {  	v16 =	vld [tilespmem:s29+$0xD010]  }
0x2fe: {  	v17 =	vld [tilespmem:s29+$0x5000]  }
0x2ff: {  	v18 =	vld [tilespmem:s29+$0x5010]  }
0x300: {  	v19 =	vld [tilespmem:s29+$0xD000]  }
0x301: {  	v20 =	vld [tilespmem:s29+$0xD020]  }
0x302: {  	v21 =	vld [tilespmem:s29+$0x5020]  }
0x303: {  	v22 =	vld [tilespmem:s29+$0xD030]  }
0x304: {  	v16 =	vmul.f32 v16, v18;
	v18 =	vld [tilespmem:s29+$0x5030]  }
0x305: {  	v17 =	vmul.f32 v19, v17;
	_ =	sdelay $0x1  }
0x306: {  	v16 =	vadd.f32 v16, v17;
	v17 =	vmul.f32 v20, v21;
	_ =	sdelay $0x1  }
0x307: {  	v16 =	vadd.f32 v17, v16;
	v17 =	vmul.f32 v22, v18;
	_ =	sdelay $0x1  }
0x308: {  	v16 =	vadd.f32 v17, v16;
	_ =	sdelay $0x1  }
0x309: {  	[tilespmem:$0x11000] =	vst v16  }
0x30a: {  	v16 =	vld [tilespmem:s29+$0x5080]  }
0x30b: {  	v17 =	vld [tilespmem:s29+$0xD080]  }
0x30c: {  	v18 =	vld [tilespmem:s29+$0x5090]  }
0x30d: {  	v19 =	vld [tilespmem:s29+$0xD090]  }
0x30e: {  	v20 =	vld [tilespmem:s29+$0xD0A0]  }
0x30f: {  	v21 =	vld [tilespmem:s29+$0x50A0]  }
0x310: {  	v16 =	vmul.f32 v17, v16;
	v17 =	vld [tilespmem:s29+$0xD0B0]  }
0x311: {  	v22 =	vld [tilespmem:s29+$0x50B0]  }
0x312: {  	v18 =	vmul.f32 v19, v18;
	_ =	sdelay $0x1  }
0x313: {  	v16 =	vadd.f32 v18, v16;
	v18 =	vmul.f32 v20, v21;
	_ =	sdelay $0x1  }
0x314: {  	v16 =	vadd.f32 v18, v16;
	v17 =	vmul.f32 v17, v22;
	_ =	sdelay $0x1  }
0x315: {  	v16 =	vadd.f32 v17, v16;
	_ =	sdelay $0x1  }
0x316: {  	[tilespmem:$0x11010] =	vst v16  }
0x317: {  	v16 =	vld [tilespmem:s29+$0xD110]  }
0x318: {  	v17 =	vld [tilespmem:s29+$0x5100]  }
0x319: {  	v18 =	vld [tilespmem:s29+$0xD100]  }
0x31a: {  	v19 =	vld [tilespmem:s29+$0x5110]  }
0x31b: {  	v20 =	vld [tilespmem:s29+$0xD120]  }
0x31c: {  	v21 =	vld [tilespmem:s29+$0x5120]  }
0x31d: {  	v22 =	vld [tilespmem:s29+$0xD130]  }
0x31e: {  	v17 =	vmul.f32 v18, v17;
	v18 =	vld [tilespmem:s29+$0x5130]  }
0x31f: {  	v16 =	vmul.f32 v16, v19;
	_ =	sdelay $0x1  }
0x320: {  	v16 =	vadd.f32 v16, v17;
	v17 =	vmul.f32 v20, v21;
	_ =	sdelay $0x1  }
0x321: {  	v16 =	vadd.f32 v17, v16;
	v17 =	vmul.f32 v22, v18;
	_ =	sdelay $0x1  }
0x322: {  	v16 =	vadd.f32 v17, v16;
	_ =	sdelay $0x1  }
0x323: {  	[tilespmem:$0x11020] =	vst v16  }
0x324: {  	v16 =	vld [tilespmem:s29+$0xD190]  }
0x325: {  	v17 =	vld [tilespmem:s29+$0x5180]  }
0x326: {  	v18 =	vld [tilespmem:s29+$0xD180]  }
0x327: {  	v19 =	vld [tilespmem:s29+$0x5190]  }
0x328: {  	v20 =	vld [tilespmem:s29+$0x51A0]  }
0x329: {  	v21 =	vld [tilespmem:s29+$0xD1A0]  }
0x32a: {  	v22 =	vld [tilespmem:s29+$0xD1B0]  }
0x32b: {  	v17 =	vmul.f32 v18, v17;
	v18 =	vld [tilespmem:s29+$0x51B0]  }
0x32c: {  	v16 =	vmul.f32 v16, v19;
	_ =	sdelay $0x1  }
0x32d: {  	v16 =	vadd.f32 v16, v17;
	v17 =	vmul.f32 v21, v20;
	_ =	sdelay $0x1  }
0x32e: {  	v16 =	vadd.f32 v17, v16;
	v17 =	vmul.f32 v22, v18;
	_ =	sdelay $0x1  }
0x32f: {  	v16 =	vadd.f32 v17, v16;
	_ =	sdelay $0x1  }
0x330: {  	[tilespmem:$0x11030] =	vst v16  }
0x331: {  	v16 =	vld [tilespmem:s29+$0xD200]  }
0x332: {  	v17 =	vld [tilespmem:s29+$0xD210]  }
0x333: {  	v18 =	vld [tilespmem:s29+$0x5200]  }
0x334: {  	v19 =	vld [tilespmem:s29+$0x5210]  }
0x335: {  	v20 =	vld [tilespmem:s29+$0x5220]  }
0x336: {  	v21 =	vld [tilespmem:s29+$0xD220]  }
0x337: {  	v22 =	vld [tilespmem:s29+$0xD230]  }
0x338: {  	v16 =	vmul.f32 v16, v18;
	v18 =	vld [tilespmem:s29+$0x5230]  }
0x339: {  	v17 =	vmul.f32 v17, v19;
	_ =	sdelay $0x1  }
0x33a: {  	v16 =	vadd.f32 v17, v16;
	v17 =	vmul.f32 v21, v20;
	_ =	sdelay $0x1  }
0x33b: {  	v16 =	vadd.f32 v17, v16;
	v17 =	vmul.f32 v22, v18;
	_ =	sdelay $0x1  }
0x33c: {  	v16 =	vadd.f32 v17, v16;
	_ =	sdelay $0x1  }
0x33d: {  	[tilespmem:$0x11040] =	vst v16  }
0x33e: {  	v16 =	vld [tilespmem:s29+$0xD280]  }
0x33f: {  	v17 =	vld [tilespmem:s29+$0xD290]  }
0x340: {  	v18 =	vld [tilespmem:s29+$0x5280]  }
0x341: {  	v19 =	vld [tilespmem:s29+$0x5290]  }
0x342: {  	v20 =	vld [tilespmem:s29+$0x52A0]  }
0x343: {  	v21 =	vld [tilespmem:s29+$0xD2A0]  }
0x344: {  	v22 =	vld [tilespmem:s29+$0xD2B0]  }
0x345: {  	v16 =	vmul.f32 v16, v18;
	v18 =	vld [tilespmem:s29+$0x52B0]  }
0x346: {  	v17 =	vmul.f32 v17, v19;
	_ =	sdelay $0x1  }
0x347: {  	v16 =	vadd.f32 v17, v16;
	v17 =	vmul.f32 v21, v20;
	_ =	sdelay $0x1  }
0x348: {  	v16 =	vadd.f32 v17, v16;
	v17 =	vmul.f32 v22, v18;
	_ =	sdelay $0x1  }
0x349: {  	v16 =	vadd.f32 v17, v16;
	_ =	sdelay $0x1  }
0x34a: {  	[tilespmem:$0x11050] =	vst v16  }
0x34b: {  	v16 =	vld [tilespmem:s29+$0xD300]  }
0x34c: {  	v17 =	vld [tilespmem:s29+$0xD310]  }
0x34d: {  	v18 =	vld [tilespmem:s29+$0x5310]  }
0x34e: {  	v19 =	vld [tilespmem:s29+$0x5300]  }
0x34f: {  	v20 =	vld [tilespmem:s29+$0xD320]  }
0x350: {  	v21 =	vld [tilespmem:s29+$0x5320]  }
0x351: {  	v22 =	vld [tilespmem:s29+$0xD330]  }
0x352: {  	v17 =	vmul.f32 v17, v18;
	v18 =	vld [tilespmem:s29+$0x5330]  }
0x353: {  	v16 =	vmul.f32 v16, v19;
	_ =	sdelay $0x1  }
0x354: {  	v16 =	vadd.f32 v17, v16;
	v17 =	vmul.f32 v20, v21;
	_ =	sdelay $0x1  }
0x355: {  	v16 =	vadd.f32 v17, v16;
	v17 =	vmul.f32 v22, v18;
	_ =	sdelay $0x1  }
0x356: {  	v16 =	vadd.f32 v17, v16;
	_ =	sdelay $0x1  }
0x357: {  	[tilespmem:$0x11060] =	vst v16  }
0x358: {  	v16 =	vld [tilespmem:s29+$0x5380]  }
0x359: {  	v17 =	vld [tilespmem:s29+$0xD380]  }
0x35a: {  	v18 =	vld [tilespmem:s29+$0xD390]  }
0x35b: {  	v19 =	vld [tilespmem:s29+$0x5390]  }
0x35c: {  	v20 =	vld [tilespmem:s29+$0xD3A0]  }
0x35d: {  	v21 =	vld [tilespmem:s29+$0x53A0]  }
0x35e: {  	v16 =	vmul.f32 v17, v16;
	v17 =	vld [tilespmem:s29+$0xD3B0]  }
0x35f: {  	v22 =	vld [tilespmem:s29+$0x53B0]  }
0x360: {  	v18 =	vmul.f32 v18, v19;
	_ =	sdelay $0x1  }
0x361: {  	v16 =	vadd.f32 v18, v16;
	v18 =	vmul.f32 v20, v21;
	_ =	sdelay $0x1  }
0x362: {  	v16 =	vadd.f32 v18, v16;
	v17 =	vmul.f32 v17, v22;
	_ =	sdelay $0x1  }
0x363: {  	v16 =	vadd.f32 v17, v16;
	_ =	sdelay $0x1  }
0x364: {  	[tilespmem:$0x11070] =	vst v16  }
0x365: {  	v16 =	vld [tilespmem:s29+$0xD400]  }
0x366: {  	v17 =	vld [tilespmem:s29+$0xD410]  }
0x367: {  	v18 =	vld [tilespmem:s29+$0x5400]  }
0x368: {  	v19 =	vld [tilespmem:s29+$0x5410]  }
0x369: {  	v20 =	vld [tilespmem:s29+$0xD420]  }
0x36a: {  	v21 =	vld [tilespmem:s29+$0x5420]  }
0x36b: {  	v22 =	vld [tilespmem:s29+$0xD430]  }
0x36c: {  	v16 =	vmul.f32 v16, v18;
	v18 =	vld [tilespmem:s29+$0x5430]  }
0x36d: {  	v17 =	vmul.f32 v17, v19;
	_ =	sdelay $0x1  }
0x36e: {  	v16 =	vadd.f32 v17, v16;
	v17 =	vmul.f32 v20, v21;
	_ =	sdelay $0x1  }
0x36f: {  	v16 =	vadd.f32 v17, v16;
	v17 =	vmul.f32 v22, v18;
	_ =	sdelay $0x1  }
0x370: {  	v16 =	vadd.f32 v17, v16;
	_ =	sdelay $0x1  }
0x371: {  	[tilespmem:$0x11080] =	vst v16  }
0x372: {  	v16 =	vld [tilespmem:s29+$0xD480]  }
0x373: {  	v17 =	vld [tilespmem:s29+$0xD490]  }
0x374: {  	v18 =	vld [tilespmem:s29+$0x5490]  }
0x375: {  	v19 =	vld [tilespmem:s29+$0x5480]  }
0x376: {  	v20 =	vld [tilespmem:s29+$0x54A0]  }
0x377: {  	v21 =	vld [tilespmem:s29+$0xD4A0]  }
0x378: {  	v22 =	vld [tilespmem:s29+$0x54B0]  }
0x379: {  	v17 =	vmul.f32 v17, v18;
	v18 =	vld [tilespmem:s29+$0xD4B0]  }
0x37a: {  	v16 =	vmul.f32 v16, v19;
	_ =	sdelay $0x1  }
0x37b: {  	v16 =	vadd.f32 v17, v16;
	v17 =	vmul.f32 v21, v20;
	_ =	sdelay $0x1  }
0x37c: {  	v16 =	vadd.f32 v17, v16;
	v17 =	vmul.f32 v18, v22;
	_ =	sdelay $0x1  }
0x37d: {  	v16 =	vadd.f32 v17, v16;
	_ =	sdelay $0x1  }
0x37e: {  	[tilespmem:$0x11090] =	vst v16  }
0x37f: {  	v16 =	vld [tilespmem:s29+$0xD510]  }
0x380: {  	v17 =	vld [tilespmem:s29+$0xD500]  }
0x381: {  	v18 =	vld [tilespmem:s29+$0x5500]  }
0x382: {  	v19 =	vld [tilespmem:s29+$0x5510]  }
0x383: {  	v20 =	vld [tilespmem:s29+$0x5520]  }
0x384: {  	v21 =	vld [tilespmem:s29+$0xD520]  }
0x385: {  	v22 =	vld [tilespmem:s29+$0x5530]  }
0x386: {  	v17 =	vmul.f32 v17, v18;
	v18 =	vld [tilespmem:s29+$0xD530]  }
0x387: {  	v16 =	vmul.f32 v16, v19;
	_ =	sdelay $0x1  }
0x388: {  	v16 =	vadd.f32 v16, v17;
	v17 =	vmul.f32 v21, v20;
	_ =	sdelay $0x1  }
0x389: {  	v16 =	vadd.f32 v17, v16;
	v17 =	vmul.f32 v18, v22;
	_ =	sdelay $0x1  }
0x38a: {  	v16 =	vadd.f32 v17, v16;
	_ =	sdelay $0x1  }
0x38b: {  	[tilespmem:$0x110A0] =	vst v16  }
0x38c: {  	v16 =	vld [tilespmem:s29+$0xD580]  }
0x38d: {  	v17 =	vld [tilespmem:s29+$0xD590]  }
0x38e: {  	v18 =	vld [tilespmem:s29+$0x5580]  }
0x38f: {  	v19 =	vld [tilespmem:s29+$0x5590]  }
0x390: {  	v20 =	vld [tilespmem:s29+$0x55A0]  }
0x391: {  	v21 =	vld [tilespmem:s29+$0xD5A0]  }
0x392: {  	v22 =	vld [tilespmem:s29+$0x55B0]  }
0x393: {  	v16 =	vmul.f32 v16, v18;
	v18 =	vld [tilespmem:s29+$0xD5B0]  }
0x394: {  	v17 =	vmul.f32 v17, v19;
	_ =	sdelay $0x1  }
0x395: {  	v16 =	vadd.f32 v17, v16;
	v17 =	vmul.f32 v21, v20;
	_ =	sdelay $0x1  }
0x396: {  	v16 =	vadd.f32 v17, v16;
	v17 =	vmul.f32 v18, v22;
	_ =	sdelay $0x1  }
0x397: {  	v16 =	vadd.f32 v17, v16;
	_ =	sdelay $0x1  }
0x398: {  	[tilespmem:$0x110B0] =	vst v16  }
0x399: {  	v16 =	vld [tilespmem:s29+$0xD600]  }
0x39a: {  	v17 =	vld [tilespmem:s29+$0xD610]  }
0x39b: {  	v18 =	vld [tilespmem:s29+$0x5600]  }
0x39c: {  	v19 =	vld [tilespmem:s29+$0x5610]  }
0x39d: {  	v20 =	vld [tilespmem:s29+$0x5620]  }
0x39e: {  	v21 =	vld [tilespmem:s29+$0xD620]  }
0x39f: {  	v22 =	vld [tilespmem:s29+$0x5630]  }
0x3a0: {  	v16 =	vmul.f32 v16, v18;
	v18 =	vld [tilespmem:s29+$0xD630]  }
0x3a1: {  	v17 =	vmul.f32 v17, v19;
	_ =	sdelay $0x1  }
0x3a2: {  	v16 =	vadd.f32 v17, v16;
	v17 =	vmul.f32 v21, v20;
	_ =	sdelay $0x1  }
0x3a3: {  	v16 =	vadd.f32 v17, v16;
	v17 =	vmul.f32 v18, v22;
	_ =	sdelay $0x1  }
0x3a4: {  	v16 =	vadd.f32 v17, v16;
	_ =	sdelay $0x1  }
0x3a5: {  	[tilespmem:$0x110C0] =	vst v16  }
0x3a6: {  	v16 =	vld [tilespmem:s29+$0xD680]  }
0x3a7: {  	v17 =	vld [tilespmem:s29+$0xD690]  }
0x3a8: {  	v18 =	vld [tilespmem:s29+$0x5680]  }
0x3a9: {  	v19 =	vld [tilespmem:s29+$0x5690]  }
0x3aa: {  	v20 =	vld [tilespmem:s29+$0x56A0]  }
0x3ab: {  	v21 =	vld [tilespmem:s29+$0xD6A0]  }
0x3ac: {  	v22 =	vld [tilespmem:s29+$0x56B0]  }
0x3ad: {  	v16 =	vmul.f32 v16, v18;
	v18 =	vld [tilespmem:s29+$0xD6B0]  }
0x3ae: {  	v17 =	vmul.f32 v17, v19;
	_ =	sdelay $0x1  }
0x3af: {  	v16 =	vadd.f32 v17, v16;
	v17 =	vmul.f32 v21, v20;
	_ =	sdelay $0x1  }
0x3b0: {  	v16 =	vadd.f32 v17, v16;
	v17 =	vmul.f32 v18, v22;
	_ =	sdelay $0x1  }
0x3b1: {  	v16 =	vadd.f32 v17, v16;
	_ =	sdelay $0x1  }
0x3b2: {  	[tilespmem:$0x110D0] =	vst v16  }
0x3b3: {  	v16 =	vld [tilespmem:s29+$0xD700]  }
0x3b4: {  	v17 =	vld [tilespmem:s29+$0xD710]  }
0x3b5: {  	v18 =	vld [tilespmem:s29+$0x5700]  }
0x3b6: {  	v19 =	vld [tilespmem:s29+$0x5710]  }
0x3b7: {  	v20 =	vld [tilespmem:s29+$0x5720]  }
0x3b8: {  	v21 =	vld [tilespmem:s29+$0xD720]  }
0x3b9: {  	v22 =	vld [tilespmem:s29+$0x5730]  }
0x3ba: {  	v16 =	vmul.f32 v16, v18;
	v18 =	vld [tilespmem:s29+$0xD730]  }
0x3bb: {  	v17 =	vmul.f32 v17, v19;
	_ =	sdelay $0x1  }
0x3bc: {  	v16 =	vadd.f32 v17, v16;
	v17 =	vmul.f32 v21, v20;
	_ =	sdelay $0x1  }
0x3bd: {  	v16 =	vadd.f32 v17, v16;
	v17 =	vmul.f32 v18, v22;
	_ =	sdelay $0x1  }
0x3be: {  	v16 =	vadd.f32 v17, v16;
	_ =	sdelay $0x1  }
0x3bf: {  	[tilespmem:$0x110E0] =	vst v16  }
.Ltmp3:
0x3c0: {  	v16 =	vld [tilespmem:s29+$0xD780];
	(pc) =	sbr.rel @p1 .LBB2_5-.Ltmp3, $4  }
0x3c1: {  	v19 =	vld [tilespmem:s29+$0x5780]  }
0x3c2: {  	v17 =	vld [tilespmem:s29+$0xD790]  }
0x3c3: {  	v20 =	vld [tilespmem:s29+$0x5790]  }
0x3c4: {  	v18 =	vld [tilespmem:s29+$0x57A0]  }
0x3c5: {  	v21 =	vld [tilespmem:s29+$0xD7A0]  }
0x3c6: {  	v22 =	vld [tilespmem:s29+$0x57B0]  }
0x3c7: {  	v23 =	vld [tilespmem:s29+$0xD7B0]  }
0x3c8: {  	v16 =	vmul.f32 v16, v19;
	v17 =	vmul.f32 v17, v20;
	_ =	sdelay $0x1  }
0x3c9: {  	v16 =	vadd.f32 v17, v16;
	v17 =	vmul.f32 v21, v18;
	_ =	sdelay $0x1  }
0x3ca: {  	v16 =	vadd.f32 v17, v16;
	v17 =	vmul.f32 v23, v22;
	_ =	sdelay $0x1  }
0x3cb: {  	v16 =	vadd.f32 v17, v16;
	_ =	sdelay $0x1  }
0x3cc: {  	[tilespmem:$0x110F0] =	vst v16  }
0x3cd: {  	v16 =	vld.idx.msk [tilespmem:v0+s20+$0x0], $0xffff  }
0x3ce: {  	v17 =	vld.idx.msk [tilespmem:v1+s20+$0x0], $0xffff;
	_ =	sdelay $0x1  }
0x3cf: {  	v54 =	vld.idx.msk [tilespmem:v2+s20+$0x0], $0xffff;
	_ =	sdelay $0x1  }
0x3d0: {  	v55 =	vld.idx.msk [tilespmem:v3+s20+$0x0], $0xffff  }
0x3d1: {  	v16 =	vadd.f32 v17, v16  }
0x3d2: {  	v17 =	vld.idx.msk [tilespmem:v4+s20+$0x0], $0xffff  }
0x3d3: {  	v16 =	vadd.f32 v54, v16  }
0x3d4: {  	v56 =	vld.idx.msk [tilespmem:v5+s20+$0x0], $0xffff  }
0x3d5: {  	v16 =	vadd.f32 v55, v16  }
0x3d6: {  	v57 =	vld.idx.msk [tilespmem:v6+s20+$0x0], $0xffff  }
0x3d7: {  	v16 =	vadd.f32 v17, v16  }
0x3d8: {  	v17 =	vld.idx.msk [tilespmem:v7+s20+$0x0], $0xffff  }
0x3d9: {  	v16 =	vadd.f32 v56, v16  }
0x3da: {  	v58 =	vld.idx.msk [tilespmem:v8+s20+$0x0], $0xffff  }
0x3db: {  	v16 =	vadd.f32 v57, v16  }
0x3dc: {  	v59 =	vld.idx.msk [tilespmem:v9+s20+$0x0], $0xffff  }
0x3dd: {  	v16 =	vadd.f32 v17, v16  }
0x3de: {  	v17 =	vld.idx.msk [tilespmem:v10+s20+$0x0], $0xffff  }
0x3df: {  	v16 =	vadd.f32 v58, v16  }
0x3e0: {  	v60 =	vld.idx.msk [tilespmem:v11+s20+$0x0], $0xffff  }
0x3e1: {  	v16 =	vadd.f32 v59, v16  }
0x3e2: {  	v61 =	vld.idx.msk [tilespmem:v12+s20+$0x0], $0xffff  }
0x3e3: {  	v16 =	vadd.f32 v17, v16  }
0x3e4: {  	v17 =	vld.idx.msk [tilespmem:v13+s20+$0x0], $0xffff  }
0x3e5: {  	v16 =	vadd.f32 v60, v16  }
0x3e6: {  	v62 =	vld.idx.msk [tilespmem:v14+s20+$0x0], $0xffff  }
0x3e7: {  	v16 =	vadd.f32 v61, v16  }
0x3e8: {  	v63 =	vld.idx.msk [tilespmem:v15+s20+$0x0], $0xffff  }
0x3e9: {  	v16 =	vadd.f32 v17, v16;
	_ =	sdelay $0x1  }
0x3ea: {  	v16 =	vadd.f32 v62, v16;
	_ =	sdelay $0x1  }
0x3eb: {  	v16 =	vadd.f32 v63, v16;
	_ =	sdelay $0x1  }
.Ltmp4:
0x3ec: {  	s0 =	sadd.s32 s28, s8;
	[tilespmem:s30+$0x0] =	vst v16;
	(pc) =	sbr.rel @p0 .LBB2_8-.Ltmp4, $4  }
0x3ed: {  	[hbm4b:s0+s2] =	stream.linear.scatter [tilespmem:s24], [sflag:$0x5], $0x80, $0x38;
	[tilespmem:$0x11200] =	vst v63  }
0x3ee: {  	_ =	swait.ge [sflag:s10], $0x80  }
0x3ef: {  	[sflag:s10] =	ssyncset.done $0x0  }
0x3f0: {  	[sflag:s10] =	ssyncadd.s32 $0xFFFFFF80  }
.Ltmp5:
0x3f1: {  	s0 =	sshll.u32 s26, $0x8;
	(pc) =	sbr.rel .LBB2_2-.Ltmp5, $4  }
0x3f2: {  	s1 =	sadd.s32 $0x180, s0  }
0x3f3: {  	[tilespmem:s15], [sflag:$0x2] =	stream.indirect.gather [hbm4b:s4+s12], $0x80, s1, s12, $0xb8;
	[tilespmem:$0x11200] =	vst v63  }
0x3f4: {  	s26 =	sadd.s32 $0x1, s26;
	s0 =	sadd.s32 $0x980, s0  }
0x3f5: {  	[tilespmem:s17], [sflag:$0x4] =	stream.indirect.gather [hbm4b:s4+s12], $0x80, s0, s12, $0xb8;
	[tilespmem:$0x11200] =	vst v63  }
.LBB2_9:
0x3f6: {  	_ =	sfence.sel $0x180000  }
0x3f7: {  	[bflag:$0x0] =	sbarrier.arrive $0xFFFF  }
0x3f8: {  	_ =	strace $0x90000050  }
0x3f9: {  	s0 =	stileid.u32;
	[bflag:$0x2] =	sbarrier.arrive $0xFFFF  }
0x3fa: {  	p0 =	sne.s32 s0, $0x0;
	s0 =	rddreg [dreg:$0x1]  }
0x3fb: {  	s0 =	sadd.s32 @!p0 $0x100000, s0  }
0x3fc: {  	[sflag:s0] =	ssyncadd.tile.s32 @!p0 $0x1;
	_ =	shalt  }
.Lfunc_end2:
_tile_overlayer_lowered:
.L_overlay_start_2:
0x3fd: {  	(tag) =	ssettag $0x2  }
0x3fe: {  	s0 =	rddreg [dreg:$0x0];
	s2 =	stileid.u32  }
0x3ff: {  	s1 =	rddreg [dreg:$0x1];
	p0 =	sne.s32 s2, $0x0  }
0x400: {  	s3 =	rddreg [dreg:$0x2];
	[bflag:$0x3] =	sbarrier.arrive $0xFFFF;
	s2 =	simm.s32 @!p0 $0x1C05  }
0x401: {  	[timem:s3], [sflag:s2] =	dma.local @!p0 [hbm:s0], s1  }
0x402: {  	s0 =	simm.s32 @!p0 $0x5  }
0x403: {  	_ =	swait.ge @!p0 [sflag:s0], s1  }
0x404: {  	s1 =	ssub.s32 @!p0 $0x0, s1;
	[sflag:s0] =	ssyncset.done @!p0 $0x0  }
0x405: {  	[sflag:s0] =	ssyncadd.s32 @!p0 s1  }
0x406: {  	[bflag:$0x3] =	sbarrier.arrive $0xFFFF  }
0x407: {  	_ =	shalt  }

// kernel: kernel.8.cloned.1.call-start
scs
__scs_entry_jumppad:
0x0: {  	(pc) =	sbr.rel $0x88, $3  }
0x1: {  	(tag) =	ssettag $0x0;
	lr =	simm.s32 $0x1  }
0x2: {  	[smem:$0x3F94] =	sst lr;
	_ =	strace $0xD0000000  }
0x3: {  	_ = 	snop  }
0x4: {  	_ = 	snop  }
0x5: {  	_ = 	snop  }
0x6: {  	_ = 	snop  }
0x7: {  	_ = 	snop  }
__scs_overlays_trampoline_lowered:
0x8: {  	[smem:$0x3FA3] =	sst s0  }
0x9: {  	[smem:$0x3FA4] =	sst s1  }
0xa: {  	[smem:$0x3FA5] =	sst s2  }
0xb: {  	[smem:$0x3FA6] =	sst s3  }
0xc: {  	[smem:$0x3FA7] =	sst s4  }
0xd: {  	[smem:$0x3FA8] =	sst s5  }
0xe: {  	[smem:$0x3FA9] =	sst s6  }
0xf: {  	[smem:$0x3FAA] =	sst s7  }
0x10: {  	[smem:$0x3FAB] =	sst s8  }
0x11: {  	[smem:$0x3FAC] =	sst s9;
	s0 =	simm.s32 @!p0 $0x0  }
0x12: {  	s1 =	sld [smem:$0x3F92];
	s0 =	simm.s32 @p0 $0x1  }
0x13: {  	[smem:$0x3FAD] =	sst s0;
	s0 =	simm.s32 @!p1 $0x0  }
0x14: {  	s2 =	sld [smem:$0x3F91];
	s0 =	simm.s32 @p1 $0x1  }
0x15: {  	[smem:$0x3FAE] =	sst s0;
	s0 =	simm.s32 @!p2 $0x0  }
0x16: {  	s3 =	sld [smem:$0x3FDB];
	s0 =	simm.s32 @p2 $0x1  }
0x17: {  	s4 =	simm.s32 $0x1BF5;
	[smem:$0x3FB0] =	sst s0  }
0x18: {  	s0 =	sld [smem:$0x3F93];
	_ =	swait.ge [sflag:s4], $0x0  }
0x19: {  	s7 =	sld [smem:$0x3F94]  }
0x1a: {  	s8 =	sadd.s32 $0xFFFFE003, lr  }
0x1b: {  	s9 =	sadd.s32 $0xFFFFFEF7, lr;
	s5 =	simm.s32 $0xFFFFFFFF;
	p2 =	slt.u32 s8, $0xFFFFF086  }
0x1c: {  	p1 =	slt.u32 s9, $0xF7A;
	s5 =	simm.s32 @!p2 $0x0  }
0x1d: {  	s5 =	simm.s32 @p1 $0x1;
	p0 =	seq.s32 s7, s2  }
0x1e: {  	s7 =	smul.u32 @!p0 $0xF7A, s2;
	p2 =	seq.s32 @!p0 s5, $0x0  }
0x1f: {  	s9 =	smul.u32 $0xF7A, s1;
	s8 =	simm.s32 @!p0 $0x1BF5;
	p2 =	por !p2, p0  }
0x20: {  	[sflag:s8] =	ssyncset.s32 @!p0 $0xFFFFF086;
	s6 =	sadd.s32 @!p0 s3, s7;
	s7 =	simm.s32 @!p0 $0x108  }
0x21: {  	s3 =	sadd.s32 s3, s9;
	s6 =	sadd.s32 @!p0 $0x88, s6;
	s7 =	simm.s32 @p2 $0x1082  }
0x22: {  	[simem:s7], [sflag:s8] =	dma.local @!p0 [hbm:s6], $0xF7A  }
0x23: {  	s9 =	sor.u32 $0xD0000000, s2;
	s6 =	simm.s32 $0x108;
	_ =	swait.ge @!p0 [sflag:s8], $0x0  }
0x24: {  	s3 =	sadd.s32 $0x88, s3;
	s6 =	simm.s32 @!p1 $0x1082;
	[sflag:s4] =	ssyncset.s32 $0xFFFFF086  }
0x25: {  	[simem:s6], [sflag:s4] =	dma.local [hbm:s3], $0xF7A  }
0x26: {  	[smem:$0x3F94] =	sst s1;
	(tag) =	ssettag s2;
	_ =	strace s9  }
0x27: {  	s1 =	sld [smem:$0x3FA4]  }
0x28: {  	s2 =	sld [smem:$0x3FA5]  }
0x29: {  	s4 =	sld [smem:$0x3FA7]  }
0x2a: {  	p0 =	seq.s32 s5, $0x0;
	s5 =	sld [smem:$0x3FA8]  }
0x2b: {  	s6 =	sld [smem:$0x3FA9]  }
0x2c: {  	s7 =	sld [smem:$0x3FAA]  }
0x2d: {  	s3 =	simm.s32 $0x108;
	s8 =	sld [smem:$0x3FAB]  }
0x2e: {  	s3 =	simm.s32 @!p0 $0x1082;
	s9 =	sld [smem:$0x3FAC]  }
0x2f: {  	lr =	sadd.s32 s0, s3;
	s0 =	sld [smem:$0x3FA3]  }
0x30: {  	s3 =	sld [smem:$0x3FA6]  }
0x31: {  	[smem:$0x3FAF] =	sst s10  }
0x32: {  	s10 =	sld [smem:$0x3FAD];
	_ =	sdelay $0x3  }
0x33: {  	p0 =	seq.s32 s10, $0x1;
	s10 =	sld [smem:$0x3FAF];
	_ =	sdelay $0x3  }
0x34: {  	[smem:$0x3FAF] =	sst s10  }
0x35: {  	s10 =	sld [smem:$0x3FAE];
	_ =	sdelay $0x3  }
0x36: {  	p1 =	seq.s32 s10, $0x1;
	s10 =	sld [smem:$0x3FAF];
	_ =	sdelay $0x3  }
0x37: {  	[smem:$0x3FAF] =	sst s10  }
0x38: {  	s10 =	sld [smem:$0x3FB0]  }
0x39: {  	_ = 	snop;
	(pc) =	sbr.ind lr, $3  }
0x3a: {  	_ = 	snop  }
0x3b: {  	_ = 	snop  }
0x3c: {  	p2 =	seq.s32 s10, $0x1;
	s10 =	sld [smem:$0x3FAF]  }
0x3d: {  	_ =	shalt  }
0x3e: {  	_ =	shalt  }
0x3f: {  	_ =	shalt  }
0x40: {  	_ =	shalt  }
0x41: {  	_ =	shalt  }
0x42: {  	_ =	shalt  }
0x43: {  	_ =	shalt  }
0x44: {  	_ =	shalt  }
0x45: {  	_ =	shalt  }
0x46: {  	_ =	shalt  }
0x47: {  	_ =	shalt  }
0x48: {  	_ =	shalt  }
0x49: {  	_ =	shalt  }
0x4a: {  	_ =	shalt  }
0x4b: {  	_ =	shalt  }
0x4c: {  	_ =	shalt  }
0x4d: {  	_ =	shalt  }
0x4e: {  	_ =	shalt  }
0x4f: {  	_ =	shalt  }
0x50: {  	_ =	shalt  }
0x51: {  	_ =	shalt  }
0x52: {  	_ =	shalt  }
0x53: {  	_ =	shalt  }
0x54: {  	_ =	shalt  }
0x55: {  	_ =	shalt  }
0x56: {  	_ =	shalt  }
0x57: {  	_ =	shalt  }
0x58: {  	_ =	shalt  }
0x59: {  	_ =	shalt  }
0x5a: {  	_ =	shalt  }
0x5b: {  	_ =	shalt  }
0x5c: {  	_ =	shalt  }
0x5d: {  	_ =	shalt  }
0x5e: {  	_ =	shalt  }
0x5f: {  	_ =	shalt  }
0x60: {  	_ =	shalt  }
0x61: {  	_ =	shalt  }
0x62: {  	_ =	shalt  }
0x63: {  	_ =	shalt  }
0x64: {  	_ =	shalt  }
0x65: {  	_ =	shalt  }
0x66: {  	_ =	shalt  }
0x67: {  	_ =	shalt  }
0x68: {  	_ =	shalt  }
0x69: {  	_ =	shalt  }
0x6a: {  	_ =	shalt  }
0x6b: {  	_ =	shalt  }
0x6c: {  	_ =	shalt  }
0x6d: {  	_ =	shalt  }
0x6e: {  	_ =	shalt  }
0x6f: {  	_ =	shalt  }
0x70: {  	_ =	shalt  }
0x71: {  	_ =	shalt  }
0x72: {  	_ =	shalt  }
0x73: {  	_ =	shalt  }
0x74: {  	_ =	shalt  }
0x75: {  	_ =	shalt  }
0x76: {  	_ =	shalt  }
0x77: {  	_ =	shalt  }
0x78: {  	_ =	shalt  }
0x79: {  	_ =	shalt  }
0x7a: {  	_ =	shalt  }
0x7b: {  	_ =	shalt  }
0x7c: {  	_ =	shalt  }
0x7d: {  	_ =	shalt  }
0x7e: {  	_ =	shalt  }
0x7f: {  	_ =	shalt  }
0x80: {  	_ =	shalt  }
0x81: {  	_ =	shalt  }
0x82: {  	_ =	shalt  }
0x83: {  	_ =	shalt  }
0x84: {  	_ =	shalt  }
0x85: {  	_ =	shalt  }
0x86: {  	_ =	shalt  }
0x87: {  	_ =	shalt  }
.Lfunc_end0:
.L_simem_size_0:
called_computation_lowered:
.L_overlay_start_0:
0x88: {  	s2 =	sld [smem:$0x3FD9]  }
0x89: {  	s3 =	sld [smem:$0x3FFE];
	_ =	sdelay $0x1  }
0x8a: {  	s1 =	srdreg.scid  }
0x8b: {  	s0 =	sand.u32 $0x1, s1  }
0x8c: {  	s16 =	sshll.u32 s0, $0xA;
	s2 =	sadd.s32 s3, s2  }
0x8d: {  	s2 =	sadd.s32 s2, s16  }
0x8e: {  	[smem:$0x3FBB] =	sst s2  }
0x8f: {  	_ = 	snop  }
0x90: {  	(tm) =	ssettm $0x1  }
0x91: {  	s17 =	sld [smem:$0x3FFB];
	_ =	sdelay $0x3  }
0x92: {  	_ =	strace s17  }
0x93: {  	s2 =	sld [smem:$0x3FFC];
	_ =	sdelay $0x3  }
0x94: {  	_ =	strace s2  }
0x95: {  	s2 =	sld [smem:$0x3FFD];
	_ =	sdelay $0x3  }
0x96: {  	_ =	strace s2  }
0x97: {  	_ =	strace $0x8FFFFFFF  }
0x98: {  	s18 =	sld [smem:$0x3FDB];
	_ =	sdelay $0x1  }
0x99: {  	s19 =	simm.s32 $_scs_section_size  }
0x9a: {  	s4 =	simm.s32 $_size__tile_overlayer_lowered;
	s5 =	simm.s32 $_tile_overlayer_lowered  }
0x9b: {  	s22 =	simm.s32 $0x1BFF;
	s21 =	sshll.u32 s5, $0x1;
	s2 =	sadd.s32 s19, s18  }
0x9c: {  	s6 =	simm.s32 $0x0;
	s20 =	sshll.u32 s4, $0x1;
	s4 =	sadd.s32 s21, s2  }
0x9d: {  	[timem:s6], [sflag:s22] =	dma.local [hbm:s4], s20  }
0x9e: {  	_ =	swait.ge [sflag:s22], s20  }
0x9f: {  	s3 =	ssub.s32 $0x0, s20;
	[sflag:s22] =	ssyncset.done $0x0  }
0xa0: {  	[sflag:s22] =	ssyncadd.s32 s3;
	_ =	sdelay $0x1  }
0xa1: {  	s23 =	simm.s32 $0x1B8B  }
0xa2: {  	_ =	swait.ge [sflag:s23], $0x1  }
0xa3: {  	[sflag:s23] =	ssyncset.done $0x0  }
0xa4: {  	s25 =	simm.s32 $0x1B8E;
	s24 =	sld [smem:$0x3FFE];
	[sflag:s23] =	ssyncadd.s32 $0xFFFFFFFF  }
0xa5: {  	s26 =	simm.s32 $execute0_lowered;
	[smem:$0x3FD2] =	sst s25  }
0xa6: {  	s4 =	sshll.u32 s26, $0x1;
	_ =	strace $0x80000046;
	[dreg:$0x1] =	wrdreg $0xFFFFFFFF  }
0xa7: {  	s28 =	simm.s32 $_size_execute0_lowered;
	s2 =	sadd.s32 s2, s4;
	[dreg:$0x0] =	wrdreg $0x0  }
0xa8: {  	s4 =	sshll.u32 s28, $0x1;
	[dreg:$0x2] =	wrdreg s2  }
0xa9: {  	[dreg:$0x3] =	wrdreg s4  }
0xaa: {  	[dreg:$0x4] =	wrdreg $0xC0  }
0xab: {  	_ =	task [dreg:s6], $0x5FFFF  }
0xac: {  	[dreg:$0x1] =	wrdreg $0xFFFFFFFF  }
0xad: {  	[dreg:$0x0] =	wrdreg $0x60  }
0xae: {  	[dreg:$0x2] =	wrdreg s24  }
0xaf: {  	[dreg:$0x3] =	wrdreg $0x9  }
0xb0: {  	_ =	task.clear_ibuf [dreg:s6], $0x4FFFF;
	_ =	strace $0x90000046  }
0xb1: {  	s29 =	simm.s32 $0x9;
	_ =	strace $0x80000048  }
0xb2: {  	_ =	swait.ge [sflag:s29], $0x1  }
0xb3: {  	[sflag:s29] =	ssyncadd.s32 $0xFFFFFFFF  }
0xb4: {  	_ =	strace $0x90000048  }
0xb5: {  	_ =	sfence  }
0xb6: {  	s30 =	sld [smem:$0x0];
	_ =	sdelay $0x2  }
0xb7: {  	s31 =	sshll.u32 s1, $0xD;
	s1 =	sshrl.u32 s1, $0x2  }
0xb8: {  	s3 =	sand.u32 $0x4000, s31;
	s1 =	sadd.s32 s1, s30  }
0xb9: {  	s0 =	sor.u32 s3, s0;
	s1 =	sshll.u32 s1, $0x11  }
0xba: {  	s0 =	sor.u32 s1, s0  }
0xbb: {  	s0 =	sadd.s32 $0x8F2B, s0  }
0xbc: {  	[sflag:s0] =	ssyncadd.remote.s32 $0x1  }
0xbd: {  	_ =	sfence.sel $0xFFFF  }
0xbe: {  	[dreg:$0x0] =	wrdreg $0xFFFFFFFF;
	(pc) =	sbr.abs _section_cstart, $3  }
0xbf: {  	[dreg:$0x1] =	wrdreg $0xFFFFFFFF  }
0xc0: {  	_ =	task.clear_ibuf [dreg:s6], $0x2FFFF;
	_ =	strace $0x9FFFFFFF  }
0xc1: {  	(tm) =	ssettm $0x7FFFFFFF  }
tec
execute0_lowered:
.L_overlay_start_1:
0x0: {  	(tag) =	ssettag $0x1  }
0x1: {  	s1 =	srdreg.scid;
	s0 =	stileid.u32  }
0x2: {  	s4 =	rddreg [dreg:$0x0];
	s3 =	sand.u32 $0x1, s1;
	s30 =	sshll.u32 s0, $0x1  }
0x3: {  	s2 =	simm.s32 $0x0;
	s8 =	simm.s32 $0x0;
	s5 =	sor.u32 s3, s30  }
0x4: {  	s1 =	rddreg [dreg:$0x1];
	s3 =	ssub.s32 $0x2, s3;
	s6 =	smul.u32 $0xA00, s5  }
0x5: {  	[smem:$0x7FF] =	sst s2;
	s5 =	smul.u32 $0x500, s5;
	s7 =	sshrl.u32 s3, $0x1  }
0x6: {  	_ =	strace $0x80000047;
	s31 =	ssub.s32 s3, s7;
	s7 =	simm.s32 $0x5000  }
0x7: {  	s6 =	sadd.s32 s6, s4;
	s4 =	sadd.s32 s5, s4;
	s5 =	smax.u32 s31, $0x1  }
0x8: {  	v0 =	vimm.f32 $0.0e+00;
	v1 =	vimm.f32 $1.000000000e+00;
	s3 =	sadd.s32 $0xCA00, s6;
	s4 =	sadd.s32 $0x20A00, s4;
	s6 =	simm.s32 $0x1  }
.LBB2_1:
0x9: {  	[tilespmem:s2], [sflag:$0x1] =	stream.linear.gather [hbm4b:s3+s2], $0x5000, $0x38;
	[tilespmem:$0x7800] =	vst v63  }
0xa: {  	_ =	swait.ge [sflag:s6], $0x5000  }
0xb: {  	[sflag:s6] =	ssyncset.done $0x0  }
0xc: {  	s9 =	simm.s32 $0x0;
	[sflag:s6] =	ssyncadd.s32 $0xFFFFB000  }
.LBB2_2:
0xd: {  	p0 =	sne.s32 s9, $0x9FC0  }
.Ltmp0:
0xe: {  	_ = 	snop;
	(pc) =	sbr.rel @p0 .LBB2_2-.Ltmp0, $3  }
0xf: {  	_ =	sdelay $0x1  }
0x10: {  	s10 =	sshra.s32 s9, $0x2  }
0x11: {  	s9 =	sadd.s32 $0x40, s9;
	[tilespmem:s10+$0x5000] =	vst v0  }
0x12: {  	s9 =	simm.s32 $0x0  }
.LBB2_4:
0x13: {  	s10 =	sshra.s32 s9, $0x2  }
0x14: {  	v2 =	vld [tilespmem:s10+$0x0];
	_ =	sdelay $0x7  }
0x15: {  	[tilespmem:v2+s7+$0x0] =	vst.idx.add.f32.msk $0xffff, v1  }
0x16: {  	v2 =	vld [tilespmem:s10+$0x10];
	_ =	sdelay $0x7  }
0x17: {  	[tilespmem:v2+s7+$0x0] =	vst.idx.add.f32.msk $0xffff, v1  }
0x18: {  	v2 =	vld [tilespmem:s10+$0x20];
	_ =	sdelay $0x7  }
0x19: {  	[tilespmem:v2+s7+$0x0] =	vst.idx.add.f32.msk $0xffff, v1  }
0x1a: {  	v2 =	vld [tilespmem:s10+$0x30];
	_ =	sdelay $0x2  }
0x1b: {  	p0 =	sne.s32 s9, $0x13E00  }
.Ltmp1:
0x1c: {  	_ = 	snop;
	(pc) =	sbr.rel @p0 .LBB2_4-.Ltmp1, $2  }
0x1d: {  	_ =	sdelay $0x2  }
0x1e: {  	s9 =	sadd.s32 $0x200, s9;
	[tilespmem:v2+s7+$0x0] =	vst.idx.add.f32.msk $0xffff, v1  }
0x1f: {  	s8 =	sadd.s32 $0x1, s8  }
0x20: {  	p0 =	sne.s32 s8, s5  }
.Ltmp2:
0x21: {  	_ = 	snop;
	(pc) =	sbr.rel @p0 .LBB2_1-.Ltmp2, $4  }
0x22: {  	[hbm4b:s4+s2] =	stream.linear.scatter [tilespmem:s7], [sflag:$0x1], $0x2800, $0x38;
	[tilespmem:$0x7800] =	vst v63  }
0x23: {  	_ =	swait.ge [sflag:s6], $0x2800  }
0x24: {  	[sflag:s6] =	ssyncset.done $0x0  }
0x25: {  	[sflag:s6] =	ssyncadd.s32 $0xFFFFD800  }
0x26: {  	_ =	sfence.sel $0x180000  }
0x27: {  	[bflag:$0x0] =	sbarrier.arrive $0xFFFF  }
0x28: {  	p0 =	sne.s32 s0, $0x0;
	_ =	strace $0x90000047  }
0x29: {  	s0 =	sadd.s32 @!p0 $0x100000, s1;
	[bflag:$0x2] =	sbarrier.arrive $0xFFFF  }
0x2a: {  	[sflag:s0] =	ssyncadd.tile.s32 @!p0 $0x1;
	_ =	shalt  }
.Lfunc_end2:
_tile_overlayer_lowered:
.L_overlay_start_2:
0x2b: {  	(tag) =	ssettag $0x2  }
0x2c: {  	s0 =	rddreg [dreg:$0x0];
	s2 =	stileid.u32  }
0x2d: {  	s1 =	rddreg [dreg:$0x1];
	p0 =	sne.s32 s2, $0x0  }
0x2e: {  	s3 =	rddreg [dreg:$0x2];
	[bflag:$0x3] =	sbarrier.arrive $0xFFFF;
	s2 =	simm.s32 @!p0 $0x1C01  }
0x2f: {  	[timem:s3], [sflag:s2] =	dma.local @!p0 [hbm:s0], s1  }
0x30: {  	s0 =	simm.s32 @!p0 $0x1  }
0x31: {  	_ =	swait.ge @!p0 [sflag:s0], s1  }
0x32: {  	s1 =	ssub.s32 @!p0 $0x0, s1;
	[sflag:s0] =	ssyncset.done @!p0 $0x0  }
0x33: {  	[sflag:s0] =	ssyncadd.s32 @!p0 s1  }
0x34: {  	[bflag:$0x3] =	sbarrier.arrive $0xFFFF  }
0x35: {  	_ =	shalt  }

</sc_bundles>
